<compile_context>
chip_gen: v7x
topology: tpu7x:2x2x1
jax: 0.10.2.dev20260603
libtpu: 0.0.44.dev20260713+nightly
codegen_flags: <defaults>
</compile_context>

<pallas_src>
import functools

import jax
import jax.numpy as jnp
from jax import lax
from jax.experimental import pallas as pl
from jax.experimental.pallas import tpu as pltpu
from jax.experimental.pallas import tpu_sc as plsc

_B, _C, _T = 16, 512, 2048
_HALF = _C // 2
_CHUNK = 8
_NBUF = 3

_MASKED = [
    31, 35, 45, 63, 85, 99, 112, 114, 117, 121, 130, 139, 144, 148, 152,
    174, 176, 179, 188, 189, 197, 257, 263, 268, 272, 304, 309, 312, 315,
    318, 325, 356, 366, 398, 409, 410, 417, 429, 441, 446, 448, 462, 480,
    481, 487, 493, 495, 499, 501, 507, 509,
]


def _half_plan(h):
    lo = h * _HALF
    mset = set(c - lo for c in _MASKED if lo <= c < lo + _HALF)
    chunks = []
    for g in range(_HALF // _CHUNK):
        rows = range(g * _CHUNK, (g + 1) * _CHUNK)
        chunks.append(tuple(r - g * _CHUNK for r in rows if r in mset))
    return chunks


_PLANS = (_half_plan(0), _half_plan(1))

_mesh = plsc.VectorSubcoreMesh(core_axis_name="c", subcore_axis_name="s")


@functools.partial(
    pl.kernel,
    mesh=_mesh,
    out_type=jax.ShapeDtypeStruct((_B * _C, _T), jnp.float32),
    scratch_types=(
        [pltpu.VMEM((_CHUNK, _T), jnp.float32) for _ in range(_NBUF)]
        + [pltpu.VMEM_SHARED((16, _CHUNK, _T), jnp.float32) for _ in range(_NBUF)]
        + [pltpu.VMEM((1, _T), jnp.float32)]
        + [pltpu.SemaphoreType.DMA for _ in range(4 * _NBUF + 1)]
    ),
)
def _sc_mask_copy(x_hbm, out_hbm,
                  vb0, vb1, vb2, sb0, sb1, sb2, zrow,
                  vi0, vi1, vi2, vo0, vo1, vo2, si0, si1, si2, so0, so1, so2, sz):
    s = lax.axis_index("s")
    h = lax.axis_index("c")
    vbufs = (vb0, vb1, vb2)
    sbufs = (sb0, sb1, sb2)
    visems = (vi0, vi1, vi2)
    vosems = (vo0, vo1, vo2)
    sisems = (si0, si1, si2)
    sosems = (so0, so1, so2)

    z = jnp.zeros((16,), jnp.float32)

    def zinit(k, carry):
        zrow[0, pl.ds(k * 64, 16)] = z
        zrow[0, pl.ds(k * 64 + 16, 16)] = z
        zrow[0, pl.ds(k * 64 + 32, 16)] = z
        zrow[0, pl.ds(k * 64 + 48, 16)] = z
        return carry

    lax.fori_loop(0, _T // 64, zinit, 0)

    for hh in (0, 1):
        chunks = _PLANS[hh]
        n_ck = len(chunks)
        v_idx = [i for i in range(n_ck) if i % 2 == 0]
        s_idx = [i for i in range(n_ck) if i % 2 == 1]

        @pl.when(h == hh)
        def _():
            base = s * _C + hh * _HALF

            def hbm_rows(i):
                return pl.ds(base + i * _CHUNK, _CHUNK)

            def v_start_in(k):
                return pltpu.async_copy(
                    x_hbm.at[hbm_rows(v_idx[k])], vbufs[k % _NBUF],
                    visems[k % _NBUF])

            def s_start_in(k):
                return pltpu.async_copy(
                    x_hbm.at[hbm_rows(s_idx[k])], sbufs[k % _NBUF].at[s],
                    sisems[k % _NBUF])

            vin, vout, sin, sout = {}, {}, {}, {}
            v_w, s_w = set(), set()
            for k in range(min(_NBUF - 1, len(v_idx))):
                vin[k] = v_start_in(k)
            for k in range(min(_NBUF - 1, len(s_idx))):
                sin[k] = s_start_in(k)

            n_steps = max(len(v_idx), len(s_idx))
            for k in range(n_steps):
                if k < len(v_idx):
                    nk = _NBUF - 1 + k
                    if nk < len(v_idx):
                        if k > 0:
                            vout[k - 1].wait()
                            v_w.add(k - 1)
                        vin[nk] = v_start_in(nk)
                    vin[k].wait()
                    buf = vbufs[k % _NBUF]
                    for j in chunks[v_idx[k]]:
                        def zero_row(t, carry, buf=buf, j=j):
                            buf[j, pl.ds(t * 64, 16)] = z
                            buf[j, pl.ds(t * 64 + 16, 16)] = z
                            buf[j, pl.ds(t * 64 + 32, 16)] = z
                            buf[j, pl.ds(t * 64 + 48, 16)] = z
                            return carry
                        lax.fori_loop(0, _T // 64, zero_row, 0)
                    vout[k] = pltpu.async_copy(
                        buf, out_hbm.at[hbm_rows(v_idx[k])], vosems[k % _NBUF])
                if k < len(s_idx):
                    nk = _NBUF - 1 + k
                    if nk < len(s_idx):
                        if k > 0:
                            sout[k - 1].wait()
                            s_w.add(k - 1)
                        sin[nk] = s_start_in(nk)
                    sin[k].wait()
                    reg = sbufs[k % _NBUF].at[s]
                    for j in chunks[s_idx[k]]:
                        pltpu.async_copy(zrow, reg.at[pl.ds(j, 1)], sz).wait()
                    sout[k] = pltpu.async_copy(
                        reg, out_hbm.at[hbm_rows(s_idx[k])], sosems[k % _NBUF])
            for k in range(len(v_idx)):
                if k not in v_w:
                    vout[k].wait()
            for k in range(len(s_idx)):
                if k not in s_w:
                    sout[k].wait()


def kernel(x):
    B, C, T = x.shape
    x2 = x.reshape(B * C, T)
    out = _sc_mask_copy(x2)
    return out.reshape(B, C, T)

# --- scband reference (transcript-rebuilt; emitter-appended) ---
"""Pipeline reference for scband-channel-mask-50577534877960 (READ-ONLY COPY).

The authoritative reference and input builder live on the scoring server;
editing this copy changes nothing except your own understanding.
"""

import jax, jax.numpy as jnp
import numpy as np

RATIO = 0.1

def setup_inputs(seed: int = 0) -> dict:
    key = jax.random.key(seed)
    x = jax.random.normal(key, (16, 512, 2048), dtype=jnp.float32)
    return {"x": x}

def reference(x):
    # ChannelMask.forward in training mode: zero out a random subset of channels.
    # torch.randperm(C)[:num_mask] is replaced by a fixed-key jax permutation for determinism.
    B, C, T = x.shape
    num_mask = int(C * RATIO)
    perm = jax.random.permutation(jax.random.key(42), C)
    mask_indices = perm[:num_mask]
    # scatter-overwrite: x[:, mask_indices, :] = 0
    out = x.at[:, mask_indices, :].set(0.0)
    return out

if __name__ == "__main__":
    import jax
    _d = setup_inputs()
    print(jax.jit(kernel)(*tuple(_d.values())))

</pallas_src>

<mosaic_0001>
#map = affine_map<(d0, d1) -> (0, 0)>
module attributes {stable_mosaic.version = 14 : i64} {
  func.func @_sc_mask_copy(%arg0: i32, %arg1: i32, %arg2: memref<8192x2048xf32, #tpu.memory_space<hbm>>, %arg3: memref<8192x2048xf32, #tpu.memory_space<hbm>>, %arg4: memref<8x2048xf32, #tpu.memory_space<vmem>>, %arg5: memref<8x2048xf32, #tpu.memory_space<vmem>>, %arg6: memref<8x2048xf32, #tpu.memory_space<vmem>>, %arg7: memref<16x8x2048xf32, #tpu.memory_space<vmem_shared>>, %arg8: memref<16x8x2048xf32, #tpu.memory_space<vmem_shared>>, %arg9: memref<16x8x2048xf32, #tpu.memory_space<vmem_shared>>, %arg10: memref<1x2048xf32, #tpu.memory_space<vmem>>, %arg11: memref<!tpu.dma_semaphore, #tpu.memory_space<semaphore_mem>>, %arg12: memref<!tpu.dma_semaphore, #tpu.memory_space<semaphore_mem>>, %arg13: memref<!tpu.dma_semaphore, #tpu.memory_space<semaphore_mem>>, %arg14: memref<!tpu.dma_semaphore, #tpu.memory_space<semaphore_mem>>, %arg15: memref<!tpu.dma_semaphore, #tpu.memory_space<semaphore_mem>>, %arg16: memref<!tpu.dma_semaphore, #tpu.memory_space<semaphore_mem>>, %arg17: memref<!tpu.dma_semaphore, #tpu.memory_space<semaphore_mem>>, %arg18: memref<!tpu.dma_semaphore, #tpu.memory_space<semaphore_mem>>, %arg19: memref<!tpu.dma_semaphore, #tpu.memory_space<semaphore_mem>>, %arg20: memref<!tpu.dma_semaphore, #tpu.memory_space<semaphore_mem>>, %arg21: memref<!tpu.dma_semaphore, #tpu.memory_space<semaphore_mem>>, %arg22: memref<!tpu.dma_semaphore, #tpu.memory_space<semaphore_mem>>, %arg23: memref<!tpu.dma_semaphore, #tpu.memory_space<semaphore_mem>>) attributes {dimension_semantics = [#tpu.dimension_semantics<core_parallel>, #tpu.dimension_semantics<subcore_parallel>], iteration_bounds = array<i64: 2, 16>, scalar_prefetch = 0 : i64, scratch_operands = 20 : i64, tpu.core_type = #tpu.core_type<sc_vector_subcore>, window_params = [{transform_indices = #map}, {transform_indices = #map}]} {
    %broadcast_in_dim3A = arith.constant 0.000000e+00 : f32
    %broadcast_in_dim3A_0 = vector.broadcast %broadcast_in_dim3A : f32 to vector<16xf32>
    %scan3A = arith.constant 0 : i32
    %scan3A_1 = arith.constant 0 : i32
    %scan3A_2 = arith.constant 32 : i32
    %scan3A_3 = arith.addi %scan3A_1, %scan3A_2 : i32
    %scan3A_4 = arith.constant 1 : i32
    scf.for %scan3A_13 = %scan3A_1 to %scan3A_3 step %scan3A_4  : i32 {
      %mul3A = arith.constant 64 : i32
      %mul3A_14 = arith.muli %scan3A_13, %mul3A : i32
      %swap3A = arith.constant 0 : i32
      %swap3A_15 = arith.index_cast %swap3A : i32 to index
      %swap3A_16 = arith.index_cast %mul3A_14 : i32 to index
      %swap3A_17 = tpu.vector_load %arg10[%swap3A_15, %swap3A_16] {strides = array<i32>} : memref<1x2048xf32, #tpu.memory_space<vmem>>, vector<1x16xf32>,
      %swap3A_18 = vector.shape_cast %swap3A_17 : vector<1x16xf32> to vector<16xf32>
      %swap3A_19 = vector.shape_cast %broadcast_in_dim3A_0 : vector<16xf32> to vector<1x16xf32>
      tpu.vector_store %arg10[%swap3A_15, %swap3A_16], %swap3A_19 {strides = array<i32>} : memref<1x2048xf32, #tpu.memory_space<vmem>>, vector<1x16xf32>,
      %mul3A_20 = arith.constant 64 : i32
      %mul3A_21 = arith.muli %scan3A_13, %mul3A_20 : i32
      %add3A = arith.constant 16 : i32
      %add3A_22 = arith.addi %mul3A_21, %add3A : i32
      %swap3A_23 = arith.constant 0 : i32
      %swap3A_24 = arith.index_cast %swap3A_23 : i32 to index
      %swap3A_25 = arith.index_cast %add3A_22 : i32 to index
      %swap3A_26 = tpu.vector_load %arg10[%swap3A_24, %swap3A_25] {strides = array<i32>} : memref<1x2048xf32, #tpu.memory_space<vmem>>, vector<1x16xf32>,
      %swap3A_27 = vector.shape_cast %swap3A_26 : vector<1x16xf32> to vector<16xf32>
      %swap3A_28 = vector.shape_cast %broadcast_in_dim3A_0 : vector<16xf32> to vector<1x16xf32>
      tpu.vector_store %arg10[%swap3A_24, %swap3A_25], %swap3A_28 {strides = array<i32>} : memref<1x2048xf32, #tpu.memory_space<vmem>>, vector<1x16xf32>,
      %mul3A_29 = arith.constant 64 : i32
      %mul3A_30 = arith.muli %scan3A_13, %mul3A_29 : i32
      %add3A_31 = arith.constant 32 : i32
      %add3A_32 = arith.addi %mul3A_30, %add3A_31 : i32
      %swap3A_33 = arith.constant 0 : i32
      %swap3A_34 = arith.index_cast %swap3A_33 : i32 to index
      %swap3A_35 = arith.index_cast %add3A_32 : i32 to index
      %swap3A_36 = tpu.vector_load %arg10[%swap3A_34, %swap3A_35] {strides = array<i32>} : memref<1x2048xf32, #tpu.memory_space<vmem>>, vector<1x16xf32>,
      %swap3A_37 = vector.shape_cast %swap3A_36 : vector<1x16xf32> to vector<16xf32>
      %swap3A_38 = vector.shape_cast %broadcast_in_dim3A_0 : vector<16xf32> to vector<1x16xf32>
      tpu.vector_store %arg10[%swap3A_34, %swap3A_35], %swap3A_38 {strides = array<i32>} : memref<1x2048xf32, #tpu.memory_space<vmem>>, vector<1x16xf32>,
      %mul3A_39 = arith.constant 64 : i32
      %mul3A_40 = arith.muli %scan3A_13, %mul3A_39 : i32
      %add3A_41 = arith.constant 48 : i32
      %add3A_42 = arith.addi %mul3A_40, %add3A_41 : i32
      %swap3A_43 = arith.constant 0 : i32
      %swap3A_44 = arith.index_cast %swap3A_43 : i32 to index
      %swap3A_45 = arith.index_cast %add3A_42 : i32 to index
      %swap3A_46 = tpu.vector_load %arg10[%swap3A_44, %swap3A_45] {strides = array<i32>} : memref<1x2048xf32, #tpu.memory_space<vmem>>, vector<1x16xf32>,
      %swap3A_47 = vector.shape_cast %swap3A_46 : vector<1x16xf32> to vector<16xf32>
      %swap3A_48 = vector.shape_cast %broadcast_in_dim3A_0 : vector<16xf32> to vector<1x16xf32>
      tpu.vector_store %arg10[%swap3A_44, %swap3A_45], %swap3A_48 {strides = array<i32>} : memref<1x2048xf32, #tpu.memory_space<vmem>>, vector<1x16xf32>,
    }
    %scan3A_5 = arith.constant 32 : i32
    %eq3A = arith.constant 0 : i32
    %eq3A_6 = arith.cmpi eq, %arg0, %eq3A : i32
    %convert_element_type3A = arith.extui %eq3A_6 : i1 to i32
    %cond3A = arith.constant 0 : i32
    %cond3A_7 = arith.cmpi ne, %convert_element_type3A, %cond3A : i32
    scf.if %cond3A_7 {
      %mul3A = arith.constant 512 : i32
      %mul3A_13 = arith.muli %arg1, %mul3A : i32
      %add3A = arith.constant 0 : i32
      %add3A_14 = arith.addi %mul3A_13, %add3A : i32
      %add3A_15 = arith.constant 0 : i32
      %add3A_16 = arith.addi %add3A_14, %add3A_15 : i32
      %dma_start3A = arith.constant 0 : i32
      %dma_start3A_17 = tpu.memref_slice %arg2[%add3A_16, %dma_start3A] : memref<8192x2048xf32, #tpu.memory_space<hbm>> -> memref<8x2048xf32, #tpu.memory_space<hbm>>
      %dma_start3A_18 = arith.constant 0 : i32
      %dma_start3A_19 = tpu.memref_slice %arg2[%add3A_16, %dma_start3A_18] : memref<8192x2048xf32, #tpu.memory_space<hbm>> -> memref<8x2048xf32, #tpu.memory_space<hbm>>
      tpu.enqueue_dma source(%dma_start3A_19 : memref<8x2048xf32, #tpu.memory_space<hbm>>) target(%arg4 : memref<8x2048xf32, #tpu.memory_space<vmem>>) target_semaphore(%arg11 : memref<!tpu.dma_semaphore, #tpu.memory_space<semaphore_mem>>)
      %add3A_20 = arith.constant 16 : i32
      %add3A_21 = arith.addi %add3A_14, %add3A_20 : i32
      %dma_start3A_22 = arith.constant 0 : i32
      %dma_start3A_23 = tpu.memref_slice %arg2[%add3A_21, %dma_start3A_22] : memref<8192x2048xf32, #tpu.memory_space<hbm>> -> memref<8x2048xf32, #tpu.memory_space<hbm>>
      %dma_start3A_24 = arith.constant 0 : i32
      %dma_start3A_25 = tpu.memref_slice %arg2[%add3A_21, %dma_start3A_24] : memref<8192x2048xf32, #tpu.memory_space<hbm>> -> memref<8x2048xf32, #tpu.memory_space<hbm>>
      tpu.enqueue_dma source(%dma_start3A_25 : memref<8x2048xf32, #tpu.memory_space<hbm>>) target(%arg5 : memref<8x2048xf32, #tpu.memory_space<vmem>>) target_semaphore(%arg12 : memref<!tpu.dma_semaphore, #tpu.memory_space<semaphore_mem>>)
      %add3A_26 = arith.constant 8 : i32
      %add3A_27 = arith.addi %add3A_14, %add3A_26 : i32
      %dma_start3A_28 = arith.constant 0 : i32
      %dma_start3A_29 = arith.constant 0 : i32
      %dma_start3A_30 = tpu.memref_slice %arg7[%arg1, %dma_start3A_28, %dma_start3A_29] : memref<16x8x2048xf32, #tpu.memory_space<vmem_shared>> -> memref<1x8x2048xf32, #tpu.memory_space<vmem_shared>>
      %dma_start3A_31 = tpu.memref_squeeze %dma_start3A_30 : memref<1x8x2048xf32, #tpu.memory_space<vmem_shared>> -> memref<8x2048xf32, #tpu.memory_space<vmem_shared>>
      %dma_start3A_32 = arith.constant 0 : i32
      %dma_start3A_33 = tpu.memref_slice %arg2[%add3A_27, %dma_start3A_32] : memref<8192x2048xf32, #tpu.memory_space<hbm>> -> memref<8x2048xf32, #tpu.memory_space<hbm>>
      tpu.enqueue_dma source(%dma_start3A_33 : memref<8x2048xf32, #tpu.memory_space<hbm>>) target(%dma_start3A_31 : memref<8x2048xf32, #tpu.memory_space<vmem_shared>>) target_semaphore(%arg17 : memref<!tpu.dma_semaphore, #tpu.memory_space<semaphore_mem>>)
      %add3A_34 = arith.constant 24 : i32
      %add3A_35 = arith.addi %add3A_14, %add3A_34 : i32
      %dma_start3A_36 = arith.constant 0 : i32
      %dma_start3A_37 = arith.constant 0 : i32
      %dma_start3A_38 = tpu.memref_slice %arg8[%arg1, %dma_start3A_36, %dma_start3A_37] : memref<16x8x2048xf32, #tpu.memory_space<vmem_shared>> -> memref<1x8x2048xf32, #tpu.memory_space<vmem_shared>>
      %dma_start3A_39 = tpu.memref_squeeze %dma_start3A_38 : memref<1x8x2048xf32, #tpu.memory_space<vmem_shared>> -> memref<8x2048xf32, #tpu.memory_space<vmem_shared>>
      %dma_start3A_40 = arith.constant 0 : i32
      %dma_start3A_41 = tpu.memref_slice %arg2[%add3A_35, %dma_start3A_40] : memref<8192x2048xf32, #tpu.memory_space<hbm>> -> memref<8x2048xf32, #tpu.memory_space<hbm>>
      tpu.enqueue_dma source(%dma_start3A_41 : memref<8x2048xf32, #tpu.memory_space<hbm>>) target(%dma_start3A_39 : memref<8x2048xf32, #tpu.memory_space<vmem_shared>>) target_semaphore(%arg18 : memref<!tpu.dma_semaphore, #tpu.memory_space<semaphore_mem>>)
      %add3A_42 = arith.constant 32 : i32
      %add3A_43 = arith.addi %add3A_14, %add3A_42 : i32
      %dma_start3A_44 = arith.constant 0 : i32
      %dma_start3A_45 = tpu.memref_slice %arg2[%add3A_43, %dma_start3A_44] : memref<8192x2048xf32, #tpu.memory_space<hbm>> -> memref<8x2048xf32, #tpu.memory_space<hbm>>
      %dma_start3A_46 = arith.constant 0 : i32
      %dma_start3A_47 = tpu.memref_slice %arg2[%add3A_43, %dma_start3A_46] : memref<8192x2048xf32, #tpu.memory_space<hbm>> -> memref<8x2048xf32, #tpu.memory_space<hbm>>
      tpu.enqueue_dma source(%dma_start3A_47 : memref<8x2048xf32, #tpu.memory_space<hbm>>) target(%arg6 : memref<8x2048xf32, #tpu.memory_space<vmem>>) target_semaphore(%arg13 : memref<!tpu.dma_semaphore, #tpu.memory_space<semaphore_mem>>)
      %dma_wait3A = arith.constant 0 : i32
      %dma_wait3A_48 = tpu.memref_slice %arg2[%add3A_16, %dma_wait3A] : memref<8192x2048xf32, #tpu.memory_space<hbm>> -> memref<8x2048xf32, #tpu.memory_space<hbm>>
      %dma_wait3A_49 = arith.constant 0 : i32
      %dma_wait3A_50 = tpu.memref_slice %arg2[%add3A_16, %dma_wait3A_49] : memref<8192x2048xf32, #tpu.memory_space<hbm>> -> memref<8x2048xf32, #tpu.memory_space<hbm>>
      tpu.wait_dma2 semaphore(%arg11 : memref<!tpu.dma_semaphore, #tpu.memory_space<semaphore_mem>>) src(%dma_wait3A_50 : memref<8x2048xf32, #tpu.memory_space<hbm>>) dst(%arg4 : memref<8x2048xf32, #tpu.memory_space<vmem>>)
      %add3A_51 = arith.constant 0 : i32
      %add3A_52 = arith.addi %add3A_14, %add3A_51 : i32
      %dma_start3A_53 = arith.constant 0 : i32
      %dma_start3A_54 = tpu.memref_slice %arg3[%add3A_52, %dma_start3A_53] : memref<8192x2048xf32, #tpu.memory_space<hbm>> -> memref<8x2048xf32, #tpu.memory_space<hbm>>
      %dma_start3A_55 = arith.constant 0 : i32
      %dma_start3A_56 = tpu.memref_slice %arg3[%add3A_52, %dma_start3A_55] : memref<8192x2048xf32, #tpu.memory_space<hbm>> -> memref<8x2048xf32, #tpu.memory_space<hbm>>
      tpu.enqueue_dma source(%arg4 : memref<8x2048xf32, #tpu.memory_space<vmem>>) target(%dma_start3A_56 : memref<8x2048xf32, #tpu.memory_space<hbm>>) target_semaphore(%arg14 : memref<!tpu.dma_semaphore, #tpu.memory_space<semaphore_mem>>)
      %add3A_57 = arith.constant 40 : i32
      %add3A_58 = arith.addi %add3A_14, %add3A_57 : i32
      %dma_start3A_59 = arith.constant 0 : i32
      %dma_start3A_60 = arith.constant 0 : i32
      %dma_start3A_61 = tpu.memref_slice %arg9[%arg1, %dma_start3A_59, %dma_start3A_60] : memref<16x8x2048xf32, #tpu.memory_space<vmem_shared>> -> memref<1x8x2048xf32, #tpu.memory_space<vmem_shared>>
      %dma_start3A_62 = tpu.memref_squeeze %dma_start3A_61 : memref<1x8x2048xf32, #tpu.memory_space<vmem_shared>> -> memref<8x2048xf32, #tpu.memory_space<vmem_shared>>
      %dma_start3A_63 = arith.constant 0 : i32
      %dma_start3A_64 = tpu.memref_slice %arg2[%add3A_58, %dma_start3A_63] : memref<8192x2048xf32, #tpu.memory_space<hbm>> -> memref<8x2048xf32, #tpu.memory_space<hbm>>
      tpu.enqueue_dma source(%dma_start3A_64 : memref<8x2048xf32, #tpu.memory_space<hbm>>) target(%dma_start3A_62 : memref<8x2048xf32, #tpu.memory_space<vmem_shared>>) target_semaphore(%arg19 : memref<!tpu.dma_semaphore, #tpu.memory_space<semaphore_mem>>)
      %dma_wait3A_65 = arith.constant 0 : i32
      %dma_wait3A_66 = arith.constant 0 : i32
      %dma_wait3A_67 = tpu.memref_slice %arg7[%arg1, %dma_wait3A_65, %dma_wait3A_66] : memref<16x8x2048xf32, #tpu.memory_space<vmem_shared>> -> memref<1x8x2048xf32, #tpu.memory_space<vmem_shared>>
      %dma_wait3A_68 = tpu.memref_squeeze %dma_wait3A_67 : memref<1x8x2048xf32, #tpu.memory_space<vmem_shared>> -> memref<8x2048xf32, #tpu.memory_space<vmem_shared>>
      %dma_wait3A_69 = arith.constant 0 : i32
      %dma_wait3A_70 = tpu.memref_slice %arg2[%add3A_27, %dma_wait3A_69] : memref<8192x2048xf32, #tpu.memory_space<hbm>> -> memref<8x2048xf32, #tpu.memory_space<hbm>>
      tpu.wait_dma2 semaphore(%arg17 : memref<!tpu.dma_semaphore, #tpu.memory_space<semaphore_mem>>) src(%dma_wait3A_70 : memref<8x2048xf32, #tpu.memory_space<hbm>>) dst(%dma_wait3A_68 : memref<8x2048xf32, #tpu.memory_space<vmem_shared>>)
      %add3A_71 = arith.constant 8 : i32
      %add3A_72 = arith.addi %add3A_14, %add3A_71 : i32
      %dma_start3A_73 = arith.constant 0 : i32
      %dma_start3A_74 = tpu.memref_slice %arg3[%add3A_72, %dma_start3A_73] : memref<8192x2048xf32, #tpu.memory_space<hbm>> -> memref<8x2048xf32, #tpu.memory_space<hbm>>
      %dma_start3A_75 = arith.constant 0 : i32
      %dma_start3A_76 = arith.constant 0 : i32
      %dma_start3A_77 = tpu.memref_slice %arg7[%arg1, %dma_start3A_75, %dma_start3A_76] : memref<16x8x2048xf32, #tpu.memory_space<vmem_shared>> -> memref<1x8x2048xf32, #tpu.memory_space<vmem_shared>>
      %dma_start3A_78 = tpu.memref_squeeze %dma_start3A_77 : memref<1x8x2048xf32, #tpu.memory_space<vmem_shared>> -> memref<8x2048xf32, #tpu.memory_space<vmem_shared>>
      tpu.enqueue_dma source(%dma_start3A_78 : memref<8x2048xf32, #tpu.memory_space<vmem_shared>>) target(%dma_start3A_74 : memref<8x2048xf32, #tpu.memory_space<hbm>>) target_semaphore(%arg20 : memref<!tpu.dma_semaphore, #tpu.memory_space<semaphore_mem>>)
      %dma_wait3A_79 = arith.constant 0 : i32
      %dma_wait3A_80 = tpu.memref_slice %arg3[%add3A_52, %dma_wait3A_79] : memref<8192x2048xf32, #tpu.memory_space<hbm>> -> memref<8x2048xf32, #tpu.memory_space<hbm>>
      %dma_wait3A_81 = arith.constant 0 : i32
      %dma_wait3A_82 = tpu.memref_slice %arg3[%add3A_52, %dma_wait3A_81] : memref<8192x2048xf32, #tpu.memory_space<hbm>> -> memref<8x2048xf32, #tpu.memory_space<hbm>>
      tpu.wait_dma2 semaphore(%arg14 : memref<!tpu.dma_semaphore, #tpu.memory_space<semaphore_mem>>) src(%arg4 : memref<8x2048xf32, #tpu.memory_space<vmem>>) dst(%dma_wait3A_82 : memref<8x2048xf32, #tpu.memory_space<hbm>>)
      %add3A_83 = arith.constant 48 : i32
      %add3A_84 = arith.addi %add3A_14, %add3A_83 : i32
      %dma_start3A_85 = arith.constant 0 : i32
      %dma_start3A_86 = tpu.memref_slice %arg2[%add3A_84, %dma_start3A_85] : memref<8192x2048xf32, #tpu.memory_space<hbm>> -> memref<8x2048xf32, #tpu.memory_space<hbm>>
      %dma_start3A_87 = arith.constant 0 : i32
      %dma_start3A_88 = tpu.memref_slice %arg2[%add3A_84, %dma_start3A_87] : memref<8192x2048xf32, #tpu.memory_space<hbm>> -> memref<8x2048xf32, #tpu.memory_space<hbm>>
      tpu.enqueue_dma source(%dma_start3A_88 : memref<8x2048xf32, #tpu.memory_space<hbm>>) target(%arg4 : memref<8x2048xf32, #tpu.memory_space<vmem>>) target_semaphore(%arg11 : memref<!tpu.dma_semaphore, #tpu.memory_space<semaphore_mem>>)
      %dma_wait3A_89 = arith.constant 0 : i32
      %dma_wait3A_90 = tpu.memref_slice %arg2[%add3A_21, %dma_wait3A_89] : memref<8192x2048xf32, #tpu.memory_space<hbm>> -> memref<8x2048xf32, #tpu.memory_space<hbm>>
      %dma_wait3A_91 = arith.constant 0 : i32
      %dma_wait3A_92 = tpu.memref_slice %arg2[%add3A_21, %dma_wait3A_91] : memref<8192x2048xf32, #tpu.memory_space<hbm>> -> memref<8x2048xf32, #tpu.memory_space<hbm>>
      tpu.wait_dma2 semaphore(%arg12 : memref<!tpu.dma_semaphore, #tpu.memory_space<semaphore_mem>>) src(%dma_wait3A_92 : memref<8x2048xf32, #tpu.memory_space<hbm>>) dst(%arg5 : memref<8x2048xf32, #tpu.memory_space<vmem>>)
      %add3A_93 = arith.constant 16 : i32
      %add3A_94 = arith.addi %add3A_14, %add3A_93 : i32
      %dma_start3A_95 = arith.constant 0 : i32
      %dma_start3A_96 = tpu.memref_slice %arg3[%add3A_94, %dma_start3A_95] : memref<8192x2048xf32, #tpu.memory_space<hbm>> -> memref<8x2048xf32, #tpu.memory_space<hbm>>
      %dma_start3A_97 = arith.constant 0 : i32
      %dma_start3A_98 = tpu.memref_slice %arg3[%add3A_94, %dma_start3A_97] : memref<8192x2048xf32, #tpu.memory_space<hbm>> -> memref<8x2048xf32, #tpu.memory_space<hbm>>
      tpu.enqueue_dma source(%arg5 : memref<8x2048xf32, #tpu.memory_space<vmem>>) target(%dma_start3A_98 : memref<8x2048xf32, #tpu.memory_space<hbm>>) target_semaphore(%arg15 : memref<!tpu.dma_semaphore, #tpu.memory_space<semaphore_mem>>)
      %dma_wait3A_99 = arith.constant 0 : i32
      %dma_wait3A_100 = tpu.memref_slice %arg3[%add3A_72, %dma_wait3A_99] : memref<8192x2048xf32, #tpu.memory_space<hbm>> -> memref<8x2048xf32, #tpu.memory_space<hbm>>
      %dma_wait3A_101 = arith.constant 0 : i32
      %dma_wait3A_102 = arith.constant 0 : i32
      %dma_wait3A_103 = tpu.memref_slice %arg7[%arg1, %dma_wait3A_101, %dma_wait3A_102] : memref<16x8x2048xf32, #tpu.memory_space<vmem_shared>> -> memref<1x8x2048xf32, #tpu.memory_space<vmem_shared>>
      %dma_wait3A_104 = tpu.memref_squeeze %dma_wait3A_103 : memref<1x8x2048xf32, #tpu.memory_space<vmem_shared>> -> memref<8x2048xf32, #tpu.memory_space<vmem_shared>>
      tpu.wait_dma2 semaphore(%arg20 : memref<!tpu.dma_semaphore, #tpu.memory_space<semaphore_mem>>) src(%dma_wait3A_104 : memref<8x2048xf32, #tpu.memory_space<vmem_shared>>) dst(%dma_wait3A_100 : memref<8x2048xf32, #tpu.memory_space<hbm>>)
      %add3A_105 = arith.constant 56 : i32
      %add3A_106 = arith.addi %add3A_14, %add3A_105 : i32
      %dma_start3A_107 = arith.constant 0 : i32
      %dma_start3A_108 = arith.constant 0 : i32
      %dma_start3A_109 = tpu.memref_slice %arg7[%arg1, %dma_start3A_107, %dma_start3A_108] : memref<16x8x2048xf32, #tpu.memory_space<vmem_shared>> -> memref<1x8x2048xf32, #tpu.memory_space<vmem_shared>>
      %dma_start3A_110 = tpu.memref_squeeze %dma_start3A_109 : memref<1x8x2048xf32, #tpu.memory_space<vmem_shared>> -> memref<8x2048xf32, #tpu.memory_space<vmem_shared>>
      %dma_start3A_111 = arith.constant 0 : i32
      %dma_start3A_112 = tpu.memref_slice %arg2[%add3A_106, %dma_start3A_111] : memref<8192x2048xf32, #tpu.memory_space<hbm>> -> memref<8x2048xf32, #tpu.memory_space<hbm>>
      tpu.enqueue_dma source(%dma_start3A_112 : memref<8x2048xf32, #tpu.memory_space<hbm>>) target(%dma_start3A_110 : memref<8x2048xf32, #tpu.memory_space<vmem_shared>>) target_semaphore(%arg17 : memref<!tpu.dma_semaphore, #tpu.memory_space<semaphore_mem>>)
      %dma_wait3A_113 = arith.constant 0 : i32
      %dma_wait3A_114 = arith.constant 0 : i32
      %dma_wait3A_115 = tpu.memref_slice %arg8[%arg1, %dma_wait3A_113, %dma_wait3A_114] : memref<16x8x2048xf32, #tpu.memory_space<vmem_shared>> -> memref<1x8x2048xf32, #tpu.memory_space<vmem_shared>>
      %dma_wait3A_116 = tpu.memref_squeeze %dma_wait3A_115 : memref<1x8x2048xf32, #tpu.memory_space<vmem_shared>> -> memref<8x2048xf32, #tpu.memory_space<vmem_shared>>
      %dma_wait3A_117 = arith.constant 0 : i32
      %dma_wait3A_118 = tpu.memref_slice %arg2[%add3A_35, %dma_wait3A_117] : memref<8192x2048xf32, #tpu.memory_space<hbm>> -> memref<8x2048xf32, #tpu.memory_space<hbm>>
      tpu.wait_dma2 semaphore(%arg18 : memref<!tpu.dma_semaphore, #tpu.memory_space<semaphore_mem>>) src(%dma_wait3A_118 : memref<8x2048xf32, #tpu.memory_space<hbm>>) dst(%dma_wait3A_116 : memref<8x2048xf32, #tpu.memory_space<vmem_shared>>)
      %dma_start3A_119 = arith.constant 0 : i32
      %dma_start3A_120 = arith.constant 0 : i32
      %dma_start3A_121 = tpu.memref_slice %arg8[%arg1, %dma_start3A_119, %dma_start3A_120] : memref<16x8x2048xf32, #tpu.memory_space<vmem_shared>> -> memref<1x8x2048xf32, #tpu.memory_space<vmem_shared>>
      %dma_start3A_122 = tpu.memref_squeeze %dma_start3A_121 : memref<1x8x2048xf32, #tpu.memory_space<vmem_shared>> -> memref<8x2048xf32, #tpu.memory_space<vmem_shared>>
      %dma_start3A_123 = arith.constant 7 : i32
      %dma_start3A_124 = arith.constant 0 : i32
      %dma_start3A_125 = tpu.memref_slice %dma_start3A_122[%dma_start3A_123, %dma_start3A_124] : memref<8x2048xf32, #tpu.memory_space<vmem_shared>> -> memref<1x2048xf32, #tpu.memory_space<vmem_shared>>
      %dma_start3A_126 = arith.constant 0 : i32
      %dma_start3A_127 = arith.constant 0 : i32
      %dma_start3A_128 = tpu.memref_slice %arg8[%arg1, %dma_start3A_126, %dma_start3A_127] : memref<16x8x2048xf32, #tpu.memory_space<vmem_shared>> -> memref<1x8x2048xf32, #tpu.memory_space<vmem_shared>>
      %dma_start3A_129 = tpu.memref_squeeze %dma_start3A_128 : memref<1x8x2048xf32, #tpu.memory_space<vmem_shared>> -> memref<8x2048xf32, #tpu.memory_space<vmem_shared>>
      %dma_start3A_130 = arith.constant 7 : i32
      %dma_start3A_131 = arith.constant 0 : i32
      %dma_start3A_132 = tpu.memref_slice %dma_start3A_129[%dma_start3A_130, %dma_start3A_131] : memref<8x2048xf32, #tpu.memory_space<vmem_shared>> -> memref<1x2048xf32, #tpu.memory_space<vmem_shared>>
      tpu.enqueue_dma source(%arg10 : memref<1x2048xf32, #tpu.memory_space<vmem>>) target(%dma_start3A_132 : memref<1x2048xf32, #tpu.memory_space<vmem_shared>>) target_semaphore(%arg23 : memref<!tpu.dma_semaphore, #tpu.memory_space<semaphore_mem>>)
      %dma_wait3A_133 = arith.constant 0 : i32
      %dma_wait3A_134 = arith.constant 0 : i32
      %dma_wait3A_135 = tpu.memref_slice %arg8[%arg1, %dma_wait3A_133, %dma_wait3A_134] : memref<16x8x2048xf32, #tpu.memory_space<vmem_shared>> -> memref<1x8x2048xf32, #tpu.memory_space<vmem_shared>>
      %dma_wait3A_136 = tpu.memref_squeeze %dma_wait3A_135 : memref<1x8x2048xf32, #tpu.memory_space<vmem_shared>> -> memref<8x2048xf32, #tpu.memory_space<vmem_shared>>
      %dma_wait3A_137 = arith.constant 7 : i32
      %dma_wait3A_138 = arith.constant 0 : i32
      %dma_wait3A_139 = tpu.memref_slice %dma_wait3A_136[%dma_wait3A_137, %dma_wait3A_138] : memref<8x2048xf32, #tpu.memory_space<vmem_shared>> -> memref<1x2048xf32, #tpu.memory_space<vmem_shared>>
      %dma_wait3A_140 = arith.constant 0 : i32
      %dma_wait3A_141 = arith.constant 0 : i32
      %dma_wait3A_142 = tpu.memref_slice %arg8[%arg1, %dma_wait3A_140, %dma_wait3A_141] : memref<16x8x2048xf32, #tpu.memory_space<vmem_shared>> -> memref<1x8x2048xf32, #tpu.memory_space<vmem_shared>>
      %dma_wait3A_143 = tpu.memref_squeeze %dma_wait3A_142 : memref<1x8x2048xf32, #tpu.memory_space<vmem_shared>> -> memref<8x2048xf32, #tpu.memory_space<vmem_shared>>
      %dma_wait3A_144 = arith.constant 7 : i32
      %dma_wait3A_145 = arith.constant 0 : i32
      %dma_wait3A_146 = tpu.memref_slice %dma_wait3A_143[%dma_wait3A_144, %dma_wait3A_145] : memref<8x2048xf32, #tpu.memory_space<vmem_shared>> -> memref<1x2048xf32, #tpu.memory_space<vmem_shared>>
      tpu.wait_dma2 semaphore(%arg23 : memref<!tpu.dma_semaphore, #tpu.memory_space<semaphore_mem>>) src(%arg10 : memref<1x2048xf32, #tpu.memory_space<vmem>>) dst(%dma_wait3A_146 : memref<1x2048xf32, #tpu.memory_space<vmem_shared>>)
      %add3A_147 = arith.constant 24 : i32
      %add3A_148 = arith.addi %add3A_14, %add3A_147 : i32
      %dma_start3A_149 = arith.constant 0 : i32
      %dma_start3A_150 = tpu.memref_slice %arg3[%add3A_148, %dma_start3A_149] : memref<8192x2048xf32, #tpu.memory_space<hbm>> -> memref<8x2048xf32, #tpu.memory_space<hbm>>
      %dma_start3A_151 = arith.constant 0 : i32
      %dma_start3A_152 = arith.constant 0 : i32
      %dma_start3A_153 = tpu.memref_slice %arg8[%arg1, %dma_start3A_151, %dma_start3A_152] : memref<16x8x2048xf32, #tpu.memory_space<vmem_shared>> -> memref<1x8x2048xf32, #tpu.memory_space<vmem_shared>>
      %dma_start3A_154 = tpu.memref_squeeze %dma_start3A_153 : memref<1x8x2048xf32, #tpu.memory_space<vmem_shared>> -> memref<8x2048xf32, #tpu.memory_space<vmem_shared>>
      tpu.enqueue_dma source(%dma_start3A_154 : memref<8x2048xf32, #tpu.memory_space<vmem_shared>>) target(%dma_start3A_150 : memref<8x2048xf32, #tpu.memory_space<hbm>>) target_semaphore(%arg21 : memref<!tpu.dma_semaphore, #tpu.memory_space<semaphore_mem>>)
      %dma_wait3A_155 = arith.constant 0 : i32
      %dma_wait3A_156 = tpu.memref_slice %arg3[%add3A_94, %dma_wait3A_155] : memref<8192x2048xf32, #tpu.memory_space<hbm>> -> memref<8x2048xf32, #tpu.memory_space<hbm>>
      %dma_wait3A_157 = arith.constant 0 : i32
      %dma_wait3A_158 = tpu.memref_slice %arg3[%add3A_94, %dma_wait3A_157] : memref<8192x2048xf32, #tpu.memory_space<hbm>> -> memref<8x2048xf32, #tpu.memory_space<hbm>>
      tpu.wait_dma2 semaphore(%arg15 : memref<!tpu.dma_semaphore, #tpu.memory_space<semaphore_mem>>) src(%arg5 : memref<8x2048xf32, #tpu.memory_space<vmem>>) dst(%dma_wait3A_158 : memref<8x2048xf32, #tpu.memory_space<hbm>>)
      %add3A_159 = arith.constant 64 : i32
      %add3A_160 = arith.addi %add3A_14, %add3A_159 : i32
      %dma_start3A_161 = arith.constant 0 : i32
      %dma_start3A_162 = tpu.memref_slice %arg2[%add3A_160, %dma_start3A_161] : memref<8192x2048xf32, #tpu.memory_space<hbm>> -> memref<8x2048xf32, #tpu.memory_space<hbm>>
      %dma_start3A_163 = arith.constant 0 : i32
      %dma_start3A_164 = tpu.memref_slice %arg2[%add3A_160, %dma_start3A_163] : memref<8192x2048xf32, #tpu.memory_space<hbm>> -> memref<8x2048xf32, #tpu.memory_space<hbm>>
      tpu.enqueue_dma source(%dma_start3A_164 : memref<8x2048xf32, #tpu.memory_space<hbm>>) target(%arg5 : memref<8x2048xf32, #tpu.memory_space<vmem>>) target_semaphore(%arg12 : memref<!tpu.dma_semaphore, #tpu.memory_space<semaphore_mem>>)
      %dma_wait3A_165 = arith.constant 0 : i32
      %dma_wait3A_166 = tpu.memref_slice %arg2[%add3A_43, %dma_wait3A_165] : memref<8192x2048xf32, #tpu.memory_space<hbm>> -> memref<8x2048xf32, #tpu.memory_space<hbm>>
      %dma_wait3A_167 = arith.constant 0 : i32
      %dma_wait3A_168 = tpu.memref_slice %arg2[%add3A_43, %dma_wait3A_167] : memref<8192x2048xf32, #tpu.memory_space<hbm>> -> memref<8x2048xf32, #tpu.memory_space<hbm>>
      tpu.wait_dma2 semaphore(%arg13 : memref<!tpu.dma_semaphore, #tpu.memory_space<semaphore_mem>>) src(%dma_wait3A_168 : memref<8x2048xf32, #tpu.memory_space<hbm>>) dst(%arg6 : memref<8x2048xf32, #tpu.memory_space<vmem>>)
      %scan3A_169 = arith.constant 0 : i32
      %scan3A_170 = arith.constant 0 : i32
      %scan3A_171 = arith.constant 32 : i32
      %scan3A_172 = arith.addi %scan3A_170, %scan3A_171 : i32
      %scan3A_173 = arith.constant 1 : i32
      scf.for %scan3A_1105 = %scan3A_170 to %scan3A_172 step %scan3A_173  : i32 {
        %mul3A_1106 = arith.constant 64 : i32
        %mul3A_1107 = arith.muli %scan3A_1105, %mul3A_1106 : i32
        %swap3A = arith.constant 3 : i32
        %swap3A_1108 = arith.index_cast %swap3A : i32 to index
        %swap3A_1109 = arith.index_cast %mul3A_1107 : i32 to index
        %swap3A_1110 = tpu.vector_load %arg6[%swap3A_1108, %swap3A_1109] {strides = array<i32>} : memref<8x2048xf32, #tpu.memory_space<vmem>>, vector<1x16xf32>,
        %swap3A_1111 = vector.shape_cast %swap3A_1110 : vector<1x16xf32> to vector<16xf32>
        %swap3A_1112 = vector.shape_cast %broadcast_in_dim3A_0 : vector<16xf32> to vector<1x16xf32>
        tpu.vector_store %arg6[%swap3A_1108, %swap3A_1109], %swap3A_1112 {strides = array<i32>} : memref<8x2048xf32, #tpu.memory_space<vmem>>, vector<1x16xf32>,
        %mul3A_1113 = arith.constant 64 : i32
        %mul3A_1114 = arith.muli %scan3A_1105, %mul3A_1113 : i32
        %add3A_1115 = arith.constant 16 : i32
        %add3A_1116 = arith.addi %mul3A_1114, %add3A_1115 : i32
        %swap3A_1117 = arith.constant 3 : i32
        %swap3A_1118 = arith.index_cast %swap3A_1117 : i32 to index
        %swap3A_1119 = arith.index_cast %add3A_1116 : i32 to index
        %swap3A_1120 = tpu.vector_load %arg6[%swap3A_1118, %swap3A_1119] {strides = array<i32>} : memref<8x2048xf32, #tpu.memory_space<vmem>>, vector<1x16xf32>,
        %swap3A_1121 = vector.shape_cast %swap3A_1120 : vector<1x16xf32> to vector<16xf32>
        %swap3A_1122 = vector.shape_cast %broadcast_in_dim3A_0 : vector<16xf32> to vector<1x16xf32>
        tpu.vector_store %arg6[%swap3A_1118, %swap3A_1119], %swap3A_1122 {strides = array<i32>} : memref<8x2048xf32, #tpu.memory_space<vmem>>, vector<1x16xf32>,
        %mul3A_1123 = arith.constant 64 : i32
        %mul3A_1124 = arith.muli %scan3A_1105, %mul3A_1123 : i32
        %add3A_1125 = arith.constant 32 : i32
        %add3A_1126 = arith.addi %mul3A_1124, %add3A_1125 : i32
        %swap3A_1127 = arith.constant 3 : i32
        %swap3A_1128 = arith.index_cast %swap3A_1127 : i32 to index
        %swap3A_1129 = arith.index_cast %add3A_1126 : i32 to index
        %swap3A_1130 = tpu.vector_load %arg6[%swap3A_1128, %swap3A_1129] {strides = array<i32>} : memref<8x2048xf32, #tpu.memory_space<vmem>>, vector<1x16xf32>,
        %swap3A_1131 = vector.shape_cast %swap3A_1130 : vector<1x16xf32> to vector<16xf32>
        %swap3A_1132 = vector.shape_cast %broadcast_in_dim3A_0 : vector<16xf32> to vector<1x16xf32>
        tpu.vector_store %arg6[%swap3A_1128, %swap3A_1129], %swap3A_1132 {strides = array<i32>} : memref<8x2048xf32, #tpu.memory_space<vmem>>, vector<1x16xf32>,
        %mul3A_1133 = arith.constant 64 : i32
        %mul3A_1134 = arith.muli %scan3A_1105, %mul3A_1133 : i32
        %add3A_1135 = arith.constant 48 : i32
        %add3A_1136 = arith.addi %mul3A_1134, %add3A_1135 : i32
        %swap3A_1137 = arith.constant 3 : i32
        %swap3A_1138 = arith.index_cast %swap3A_1137 : i32 to index
        %swap3A_1139 = arith.index_cast %add3A_1136 : i32 to index
        %swap3A_1140 = tpu.vector_load %arg6[%swap3A_1138, %swap3A_1139] {strides = array<i32>} : memref<8x2048xf32, #tpu.memory_space<vmem>>, vector<1x16xf32>,
        %swap3A_1141 = vector.shape_cast %swap3A_1140 : vector<1x16xf32> to vector<16xf32>
        %swap3A_1142 = vector.shape_cast %broadcast_in_dim3A_0 : vector<16xf32> to vector<1x16xf32>
        tpu.vector_store %arg6[%swap3A_1138, %swap3A_1139], %swap3A_1142 {strides = array<i32>} : memref<8x2048xf32, #tpu.memory_space<vmem>>, vector<1x16xf32>,
      }
      %scan3A_174 = arith.constant 32 : i32
      %add3A_175 = arith.constant 32 : i32
      %add3A_176 = arith.addi %add3A_14, %add3A_175 : i32
      %dma_start3A_177 = arith.constant 0 : i32
      %dma_start3A_178 = tpu.memref_slice %arg3[%add3A_176, %dma_start3A_177] : memref<8192x2048xf32, #tpu.memory_space<hbm>> -> memref<8x2048xf32, #tpu.memory_space<hbm>>
      %dma_start3A_179 = arith.constant 0 : i32
      %dma_start3A_180 = tpu.memref_slice %arg3[%add3A_176, %dma_start3A_179] : memref<8192x2048xf32, #tpu.memory_space<hbm>> -> memref<8x2048xf32, #tpu.memory_space<hbm>>
      tpu.enqueue_dma source(%arg6 : memref<8x2048xf32, #tpu.memory_space<vmem>>) target(%dma_start3A_180 : memref<8x2048xf32, #tpu.memory_space<hbm>>) target_semaphore(%arg16 : memref<!tpu.dma_semaphore, #tpu.memory_space<semaphore_mem>>)
      %dma_wait3A_181 = arith.constant 0 : i32
      %dma_wait3A_182 = tpu.memref_slice %arg3[%add3A_148, %dma_wait3A_181] : memref<8192x2048xf32, #tpu.memory_space<hbm>> -> memref<8x2048xf32, #tpu.memory_space<hbm>>
      %dma_wait3A_183 = arith.constant 0 : i32
      %dma_wait3A_184 = arith.constant 0 : i32
      %dma_wait3A_185 = tpu.memref_slice %arg8[%arg1, %dma_wait3A_183, %dma_wait3A_184] : memref<16x8x2048xf32, #tpu.memory_space<vmem_shared>> -> memref<1x8x2048xf32, #tpu.memory_space<vmem_shared>>
      %dma_wait3A_186 = tpu.memref_squeeze %dma_wait3A_185 : memref<1x8x2048xf32, #tpu.memory_space<vmem_shared>> -> memref<8x2048xf32, #tpu.memory_space<vmem_shared>>
      tpu.wait_dma2 semaphore(%arg21 : memref<!tpu.dma_semaphore, #tpu.memory_space<semaphore_mem>>) src(%dma_wait3A_186 : memref<8x2048xf32, #tpu.memory_space<vmem_shared>>) dst(%dma_wait3A_182 : memref<8x2048xf32, #tpu.memory_space<hbm>>)
      %add3A_187 = arith.constant 72 : i32
      %add3A_188 = arith.addi %add3A_14, %add3A_187 : i32
      %dma_start3A_189 = arith.constant 0 : i32
      %dma_start3A_190 = arith.constant 0 : i32
      %dma_start3A_191 = tpu.memref_slice %arg8[%arg1, %dma_start3A_189, %dma_start3A_190] : memref<16x8x2048xf32, #tpu.memory_space<vmem_shared>> -> memref<1x8x2048xf32, #tpu.memory_space<vmem_shared>>
      %dma_start3A_192 = tpu.memref_squeeze %dma_start3A_191 : memref<1x8x2048xf32, #tpu.memory_space<vmem_shared>> -> memref<8x2048xf32, #tpu.memory_space<vmem_shared>>
      %dma_start3A_193 = arith.constant 0 : i32
      %dma_start3A_194 = tpu.memref_slice %arg2[%add3A_188, %dma_start3A_193] : memref<8192x2048xf32, #tpu.memory_space<hbm>> -> memref<8x2048xf32, #tpu.memory_space<hbm>>
      tpu.enqueue_dma source(%dma_start3A_194 : memref<8x2048xf32, #tpu.memory_space<hbm>>) target(%dma_start3A_192 : memref<8x2048xf32, #tpu.memory_space<vmem_shared>>) target_semaphore(%arg18 : memref<!tpu.dma_semaphore, #tpu.memory_space<semaphore_mem>>)
      %dma_wait3A_195 = arith.constant 0 : i32
      %dma_wait3A_196 = arith.constant 0 : i32
      %dma_wait3A_197 = tpu.memref_slice %arg9[%arg1, %dma_wait3A_195, %dma_wait3A_196] : memref<16x8x2048xf32, #tpu.memory_space<vmem_shared>> -> memref<1x8x2048xf32, #tpu.memory_space<vmem_shared>>
      %dma_wait3A_198 = tpu.memref_squeeze %dma_wait3A_197 : memref<1x8x2048xf32, #tpu.memory_space<vmem_shared>> -> memref<8x2048xf32, #tpu.memory_space<vmem_shared>>
      %dma_wait3A_199 = arith.constant 0 : i32
      %dma_wait3A_200 = tpu.memref_slice %arg2[%add3A_58, %dma_wait3A_199] : memref<8192x2048xf32, #tpu.memory_space<hbm>> -> memref<8x2048xf32, #tpu.memory_space<hbm>>
      tpu.wait_dma2 semaphore(%arg19 : memref<!tpu.dma_semaphore, #tpu.memory_space<semaphore_mem>>) src(%dma_wait3A_200 : memref<8x2048xf32, #tpu.memory_space<hbm>>) dst(%dma_wait3A_198 : memref<8x2048xf32, #tpu.memory_space<vmem_shared>>)
      %dma_start3A_201 = arith.constant 0 : i32
      %dma_start3A_202 = arith.constant 0 : i32
      %dma_start3A_203 = tpu.memref_slice %arg9[%arg1, %dma_start3A_201, %dma_start3A_202] : memref<16x8x2048xf32, #tpu.memory_space<vmem_shared>> -> memref<1x8x2048xf32, #tpu.memory_space<vmem_shared>>
      %dma_start3A_204 = tpu.memref_squeeze %dma_start3A_203 : memref<1x8x2048xf32, #tpu.memory_space<vmem_shared>> -> memref<8x2048xf32, #tpu.memory_space<vmem_shared>>
      %dma_start3A_205 = arith.constant 5 : i32
      %dma_start3A_206 = arith.constant 0 : i32
      %dma_start3A_207 = tpu.memref_slice %dma_start3A_204[%dma_start3A_205, %dma_start3A_206] : memref<8x2048xf32, #tpu.memory_space<vmem_shared>> -> memref<1x2048xf32, #tpu.memory_space<vmem_shared>>
      %dma_start3A_208 = arith.constant 0 : i32
      %dma_start3A_209 = arith.constant 0 : i32
      %dma_start3A_210 = tpu.memref_slice %arg9[%arg1, %dma_start3A_208, %dma_start3A_209] : memref<16x8x2048xf32, #tpu.memory_space<vmem_shared>> -> memref<1x8x2048xf32, #tpu.memory_space<vmem_shared>>
      %dma_start3A_211 = tpu.memref_squeeze %dma_start3A_210 : memref<1x8x2048xf32, #tpu.memory_space<vmem_shared>> -> memref<8x2048xf32, #tpu.memory_space<vmem_shared>>
      %dma_start3A_212 = arith.constant 5 : i32
      %dma_start3A_213 = arith.constant 0 : i32
      %dma_start3A_214 = tpu.memref_slice %dma_start3A_211[%dma_start3A_212, %dma_start3A_213] : memref<8x2048xf32, #tpu.memory_space<vmem_shared>> -> memref<1x2048xf32, #tpu.memory_space<vmem_shared>>
      tpu.enqueue_dma source(%arg10 : memref<1x2048xf32, #tpu.memory_space<vmem>>) target(%dma_start3A_214 : memref<1x2048xf32, #tpu.memory_space<vmem_shared>>) target_semaphore(%arg23 : memref<!tpu.dma_semaphore, #tpu.memory_space<semaphore_mem>>)
      %dma_wait3A_215 = arith.constant 0 : i32
      %dma_wait3A_216 = arith.constant 0 : i32
      %dma_wait3A_217 = tpu.memref_slice %arg9[%arg1, %dma_wait3A_215, %dma_wait3A_216] : memref<16x8x2048xf32, #tpu.memory_space<vmem_shared>> -> memref<1x8x2048xf32, #tpu.memory_space<vmem_shared>>
      %dma_wait3A_218 = tpu.memref_squeeze %dma_wait3A_217 : memref<1x8x2048xf32, #tpu.memory_space<vmem_shared>> -> memref<8x2048xf32, #tpu.memory_space<vmem_shared>>
      %dma_wait3A_219 = arith.constant 5 : i32
      %dma_wait3A_220 = arith.constant 0 : i32
      %dma_wait3A_221 = tpu.memref_slice %dma_wait3A_218[%dma_wait3A_219, %dma_wait3A_220] : memref<8x2048xf32, #tpu.memory_space<vmem_shared>> -> memref<1x2048xf32, #tpu.memory_space<vmem_shared>>
      %dma_wait3A_222 = arith.constant 0 : i32
      %dma_wait3A_223 = arith.constant 0 : i32
      %dma_wait3A_224 = tpu.memref_slice %arg9[%arg1, %dma_wait3A_222, %dma_wait3A_223] : memref<16x8x2048xf32, #tpu.memory_space<vmem_shared>> -> memref<1x8x2048xf32, #tpu.memory_space<vmem_shared>>
      %dma_wait3A_225 = tpu.memref_squeeze %dma_wait3A_224 : memref<1x8x2048xf32, #tpu.memory_space<vmem_shared>> -> memref<8x2048xf32, #tpu.memory_space<vmem_shared>>
      %dma_wait3A_226 = arith.constant 5 : i32
      %dma_wait3A_227 = arith.constant 0 : i32
      %dma_wait3A_228 = tpu.memref_slice %dma_wait3A_225[%dma_wait3A_226, %dma_wait3A_227] : memref<8x2048xf32, #tpu.memory_space<vmem_shared>> -> memref<1x2048xf32, #tpu.memory_space<vmem_shared>>
      tpu.wait_dma2 semaphore(%arg23 : memref<!tpu.dma_semaphore, #tpu.memory_space<semaphore_mem>>) src(%arg10 : memref<1x2048xf32, #tpu.memory_space<vmem>>) dst(%dma_wait3A_228 : memref<1x2048xf32, #tpu.memory_space<vmem_shared>>)
      %add3A_229 = arith.constant 40 : i32
      %add3A_230 = arith.addi %add3A_14, %add3A_229 : i32
      %dma_start3A_231 = arith.constant 0 : i32
      %dma_start3A_232 = tpu.memref_slice %arg3[%add3A_230, %dma_start3A_231] : memref<8192x2048xf32, #tpu.memory_space<hbm>> -> memref<8x2048xf32, #tpu.memory_space<hbm>>
      %dma_start3A_233 = arith.constant 0 : i32
      %dma_start3A_234 = arith.constant 0 : i32
      %dma_start3A_235 = tpu.memref_slice %arg9[%arg1, %dma_start3A_233, %dma_start3A_234] : memref<16x8x2048xf32, #tpu.memory_space<vmem_shared>> -> memref<1x8x2048xf32, #tpu.memory_space<vmem_shared>>
      %dma_start3A_236 = tpu.memref_squeeze %dma_start3A_235 : memref<1x8x2048xf32, #tpu.memory_space<vmem_shared>> -> memref<8x2048xf32, #tpu.memory_space<vmem_shared>>
      tpu.enqueue_dma source(%dma_start3A_236 : memref<8x2048xf32, #tpu.memory_space<vmem_shared>>) target(%dma_start3A_232 : memref<8x2048xf32, #tpu.memory_space<hbm>>) target_semaphore(%arg22 : memref<!tpu.dma_semaphore, #tpu.memory_space<semaphore_mem>>)
      %dma_wait3A_237 = arith.constant 0 : i32
      %dma_wait3A_238 = tpu.memref_slice %arg3[%add3A_176, %dma_wait3A_237] : memref<8192x2048xf32, #tpu.memory_space<hbm>> -> memref<8x2048xf32, #tpu.memory_space<hbm>>
      %dma_wait3A_239 = arith.constant 0 : i32
      %dma_wait3A_240 = tpu.memref_slice %arg3[%add3A_176, %dma_wait3A_239] : memref<8192x2048xf32, #tpu.memory_space<hbm>> -> memref<8x2048xf32, #tpu.memory_space<hbm>>
      tpu.wait_dma2 semaphore(%arg16 : memref<!tpu.dma_semaphore, #tpu.memory_space<semaphore_mem>>) src(%arg6 : memref<8x2048xf32, #tpu.memory_space<vmem>>) dst(%dma_wait3A_240 : memref<8x2048xf32, #tpu.memory_space<hbm>>)
      %add3A_241 = arith.constant 80 : i32
      %add3A_242 = arith.addi %add3A_14, %add3A_241 : i32
      %dma_start3A_243 = arith.constant 0 : i32
      %dma_start3A_244 = tpu.memref_slice %arg2[%add3A_242, %dma_start3A_243] : memref<8192x2048xf32, #tpu.memory_space<hbm>> -> memref<8x2048xf32, #tpu.memory_space<hbm>>
      %dma_start3A_245 = arith.constant 0 : i32
      %dma_start3A_246 = tpu.memref_slice %arg2[%add3A_242, %dma_start3A_245] : memref<8192x2048xf32, #tpu.memory_space<hbm>> -> memref<8x2048xf32, #tpu.memory_space<hbm>>
      tpu.enqueue_dma source(%dma_start3A_246 : memref<8x2048xf32, #tpu.memory_space<hbm>>) target(%arg6 : memref<8x2048xf32, #tpu.memory_space<vmem>>) target_semaphore(%arg13 : memref<!tpu.dma_semaphore, #tpu.memory_space<semaphore_mem>>)
      %dma_wait3A_247 = arith.constant 0 : i32
      %dma_wait3A_248 = tpu.memref_slice %arg2[%add3A_84, %dma_wait3A_247] : memref<8192x2048xf32, #tpu.memory_space<hbm>> -> memref<8x2048xf32, #tpu.memory_space<hbm>>
      %dma_wait3A_249 = arith.constant 0 : i32
      %dma_wait3A_250 = tpu.memref_slice %arg2[%add3A_84, %dma_wait3A_249] : memref<8192x2048xf32, #tpu.memory_space<hbm>> -> memref<8x2048xf32, #tpu.memory_space<hbm>>
      tpu.wait_dma2 semaphore(%arg11 : memref<!tpu.dma_semaphore, #tpu.memory_space<semaphore_mem>>) src(%dma_wait3A_250 : memref<8x2048xf32, #tpu.memory_space<hbm>>) dst(%arg4 : memref<8x2048xf32, #tpu.memory_space<vmem>>)
      %add3A_251 = arith.constant 48 : i32
      %add3A_252 = arith.addi %add3A_14, %add3A_251 : i32
      %dma_start3A_253 = arith.constant 0 : i32
      %dma_start3A_254 = tpu.memref_slice %arg3[%add3A_252, %dma_start3A_253] : memref<8192x2048xf32, #tpu.memory_space<hbm>> -> memref<8x2048xf32, #tpu.memory_space<hbm>>
      %dma_start3A_255 = arith.constant 0 : i32
      %dma_start3A_256 = tpu.memref_slice %arg3[%add3A_252, %dma_start3A_255] : memref<8192x2048xf32, #tpu.memory_space<hbm>> -> memref<8x2048xf32, #tpu.memory_space<hbm>>
      tpu.enqueue_dma source(%arg4 : memref<8x2048xf32, #tpu.memory_space<vmem>>) target(%dma_start3A_256 : memref<8x2048xf32, #tpu.memory_space<hbm>>) target_semaphore(%arg14 : memref<!tpu.dma_semaphore, #tpu.memory_space<semaphore_mem>>)
      %dma_wait3A_257 = arith.constant 0 : i32
      %dma_wait3A_258 = tpu.memref_slice %arg3[%add3A_230, %dma_wait3A_257] : memref<8192x2048xf32, #tpu.memory_space<hbm>> -> memref<8x2048xf32, #tpu.memory_space<hbm>>
      %dma_wait3A_259 = arith.constant 0 : i32
      %dma_wait3A_260 = arith.constant 0 : i32
      %dma_wait3A_261 = tpu.memref_slice %arg9[%arg1, %dma_wait3A_259, %dma_wait3A_260] : memref<16x8x2048xf32, #tpu.memory_space<vmem_shared>> -> memref<1x8x2048xf32, #tpu.memory_space<vmem_shared>>
      %dma_wait3A_262 = tpu.memref_squeeze %dma_wait3A_261 : memref<1x8x2048xf32, #tpu.memory_space<vmem_shared>> -> memref<8x2048xf32, #tpu.memory_space<vmem_shared>>
      tpu.wait_dma2 semaphore(%arg22 : memref<!tpu.dma_semaphore, #tpu.memory_space<semaphore_mem>>) src(%dma_wait3A_262 : memref<8x2048xf32, #tpu.memory_space<vmem_shared>>) dst(%dma_wait3A_258 : memref<8x2048xf32, #tpu.memory_space<hbm>>)
      %add3A_263 = arith.constant 88 : i32
      %add3A_264 = arith.addi %add3A_14, %add3A_263 : i32
      %dma_start3A_265 = arith.constant 0 : i32
      %dma_start3A_266 = arith.constant 0 : i32
      %dma_start3A_267 = tpu.memref_slice %arg9[%arg1, %dma_start3A_265, %dma_start3A_266] : memref<16x8x2048xf32, #tpu.memory_space<vmem_shared>> -> memref<1x8x2048xf32, #tpu.memory_space<vmem_shared>>
      %dma_start3A_268 = tpu.memref_squeeze %dma_start3A_267 : memref<1x8x2048xf32, #tpu.memory_space<vmem_shared>> -> memref<8x2048xf32, #tpu.memory_space<vmem_shared>>
      %dma_start3A_269 = arith.constant 0 : i32
      %dma_start3A_270 = tpu.memref_slice %arg2[%add3A_264, %dma_start3A_269] : memref<8192x2048xf32, #tpu.memory_space<hbm>> -> memref<8x2048xf32, #tpu.memory_space<hbm>>
      tpu.enqueue_dma source(%dma_start3A_270 : memref<8x2048xf32, #tpu.memory_space<hbm>>) target(%dma_start3A_268 : memref<8x2048xf32, #tpu.memory_space<vmem_shared>>) target_semaphore(%arg19 : memref<!tpu.dma_semaphore, #tpu.memory_space<semaphore_mem>>)
      %dma_wait3A_271 = arith.constant 0 : i32
      %dma_wait3A_272 = arith.constant 0 : i32
      %dma_wait3A_273 = tpu.memref_slice %arg7[%arg1, %dma_wait3A_271, %dma_wait3A_272] : memref<16x8x2048xf32, #tpu.memory_space<vmem_shared>> -> memref<1x8x2048xf32, #tpu.memory_space<vmem_shared>>
      %dma_wait3A_274 = tpu.memref_squeeze %dma_wait3A_273 : memref<1x8x2048xf32, #tpu.memory_space<vmem_shared>> -> memref<8x2048xf32, #tpu.memory_space<vmem_shared>>
      %dma_wait3A_275 = arith.constant 0 : i32
      %dma_wait3A_276 = tpu.memref_slice %arg2[%add3A_106, %dma_wait3A_275] : memref<8192x2048xf32, #tpu.memory_space<hbm>> -> memref<8x2048xf32, #tpu.memory_space<hbm>>
      tpu.wait_dma2 semaphore(%arg17 : memref<!tpu.dma_semaphore, #tpu.memory_space<semaphore_mem>>) src(%dma_wait3A_276 : memref<8x2048xf32, #tpu.memory_space<hbm>>) dst(%dma_wait3A_274 : memref<8x2048xf32, #tpu.memory_space<vmem_shared>>)
      %dma_start3A_277 = arith.constant 0 : i32
      %dma_start3A_278 = arith.constant 0 : i32
      %dma_start3A_279 = tpu.memref_slice %arg7[%arg1, %dma_start3A_277, %dma_start3A_278] : memref<16x8x2048xf32, #tpu.memory_space<vmem_shared>> -> memref<1x8x2048xf32, #tpu.memory_space<vmem_shared>>
      %dma_start3A_280 = tpu.memref_squeeze %dma_start3A_279 : memref<1x8x2048xf32, #tpu.memory_space<vmem_shared>> -> memref<8x2048xf32, #tpu.memory_space<vmem_shared>>
      %dma_start3A_281 = arith.constant 7 : i32
      %dma_start3A_282 = arith.constant 0 : i32
      %dma_start3A_283 = tpu.memref_slice %dma_start3A_280[%dma_start3A_281, %dma_start3A_282] : memref<8x2048xf32, #tpu.memory_space<vmem_shared>> -> memref<1x2048xf32, #tpu.memory_space<vmem_shared>>
      %dma_start3A_284 = arith.constant 0 : i32
      %dma_start3A_285 = arith.constant 0 : i32
      %dma_start3A_286 = tpu.memref_slice %arg7[%arg1, %dma_start3A_284, %dma_start3A_285] : memref<16x8x2048xf32, #tpu.memory_space<vmem_shared>> -> memref<1x8x2048xf32, #tpu.memory_space<vmem_shared>>
      %dma_start3A_287 = tpu.memref_squeeze %dma_start3A_286 : memref<1x8x2048xf32, #tpu.memory_space<vmem_shared>> -> memref<8x2048xf32, #tpu.memory_space<vmem_shared>>
      %dma_start3A_288 = arith.constant 7 : i32
      %dma_start3A_289 = arith.constant 0 : i32
      %dma_start3A_290 = tpu.memref_slice %dma_start3A_287[%dma_start3A_288, %dma_start3A_289] : memref<8x2048xf32, #tpu.memory_space<vmem_shared>> -> memref<1x2048xf32, #tpu.memory_space<vmem_shared>>
      tpu.enqueue_dma source(%arg10 : memref<1x2048xf32, #tpu.memory_space<vmem>>) target(%dma_start3A_290 : memref<1x2048xf32, #tpu.memory_space<vmem_shared>>) target_semaphore(%arg23 : memref<!tpu.dma_semaphore, #tpu.memory_space<semaphore_mem>>)
      %dma_wait3A_291 = arith.constant 0 : i32
      %dma_wait3A_292 = arith.constant 0 : i32
      %dma_wait3A_293 = tpu.memref_slice %arg7[%arg1, %dma_wait3A_291, %dma_wait3A_292] : memref<16x8x2048xf32, #tpu.memory_space<vmem_shared>> -> memref<1x8x2048xf32, #tpu.memory_space<vmem_shared>>
      %dma_wait3A_294 = tpu.memref_squeeze %dma_wait3A_293 : memref<1x8x2048xf32, #tpu.memory_space<vmem_shared>> -> memref<8x2048xf32, #tpu.memory_space<vmem_shared>>
      %dma_wait3A_295 = arith.constant 7 : i32
      %dma_wait3A_296 = arith.constant 0 : i32
      %dma_wait3A_297 = tpu.memref_slice %dma_wait3A_294[%dma_wait3A_295, %dma_wait3A_296] : memref<8x2048xf32, #tpu.memory_space<vmem_shared>> -> memref<1x2048xf32, #tpu.memory_space<vmem_shared>>
      %dma_wait3A_298 = arith.constant 0 : i32
      %dma_wait3A_299 = arith.constant 0 : i32
      %dma_wait3A_300 = tpu.memref_slice %arg7[%arg1, %dma_wait3A_298, %dma_wait3A_299] : memref<16x8x2048xf32, #tpu.memory_space<vmem_shared>> -> memref<1x8x2048xf32, #tpu.memory_space<vmem_shared>>
      %dma_wait3A_301 = tpu.memref_squeeze %dma_wait3A_300 : memref<1x8x2048xf32, #tpu.memory_space<vmem_shared>> -> memref<8x2048xf32, #tpu.memory_space<vmem_shared>>
      %dma_wait3A_302 = arith.constant 7 : i32
      %dma_wait3A_303 = arith.constant 0 : i32
      %dma_wait3A_304 = tpu.memref_slice %dma_wait3A_301[%dma_wait3A_302, %dma_wait3A_303] : memref<8x2048xf32, #tpu.memory_space<vmem_shared>> -> memref<1x2048xf32, #tpu.memory_space<vmem_shared>>
      tpu.wait_dma2 semaphore(%arg23 : memref<!tpu.dma_semaphore, #tpu.memory_space<semaphore_mem>>) src(%arg10 : memref<1x2048xf32, #tpu.memory_space<vmem>>) dst(%dma_wait3A_304 : memref<1x2048xf32, #tpu.memory_space<vmem_shared>>)
      %add3A_305 = arith.constant 56 : i32
      %add3A_306 = arith.addi %add3A_14, %add3A_305 : i32
      %dma_start3A_307 = arith.constant 0 : i32
      %dma_start3A_308 = tpu.memref_slice %arg3[%add3A_306, %dma_start3A_307] : memref<8192x2048xf32, #tpu.memory_space<hbm>> -> memref<8x2048xf32, #tpu.memory_space<hbm>>
      %dma_start3A_309 = arith.constant 0 : i32
      %dma_start3A_310 = arith.constant 0 : i32
      %dma_start3A_311 = tpu.memref_slice %arg7[%arg1, %dma_start3A_309, %dma_start3A_310] : memref<16x8x2048xf32, #tpu.memory_space<vmem_shared>> -> memref<1x8x2048xf32, #tpu.memory_space<vmem_shared>>
      %dma_start3A_312 = tpu.memref_squeeze %dma_start3A_311 : memref<1x8x2048xf32, #tpu.memory_space<vmem_shared>> -> memref<8x2048xf32, #tpu.memory_space<vmem_shared>>
      tpu.enqueue_dma source(%dma_start3A_312 : memref<8x2048xf32, #tpu.memory_space<vmem_shared>>) target(%dma_start3A_308 : memref<8x2048xf32, #tpu.memory_space<hbm>>) target_semaphore(%arg20 : memref<!tpu.dma_semaphore, #tpu.memory_space<semaphore_mem>>)
      %dma_wait3A_313 = arith.constant 0 : i32
      %dma_wait3A_314 = tpu.memref_slice %arg3[%add3A_252, %dma_wait3A_313] : memref<8192x2048xf32, #tpu.memory_space<hbm>> -> memref<8x2048xf32, #tpu.memory_space<hbm>>
      %dma_wait3A_315 = arith.constant 0 : i32
      %dma_wait3A_316 = tpu.memref_slice %arg3[%add3A_252, %dma_wait3A_315] : memref<8192x2048xf32, #tpu.memory_space<hbm>> -> memref<8x2048xf32, #tpu.memory_space<hbm>>
      tpu.wait_dma2 semaphore(%arg14 : memref<!tpu.dma_semaphore, #tpu.memory_space<semaphore_mem>>) src(%arg4 : memref<8x2048xf32, #tpu.memory_space<vmem>>) dst(%dma_wait3A_316 : memref<8x2048xf32, #tpu.memory_space<hbm>>)
      %add3A_317 = arith.constant 96 : i32
      %add3A_318 = arith.addi %add3A_14, %add3A_317 : i32
      %dma_start3A_319 = arith.constant 0 : i32
      %dma_start3A_320 = tpu.memref_slice %arg2[%add3A_318, %dma_start3A_319] : memref<8192x2048xf32, #tpu.memory_space<hbm>> -> memref<8x2048xf32, #tpu.memory_space<hbm>>
      %dma_start3A_321 = arith.constant 0 : i32
      %dma_start3A_322 = tpu.memref_slice %arg2[%add3A_318, %dma_start3A_321] : memref<8192x2048xf32, #tpu.memory_space<hbm>> -> memref<8x2048xf32, #tpu.memory_space<hbm>>
      tpu.enqueue_dma source(%dma_start3A_322 : memref<8x2048xf32, #tpu.memory_space<hbm>>) target(%arg4 : memref<8x2048xf32, #tpu.memory_space<vmem>>) target_semaphore(%arg11 : memref<!tpu.dma_semaphore, #tpu.memory_space<semaphore_mem>>)
      %dma_wait3A_323 = arith.constant 0 : i32
      %dma_wait3A_324 = tpu.memref_slice %arg2[%add3A_160, %dma_wait3A_323] : memref<8192x2048xf32, #tpu.memory_space<hbm>> -> memref<8x2048xf32, #tpu.memory_space<hbm>>
      %dma_wait3A_325 = arith.constant 0 : i32
      %dma_wait3A_326 = tpu.memref_slice %arg2[%add3A_160, %dma_wait3A_325] : memref<8192x2048xf32, #tpu.memory_space<hbm>> -> memref<8x2048xf32, #tpu.memory_space<hbm>>
      tpu.wait_dma2 semaphore(%arg12 : memref<!tpu.dma_semaphore, #tpu.memory_space<semaphore_mem>>) src(%dma_wait3A_326 : memref<8x2048xf32, #tpu.memory_space<hbm>>) dst(%arg5 : memref<8x2048xf32, #tpu.memory_space<vmem>>)
      %add3A_327 = arith.constant 64 : i32
      %add3A_328 = arith.addi %add3A_14, %add3A_327 : i32
      %dma_start3A_329 = arith.constant 0 : i32
      %dma_start3A_330 = tpu.memref_slice %arg3[%add3A_328, %dma_start3A_329] : memref<8192x2048xf32, #tpu.memory_space<hbm>> -> memref<8x2048xf32, #tpu.memory_space<hbm>>
      %dma_start3A_331 = arith.constant 0 : i32
      %dma_start3A_332 = tpu.memref_slice %arg3[%add3A_328, %dma_start3A_331] : memref<8192x2048xf32, #tpu.memory_space<hbm>> -> memref<8x2048xf32, #tpu.memory_space<hbm>>
      tpu.enqueue_dma source(%arg5 : memref<8x2048xf32, #tpu.memory_space<vmem>>) target(%dma_start3A_332 : memref<8x2048xf32, #tpu.memory_space<hbm>>) target_semaphore(%arg15 : memref<!tpu.dma_semaphore, #tpu.memory_space<semaphore_mem>>)
      %dma_wait3A_333 = arith.constant 0 : i32
      %dma_wait3A_334 = tpu.memref_slice %arg3[%add3A_306, %dma_wait3A_333] : memref<8192x2048xf32, #tpu.memory_space<hbm>> -> memref<8x2048xf32, #tpu.memory_space<hbm>>
      %dma_wait3A_335 = arith.constant 0 : i32
      %dma_wait3A_336 = arith.constant 0 : i32
      %dma_wait3A_337 = tpu.memref_slice %arg7[%arg1, %dma_wait3A_335, %dma_wait3A_336] : memref<16x8x2048xf32, #tpu.memory_space<vmem_shared>> -> memref<1x8x2048xf32, #tpu.memory_space<vmem_shared>>
      %dma_wait3A_338 = tpu.memref_squeeze %dma_wait3A_337 : memref<1x8x2048xf32, #tpu.memory_space<vmem_shared>> -> memref<8x2048xf32, #tpu.memory_space<vmem_shared>>
      tpu.wait_dma2 semaphore(%arg20 : memref<!tpu.dma_semaphore, #tpu.memory_space<semaphore_mem>>) src(%dma_wait3A_338 : memref<8x2048xf32, #tpu.memory_space<vmem_shared>>) dst(%dma_wait3A_334 : memref<8x2048xf32, #tpu.memory_space<hbm>>)
      %add3A_339 = arith.constant 104 : i32
      %add3A_340 = arith.addi %add3A_14, %add3A_339 : i32
      %dma_start3A_341 = arith.constant 0 : i32
      %dma_start3A_342 = arith.constant 0 : i32
      %dma_start3A_343 = tpu.memref_slice %arg7[%arg1, %dma_start3A_341, %dma_start3A_342] : memref<16x8x2048xf32, #tpu.memory_space<vmem_shared>> -> memref<1x8x2048xf32, #tpu.memory_space<vmem_shared>>
      %dma_start3A_344 = tpu.memref_squeeze %dma_start3A_343 : memref<1x8x2048xf32, #tpu.memory_space<vmem_shared>> -> memref<8x2048xf32, #tpu.memory_space<vmem_shared>>
      %dma_start3A_345 = arith.constant 0 : i32
      %dma_start3A_346 = tpu.memref_slice %arg2[%add3A_340, %dma_start3A_345] : memref<8192x2048xf32, #tpu.memory_space<hbm>> -> memref<8x2048xf32, #tpu.memory_space<hbm>>
      tpu.enqueue_dma source(%dma_start3A_346 : memref<8x2048xf32, #tpu.memory_space<hbm>>) target(%dma_start3A_344 : memref<8x2048xf32, #tpu.memory_space<vmem_shared>>) target_semaphore(%arg17 : memref<!tpu.dma_semaphore, #tpu.memory_space<semaphore_mem>>)
      %dma_wait3A_347 = arith.constant 0 : i32
      %dma_wait3A_348 = arith.constant 0 : i32
      %dma_wait3A_349 = tpu.memref_slice %arg8[%arg1, %dma_wait3A_347, %dma_wait3A_348] : memref<16x8x2048xf32, #tpu.memory_space<vmem_shared>> -> memref<1x8x2048xf32, #tpu.memory_space<vmem_shared>>
      %dma_wait3A_350 = tpu.memref_squeeze %dma_wait3A_349 : memref<1x8x2048xf32, #tpu.memory_space<vmem_shared>> -> memref<8x2048xf32, #tpu.memory_space<vmem_shared>>
      %dma_wait3A_351 = arith.constant 0 : i32
      %dma_wait3A_352 = tpu.memref_slice %arg2[%add3A_188, %dma_wait3A_351] : memref<8192x2048xf32, #tpu.memory_space<hbm>> -> memref<8x2048xf32, #tpu.memory_space<hbm>>
      tpu.wait_dma2 semaphore(%arg18 : memref<!tpu.dma_semaphore, #tpu.memory_space<semaphore_mem>>) src(%dma_wait3A_352 : memref<8x2048xf32, #tpu.memory_space<hbm>>) dst(%dma_wait3A_350 : memref<8x2048xf32, #tpu.memory_space<vmem_shared>>)
      %add3A_353 = arith.constant 72 : i32
      %add3A_354 = arith.addi %add3A_14, %add3A_353 : i32
      %dma_start3A_355 = arith.constant 0 : i32
      %dma_start3A_356 = tpu.memref_slice %arg3[%add3A_354, %dma_start3A_355] : memref<8192x2048xf32, #tpu.memory_space<hbm>> -> memref<8x2048xf32, #tpu.memory_space<hbm>>
      %dma_start3A_357 = arith.constant 0 : i32
      %dma_start3A_358 = arith.constant 0 : i32
      %dma_start3A_359 = tpu.memref_slice %arg8[%arg1, %dma_start3A_357, %dma_start3A_358] : memref<16x8x2048xf32, #tpu.memory_space<vmem_shared>> -> memref<1x8x2048xf32, #tpu.memory_space<vmem_shared>>
      %dma_start3A_360 = tpu.memref_squeeze %dma_start3A_359 : memref<1x8x2048xf32, #tpu.memory_space<vmem_shared>> -> memref<8x2048xf32, #tpu.memory_space<vmem_shared>>
      tpu.enqueue_dma source(%dma_start3A_360 : memref<8x2048xf32, #tpu.memory_space<vmem_shared>>) target(%dma_start3A_356 : memref<8x2048xf32, #tpu.memory_space<hbm>>) target_semaphore(%arg21 : memref<!tpu.dma_semaphore, #tpu.memory_space<semaphore_mem>>)
      %dma_wait3A_361 = arith.constant 0 : i32
      %dma_wait3A_362 = tpu.memref_slice %arg3[%add3A_328, %dma_wait3A_361] : memref<8192x2048xf32, #tpu.memory_space<hbm>> -> memref<8x2048xf32, #tpu.memory_space<hbm>>
      %dma_wait3A_363 = arith.constant 0 : i32
      %dma_wait3A_364 = tpu.memref_slice %arg3[%add3A_328, %dma_wait3A_363] : memref<8192x2048xf32, #tpu.memory_space<hbm>> -> memref<8x2048xf32, #tpu.memory_space<hbm>>
      tpu.wait_dma2 semaphore(%arg15 : memref<!tpu.dma_semaphore, #tpu.memory_space<semaphore_mem>>) src(%arg5 : memref<8x2048xf32, #tpu.memory_space<vmem>>) dst(%dma_wait3A_364 : memref<8x2048xf32, #tpu.memory_space<hbm>>)
      %add3A_365 = arith.constant 112 : i32
      %add3A_366 = arith.addi %add3A_14, %add3A_365 : i32
      %dma_start3A_367 = arith.constant 0 : i32
      %dma_start3A_368 = tpu.memref_slice %arg2[%add3A_366, %dma_start3A_367] : memref<8192x2048xf32, #tpu.memory_space<hbm>> -> memref<8x2048xf32, #tpu.memory_space<hbm>>
      %dma_start3A_369 = arith.constant 0 : i32
      %dma_start3A_370 = tpu.memref_slice %arg2[%add3A_366, %dma_start3A_369] : memref<8192x2048xf32, #tpu.memory_space<hbm>> -> memref<8x2048xf32, #tpu.memory_space<hbm>>
      tpu.enqueue_dma source(%dma_start3A_370 : memref<8x2048xf32, #tpu.memory_space<hbm>>) target(%arg5 : memref<8x2048xf32, #tpu.memory_space<vmem>>) target_semaphore(%arg12 : memref<!tpu.dma_semaphore, #tpu.memory_space<semaphore_mem>>)
      %dma_wait3A_371 = arith.constant 0 : i32
      %dma_wait3A_372 = tpu.memref_slice %arg2[%add3A_242, %dma_wait3A_371] : memref<8192x2048xf32, #tpu.memory_space<hbm>> -> memref<8x2048xf32, #tpu.memory_space<hbm>>
      %dma_wait3A_373 = arith.constant 0 : i32
      %dma_wait3A_374 = tpu.memref_slice %arg2[%add3A_242, %dma_wait3A_373] : memref<8192x2048xf32, #tpu.memory_space<hbm>> -> memref<8x2048xf32, #tpu.memory_space<hbm>>
      tpu.wait_dma2 semaphore(%arg13 : memref<!tpu.dma_semaphore, #tpu.memory_space<semaphore_mem>>) src(%dma_wait3A_374 : memref<8x2048xf32, #tpu.memory_space<hbm>>) dst(%arg6 : memref<8x2048xf32, #tpu.memory_space<vmem>>)
      %scan3A_375 = arith.constant 0 : i32
      %scan3A_376 = arith.constant 0 : i32
      %scan3A_377 = arith.constant 32 : i32
      %scan3A_378 = arith.addi %scan3A_376, %scan3A_377 : i32
      %scan3A_379 = arith.constant 1 : i32
      scf.for %scan3A_1105 = %scan3A_376 to %scan3A_378 step %scan3A_379  : i32 {
        %mul3A_1106 = arith.constant 64 : i32
        %mul3A_1107 = arith.muli %scan3A_1105, %mul3A_1106 : i32
        %swap3A = arith.constant 5 : i32
        %swap3A_1108 = arith.index_cast %swap3A : i32 to index
        %swap3A_1109 = arith.index_cast %mul3A_1107 : i32 to index
        %swap3A_1110 = tpu.vector_load %arg6[%swap3A_1108, %swap3A_1109] {strides = array<i32>} : memref<8x2048xf32, #tpu.memory_space<vmem>>, vector<1x16xf32>,
        %swap3A_1111 = vector.shape_cast %swap3A_1110 : vector<1x16xf32> to vector<16xf32>
        %swap3A_1112 = vector.shape_cast %broadcast_in_dim3A_0 : vector<16xf32> to vector<1x16xf32>
        tpu.vector_store %arg6[%swap3A_1108, %swap3A_1109], %swap3A_1112 {strides = array<i32>} : memref<8x2048xf32, #tpu.memory_space<vmem>>, vector<1x16xf32>,
        %mul3A_1113 = arith.constant 64 : i32
        %mul3A_1114 = arith.muli %scan3A_1105, %mul3A_1113 : i32
        %add3A_1115 = arith.constant 16 : i32
        %add3A_1116 = arith.addi %mul3A_1114, %add3A_1115 : i32
        %swap3A_1117 = arith.constant 5 : i32
        %swap3A_1118 = arith.index_cast %swap3A_1117 : i32 to index
        %swap3A_1119 = arith.index_cast %add3A_1116 : i32 to index
        %swap3A_1120 = tpu.vector_load %arg6[%swap3A_1118, %swap3A_1119] {strides = array<i32>} : memref<8x2048xf32, #tpu.memory_space<vmem>>, vector<1x16xf32>,
        %swap3A_1121 = vector.shape_cast %swap3A_1120 : vector<1x16xf32> to vector<16xf32>
        %swap3A_1122 = vector.shape_cast %broadcast_in_dim3A_0 : vector<16xf32> to vector<1x16xf32>
        tpu.vector_store %arg6[%swap3A_1118, %swap3A_1119], %swap3A_1122 {strides = array<i32>} : memref<8x2048xf32, #tpu.memory_space<vmem>>, vector<1x16xf32>,
        %mul3A_1123 = arith.constant 64 : i32
        %mul3A_1124 = arith.muli %scan3A_1105, %mul3A_1123 : i32
        %add3A_1125 = arith.constant 32 : i32
        %add3A_1126 = arith.addi %mul3A_1124, %add3A_1125 : i32
        %swap3A_1127 = arith.constant 5 : i32
        %swap3A_1128 = arith.index_cast %swap3A_1127 : i32 to index
        %swap3A_1129 = arith.index_cast %add3A_1126 : i32 to index
        %swap3A_1130 = tpu.vector_load %arg6[%swap3A_1128, %swap3A_1129] {strides = array<i32>} : memref<8x2048xf32, #tpu.memory_space<vmem>>, vector<1x16xf32>,
        %swap3A_1131 = vector.shape_cast %swap3A_1130 : vector<1x16xf32> to vector<16xf32>
        %swap3A_1132 = vector.shape_cast %broadcast_in_dim3A_0 : vector<16xf32> to vector<1x16xf32>
        tpu.vector_store %arg6[%swap3A_1128, %swap3A_1129], %swap3A_1132 {strides = array<i32>} : memref<8x2048xf32, #tpu.memory_space<vmem>>, vector<1x16xf32>,
        %mul3A_1133 = arith.constant 64 : i32
        %mul3A_1134 = arith.muli %scan3A_1105, %mul3A_1133 : i32
        %add3A_1135 = arith.constant 48 : i32
        %add3A_1136 = arith.addi %mul3A_1134, %add3A_1135 : i32
        %swap3A_1137 = arith.constant 5 : i32
        %swap3A_1138 = arith.index_cast %swap3A_1137 : i32 to index
        %swap3A_1139 = arith.index_cast %add3A_1136 : i32 to index
        %swap3A_1140 = tpu.vector_load %arg6[%swap3A_1138, %swap3A_1139] {strides = array<i32>} : memref<8x2048xf32, #tpu.memory_space<vmem>>, vector<1x16xf32>,
        %swap3A_1141 = vector.shape_cast %swap3A_1140 : vector<1x16xf32> to vector<16xf32>
        %swap3A_1142 = vector.shape_cast %broadcast_in_dim3A_0 : vector<16xf32> to vector<1x16xf32>
        tpu.vector_store %arg6[%swap3A_1138, %swap3A_1139], %swap3A_1142 {strides = array<i32>} : memref<8x2048xf32, #tpu.memory_space<vmem>>, vector<1x16xf32>,
      }
      %scan3A_380 = arith.constant 32 : i32
      %add3A_381 = arith.constant 80 : i32
      %add3A_382 = arith.addi %add3A_14, %add3A_381 : i32
      %dma_start3A_383 = arith.constant 0 : i32
      %dma_start3A_384 = tpu.memref_slice %arg3[%add3A_382, %dma_start3A_383] : memref<8192x2048xf32, #tpu.memory_space<hbm>> -> memref<8x2048xf32, #tpu.memory_space<hbm>>
      %dma_start3A_385 = arith.constant 0 : i32
      %dma_start3A_386 = tpu.memref_slice %arg3[%add3A_382, %dma_start3A_385] : memref<8192x2048xf32, #tpu.memory_space<hbm>> -> memref<8x2048xf32, #tpu.memory_space<hbm>>
      tpu.enqueue_dma source(%arg6 : memref<8x2048xf32, #tpu.memory_space<vmem>>) target(%dma_start3A_386 : memref<8x2048xf32, #tpu.memory_space<hbm>>) target_semaphore(%arg16 : memref<!tpu.dma_semaphore, #tpu.memory_space<semaphore_mem>>)
      %dma_wait3A_387 = arith.constant 0 : i32
      %dma_wait3A_388 = tpu.memref_slice %arg3[%add3A_354, %dma_wait3A_387] : memref<8192x2048xf32, #tpu.memory_space<hbm>> -> memref<8x2048xf32, #tpu.memory_space<hbm>>
      %dma_wait3A_389 = arith.constant 0 : i32
      %dma_wait3A_390 = arith.constant 0 : i32
      %dma_wait3A_391 = tpu.memref_slice %arg8[%arg1, %dma_wait3A_389, %dma_wait3A_390] : memref<16x8x2048xf32, #tpu.memory_space<vmem_shared>> -> memref<1x8x2048xf32, #tpu.memory_space<vmem_shared>>
      %dma_wait3A_392 = tpu.memref_squeeze %dma_wait3A_391 : memref<1x8x2048xf32, #tpu.memory_space<vmem_shared>> -> memref<8x2048xf32, #tpu.memory_space<vmem_shared>>
      tpu.wait_dma2 semaphore(%arg21 : memref<!tpu.dma_semaphore, #tpu.memory_space<semaphore_mem>>) src(%dma_wait3A_392 : memref<8x2048xf32, #tpu.memory_space<vmem_shared>>) dst(%dma_wait3A_388 : memref<8x2048xf32, #tpu.memory_space<hbm>>)
      %add3A_393 = arith.constant 120 : i32
      %add3A_394 = arith.addi %add3A_14, %add3A_393 : i32
      %dma_start3A_395 = arith.constant 0 : i32
      %dma_start3A_396 = arith.constant 0 : i32
      %dma_start3A_397 = tpu.memref_slice %arg8[%arg1, %dma_start3A_395, %dma_start3A_396] : memref<16x8x2048xf32, #tpu.memory_space<vmem_shared>> -> memref<1x8x2048xf32, #tpu.memory_space<vmem_shared>>
      %dma_start3A_398 = tpu.memref_squeeze %dma_start3A_397 : memref<1x8x2048xf32, #tpu.memory_space<vmem_shared>> -> memref<8x2048xf32, #tpu.memory_space<vmem_shared>>
      %dma_start3A_399 = arith.constant 0 : i32
      %dma_start3A_400 = tpu.memref_slice %arg2[%add3A_394, %dma_start3A_399] : memref<8192x2048xf32, #tpu.memory_space<hbm>> -> memref<8x2048xf32, #tpu.memory_space<hbm>>
      tpu.enqueue_dma source(%dma_start3A_400 : memref<8x2048xf32, #tpu.memory_space<hbm>>) target(%dma_start3A_398 : memref<8x2048xf32, #tpu.memory_space<vmem_shared>>) target_semaphore(%arg18 : memref<!tpu.dma_semaphore, #tpu.memory_space<semaphore_mem>>)
      %dma_wait3A_401 = arith.constant 0 : i32
      %dma_wait3A_402 = arith.constant 0 : i32
      %dma_wait3A_403 = tpu.memref_slice %arg9[%arg1, %dma_wait3A_401, %dma_wait3A_402] : memref<16x8x2048xf32, #tpu.memory_space<vmem_shared>> -> memref<1x8x2048xf32, #tpu.memory_space<vmem_shared>>
      %dma_wait3A_404 = tpu.memref_squeeze %dma_wait3A_403 : memref<1x8x2048xf32, #tpu.memory_space<vmem_shared>> -> memref<8x2048xf32, #tpu.memory_space<vmem_shared>>
      %dma_wait3A_405 = arith.constant 0 : i32
      %dma_wait3A_406 = tpu.memref_slice %arg2[%add3A_264, %dma_wait3A_405] : memref<8192x2048xf32, #tpu.memory_space<hbm>> -> memref<8x2048xf32, #tpu.memory_space<hbm>>
      tpu.wait_dma2 semaphore(%arg19 : memref<!tpu.dma_semaphore, #tpu.memory_space<semaphore_mem>>) src(%dma_wait3A_406 : memref<8x2048xf32, #tpu.memory_space<hbm>>) dst(%dma_wait3A_404 : memref<8x2048xf32, #tpu.memory_space<vmem_shared>>)
      %add3A_407 = arith.constant 88 : i32
      %add3A_408 = arith.addi %add3A_14, %add3A_407 : i32
      %dma_start3A_409 = arith.constant 0 : i32
      %dma_start3A_410 = tpu.memref_slice %arg3[%add3A_408, %dma_start3A_409] : memref<8192x2048xf32, #tpu.memory_space<hbm>> -> memref<8x2048xf32, #tpu.memory_space<hbm>>
      %dma_start3A_411 = arith.constant 0 : i32
      %dma_start3A_412 = arith.constant 0 : i32
      %dma_start3A_413 = tpu.memref_slice %arg9[%arg1, %dma_start3A_411, %dma_start3A_412] : memref<16x8x2048xf32, #tpu.memory_space<vmem_shared>> -> memref<1x8x2048xf32, #tpu.memory_space<vmem_shared>>
      %dma_start3A_414 = tpu.memref_squeeze %dma_start3A_413 : memref<1x8x2048xf32, #tpu.memory_space<vmem_shared>> -> memref<8x2048xf32, #tpu.memory_space<vmem_shared>>
      tpu.enqueue_dma source(%dma_start3A_414 : memref<8x2048xf32, #tpu.memory_space<vmem_shared>>) target(%dma_start3A_410 : memref<8x2048xf32, #tpu.memory_space<hbm>>) target_semaphore(%arg22 : memref<!tpu.dma_semaphore, #tpu.memory_space<semaphore_mem>>)
      %dma_wait3A_415 = arith.constant 0 : i32
      %dma_wait3A_416 = tpu.memref_slice %arg3[%add3A_382, %dma_wait3A_415] : memref<8192x2048xf32, #tpu.memory_space<hbm>> -> memref<8x2048xf32, #tpu.memory_space<hbm>>
      %dma_wait3A_417 = arith.constant 0 : i32
      %dma_wait3A_418 = tpu.memref_slice %arg3[%add3A_382, %dma_wait3A_417] : memref<8192x2048xf32, #tpu.memory_space<hbm>> -> memref<8x2048xf32, #tpu.memory_space<hbm>>
      tpu.wait_dma2 semaphore(%arg16 : memref<!tpu.dma_semaphore, #tpu.memory_space<semaphore_mem>>) src(%arg6 : memref<8x2048xf32, #tpu.memory_space<vmem>>) dst(%dma_wait3A_418 : memref<8x2048xf32, #tpu.memory_space<hbm>>)
      %add3A_419 = arith.constant 128 : i32
      %add3A_420 = arith.addi %add3A_14, %add3A_419 : i32
      %dma_start3A_421 = arith.constant 0 : i32
      %dma_start3A_422 = tpu.memref_slice %arg2[%add3A_420, %dma_start3A_421] : memref<8192x2048xf32, #tpu.memory_space<hbm>> -> memref<8x2048xf32, #tpu.memory_space<hbm>>
      %dma_start3A_423 = arith.constant 0 : i32
      %dma_start3A_424 = tpu.memref_slice %arg2[%add3A_420, %dma_start3A_423] : memref<8192x2048xf32, #tpu.memory_space<hbm>> -> memref<8x2048xf32, #tpu.memory_space<hbm>>
      tpu.enqueue_dma source(%dma_start3A_424 : memref<8x2048xf32, #tpu.memory_space<hbm>>) target(%arg6 : memref<8x2048xf32, #tpu.memory_space<vmem>>) target_semaphore(%arg13 : memref<!tpu.dma_semaphore, #tpu.memory_space<semaphore_mem>>)
      %dma_wait3A_425 = arith.constant 0 : i32
      %dma_wait3A_426 = tpu.memref_slice %arg2[%add3A_318, %dma_wait3A_425] : memref<8192x2048xf32, #tpu.memory_space<hbm>> -> memref<8x2048xf32, #tpu.memory_space<hbm>>
      %dma_wait3A_427 = arith.constant 0 : i32
      %dma_wait3A_428 = tpu.memref_slice %arg2[%add3A_318, %dma_wait3A_427] : memref<8192x2048xf32, #tpu.memory_space<hbm>> -> memref<8x2048xf32, #tpu.memory_space<hbm>>
      tpu.wait_dma2 semaphore(%arg11 : memref<!tpu.dma_semaphore, #tpu.memory_space<semaphore_mem>>) src(%dma_wait3A_428 : memref<8x2048xf32, #tpu.memory_space<hbm>>) dst(%arg4 : memref<8x2048xf32, #tpu.memory_space<vmem>>)
      %scan3A_429 = arith.constant 0 : i32
      %scan3A_430 = arith.constant 0 : i32
      %scan3A_431 = arith.constant 32 : i32
      %scan3A_432 = arith.addi %scan3A_430, %scan3A_431 : i32
      %scan3A_433 = arith.constant 1 : i32
      scf.for %scan3A_1105 = %scan3A_430 to %scan3A_432 step %scan3A_433  : i32 {
        %mul3A_1106 = arith.constant 64 : i32
        %mul3A_1107 = arith.muli %scan3A_1105, %mul3A_1106 : i32
        %swap3A = arith.constant 3 : i32
        %swap3A_1108 = arith.index_cast %swap3A : i32 to index
        %swap3A_1109 = arith.index_cast %mul3A_1107 : i32 to index
        %swap3A_1110 = tpu.vector_load %arg4[%swap3A_1108, %swap3A_1109] {strides = array<i32>} : memref<8x2048xf32, #tpu.memory_space<vmem>>, vector<1x16xf32>,
        %swap3A_1111 = vector.shape_cast %swap3A_1110 : vector<1x16xf32> to vector<16xf32>
        %swap3A_1112 = vector.shape_cast %broadcast_in_dim3A_0 : vector<16xf32> to vector<1x16xf32>
        tpu.vector_store %arg4[%swap3A_1108, %swap3A_1109], %swap3A_1112 {strides = array<i32>} : memref<8x2048xf32, #tpu.memory_space<vmem>>, vector<1x16xf32>,
        %mul3A_1113 = arith.constant 64 : i32
        %mul3A_1114 = arith.muli %scan3A_1105, %mul3A_1113 : i32
        %add3A_1115 = arith.constant 16 : i32
        %add3A_1116 = arith.addi %mul3A_1114, %add3A_1115 : i32
        %swap3A_1117 = arith.constant 3 : i32
        %swap3A_1118 = arith.index_cast %swap3A_1117 : i32 to index
        %swap3A_1119 = arith.index_cast %add3A_1116 : i32 to index
        %swap3A_1120 = tpu.vector_load %arg4[%swap3A_1118, %swap3A_1119] {strides = array<i32>} : memref<8x2048xf32, #tpu.memory_space<vmem>>, vector<1x16xf32>,
        %swap3A_1121 = vector.shape_cast %swap3A_1120 : vector<1x16xf32> to vector<16xf32>
        %swap3A_1122 = vector.shape_cast %broadcast_in_dim3A_0 : vector<16xf32> to vector<1x16xf32>
        tpu.vector_store %arg4[%swap3A_1118, %swap3A_1119], %swap3A_1122 {strides = array<i32>} : memref<8x2048xf32, #tpu.memory_space<vmem>>, vector<1x16xf32>,
        %mul3A_1123 = arith.constant 64 : i32
        %mul3A_1124 = arith.muli %scan3A_1105, %mul3A_1123 : i32
        %add3A_1125 = arith.constant 32 : i32
        %add3A_1126 = arith.addi %mul3A_1124, %add3A_1125 : i32
        %swap3A_1127 = arith.constant 3 : i32
        %swap3A_1128 = arith.index_cast %swap3A_1127 : i32 to index
        %swap3A_1129 = arith.index_cast %add3A_1126 : i32 to index
        %swap3A_1130 = tpu.vector_load %arg4[%swap3A_1128, %swap3A_1129] {strides = array<i32>} : memref<8x2048xf32, #tpu.memory_space<vmem>>, vector<1x16xf32>,
        %swap3A_1131 = vector.shape_cast %swap3A_1130 : vector<1x16xf32> to vector<16xf32>
        %swap3A_1132 = vector.shape_cast %broadcast_in_dim3A_0 : vector<16xf32> to vector<1x16xf32>
        tpu.vector_store %arg4[%swap3A_1128, %swap3A_1129], %swap3A_1132 {strides = array<i32>} : memref<8x2048xf32, #tpu.memory_space<vmem>>, vector<1x16xf32>,
        %mul3A_1133 = arith.constant 64 : i32
        %mul3A_1134 = arith.muli %scan3A_1105, %mul3A_1133 : i32
        %add3A_1135 = arith.constant 48 : i32
        %add3A_1136 = arith.addi %mul3A_1134, %add3A_1135 : i32
        %swap3A_1137 = arith.constant 3 : i32
        %swap3A_1138 = arith.index_cast %swap3A_1137 : i32 to index
        %swap3A_1139 = arith.index_cast %add3A_1136 : i32 to index
        %swap3A_1140 = tpu.vector_load %arg4[%swap3A_1138, %swap3A_1139] {strides = array<i32>} : memref<8x2048xf32, #tpu.memory_space<vmem>>, vector<1x16xf32>,
        %swap3A_1141 = vector.shape_cast %swap3A_1140 : vector<1x16xf32> to vector<16xf32>
        %swap3A_1142 = vector.shape_cast %broadcast_in_dim3A_0 : vector<16xf32> to vector<1x16xf32>
        tpu.vector_store %arg4[%swap3A_1138, %swap3A_1139], %swap3A_1142 {strides = array<i32>} : memref<8x2048xf32, #tpu.memory_space<vmem>>, vector<1x16xf32>,
      }
      %scan3A_434 = arith.constant 32 : i32
      %add3A_435 = arith.constant 96 : i32
      %add3A_436 = arith.addi %add3A_14, %add3A_435 : i32
      %dma_start3A_437 = arith.constant 0 : i32
      %dma_start3A_438 = tpu.memref_slice %arg3[%add3A_436, %dma_start3A_437] : memref<8192x2048xf32, #tpu.memory_space<hbm>> -> memref<8x2048xf32, #tpu.memory_space<hbm>>
      %dma_start3A_439 = arith.constant 0 : i32
      %dma_start3A_440 = tpu.memref_slice %arg3[%add3A_436, %dma_start3A_439] : memref<8192x2048xf32, #tpu.memory_space<hbm>> -> memref<8x2048xf32, #tpu.memory_space<hbm>>
      tpu.enqueue_dma source(%arg4 : memref<8x2048xf32, #tpu.memory_space<vmem>>) target(%dma_start3A_440 : memref<8x2048xf32, #tpu.memory_space<hbm>>) target_semaphore(%arg14 : memref<!tpu.dma_semaphore, #tpu.memory_space<semaphore_mem>>)
      %dma_wait3A_441 = arith.constant 0 : i32
      %dma_wait3A_442 = tpu.memref_slice %arg3[%add3A_408, %dma_wait3A_441] : memref<8192x2048xf32, #tpu.memory_space<hbm>> -> memref<8x2048xf32, #tpu.memory_space<hbm>>
      %dma_wait3A_443 = arith.constant 0 : i32
      %dma_wait3A_444 = arith.constant 0 : i32
      %dma_wait3A_445 = tpu.memref_slice %arg9[%arg1, %dma_wait3A_443, %dma_wait3A_444] : memref<16x8x2048xf32, #tpu.memory_space<vmem_shared>> -> memref<1x8x2048xf32, #tpu.memory_space<vmem_shared>>
      %dma_wait3A_446 = tpu.memref_squeeze %dma_wait3A_445 : memref<1x8x2048xf32, #tpu.memory_space<vmem_shared>> -> memref<8x2048xf32, #tpu.memory_space<vmem_shared>>
      tpu.wait_dma2 semaphore(%arg22 : memref<!tpu.dma_semaphore, #tpu.memory_space<semaphore_mem>>) src(%dma_wait3A_446 : memref<8x2048xf32, #tpu.memory_space<vmem_shared>>) dst(%dma_wait3A_442 : memref<8x2048xf32, #tpu.memory_space<hbm>>)
      %add3A_447 = arith.constant 136 : i32
      %add3A_448 = arith.addi %add3A_14, %add3A_447 : i32
      %dma_start3A_449 = arith.constant 0 : i32
      %dma_start3A_450 = arith.constant 0 : i32
      %dma_start3A_451 = tpu.memref_slice %arg9[%arg1, %dma_start3A_449, %dma_start3A_450] : memref<16x8x2048xf32, #tpu.memory_space<vmem_shared>> -> memref<1x8x2048xf32, #tpu.memory_space<vmem_shared>>
      %dma_start3A_452 = tpu.memref_squeeze %dma_start3A_451 : memref<1x8x2048xf32, #tpu.memory_space<vmem_shared>> -> memref<8x2048xf32, #tpu.memory_space<vmem_shared>>
      %dma_start3A_453 = arith.constant 0 : i32
      %dma_start3A_454 = tpu.memref_slice %arg2[%add3A_448, %dma_start3A_453] : memref<8192x2048xf32, #tpu.memory_space<hbm>> -> memref<8x2048xf32, #tpu.memory_space<hbm>>
      tpu.enqueue_dma source(%dma_start3A_454 : memref<8x2048xf32, #tpu.memory_space<hbm>>) target(%dma_start3A_452 : memref<8x2048xf32, #tpu.memory_space<vmem_shared>>) target_semaphore(%arg19 : memref<!tpu.dma_semaphore, #tpu.memory_space<semaphore_mem>>)
      %dma_wait3A_455 = arith.constant 0 : i32
      %dma_wait3A_456 = arith.constant 0 : i32
      %dma_wait3A_457 = tpu.memref_slice %arg7[%arg1, %dma_wait3A_455, %dma_wait3A_456] : memref<16x8x2048xf32, #tpu.memory_space<vmem_shared>> -> memref<1x8x2048xf32, #tpu.memory_space<vmem_shared>>
      %dma_wait3A_458 = tpu.memref_squeeze %dma_wait3A_457 : memref<1x8x2048xf32, #tpu.memory_space<vmem_shared>> -> memref<8x2048xf32, #tpu.memory_space<vmem_shared>>
      %dma_wait3A_459 = arith.constant 0 : i32
      %dma_wait3A_460 = tpu.memref_slice %arg2[%add3A_340, %dma_wait3A_459] : memref<8192x2048xf32, #tpu.memory_space<hbm>> -> memref<8x2048xf32, #tpu.memory_space<hbm>>
      tpu.wait_dma2 semaphore(%arg17 : memref<!tpu.dma_semaphore, #tpu.memory_space<semaphore_mem>>) src(%dma_wait3A_460 : memref<8x2048xf32, #tpu.memory_space<hbm>>) dst(%dma_wait3A_458 : memref<8x2048xf32, #tpu.memory_space<vmem_shared>>)
      %add3A_461 = arith.constant 104 : i32
      %add3A_462 = arith.addi %add3A_14, %add3A_461 : i32
      %dma_start3A_463 = arith.constant 0 : i32
      %dma_start3A_464 = tpu.memref_slice %arg3[%add3A_462, %dma_start3A_463] : memref<8192x2048xf32, #tpu.memory_space<hbm>> -> memref<8x2048xf32, #tpu.memory_space<hbm>>
      %dma_start3A_465 = arith.constant 0 : i32
      %dma_start3A_466 = arith.constant 0 : i32
      %dma_start3A_467 = tpu.memref_slice %arg7[%arg1, %dma_start3A_465, %dma_start3A_466] : memref<16x8x2048xf32, #tpu.memory_space<vmem_shared>> -> memref<1x8x2048xf32, #tpu.memory_space<vmem_shared>>
      %dma_start3A_468 = tpu.memref_squeeze %dma_start3A_467 : memref<1x8x2048xf32, #tpu.memory_space<vmem_shared>> -> memref<8x2048xf32, #tpu.memory_space<vmem_shared>>
      tpu.enqueue_dma source(%dma_start3A_468 : memref<8x2048xf32, #tpu.memory_space<vmem_shared>>) target(%dma_start3A_464 : memref<8x2048xf32, #tpu.memory_space<hbm>>) target_semaphore(%arg20 : memref<!tpu.dma_semaphore, #tpu.memory_space<semaphore_mem>>)
      %dma_wait3A_469 = arith.constant 0 : i32
      %dma_wait3A_470 = tpu.memref_slice %arg3[%add3A_436, %dma_wait3A_469] : memref<8192x2048xf32, #tpu.memory_space<hbm>> -> memref<8x2048xf32, #tpu.memory_space<hbm>>
      %dma_wait3A_471 = arith.constant 0 : i32
      %dma_wait3A_472 = tpu.memref_slice %arg3[%add3A_436, %dma_wait3A_471] : memref<8192x2048xf32, #tpu.memory_space<hbm>> -> memref<8x2048xf32, #tpu.memory_space<hbm>>
      tpu.wait_dma2 semaphore(%arg14 : memref<!tpu.dma_semaphore, #tpu.memory_space<semaphore_mem>>) src(%arg4 : memref<8x2048xf32, #tpu.memory_space<vmem>>) dst(%dma_wait3A_472 : memref<8x2048xf32, #tpu.memory_space<hbm>>)
      %add3A_473 = arith.constant 144 : i32
      %add3A_474 = arith.addi %add3A_14, %add3A_473 : i32
      %dma_start3A_475 = arith.constant 0 : i32
      %dma_start3A_476 = tpu.memref_slice %arg2[%add3A_474, %dma_start3A_475] : memref<8192x2048xf32, #tpu.memory_space<hbm>> -> memref<8x2048xf32, #tpu.memory_space<hbm>>
      %dma_start3A_477 = arith.constant 0 : i32
      %dma_start3A_478 = tpu.memref_slice %arg2[%add3A_474, %dma_start3A_477] : memref<8192x2048xf32, #tpu.memory_space<hbm>> -> memref<8x2048xf32, #tpu.memory_space<hbm>>
      tpu.enqueue_dma source(%dma_start3A_478 : memref<8x2048xf32, #tpu.memory_space<hbm>>) target(%arg4 : memref<8x2048xf32, #tpu.memory_space<vmem>>) target_semaphore(%arg11 : memref<!tpu.dma_semaphore, #tpu.memory_space<semaphore_mem>>)
      %dma_wait3A_479 = arith.constant 0 : i32
      %dma_wait3A_480 = tpu.memref_slice %arg2[%add3A_366, %dma_wait3A_479] : memref<8192x2048xf32, #tpu.memory_space<hbm>> -> memref<8x2048xf32, #tpu.memory_space<hbm>>
      %dma_wait3A_481 = arith.constant 0 : i32
      %dma_wait3A_482 = tpu.memref_slice %arg2[%add3A_366, %dma_wait3A_481] : memref<8192x2048xf32, #tpu.memory_space<hbm>> -> memref<8x2048xf32, #tpu.memory_space<hbm>>
      tpu.wait_dma2 semaphore(%arg12 : memref<!tpu.dma_semaphore, #tpu.memory_space<semaphore_mem>>) src(%dma_wait3A_482 : memref<8x2048xf32, #tpu.memory_space<hbm>>) dst(%arg5 : memref<8x2048xf32, #tpu.memory_space<vmem>>)
      %scan3A_483 = arith.constant 0 : i32
      %scan3A_484 = arith.constant 0 : i32
      %scan3A_485 = arith.constant 32 : i32
      %scan3A_486 = arith.addi %scan3A_484, %scan3A_485 : i32
      %scan3A_487 = arith.constant 1 : i32
      scf.for %scan3A_1105 = %scan3A_484 to %scan3A_486 step %scan3A_487  : i32 {
        %mul3A_1106 = arith.constant 64 : i32
        %mul3A_1107 = arith.muli %scan3A_1105, %mul3A_1106 : i32
        %swap3A = arith.constant 0 : i32
        %swap3A_1108 = arith.index_cast %swap3A : i32 to index
        %swap3A_1109 = arith.index_cast %mul3A_1107 : i32 to index
        %swap3A_1110 = tpu.vector_load %arg5[%swap3A_1108, %swap3A_1109] {strides = array<i32>} : memref<8x2048xf32, #tpu.memory_space<vmem>>, vector<1x16xf32>,
        %swap3A_1111 = vector.shape_cast %swap3A_1110 : vector<1x16xf32> to vector<16xf32>
        %swap3A_1112 = vector.shape_cast %broadcast_in_dim3A_0 : vector<16xf32> to vector<1x16xf32>
        tpu.vector_store %arg5[%swap3A_1108, %swap3A_1109], %swap3A_1112 {strides = array<i32>} : memref<8x2048xf32, #tpu.memory_space<vmem>>, vector<1x16xf32>,
        %mul3A_1113 = arith.constant 64 : i32
        %mul3A_1114 = arith.muli %scan3A_1105, %mul3A_1113 : i32
        %add3A_1115 = arith.constant 16 : i32
        %add3A_1116 = arith.addi %mul3A_1114, %add3A_1115 : i32
        %swap3A_1117 = arith.constant 0 : i32
        %swap3A_1118 = arith.index_cast %swap3A_1117 : i32 to index
        %swap3A_1119 = arith.index_cast %add3A_1116 : i32 to index
        %swap3A_1120 = tpu.vector_load %arg5[%swap3A_1118, %swap3A_1119] {strides = array<i32>} : memref<8x2048xf32, #tpu.memory_space<vmem>>, vector<1x16xf32>,
        %swap3A_1121 = vector.shape_cast %swap3A_1120 : vector<1x16xf32> to vector<16xf32>
        %swap3A_1122 = vector.shape_cast %broadcast_in_dim3A_0 : vector<16xf32> to vector<1x16xf32>
        tpu.vector_store %arg5[%swap3A_1118, %swap3A_1119], %swap3A_1122 {strides = array<i32>} : memref<8x2048xf32, #tpu.memory_space<vmem>>, vector<1x16xf32>,
        %mul3A_1123 = arith.constant 64 : i32
        %mul3A_1124 = arith.muli %scan3A_1105, %mul3A_1123 : i32
        %add3A_1125 = arith.constant 32 : i32
        %add3A_1126 = arith.addi %mul3A_1124, %add3A_1125 : i32
        %swap3A_1127 = arith.constant 0 : i32
        %swap3A_1128 = arith.index_cast %swap3A_1127 : i32 to index
        %swap3A_1129 = arith.index_cast %add3A_1126 : i32 to index
        %swap3A_1130 = tpu.vector_load %arg5[%swap3A_1128, %swap3A_1129] {strides = array<i32>} : memref<8x2048xf32, #tpu.memory_space<vmem>>, vector<1x16xf32>,
        %swap3A_1131 = vector.shape_cast %swap3A_1130 : vector<1x16xf32> to vector<16xf32>
        %swap3A_1132 = vector.shape_cast %broadcast_in_dim3A_0 : vector<16xf32> to vector<1x16xf32>
        tpu.vector_store %arg5[%swap3A_1128, %swap3A_1129], %swap3A_1132 {strides = array<i32>} : memref<8x2048xf32, #tpu.memory_space<vmem>>, vector<1x16xf32>,
        %mul3A_1133 = arith.constant 64 : i32
        %mul3A_1134 = arith.muli %scan3A_1105, %mul3A_1133 : i32
        %add3A_1135 = arith.constant 48 : i32
        %add3A_1136 = arith.addi %mul3A_1134, %add3A_1135 : i32
        %swap3A_1137 = arith.constant 0 : i32
        %swap3A_1138 = arith.index_cast %swap3A_1137 : i32 to index
        %swap3A_1139 = arith.index_cast %add3A_1136 : i32 to index
        %swap3A_1140 = tpu.vector_load %arg5[%swap3A_1138, %swap3A_1139] {strides = array<i32>} : memref<8x2048xf32, #tpu.memory_space<vmem>>, vector<1x16xf32>,
        %swap3A_1141 = vector.shape_cast %swap3A_1140 : vector<1x16xf32> to vector<16xf32>
        %swap3A_1142 = vector.shape_cast %broadcast_in_dim3A_0 : vector<16xf32> to vector<1x16xf32>
        tpu.vector_store %arg5[%swap3A_1138, %swap3A_1139], %swap3A_1142 {strides = array<i32>} : memref<8x2048xf32, #tpu.memory_space<vmem>>, vector<1x16xf32>,
      }
      %scan3A_488 = arith.constant 32 : i32
      %scan3A_489 = arith.constant 0 : i32
      %scan3A_490 = arith.constant 0 : i32
      %scan3A_491 = arith.constant 32 : i32
      %scan3A_492 = arith.addi %scan3A_490, %scan3A_491 : i32
      %scan3A_493 = arith.constant 1 : i32
      scf.for %scan3A_1105 = %scan3A_490 to %scan3A_492 step %scan3A_493  : i32 {
        %mul3A_1106 = arith.constant 64 : i32
        %mul3A_1107 = arith.muli %scan3A_1105, %mul3A_1106 : i32
        %swap3A = arith.constant 2 : i32
        %swap3A_1108 = arith.index_cast %swap3A : i32 to index
        %swap3A_1109 = arith.index_cast %mul3A_1107 : i32 to index
        %swap3A_1110 = tpu.vector_load %arg5[%swap3A_1108, %swap3A_1109] {strides = array<i32>} : memref<8x2048xf32, #tpu.memory_space<vmem>>, vector<1x16xf32>,
        %swap3A_1111 = vector.shape_cast %swap3A_1110 : vector<1x16xf32> to vector<16xf32>
        %swap3A_1112 = vector.shape_cast %broadcast_in_dim3A_0 : vector<16xf32> to vector<1x16xf32>
        tpu.vector_store %arg5[%swap3A_1108, %swap3A_1109], %swap3A_1112 {strides = array<i32>} : memref<8x2048xf32, #tpu.memory_space<vmem>>, vector<1x16xf32>,
        %mul3A_1113 = arith.constant 64 : i32
        %mul3A_1114 = arith.muli %scan3A_1105, %mul3A_1113 : i32
        %add3A_1115 = arith.constant 16 : i32
        %add3A_1116 = arith.addi %mul3A_1114, %add3A_1115 : i32
        %swap3A_1117 = arith.constant 2 : i32
        %swap3A_1118 = arith.index_cast %swap3A_1117 : i32 to index
        %swap3A_1119 = arith.index_cast %add3A_1116 : i32 to index
        %swap3A_1120 = tpu.vector_load %arg5[%swap3A_1118, %swap3A_1119] {strides = array<i32>} : memref<8x2048xf32, #tpu.memory_space<vmem>>, vector<1x16xf32>,
        %swap3A_1121 = vector.shape_cast %swap3A_1120 : vector<1x16xf32> to vector<16xf32>
        %swap3A_1122 = vector.shape_cast %broadcast_in_dim3A_0 : vector<16xf32> to vector<1x16xf32>
        tpu.vector_store %arg5[%swap3A_1118, %swap3A_1119], %swap3A_1122 {strides = array<i32>} : memref<8x2048xf32, #tpu.memory_space<vmem>>, vector<1x16xf32>,
        %mul3A_1123 = arith.constant 64 : i32
        %mul3A_1124 = arith.muli %scan3A_1105, %mul3A_1123 : i32
        %add3A_1125 = arith.constant 32 : i32
        %add3A_1126 = arith.addi %mul3A_1124, %add3A_1125 : i32
        %swap3A_1127 = arith.constant 2 : i32
        %swap3A_1128 = arith.index_cast %swap3A_1127 : i32 to index
        %swap3A_1129 = arith.index_cast %add3A_1126 : i32 to index
        %swap3A_1130 = tpu.vector_load %arg5[%swap3A_1128, %swap3A_1129] {strides = array<i32>} : memref<8x2048xf32, #tpu.memory_space<vmem>>, vector<1x16xf32>,
        %swap3A_1131 = vector.shape_cast %swap3A_1130 : vector<1x16xf32> to vector<16xf32>
        %swap3A_1132 = vector.shape_cast %broadcast_in_dim3A_0 : vector<16xf32> to vector<1x16xf32>
        tpu.vector_store %arg5[%swap3A_1128, %swap3A_1129], %swap3A_1132 {strides = array<i32>} : memref<8x2048xf32, #tpu.memory_space<vmem>>, vector<1x16xf32>,
        %mul3A_1133 = arith.constant 64 : i32
        %mul3A_1134 = arith.muli %scan3A_1105, %mul3A_1133 : i32
        %add3A_1135 = arith.constant 48 : i32
        %add3A_1136 = arith.addi %mul3A_1134, %add3A_1135 : i32
        %swap3A_1137 = arith.constant 2 : i32
        %swap3A_1138 = arith.index_cast %swap3A_1137 : i32 to index
        %swap3A_1139 = arith.index_cast %add3A_1136 : i32 to index
        %swap3A_1140 = tpu.vector_load %arg5[%swap3A_1138, %swap3A_1139] {strides = array<i32>} : memref<8x2048xf32, #tpu.memory_space<vmem>>, vector<1x16xf32>,
        %swap3A_1141 = vector.shape_cast %swap3A_1140 : vector<1x16xf32> to vector<16xf32>
        %swap3A_1142 = vector.shape_cast %broadcast_in_dim3A_0 : vector<16xf32> to vector<1x16xf32>
        tpu.vector_store %arg5[%swap3A_1138, %swap3A_1139], %swap3A_1142 {strides = array<i32>} : memref<8x2048xf32, #tpu.memory_space<vmem>>, vector<1x16xf32>,
      }
      %scan3A_494 = arith.constant 32 : i32
      %scan3A_495 = arith.constant 0 : i32
      %scan3A_496 = arith.constant 0 : i32
      %scan3A_497 = arith.constant 32 : i32
      %scan3A_498 = arith.addi %scan3A_496, %scan3A_497 : i32
      %scan3A_499 = arith.constant 1 : i32
      scf.for %scan3A_1105 = %scan3A_496 to %scan3A_498 step %scan3A_499  : i32 {
        %mul3A_1106 = arith.constant 64 : i32
        %mul3A_1107 = arith.muli %scan3A_1105, %mul3A_1106 : i32
        %swap3A = arith.constant 5 : i32
        %swap3A_1108 = arith.index_cast %swap3A : i32 to index
        %swap3A_1109 = arith.index_cast %mul3A_1107 : i32 to index
        %swap3A_1110 = tpu.vector_load %arg5[%swap3A_1108, %swap3A_1109] {strides = array<i32>} : memref<8x2048xf32, #tpu.memory_space<vmem>>, vector<1x16xf32>,
        %swap3A_1111 = vector.shape_cast %swap3A_1110 : vector<1x16xf32> to vector<16xf32>
        %swap3A_1112 = vector.shape_cast %broadcast_in_dim3A_0 : vector<16xf32> to vector<1x16xf32>
        tpu.vector_store %arg5[%swap3A_1108, %swap3A_1109], %swap3A_1112 {strides = array<i32>} : memref<8x2048xf32, #tpu.memory_space<vmem>>, vector<1x16xf32>,
        %mul3A_1113 = arith.constant 64 : i32
        %mul3A_1114 = arith.muli %scan3A_1105, %mul3A_1113 : i32
        %add3A_1115 = arith.constant 16 : i32
        %add3A_1116 = arith.addi %mul3A_1114, %add3A_1115 : i32
        %swap3A_1117 = arith.constant 5 : i32
        %swap3A_1118 = arith.index_cast %swap3A_1117 : i32 to index
        %swap3A_1119 = arith.index_cast %add3A_1116 : i32 to index
        %swap3A_1120 = tpu.vector_load %arg5[%swap3A_1118, %swap3A_1119] {strides = array<i32>} : memref<8x2048xf32, #tpu.memory_space<vmem>>, vector<1x16xf32>,
        %swap3A_1121 = vector.shape_cast %swap3A_1120 : vector<1x16xf32> to vector<16xf32>
        %swap3A_1122 = vector.shape_cast %broadcast_in_dim3A_0 : vector<16xf32> to vector<1x16xf32>
        tpu.vector_store %arg5[%swap3A_1118, %swap3A_1119], %swap3A_1122 {strides = array<i32>} : memref<8x2048xf32, #tpu.memory_space<vmem>>, vector<1x16xf32>,
        %mul3A_1123 = arith.constant 64 : i32
        %mul3A_1124 = arith.muli %scan3A_1105, %mul3A_1123 : i32
        %add3A_1125 = arith.constant 32 : i32
        %add3A_1126 = arith.addi %mul3A_1124, %add3A_1125 : i32
        %swap3A_1127 = arith.constant 5 : i32
        %swap3A_1128 = arith.index_cast %swap3A_1127 : i32 to index
        %swap3A_1129 = arith.index_cast %add3A_1126 : i32 to index
        %swap3A_1130 = tpu.vector_load %arg5[%swap3A_1128, %swap3A_1129] {strides = array<i32>} : memref<8x2048xf32, #tpu.memory_space<vmem>>, vector<1x16xf32>,
        %swap3A_1131 = vector.shape_cast %swap3A_1130 : vector<1x16xf32> to vector<16xf32>
        %swap3A_1132 = vector.shape_cast %broadcast_in_dim3A_0 : vector<16xf32> to vector<1x16xf32>
        tpu.vector_store %arg5[%swap3A_1128, %swap3A_1129], %swap3A_1132 {strides = array<i32>} : memref<8x2048xf32, #tpu.memory_space<vmem>>, vector<1x16xf32>,
        %mul3A_1133 = arith.constant 64 : i32
        %mul3A_1134 = arith.muli %scan3A_1105, %mul3A_1133 : i32
        %add3A_1135 = arith.constant 48 : i32
        %add3A_1136 = arith.addi %mul3A_1134, %add3A_1135 : i32
        %swap3A_1137 = arith.constant 5 : i32
        %swap3A_1138 = arith.index_cast %swap3A_1137 : i32 to index
        %swap3A_1139 = arith.index_cast %add3A_1136 : i32 to index
        %swap3A_1140 = tpu.vector_load %arg5[%swap3A_1138, %swap3A_1139] {strides = array<i32>} : memref<8x2048xf32, #tpu.memory_space<vmem>>, vector<1x16xf32>,
        %swap3A_1141 = vector.shape_cast %swap3A_1140 : vector<1x16xf32> to vector<16xf32>
        %swap3A_1142 = vector.shape_cast %broadcast_in_dim3A_0 : vector<16xf32> to vector<1x16xf32>
        tpu.vector_store %arg5[%swap3A_1138, %swap3A_1139], %swap3A_1142 {strides = array<i32>} : memref<8x2048xf32, #tpu.memory_space<vmem>>, vector<1x16xf32>,
      }
      %scan3A_500 = arith.constant 32 : i32
      %add3A_501 = arith.constant 112 : i32
      %add3A_502 = arith.addi %add3A_14, %add3A_501 : i32
      %dma_start3A_503 = arith.constant 0 : i32
      %dma_start3A_504 = tpu.memref_slice %arg3[%add3A_502, %dma_start3A_503] : memref<8192x2048xf32, #tpu.memory_space<hbm>> -> memref<8x2048xf32, #tpu.memory_space<hbm>>
      %dma_start3A_505 = arith.constant 0 : i32
      %dma_start3A_506 = tpu.memref_slice %arg3[%add3A_502, %dma_start3A_505] : memref<8192x2048xf32, #tpu.memory_space<hbm>> -> memref<8x2048xf32, #tpu.memory_space<hbm>>
      tpu.enqueue_dma source(%arg5 : memref<8x2048xf32, #tpu.memory_space<vmem>>) target(%dma_start3A_506 : memref<8x2048xf32, #tpu.memory_space<hbm>>) target_semaphore(%arg15 : memref<!tpu.dma_semaphore, #tpu.memory_space<semaphore_mem>>)
      %dma_wait3A_507 = arith.constant 0 : i32
      %dma_wait3A_508 = tpu.memref_slice %arg3[%add3A_462, %dma_wait3A_507] : memref<8192x2048xf32, #tpu.memory_space<hbm>> -> memref<8x2048xf32, #tpu.memory_space<hbm>>
      %dma_wait3A_509 = arith.constant 0 : i32
      %dma_wait3A_510 = arith.constant 0 : i32
      %dma_wait3A_511 = tpu.memref_slice %arg7[%arg1, %dma_wait3A_509, %dma_wait3A_510] : memref<16x8x2048xf32, #tpu.memory_space<vmem_shared>> -> memref<1x8x2048xf32, #tpu.memory_space<vmem_shared>>
      %dma_wait3A_512 = tpu.memref_squeeze %dma_wait3A_511 : memref<1x8x2048xf32, #tpu.memory_space<vmem_shared>> -> memref<8x2048xf32, #tpu.memory_space<vmem_shared>>
      tpu.wait_dma2 semaphore(%arg20 : memref<!tpu.dma_semaphore, #tpu.memory_space<semaphore_mem>>) src(%dma_wait3A_512 : memref<8x2048xf32, #tpu.memory_space<vmem_shared>>) dst(%dma_wait3A_508 : memref<8x2048xf32, #tpu.memory_space<hbm>>)
      %add3A_513 = arith.constant 152 : i32
      %add3A_514 = arith.addi %add3A_14, %add3A_513 : i32
      %dma_start3A_515 = arith.constant 0 : i32
      %dma_start3A_516 = arith.constant 0 : i32
      %dma_start3A_517 = tpu.memref_slice %arg7[%arg1, %dma_start3A_515, %dma_start3A_516] : memref<16x8x2048xf32, #tpu.memory_space<vmem_shared>> -> memref<1x8x2048xf32, #tpu.memory_space<vmem_shared>>
      %dma_start3A_518 = tpu.memref_squeeze %dma_start3A_517 : memref<1x8x2048xf32, #tpu.memory_space<vmem_shared>> -> memref<8x2048xf32, #tpu.memory_space<vmem_shared>>
      %dma_start3A_519 = arith.constant 0 : i32
      %dma_start3A_520 = tpu.memref_slice %arg2[%add3A_514, %dma_start3A_519] : memref<8192x2048xf32, #tpu.memory_space<hbm>> -> memref<8x2048xf32, #tpu.memory_space<hbm>>
      tpu.enqueue_dma source(%dma_start3A_520 : memref<8x2048xf32, #tpu.memory_space<hbm>>) target(%dma_start3A_518 : memref<8x2048xf32, #tpu.memory_space<vmem_shared>>) target_semaphore(%arg17 : memref<!tpu.dma_semaphore, #tpu.memory_space<semaphore_mem>>)
      %dma_wait3A_521 = arith.constant 0 : i32
      %dma_wait3A_522 = arith.constant 0 : i32
      %dma_wait3A_523 = tpu.memref_slice %arg8[%arg1, %dma_wait3A_521, %dma_wait3A_522] : memref<16x8x2048xf32, #tpu.memory_space<vmem_shared>> -> memref<1x8x2048xf32, #tpu.memory_space<vmem_shared>>
      %dma_wait3A_524 = tpu.memref_squeeze %dma_wait3A_523 : memref<1x8x2048xf32, #tpu.memory_space<vmem_shared>> -> memref<8x2048xf32, #tpu.memory_space<vmem_shared>>
      %dma_wait3A_525 = arith.constant 0 : i32
      %dma_wait3A_526 = tpu.memref_slice %arg2[%add3A_394, %dma_wait3A_525] : memref<8192x2048xf32, #tpu.memory_space<hbm>> -> memref<8x2048xf32, #tpu.memory_space<hbm>>
      tpu.wait_dma2 semaphore(%arg18 : memref<!tpu.dma_semaphore, #tpu.memory_space<semaphore_mem>>) src(%dma_wait3A_526 : memref<8x2048xf32, #tpu.memory_space<hbm>>) dst(%dma_wait3A_524 : memref<8x2048xf32, #tpu.memory_space<vmem_shared>>)
      %dma_start3A_527 = arith.constant 0 : i32
      %dma_start3A_528 = arith.constant 0 : i32
      %dma_start3A_529 = tpu.memref_slice %arg8[%arg1, %dma_start3A_527, %dma_start3A_528] : memref<16x8x2048xf32, #tpu.memory_space<vmem_shared>> -> memref<1x8x2048xf32, #tpu.memory_space<vmem_shared>>
      %dma_start3A_530 = tpu.memref_squeeze %dma_start3A_529 : memref<1x8x2048xf32, #tpu.memory_space<vmem_shared>> -> memref<8x2048xf32, #tpu.memory_space<vmem_shared>>
      %dma_start3A_531 = arith.constant 1 : i32
      %dma_start3A_532 = arith.constant 0 : i32
      %dma_start3A_533 = tpu.memref_slice %dma_start3A_530[%dma_start3A_531, %dma_start3A_532] : memref<8x2048xf32, #tpu.memory_space<vmem_shared>> -> memref<1x2048xf32, #tpu.memory_space<vmem_shared>>
      %dma_start3A_534 = arith.constant 0 : i32
      %dma_start3A_535 = arith.constant 0 : i32
      %dma_start3A_536 = tpu.memref_slice %arg8[%arg1, %dma_start3A_534, %dma_start3A_535] : memref<16x8x2048xf32, #tpu.memory_space<vmem_shared>> -> memref<1x8x2048xf32, #tpu.memory_space<vmem_shared>>
      %dma_start3A_537 = tpu.memref_squeeze %dma_start3A_536 : memref<1x8x2048xf32, #tpu.memory_space<vmem_shared>> -> memref<8x2048xf32, #tpu.memory_space<vmem_shared>>
      %dma_start3A_538 = arith.constant 1 : i32
      %dma_start3A_539 = arith.constant 0 : i32
      %dma_start3A_540 = tpu.memref_slice %dma_start3A_537[%dma_start3A_538, %dma_start3A_539] : memref<8x2048xf32, #tpu.memory_space<vmem_shared>> -> memref<1x2048xf32, #tpu.memory_space<vmem_shared>>
      tpu.enqueue_dma source(%arg10 : memref<1x2048xf32, #tpu.memory_space<vmem>>) target(%dma_start3A_540 : memref<1x2048xf32, #tpu.memory_space<vmem_shared>>) target_semaphore(%arg23 : memref<!tpu.dma_semaphore, #tpu.memory_space<semaphore_mem>>)
      %dma_wait3A_541 = arith.constant 0 : i32
      %dma_wait3A_542 = arith.constant 0 : i32
      %dma_wait3A_543 = tpu.memref_slice %arg8[%arg1, %dma_wait3A_541, %dma_wait3A_542] : memref<16x8x2048xf32, #tpu.memory_space<vmem_shared>> -> memref<1x8x2048xf32, #tpu.memory_space<vmem_shared>>
      %dma_wait3A_544 = tpu.memref_squeeze %dma_wait3A_543 : memref<1x8x2048xf32, #tpu.memory_space<vmem_shared>> -> memref<8x2048xf32, #tpu.memory_space<vmem_shared>>
      %dma_wait3A_545 = arith.constant 1 : i32
      %dma_wait3A_546 = arith.constant 0 : i32
      %dma_wait3A_547 = tpu.memref_slice %dma_wait3A_544[%dma_wait3A_545, %dma_wait3A_546] : memref<8x2048xf32, #tpu.memory_space<vmem_shared>> -> memref<1x2048xf32, #tpu.memory_space<vmem_shared>>
      %dma_wait3A_548 = arith.constant 0 : i32
      %dma_wait3A_549 = arith.constant 0 : i32
      %dma_wait3A_550 = tpu.memref_slice %arg8[%arg1, %dma_wait3A_548, %dma_wait3A_549] : memref<16x8x2048xf32, #tpu.memory_space<vmem_shared>> -> memref<1x8x2048xf32, #tpu.memory_space<vmem_shared>>
      %dma_wait3A_551 = tpu.memref_squeeze %dma_wait3A_550 : memref<1x8x2048xf32, #tpu.memory_space<vmem_shared>> -> memref<8x2048xf32, #tpu.memory_space<vmem_shared>>
      %dma_wait3A_552 = arith.constant 1 : i32
      %dma_wait3A_553 = arith.constant 0 : i32
      %dma_wait3A_554 = tpu.memref_slice %dma_wait3A_551[%dma_wait3A_552, %dma_wait3A_553] : memref<8x2048xf32, #tpu.memory_space<vmem_shared>> -> memref<1x2048xf32, #tpu.memory_space<vmem_shared>>
      tpu.wait_dma2 semaphore(%arg23 : memref<!tpu.dma_semaphore, #tpu.memory_space<semaphore_mem>>) src(%arg10 : memref<1x2048xf32, #tpu.memory_space<vmem>>) dst(%dma_wait3A_554 : memref<1x2048xf32, #tpu.memory_space<vmem_shared>>)
      %add3A_555 = arith.constant 120 : i32
      %add3A_556 = arith.addi %add3A_14, %add3A_555 : i32
      %dma_start3A_557 = arith.constant 0 : i32
      %dma_start3A_558 = tpu.memref_slice %arg3[%add3A_556, %dma_start3A_557] : memref<8192x2048xf32, #tpu.memory_space<hbm>> -> memref<8x2048xf32, #tpu.memory_space<hbm>>
      %dma_start3A_559 = arith.constant 0 : i32
      %dma_start3A_560 = arith.constant 0 : i32
      %dma_start3A_561 = tpu.memref_slice %arg8[%arg1, %dma_start3A_559, %dma_start3A_560] : memref<16x8x2048xf32, #tpu.memory_space<vmem_shared>> -> memref<1x8x2048xf32, #tpu.memory_space<vmem_shared>>
      %dma_start3A_562 = tpu.memref_squeeze %dma_start3A_561 : memref<1x8x2048xf32, #tpu.memory_space<vmem_shared>> -> memref<8x2048xf32, #tpu.memory_space<vmem_shared>>
      tpu.enqueue_dma source(%dma_start3A_562 : memref<8x2048xf32, #tpu.memory_space<vmem_shared>>) target(%dma_start3A_558 : memref<8x2048xf32, #tpu.memory_space<hbm>>) target_semaphore(%arg21 : memref<!tpu.dma_semaphore, #tpu.memory_space<semaphore_mem>>)
      %dma_wait3A_563 = arith.constant 0 : i32
      %dma_wait3A_564 = tpu.memref_slice %arg3[%add3A_502, %dma_wait3A_563] : memref<8192x2048xf32, #tpu.memory_space<hbm>> -> memref<8x2048xf32, #tpu.memory_space<hbm>>
      %dma_wait3A_565 = arith.constant 0 : i32
      %dma_wait3A_566 = tpu.memref_slice %arg3[%add3A_502, %dma_wait3A_565] : memref<8192x2048xf32, #tpu.memory_space<hbm>> -> memref<8x2048xf32, #tpu.memory_space<hbm>>
      tpu.wait_dma2 semaphore(%arg15 : memref<!tpu.dma_semaphore, #tpu.memory_space<semaphore_mem>>) src(%arg5 : memref<8x2048xf32, #tpu.memory_space<vmem>>) dst(%dma_wait3A_566 : memref<8x2048xf32, #tpu.memory_space<hbm>>)
      %add3A_567 = arith.constant 160 : i32
      %add3A_568 = arith.addi %add3A_14, %add3A_567 : i32
      %dma_start3A_569 = arith.constant 0 : i32
      %dma_start3A_570 = tpu.memref_slice %arg2[%add3A_568, %dma_start3A_569] : memref<8192x2048xf32, #tpu.memory_space<hbm>> -> memref<8x2048xf32, #tpu.memory_space<hbm>>
      %dma_start3A_571 = arith.constant 0 : i32
      %dma_start3A_572 = tpu.memref_slice %arg2[%add3A_568, %dma_start3A_571] : memref<8192x2048xf32, #tpu.memory_space<hbm>> -> memref<8x2048xf32, #tpu.memory_space<hbm>>
      tpu.enqueue_dma source(%dma_start3A_572 : memref<8x2048xf32, #tpu.memory_space<hbm>>) target(%arg5 : memref<8x2048xf32, #tpu.memory_space<vmem>>) target_semaphore(%arg12 : memref<!tpu.dma_semaphore, #tpu.memory_space<semaphore_mem>>)
      %dma_wait3A_573 = arith.constant 0 : i32
      %dma_wait3A_574 = tpu.memref_slice %arg2[%add3A_420, %dma_wait3A_573] : memref<8192x2048xf32, #tpu.memory_space<hbm>> -> memref<8x2048xf32, #tpu.memory_space<hbm>>
      %dma_wait3A_575 = arith.constant 0 : i32
      %dma_wait3A_576 = tpu.memref_slice %arg2[%add3A_420, %dma_wait3A_575] : memref<8192x2048xf32, #tpu.memory_space<hbm>> -> memref<8x2048xf32, #tpu.memory_space<hbm>>
      tpu.wait_dma2 semaphore(%arg13 : memref<!tpu.dma_semaphore, #tpu.memory_space<semaphore_mem>>) src(%dma_wait3A_576 : memref<8x2048xf32, #tpu.memory_space<hbm>>) dst(%arg6 : memref<8x2048xf32, #tpu.memory_space<vmem>>)
      %scan3A_577 = arith.constant 0 : i32
      %scan3A_578 = arith.constant 0 : i32
      %scan3A_579 = arith.constant 32 : i32
      %scan3A_580 = arith.addi %scan3A_578, %scan3A_579 : i32
      %scan3A_581 = arith.constant 1 : i32
      scf.for %scan3A_1105 = %scan3A_578 to %scan3A_580 step %scan3A_581  : i32 {
        %mul3A_1106 = arith.constant 64 : i32
        %mul3A_1107 = arith.muli %scan3A_1105, %mul3A_1106 : i32
        %swap3A = arith.constant 2 : i32
        %swap3A_1108 = arith.index_cast %swap3A : i32 to index
        %swap3A_1109 = arith.index_cast %mul3A_1107 : i32 to index
        %swap3A_1110 = tpu.vector_load %arg6[%swap3A_1108, %swap3A_1109] {strides = array<i32>} : memref<8x2048xf32, #tpu.memory_space<vmem>>, vector<1x16xf32>,
        %swap3A_1111 = vector.shape_cast %swap3A_1110 : vector<1x16xf32> to vector<16xf32>
        %swap3A_1112 = vector.shape_cast %broadcast_in_dim3A_0 : vector<16xf32> to vector<1x16xf32>
        tpu.vector_store %arg6[%swap3A_1108, %swap3A_1109], %swap3A_1112 {strides = array<i32>} : memref<8x2048xf32, #tpu.memory_space<vmem>>, vector<1x16xf32>,
        %mul3A_1113 = arith.constant 64 : i32
        %mul3A_1114 = arith.muli %scan3A_1105, %mul3A_1113 : i32
        %add3A_1115 = arith.constant 16 : i32
        %add3A_1116 = arith.addi %mul3A_1114, %add3A_1115 : i32
        %swap3A_1117 = arith.constant 2 : i32
        %swap3A_1118 = arith.index_cast %swap3A_1117 : i32 to index
        %swap3A_1119 = arith.index_cast %add3A_1116 : i32 to index
        %swap3A_1120 = tpu.vector_load %arg6[%swap3A_1118, %swap3A_1119] {strides = array<i32>} : memref<8x2048xf32, #tpu.memory_space<vmem>>, vector<1x16xf32>,
        %swap3A_1121 = vector.shape_cast %swap3A_1120 : vector<1x16xf32> to vector<16xf32>
        %swap3A_1122 = vector.shape_cast %broadcast_in_dim3A_0 : vector<16xf32> to vector<1x16xf32>
        tpu.vector_store %arg6[%swap3A_1118, %swap3A_1119], %swap3A_1122 {strides = array<i32>} : memref<8x2048xf32, #tpu.memory_space<vmem>>, vector<1x16xf32>,
        %mul3A_1123 = arith.constant 64 : i32
        %mul3A_1124 = arith.muli %scan3A_1105, %mul3A_1123 : i32
        %add3A_1125 = arith.constant 32 : i32
        %add3A_1126 = arith.addi %mul3A_1124, %add3A_1125 : i32
        %swap3A_1127 = arith.constant 2 : i32
        %swap3A_1128 = arith.index_cast %swap3A_1127 : i32 to index
        %swap3A_1129 = arith.index_cast %add3A_1126 : i32 to index
        %swap3A_1130 = tpu.vector_load %arg6[%swap3A_1128, %swap3A_1129] {strides = array<i32>} : memref<8x2048xf32, #tpu.memory_space<vmem>>, vector<1x16xf32>,
        %swap3A_1131 = vector.shape_cast %swap3A_1130 : vector<1x16xf32> to vector<16xf32>
        %swap3A_1132 = vector.shape_cast %broadcast_in_dim3A_0 : vector<16xf32> to vector<1x16xf32>
        tpu.vector_store %arg6[%swap3A_1128, %swap3A_1129], %swap3A_1132 {strides = array<i32>} : memref<8x2048xf32, #tpu.memory_space<vmem>>, vector<1x16xf32>,
        %mul3A_1133 = arith.constant 64 : i32
        %mul3A_1134 = arith.muli %scan3A_1105, %mul3A_1133 : i32
        %add3A_1135 = arith.constant 48 : i32
        %add3A_1136 = arith.addi %mul3A_1134, %add3A_1135 : i32
        %swap3A_1137 = arith.constant 2 : i32
        %swap3A_1138 = arith.index_cast %swap3A_1137 : i32 to index
        %swap3A_1139 = arith.index_cast %add3A_1136 : i32 to index
        %swap3A_1140 = tpu.vector_load %arg6[%swap3A_1138, %swap3A_1139] {strides = array<i32>} : memref<8x2048xf32, #tpu.memory_space<vmem>>, vector<1x16xf32>,
        %swap3A_1141 = vector.shape_cast %swap3A_1140 : vector<1x16xf32> to vector<16xf32>
        %swap3A_1142 = vector.shape_cast %broadcast_in_dim3A_0 : vector<16xf32> to vector<1x16xf32>
        tpu.vector_store %arg6[%swap3A_1138, %swap3A_1139], %swap3A_1142 {strides = array<i32>} : memref<8x2048xf32, #tpu.memory_space<vmem>>, vector<1x16xf32>,
      }
      %scan3A_582 = arith.constant 32 : i32
      %add3A_583 = arith.constant 128 : i32
      %add3A_584 = arith.addi %add3A_14, %add3A_583 : i32
      %dma_start3A_585 = arith.constant 0 : i32
      %dma_start3A_586 = tpu.memref_slice %arg3[%add3A_584, %dma_start3A_585] : memref<8192x2048xf32, #tpu.memory_space<hbm>> -> memref<8x2048xf32, #tpu.memory_space<hbm>>
      %dma_start3A_587 = arith.constant 0 : i32
      %dma_start3A_588 = tpu.memref_slice %arg3[%add3A_584, %dma_start3A_587] : memref<8192x2048xf32, #tpu.memory_space<hbm>> -> memref<8x2048xf32, #tpu.memory_space<hbm>>
      tpu.enqueue_dma source(%arg6 : memref<8x2048xf32, #tpu.memory_space<vmem>>) target(%dma_start3A_588 : memref<8x2048xf32, #tpu.memory_space<hbm>>) target_semaphore(%arg16 : memref<!tpu.dma_semaphore, #tpu.memory_space<semaphore_mem>>)
      %dma_wait3A_589 = arith.constant 0 : i32
      %dma_wait3A_590 = tpu.memref_slice %arg3[%add3A_556, %dma_wait3A_589] : memref<8192x2048xf32, #tpu.memory_space<hbm>> -> memref<8x2048xf32, #tpu.memory_space<hbm>>
      %dma_wait3A_591 = arith.constant 0 : i32
      %dma_wait3A_592 = arith.constant 0 : i32
      %dma_wait3A_593 = tpu.memref_slice %arg8[%arg1, %dma_wait3A_591, %dma_wait3A_592] : memref<16x8x2048xf32, #tpu.memory_space<vmem_shared>> -> memref<1x8x2048xf32, #tpu.memory_space<vmem_shared>>
      %dma_wait3A_594 = tpu.memref_squeeze %dma_wait3A_593 : memref<1x8x2048xf32, #tpu.memory_space<vmem_shared>> -> memref<8x2048xf32, #tpu.memory_space<vmem_shared>>
      tpu.wait_dma2 semaphore(%arg21 : memref<!tpu.dma_semaphore, #tpu.memory_space<semaphore_mem>>) src(%dma_wait3A_594 : memref<8x2048xf32, #tpu.memory_space<vmem_shared>>) dst(%dma_wait3A_590 : memref<8x2048xf32, #tpu.memory_space<hbm>>)
      %add3A_595 = arith.constant 168 : i32
      %add3A_596 = arith.addi %add3A_14, %add3A_595 : i32
      %dma_start3A_597 = arith.constant 0 : i32
      %dma_start3A_598 = arith.constant 0 : i32
      %dma_start3A_599 = tpu.memref_slice %arg8[%arg1, %dma_start3A_597, %dma_start3A_598] : memref<16x8x2048xf32, #tpu.memory_space<vmem_shared>> -> memref<1x8x2048xf32, #tpu.memory_space<vmem_shared>>
      %dma_start3A_600 = tpu.memref_squeeze %dma_start3A_599 : memref<1x8x2048xf32, #tpu.memory_space<vmem_shared>> -> memref<8x2048xf32, #tpu.memory_space<vmem_shared>>
      %dma_start3A_601 = arith.constant 0 : i32
      %dma_start3A_602 = tpu.memref_slice %arg2[%add3A_596, %dma_start3A_601] : memref<8192x2048xf32, #tpu.memory_space<hbm>> -> memref<8x2048xf32, #tpu.memory_space<hbm>>
      tpu.enqueue_dma source(%dma_start3A_602 : memref<8x2048xf32, #tpu.memory_space<hbm>>) target(%dma_start3A_600 : memref<8x2048xf32, #tpu.memory_space<vmem_shared>>) target_semaphore(%arg18 : memref<!tpu.dma_semaphore, #tpu.memory_space<semaphore_mem>>)
      %dma_wait3A_603 = arith.constant 0 : i32
      %dma_wait3A_604 = arith.constant 0 : i32
      %dma_wait3A_605 = tpu.memref_slice %arg9[%arg1, %dma_wait3A_603, %dma_wait3A_604] : memref<16x8x2048xf32, #tpu.memory_space<vmem_shared>> -> memref<1x8x2048xf32, #tpu.memory_space<vmem_shared>>
      %dma_wait3A_606 = tpu.memref_squeeze %dma_wait3A_605 : memref<1x8x2048xf32, #tpu.memory_space<vmem_shared>> -> memref<8x2048xf32, #tpu.memory_space<vmem_shared>>
      %dma_wait3A_607 = arith.constant 0 : i32
      %dma_wait3A_608 = tpu.memref_slice %arg2[%add3A_448, %dma_wait3A_607] : memref<8192x2048xf32, #tpu.memory_space<hbm>> -> memref<8x2048xf32, #tpu.memory_space<hbm>>
      tpu.wait_dma2 semaphore(%arg19 : memref<!tpu.dma_semaphore, #tpu.memory_space<semaphore_mem>>) src(%dma_wait3A_608 : memref<8x2048xf32, #tpu.memory_space<hbm>>) dst(%dma_wait3A_606 : memref<8x2048xf32, #tpu.memory_space<vmem_shared>>)
      %dma_start3A_609 = arith.constant 0 : i32
      %dma_start3A_610 = arith.constant 0 : i32
      %dma_start3A_611 = tpu.memref_slice %arg9[%arg1, %dma_start3A_609, %dma_start3A_610] : memref<16x8x2048xf32, #tpu.memory_space<vmem_shared>> -> memref<1x8x2048xf32, #tpu.memory_space<vmem_shared>>
      %dma_start3A_612 = tpu.memref_squeeze %dma_start3A_611 : memref<1x8x2048xf32, #tpu.memory_space<vmem_shared>> -> memref<8x2048xf32, #tpu.memory_space<vmem_shared>>
      %dma_start3A_613 = arith.constant 3 : i32
      %dma_start3A_614 = arith.constant 0 : i32
      %dma_start3A_615 = tpu.memref_slice %dma_start3A_612[%dma_start3A_613, %dma_start3A_614] : memref<8x2048xf32, #tpu.memory_space<vmem_shared>> -> memref<1x2048xf32, #tpu.memory_space<vmem_shared>>
      %dma_start3A_616 = arith.constant 0 : i32
      %dma_start3A_617 = arith.constant 0 : i32
      %dma_start3A_618 = tpu.memref_slice %arg9[%arg1, %dma_start3A_616, %dma_start3A_617] : memref<16x8x2048xf32, #tpu.memory_space<vmem_shared>> -> memref<1x8x2048xf32, #tpu.memory_space<vmem_shared>>
      %dma_start3A_619 = tpu.memref_squeeze %dma_start3A_618 : memref<1x8x2048xf32, #tpu.memory_space<vmem_shared>> -> memref<8x2048xf32, #tpu.memory_space<vmem_shared>>
      %dma_start3A_620 = arith.constant 3 : i32
      %dma_start3A_621 = arith.constant 0 : i32
      %dma_start3A_622 = tpu.memref_slice %dma_start3A_619[%dma_start3A_620, %dma_start3A_621] : memref<8x2048xf32, #tpu.memory_space<vmem_shared>> -> memref<1x2048xf32, #tpu.memory_space<vmem_shared>>
      tpu.enqueue_dma source(%arg10 : memref<1x2048xf32, #tpu.memory_space<vmem>>) target(%dma_start3A_622 : memref<1x2048xf32, #tpu.memory_space<vmem_shared>>) target_semaphore(%arg23 : memref<!tpu.dma_semaphore, #tpu.memory_space<semaphore_mem>>)
      %dma_wait3A_623 = arith.constant 0 : i32
      %dma_wait3A_624 = arith.constant 0 : i32
      %dma_wait3A_625 = tpu.memref_slice %arg9[%arg1, %dma_wait3A_623, %dma_wait3A_624] : memref<16x8x2048xf32, #tpu.memory_space<vmem_shared>> -> memref<1x8x2048xf32, #tpu.memory_space<vmem_shared>>
      %dma_wait3A_626 = tpu.memref_squeeze %dma_wait3A_625 : memref<1x8x2048xf32, #tpu.memory_space<vmem_shared>> -> memref<8x2048xf32, #tpu.memory_space<vmem_shared>>
      %dma_wait3A_627 = arith.constant 3 : i32
      %dma_wait3A_628 = arith.constant 0 : i32
      %dma_wait3A_629 = tpu.memref_slice %dma_wait3A_626[%dma_wait3A_627, %dma_wait3A_628] : memref<8x2048xf32, #tpu.memory_space<vmem_shared>> -> memref<1x2048xf32, #tpu.memory_space<vmem_shared>>
      %dma_wait3A_630 = arith.constant 0 : i32
      %dma_wait3A_631 = arith.constant 0 : i32
      %dma_wait3A_632 = tpu.memref_slice %arg9[%arg1, %dma_wait3A_630, %dma_wait3A_631] : memref<16x8x2048xf32, #tpu.memory_space<vmem_shared>> -> memref<1x8x2048xf32, #tpu.memory_space<vmem_shared>>
      %dma_wait3A_633 = tpu.memref_squeeze %dma_wait3A_632 : memref<1x8x2048xf32, #tpu.memory_space<vmem_shared>> -> memref<8x2048xf32, #tpu.memory_space<vmem_shared>>
      %dma_wait3A_634 = arith.constant 3 : i32
      %dma_wait3A_635 = arith.constant 0 : i32
      %dma_wait3A_636 = tpu.memref_slice %dma_wait3A_633[%dma_wait3A_634, %dma_wait3A_635] : memref<8x2048xf32, #tpu.memory_space<vmem_shared>> -> memref<1x2048xf32, #tpu.memory_space<vmem_shared>>
      tpu.wait_dma2 semaphore(%arg23 : memref<!tpu.dma_semaphore, #tpu.memory_space<semaphore_mem>>) src(%arg10 : memref<1x2048xf32, #tpu.memory_space<vmem>>) dst(%dma_wait3A_636 : memref<1x2048xf32, #tpu.memory_space<vmem_shared>>)
      %add3A_637 = arith.constant 136 : i32
      %add3A_638 = arith.addi %add3A_14, %add3A_637 : i32
      %dma_start3A_639 = arith.constant 0 : i32
      %dma_start3A_640 = tpu.memref_slice %arg3[%add3A_638, %dma_start3A_639] : memref<8192x2048xf32, #tpu.memory_space<hbm>> -> memref<8x2048xf32, #tpu.memory_space<hbm>>
      %dma_start3A_641 = arith.constant 0 : i32
      %dma_start3A_642 = arith.constant 0 : i32
      %dma_start3A_643 = tpu.memref_slice %arg9[%arg1, %dma_start3A_641, %dma_start3A_642] : memref<16x8x2048xf32, #tpu.memory_space<vmem_shared>> -> memref<1x8x2048xf32, #tpu.memory_space<vmem_shared>>
      %dma_start3A_644 = tpu.memref_squeeze %dma_start3A_643 : memref<1x8x2048xf32, #tpu.memory_space<vmem_shared>> -> memref<8x2048xf32, #tpu.memory_space<vmem_shared>>
      tpu.enqueue_dma source(%dma_start3A_644 : memref<8x2048xf32, #tpu.memory_space<vmem_shared>>) target(%dma_start3A_640 : memref<8x2048xf32, #tpu.memory_space<hbm>>) target_semaphore(%arg22 : memref<!tpu.dma_semaphore, #tpu.memory_space<semaphore_mem>>)
      %dma_wait3A_645 = arith.constant 0 : i32
      %dma_wait3A_646 = tpu.memref_slice %arg3[%add3A_584, %dma_wait3A_645] : memref<8192x2048xf32, #tpu.memory_space<hbm>> -> memref<8x2048xf32, #tpu.memory_space<hbm>>
      %dma_wait3A_647 = arith.constant 0 : i32
      %dma_wait3A_648 = tpu.memref_slice %arg3[%add3A_584, %dma_wait3A_647] : memref<8192x2048xf32, #tpu.memory_space<hbm>> -> memref<8x2048xf32, #tpu.memory_space<hbm>>
      tpu.wait_dma2 semaphore(%arg16 : memref<!tpu.dma_semaphore, #tpu.memory_space<semaphore_mem>>) src(%arg6 : memref<8x2048xf32, #tpu.memory_space<vmem>>) dst(%dma_wait3A_648 : memref<8x2048xf32, #tpu.memory_space<hbm>>)
      %add3A_649 = arith.constant 176 : i32
      %add3A_650 = arith.addi %add3A_14, %add3A_649 : i32
      %dma_start3A_651 = arith.constant 0 : i32
      %dma_start3A_652 = tpu.memref_slice %arg2[%add3A_650, %dma_start3A_651] : memref<8192x2048xf32, #tpu.memory_space<hbm>> -> memref<8x2048xf32, #tpu.memory_space<hbm>>
      %dma_start3A_653 = arith.constant 0 : i32
      %dma_start3A_654 = tpu.memref_slice %arg2[%add3A_650, %dma_start3A_653] : memref<8192x2048xf32, #tpu.memory_space<hbm>> -> memref<8x2048xf32, #tpu.memory_space<hbm>>
      tpu.enqueue_dma source(%dma_start3A_654 : memref<8x2048xf32, #tpu.memory_space<hbm>>) target(%arg6 : memref<8x2048xf32, #tpu.memory_space<vmem>>) target_semaphore(%arg13 : memref<!tpu.dma_semaphore, #tpu.memory_space<semaphore_mem>>)
      %dma_wait3A_655 = arith.constant 0 : i32
      %dma_wait3A_656 = tpu.memref_slice %arg2[%add3A_474, %dma_wait3A_655] : memref<8192x2048xf32, #tpu.memory_space<hbm>> -> memref<8x2048xf32, #tpu.memory_space<hbm>>
      %dma_wait3A_657 = arith.constant 0 : i32
      %dma_wait3A_658 = tpu.memref_slice %arg2[%add3A_474, %dma_wait3A_657] : memref<8192x2048xf32, #tpu.memory_space<hbm>> -> memref<8x2048xf32, #tpu.memory_space<hbm>>
      tpu.wait_dma2 semaphore(%arg11 : memref<!tpu.dma_semaphore, #tpu.memory_space<semaphore_mem>>) src(%dma_wait3A_658 : memref<8x2048xf32, #tpu.memory_space<hbm>>) dst(%arg4 : memref<8x2048xf32, #tpu.memory_space<vmem>>)
      %scan3A_659 = arith.constant 0 : i32
      %scan3A_660 = arith.constant 0 : i32
      %scan3A_661 = arith.constant 32 : i32
      %scan3A_662 = arith.addi %scan3A_660, %scan3A_661 : i32
      %scan3A_663 = arith.constant 1 : i32
      scf.for %scan3A_1105 = %scan3A_660 to %scan3A_662 step %scan3A_663  : i32 {
        %mul3A_1106 = arith.constant 64 : i32
        %mul3A_1107 = arith.muli %scan3A_1105, %mul3A_1106 : i32
        %swap3A = arith.constant 0 : i32
        %swap3A_1108 = arith.index_cast %swap3A : i32 to index
        %swap3A_1109 = arith.index_cast %mul3A_1107 : i32 to index
        %swap3A_1110 = tpu.vector_load %arg4[%swap3A_1108, %swap3A_1109] {strides = array<i32>} : memref<8x2048xf32, #tpu.memory_space<vmem>>, vector<1x16xf32>,
        %swap3A_1111 = vector.shape_cast %swap3A_1110 : vector<1x16xf32> to vector<16xf32>
        %swap3A_1112 = vector.shape_cast %broadcast_in_dim3A_0 : vector<16xf32> to vector<1x16xf32>
        tpu.vector_store %arg4[%swap3A_1108, %swap3A_1109], %swap3A_1112 {strides = array<i32>} : memref<8x2048xf32, #tpu.memory_space<vmem>>, vector<1x16xf32>,
        %mul3A_1113 = arith.constant 64 : i32
        %mul3A_1114 = arith.muli %scan3A_1105, %mul3A_1113 : i32
        %add3A_1115 = arith.constant 16 : i32
        %add3A_1116 = arith.addi %mul3A_1114, %add3A_1115 : i32
        %swap3A_1117 = arith.constant 0 : i32
        %swap3A_1118 = arith.index_cast %swap3A_1117 : i32 to index
        %swap3A_1119 = arith.index_cast %add3A_1116 : i32 to index
        %swap3A_1120 = tpu.vector_load %arg4[%swap3A_1118, %swap3A_1119] {strides = array<i32>} : memref<8x2048xf32, #tpu.memory_space<vmem>>, vector<1x16xf32>,
        %swap3A_1121 = vector.shape_cast %swap3A_1120 : vector<1x16xf32> to vector<16xf32>
        %swap3A_1122 = vector.shape_cast %broadcast_in_dim3A_0 : vector<16xf32> to vector<1x16xf32>
        tpu.vector_store %arg4[%swap3A_1118, %swap3A_1119], %swap3A_1122 {strides = array<i32>} : memref<8x2048xf32, #tpu.memory_space<vmem>>, vector<1x16xf32>,
        %mul3A_1123 = arith.constant 64 : i32
        %mul3A_1124 = arith.muli %scan3A_1105, %mul3A_1123 : i32
        %add3A_1125 = arith.constant 32 : i32
        %add3A_1126 = arith.addi %mul3A_1124, %add3A_1125 : i32
        %swap3A_1127 = arith.constant 0 : i32
        %swap3A_1128 = arith.index_cast %swap3A_1127 : i32 to index
        %swap3A_1129 = arith.index_cast %add3A_1126 : i32 to index
        %swap3A_1130 = tpu.vector_load %arg4[%swap3A_1128, %swap3A_1129] {strides = array<i32>} : memref<8x2048xf32, #tpu.memory_space<vmem>>, vector<1x16xf32>,
        %swap3A_1131 = vector.shape_cast %swap3A_1130 : vector<1x16xf32> to vector<16xf32>
        %swap3A_1132 = vector.shape_cast %broadcast_in_dim3A_0 : vector<16xf32> to vector<1x16xf32>
        tpu.vector_store %arg4[%swap3A_1128, %swap3A_1129], %swap3A_1132 {strides = array<i32>} : memref<8x2048xf32, #tpu.memory_space<vmem>>, vector<1x16xf32>,
        %mul3A_1133 = arith.constant 64 : i32
        %mul3A_1134 = arith.muli %scan3A_1105, %mul3A_1133 : i32
        %add3A_1135 = arith.constant 48 : i32
        %add3A_1136 = arith.addi %mul3A_1134, %add3A_1135 : i32
        %swap3A_1137 = arith.constant 0 : i32
        %swap3A_1138 = arith.index_cast %swap3A_1137 : i32 to index
        %swap3A_1139 = arith.index_cast %add3A_1136 : i32 to index
        %swap3A_1140 = tpu.vector_load %arg4[%swap3A_1138, %swap3A_1139] {strides = array<i32>} : memref<8x2048xf32, #tpu.memory_space<vmem>>, vector<1x16xf32>,
        %swap3A_1141 = vector.shape_cast %swap3A_1140 : vector<1x16xf32> to vector<16xf32>
        %swap3A_1142 = vector.shape_cast %broadcast_in_dim3A_0 : vector<16xf32> to vector<1x16xf32>
        tpu.vector_store %arg4[%swap3A_1138, %swap3A_1139], %swap3A_1142 {strides = array<i32>} : memref<8x2048xf32, #tpu.memory_space<vmem>>, vector<1x16xf32>,
      }
      %scan3A_664 = arith.constant 32 : i32
      %scan3A_665 = arith.constant 0 : i32
      %scan3A_666 = arith.constant 0 : i32
      %scan3A_667 = arith.constant 32 : i32
      %scan3A_668 = arith.addi %scan3A_666, %scan3A_667 : i32
      %scan3A_669 = arith.constant 1 : i32
      scf.for %scan3A_1105 = %scan3A_666 to %scan3A_668 step %scan3A_669  : i32 {
        %mul3A_1106 = arith.constant 64 : i32
        %mul3A_1107 = arith.muli %scan3A_1105, %mul3A_1106 : i32
        %swap3A = arith.constant 4 : i32
        %swap3A_1108 = arith.index_cast %swap3A : i32 to index
        %swap3A_1109 = arith.index_cast %mul3A_1107 : i32 to index
        %swap3A_1110 = tpu.vector_load %arg4[%swap3A_1108, %swap3A_1109] {strides = array<i32>} : memref<8x2048xf32, #tpu.memory_space<vmem>>, vector<1x16xf32>,
        %swap3A_1111 = vector.shape_cast %swap3A_1110 : vector<1x16xf32> to vector<16xf32>
        %swap3A_1112 = vector.shape_cast %broadcast_in_dim3A_0 : vector<16xf32> to vector<1x16xf32>
        tpu.vector_store %arg4[%swap3A_1108, %swap3A_1109], %swap3A_1112 {strides = array<i32>} : memref<8x2048xf32, #tpu.memory_space<vmem>>, vector<1x16xf32>,
        %mul3A_1113 = arith.constant 64 : i32
        %mul3A_1114 = arith.muli %scan3A_1105, %mul3A_1113 : i32
        %add3A_1115 = arith.constant 16 : i32
        %add3A_1116 = arith.addi %mul3A_1114, %add3A_1115 : i32
        %swap3A_1117 = arith.constant 4 : i32
        %swap3A_1118 = arith.index_cast %swap3A_1117 : i32 to index
        %swap3A_1119 = arith.index_cast %add3A_1116 : i32 to index
        %swap3A_1120 = tpu.vector_load %arg4[%swap3A_1118, %swap3A_1119] {strides = array<i32>} : memref<8x2048xf32, #tpu.memory_space<vmem>>, vector<1x16xf32>,
        %swap3A_1121 = vector.shape_cast %swap3A_1120 : vector<1x16xf32> to vector<16xf32>
        %swap3A_1122 = vector.shape_cast %broadcast_in_dim3A_0 : vector<16xf32> to vector<1x16xf32>
        tpu.vector_store %arg4[%swap3A_1118, %swap3A_1119], %swap3A_1122 {strides = array<i32>} : memref<8x2048xf32, #tpu.memory_space<vmem>>, vector<1x16xf32>,
        %mul3A_1123 = arith.constant 64 : i32
        %mul3A_1124 = arith.muli %scan3A_1105, %mul3A_1123 : i32
        %add3A_1125 = arith.constant 32 : i32
        %add3A_1126 = arith.addi %mul3A_1124, %add3A_1125 : i32
        %swap3A_1127 = arith.constant 4 : i32
        %swap3A_1128 = arith.index_cast %swap3A_1127 : i32 to index
        %swap3A_1129 = arith.index_cast %add3A_1126 : i32 to index
        %swap3A_1130 = tpu.vector_load %arg4[%swap3A_1128, %swap3A_1129] {strides = array<i32>} : memref<8x2048xf32, #tpu.memory_space<vmem>>, vector<1x16xf32>,
        %swap3A_1131 = vector.shape_cast %swap3A_1130 : vector<1x16xf32> to vector<16xf32>
        %swap3A_1132 = vector.shape_cast %broadcast_in_dim3A_0 : vector<16xf32> to vector<1x16xf32>
        tpu.vector_store %arg4[%swap3A_1128, %swap3A_1129], %swap3A_1132 {strides = array<i32>} : memref<8x2048xf32, #tpu.memory_space<vmem>>, vector<1x16xf32>,
        %mul3A_1133 = arith.constant 64 : i32
        %mul3A_1134 = arith.muli %scan3A_1105, %mul3A_1133 : i32
        %add3A_1135 = arith.constant 48 : i32
        %add3A_1136 = arith.addi %mul3A_1134, %add3A_1135 : i32
        %swap3A_1137 = arith.constant 4 : i32
        %swap3A_1138 = arith.index_cast %swap3A_1137 : i32 to index
        %swap3A_1139 = arith.index_cast %add3A_1136 : i32 to index
        %swap3A_1140 = tpu.vector_load %arg4[%swap3A_1138, %swap3A_1139] {strides = array<i32>} : memref<8x2048xf32, #tpu.memory_space<vmem>>, vector<1x16xf32>,
        %swap3A_1141 = vector.shape_cast %swap3A_1140 : vector<1x16xf32> to vector<16xf32>
        %swap3A_1142 = vector.shape_cast %broadcast_in_dim3A_0 : vector<16xf32> to vector<1x16xf32>
        tpu.vector_store %arg4[%swap3A_1138, %swap3A_1139], %swap3A_1142 {strides = array<i32>} : memref<8x2048xf32, #tpu.memory_space<vmem>>, vector<1x16xf32>,
      }
      %scan3A_670 = arith.constant 32 : i32
      %add3A_671 = arith.constant 144 : i32
      %add3A_672 = arith.addi %add3A_14, %add3A_671 : i32
      %dma_start3A_673 = arith.constant 0 : i32
      %dma_start3A_674 = tpu.memref_slice %arg3[%add3A_672, %dma_start3A_673] : memref<8192x2048xf32, #tpu.memory_space<hbm>> -> memref<8x2048xf32, #tpu.memory_space<hbm>>
      %dma_start3A_675 = arith.constant 0 : i32
      %dma_start3A_676 = tpu.memref_slice %arg3[%add3A_672, %dma_start3A_675] : memref<8192x2048xf32, #tpu.memory_space<hbm>> -> memref<8x2048xf32, #tpu.memory_space<hbm>>
      tpu.enqueue_dma source(%arg4 : memref<8x2048xf32, #tpu.memory_space<vmem>>) target(%dma_start3A_676 : memref<8x2048xf32, #tpu.memory_space<hbm>>) target_semaphore(%arg14 : memref<!tpu.dma_semaphore, #tpu.memory_space<semaphore_mem>>)
      %dma_wait3A_677 = arith.constant 0 : i32
      %dma_wait3A_678 = tpu.memref_slice %arg3[%add3A_638, %dma_wait3A_677] : memref<8192x2048xf32, #tpu.memory_space<hbm>> -> memref<8x2048xf32, #tpu.memory_space<hbm>>
      %dma_wait3A_679 = arith.constant 0 : i32
      %dma_wait3A_680 = arith.constant 0 : i32
      %dma_wait3A_681 = tpu.memref_slice %arg9[%arg1, %dma_wait3A_679, %dma_wait3A_680] : memref<16x8x2048xf32, #tpu.memory_space<vmem_shared>> -> memref<1x8x2048xf32, #tpu.memory_space<vmem_shared>>
      %dma_wait3A_682 = tpu.memref_squeeze %dma_wait3A_681 : memref<1x8x2048xf32, #tpu.memory_space<vmem_shared>> -> memref<8x2048xf32, #tpu.memory_space<vmem_shared>>
      tpu.wait_dma2 semaphore(%arg22 : memref<!tpu.dma_semaphore, #tpu.memory_space<semaphore_mem>>) src(%dma_wait3A_682 : memref<8x2048xf32, #tpu.memory_space<vmem_shared>>) dst(%dma_wait3A_678 : memref<8x2048xf32, #tpu.memory_space<hbm>>)
      %add3A_683 = arith.constant 184 : i32
      %add3A_684 = arith.addi %add3A_14, %add3A_683 : i32
      %dma_start3A_685 = arith.constant 0 : i32
      %dma_start3A_686 = arith.constant 0 : i32
      %dma_start3A_687 = tpu.memref_slice %arg9[%arg1, %dma_start3A_685, %dma_start3A_686] : memref<16x8x2048xf32, #tpu.memory_space<vmem_shared>> -> memref<1x8x2048xf32, #tpu.memory_space<vmem_shared>>
      %dma_start3A_688 = tpu.memref_squeeze %dma_start3A_687 : memref<1x8x2048xf32, #tpu.memory_space<vmem_shared>> -> memref<8x2048xf32, #tpu.memory_space<vmem_shared>>
      %dma_start3A_689 = arith.constant 0 : i32
      %dma_start3A_690 = tpu.memref_slice %arg2[%add3A_684, %dma_start3A_689] : memref<8192x2048xf32, #tpu.memory_space<hbm>> -> memref<8x2048xf32, #tpu.memory_space<hbm>>
      tpu.enqueue_dma source(%dma_start3A_690 : memref<8x2048xf32, #tpu.memory_space<hbm>>) target(%dma_start3A_688 : memref<8x2048xf32, #tpu.memory_space<vmem_shared>>) target_semaphore(%arg19 : memref<!tpu.dma_semaphore, #tpu.memory_space<semaphore_mem>>)
      %dma_wait3A_691 = arith.constant 0 : i32
      %dma_wait3A_692 = arith.constant 0 : i32
      %dma_wait3A_693 = tpu.memref_slice %arg7[%arg1, %dma_wait3A_691, %dma_wait3A_692] : memref<16x8x2048xf32, #tpu.memory_space<vmem_shared>> -> memref<1x8x2048xf32, #tpu.memory_space<vmem_shared>>
      %dma_wait3A_694 = tpu.memref_squeeze %dma_wait3A_693 : memref<1x8x2048xf32, #tpu.memory_space<vmem_shared>> -> memref<8x2048xf32, #tpu.memory_space<vmem_shared>>
      %dma_wait3A_695 = arith.constant 0 : i32
      %dma_wait3A_696 = tpu.memref_slice %arg2[%add3A_514, %dma_wait3A_695] : memref<8192x2048xf32, #tpu.memory_space<hbm>> -> memref<8x2048xf32, #tpu.memory_space<hbm>>
      tpu.wait_dma2 semaphore(%arg17 : memref<!tpu.dma_semaphore, #tpu.memory_space<semaphore_mem>>) src(%dma_wait3A_696 : memref<8x2048xf32, #tpu.memory_space<hbm>>) dst(%dma_wait3A_694 : memref<8x2048xf32, #tpu.memory_space<vmem_shared>>)
      %dma_start3A_697 = arith.constant 0 : i32
      %dma_start3A_698 = arith.constant 0 : i32
      %dma_start3A_699 = tpu.memref_slice %arg7[%arg1, %dma_start3A_697, %dma_start3A_698] : memref<16x8x2048xf32, #tpu.memory_space<vmem_shared>> -> memref<1x8x2048xf32, #tpu.memory_space<vmem_shared>>
      %dma_start3A_700 = tpu.memref_squeeze %dma_start3A_699 : memref<1x8x2048xf32, #tpu.memory_space<vmem_shared>> -> memref<8x2048xf32, #tpu.memory_space<vmem_shared>>
      %dma_start3A_701 = arith.constant 0 : i32
      %dma_start3A_702 = arith.constant 0 : i32
      %dma_start3A_703 = tpu.memref_slice %dma_start3A_700[%dma_start3A_701, %dma_start3A_702] : memref<8x2048xf32, #tpu.memory_space<vmem_shared>> -> memref<1x2048xf32, #tpu.memory_space<vmem_shared>>
      %dma_start3A_704 = arith.constant 0 : i32
      %dma_start3A_705 = arith.constant 0 : i32
      %dma_start3A_706 = tpu.memref_slice %arg7[%arg1, %dma_start3A_704, %dma_start3A_705] : memref<16x8x2048xf32, #tpu.memory_space<vmem_shared>> -> memref<1x8x2048xf32, #tpu.memory_space<vmem_shared>>
      %dma_start3A_707 = tpu.memref_squeeze %dma_start3A_706 : memref<1x8x2048xf32, #tpu.memory_space<vmem_shared>> -> memref<8x2048xf32, #tpu.memory_space<vmem_shared>>
      %dma_start3A_708 = arith.constant 0 : i32
      %dma_start3A_709 = arith.constant 0 : i32
      %dma_start3A_710 = tpu.memref_slice %dma_start3A_707[%dma_start3A_708, %dma_start3A_709] : memref<8x2048xf32, #tpu.memory_space<vmem_shared>> -> memref<1x2048xf32, #tpu.memory_space<vmem_shared>>
      tpu.enqueue_dma source(%arg10 : memref<1x2048xf32, #tpu.memory_space<vmem>>) target(%dma_start3A_710 : memref<1x2048xf32, #tpu.memory_space<vmem_shared>>) target_semaphore(%arg23 : memref<!tpu.dma_semaphore, #tpu.memory_space<semaphore_mem>>)
      %dma_wait3A_711 = arith.constant 0 : i32
      %dma_wait3A_712 = arith.constant 0 : i32
      %dma_wait3A_713 = tpu.memref_slice %arg7[%arg1, %dma_wait3A_711, %dma_wait3A_712] : memref<16x8x2048xf32, #tpu.memory_space<vmem_shared>> -> memref<1x8x2048xf32, #tpu.memory_space<vmem_shared>>
      %dma_wait3A_714 = tpu.memref_squeeze %dma_wait3A_713 : memref<1x8x2048xf32, #tpu.memory_space<vmem_shared>> -> memref<8x2048xf32, #tpu.memory_space<vmem_shared>>
      %dma_wait3A_715 = arith.constant 0 : i32
      %dma_wait3A_716 = arith.constant 0 : i32
      %dma_wait3A_717 = tpu.memref_slice %dma_wait3A_714[%dma_wait3A_715, %dma_wait3A_716] : memref<8x2048xf32, #tpu.memory_space<vmem_shared>> -> memref<1x2048xf32, #tpu.memory_space<vmem_shared>>
      %dma_wait3A_718 = arith.constant 0 : i32
      %dma_wait3A_719 = arith.constant 0 : i32
      %dma_wait3A_720 = tpu.memref_slice %arg7[%arg1, %dma_wait3A_718, %dma_wait3A_719] : memref<16x8x2048xf32, #tpu.memory_space<vmem_shared>> -> memref<1x8x2048xf32, #tpu.memory_space<vmem_shared>>
      %dma_wait3A_721 = tpu.memref_squeeze %dma_wait3A_720 : memref<1x8x2048xf32, #tpu.memory_space<vmem_shared>> -> memref<8x2048xf32, #tpu.memory_space<vmem_shared>>
      %dma_wait3A_722 = arith.constant 0 : i32
      %dma_wait3A_723 = arith.constant 0 : i32
      %dma_wait3A_724 = tpu.memref_slice %dma_wait3A_721[%dma_wait3A_722, %dma_wait3A_723] : memref<8x2048xf32, #tpu.memory_space<vmem_shared>> -> memref<1x2048xf32, #tpu.memory_space<vmem_shared>>
      tpu.wait_dma2 semaphore(%arg23 : memref<!tpu.dma_semaphore, #tpu.memory_space<semaphore_mem>>) src(%arg10 : memref<1x2048xf32, #tpu.memory_space<vmem>>) dst(%dma_wait3A_724 : memref<1x2048xf32, #tpu.memory_space<vmem_shared>>)
      %add3A_725 = arith.constant 152 : i32
      %add3A_726 = arith.addi %add3A_14, %add3A_725 : i32
      %dma_start3A_727 = arith.constant 0 : i32
      %dma_start3A_728 = tpu.memref_slice %arg3[%add3A_726, %dma_start3A_727] : memref<8192x2048xf32, #tpu.memory_space<hbm>> -> memref<8x2048xf32, #tpu.memory_space<hbm>>
      %dma_start3A_729 = arith.constant 0 : i32
      %dma_start3A_730 = arith.constant 0 : i32
      %dma_start3A_731 = tpu.memref_slice %arg7[%arg1, %dma_start3A_729, %dma_start3A_730] : memref<16x8x2048xf32, #tpu.memory_space<vmem_shared>> -> memref<1x8x2048xf32, #tpu.memory_space<vmem_shared>>
      %dma_start3A_732 = tpu.memref_squeeze %dma_start3A_731 : memref<1x8x2048xf32, #tpu.memory_space<vmem_shared>> -> memref<8x2048xf32, #tpu.memory_space<vmem_shared>>
      tpu.enqueue_dma source(%dma_start3A_732 : memref<8x2048xf32, #tpu.memory_space<vmem_shared>>) target(%dma_start3A_728 : memref<8x2048xf32, #tpu.memory_space<hbm>>) target_semaphore(%arg20 : memref<!tpu.dma_semaphore, #tpu.memory_space<semaphore_mem>>)
      %dma_wait3A_733 = arith.constant 0 : i32
      %dma_wait3A_734 = tpu.memref_slice %arg3[%add3A_672, %dma_wait3A_733] : memref<8192x2048xf32, #tpu.memory_space<hbm>> -> memref<8x2048xf32, #tpu.memory_space<hbm>>
      %dma_wait3A_735 = arith.constant 0 : i32
      %dma_wait3A_736 = tpu.memref_slice %arg3[%add3A_672, %dma_wait3A_735] : memref<8192x2048xf32, #tpu.memory_space<hbm>> -> memref<8x2048xf32, #tpu.memory_space<hbm>>
      tpu.wait_dma2 semaphore(%arg14 : memref<!tpu.dma_semaphore, #tpu.memory_space<semaphore_mem>>) src(%arg4 : memref<8x2048xf32, #tpu.memory_space<vmem>>) dst(%dma_wait3A_736 : memref<8x2048xf32, #tpu.memory_space<hbm>>)
      %add3A_737 = arith.constant 192 : i32
      %add3A_738 = arith.addi %add3A_14, %add3A_737 : i32
      %dma_start3A_739 = arith.constant 0 : i32
      %dma_start3A_740 = tpu.memref_slice %arg2[%add3A_738, %dma_start3A_739] : memref<8192x2048xf32, #tpu.memory_space<hbm>> -> memref<8x2048xf32, #tpu.memory_space<hbm>>
      %dma_start3A_741 = arith.constant 0 : i32
      %dma_start3A_742 = tpu.memref_slice %arg2[%add3A_738, %dma_start3A_741] : memref<8192x2048xf32, #tpu.memory_space<hbm>> -> memref<8x2048xf32, #tpu.memory_space<hbm>>
      tpu.enqueue_dma source(%dma_start3A_742 : memref<8x2048xf32, #tpu.memory_space<hbm>>) target(%arg4 : memref<8x2048xf32, #tpu.memory_space<vmem>>) target_semaphore(%arg11 : memref<!tpu.dma_semaphore, #tpu.memory_space<semaphore_mem>>)
      %dma_wait3A_743 = arith.constant 0 : i32
      %dma_wait3A_744 = tpu.memref_slice %arg2[%add3A_568, %dma_wait3A_743] : memref<8192x2048xf32, #tpu.memory_space<hbm>> -> memref<8x2048xf32, #tpu.memory_space<hbm>>
      %dma_wait3A_745 = arith.constant 0 : i32
      %dma_wait3A_746 = tpu.memref_slice %arg2[%add3A_568, %dma_wait3A_745] : memref<8192x2048xf32, #tpu.memory_space<hbm>> -> memref<8x2048xf32, #tpu.memory_space<hbm>>
      tpu.wait_dma2 semaphore(%arg12 : memref<!tpu.dma_semaphore, #tpu.memory_space<semaphore_mem>>) src(%dma_wait3A_746 : memref<8x2048xf32, #tpu.memory_space<hbm>>) dst(%arg5 : memref<8x2048xf32, #tpu.memory_space<vmem>>)
      %add3A_747 = arith.constant 160 : i32
      %add3A_748 = arith.addi %add3A_14, %add3A_747 : i32
      %dma_start3A_749 = arith.constant 0 : i32
      %dma_start3A_750 = tpu.memref_slice %arg3[%add3A_748, %dma_start3A_749] : memref<8192x2048xf32, #tpu.memory_space<hbm>> -> memref<8x2048xf32, #tpu.memory_space<hbm>>
      %dma_start3A_751 = arith.constant 0 : i32
      %dma_start3A_752 = tpu.memref_slice %arg3[%add3A_748, %dma_start3A_751] : memref<8192x2048xf32, #tpu.memory_space<hbm>> -> memref<8x2048xf32, #tpu.memory_space<hbm>>
      tpu.enqueue_dma source(%arg5 : memref<8x2048xf32, #tpu.memory_space<vmem>>) target(%dma_start3A_752 : memref<8x2048xf32, #tpu.memory_space<hbm>>) target_semaphore(%arg15 : memref<!tpu.dma_semaphore, #tpu.memory_space<semaphore_mem>>)
      %dma_wait3A_753 = arith.constant 0 : i32
      %dma_wait3A_754 = tpu.memref_slice %arg3[%add3A_726, %dma_wait3A_753] : memref<8192x2048xf32, #tpu.memory_space<hbm>> -> memref<8x2048xf32, #tpu.memory_space<hbm>>
      %dma_wait3A_755 = arith.constant 0 : i32
      %dma_wait3A_756 = arith.constant 0 : i32
      %dma_wait3A_757 = tpu.memref_slice %arg7[%arg1, %dma_wait3A_755, %dma_wait3A_756] : memref<16x8x2048xf32, #tpu.memory_space<vmem_shared>> -> memref<1x8x2048xf32, #tpu.memory_space<vmem_shared>>
      %dma_wait3A_758 = tpu.memref_squeeze %dma_wait3A_757 : memref<1x8x2048xf32, #tpu.memory_space<vmem_shared>> -> memref<8x2048xf32, #tpu.memory_space<vmem_shared>>
      tpu.wait_dma2 semaphore(%arg20 : memref<!tpu.dma_semaphore, #tpu.memory_space<semaphore_mem>>) src(%dma_wait3A_758 : memref<8x2048xf32, #tpu.memory_space<vmem_shared>>) dst(%dma_wait3A_754 : memref<8x2048xf32, #tpu.memory_space<hbm>>)
      %add3A_759 = arith.constant 200 : i32
      %add3A_760 = arith.addi %add3A_14, %add3A_759 : i32
      %dma_start3A_761 = arith.constant 0 : i32
      %dma_start3A_762 = arith.constant 0 : i32
      %dma_start3A_763 = tpu.memref_slice %arg7[%arg1, %dma_start3A_761, %dma_start3A_762] : memref<16x8x2048xf32, #tpu.memory_space<vmem_shared>> -> memref<1x8x2048xf32, #tpu.memory_space<vmem_shared>>
      %dma_start3A_764 = tpu.memref_squeeze %dma_start3A_763 : memref<1x8x2048xf32, #tpu.memory_space<vmem_shared>> -> memref<8x2048xf32, #tpu.memory_space<vmem_shared>>
      %dma_start3A_765 = arith.constant 0 : i32
      %dma_start3A_766 = tpu.memref_slice %arg2[%add3A_760, %dma_start3A_765] : memref<8192x2048xf32, #tpu.memory_space<hbm>> -> memref<8x2048xf32, #tpu.memory_space<hbm>>
      tpu.enqueue_dma source(%dma_start3A_766 : memref<8x2048xf32, #tpu.memory_space<hbm>>) target(%dma_start3A_764 : memref<8x2048xf32, #tpu.memory_space<vmem_shared>>) target_semaphore(%arg17 : memref<!tpu.dma_semaphore, #tpu.memory_space<semaphore_mem>>)
      %dma_wait3A_767 = arith.constant 0 : i32
      %dma_wait3A_768 = arith.constant 0 : i32
      %dma_wait3A_769 = tpu.memref_slice %arg8[%arg1, %dma_wait3A_767, %dma_wait3A_768] : memref<16x8x2048xf32, #tpu.memory_space<vmem_shared>> -> memref<1x8x2048xf32, #tpu.memory_space<vmem_shared>>
      %dma_wait3A_770 = tpu.memref_squeeze %dma_wait3A_769 : memref<1x8x2048xf32, #tpu.memory_space<vmem_shared>> -> memref<8x2048xf32, #tpu.memory_space<vmem_shared>>
      %dma_wait3A_771 = arith.constant 0 : i32
      %dma_wait3A_772 = tpu.memref_slice %arg2[%add3A_596, %dma_wait3A_771] : memref<8192x2048xf32, #tpu.memory_space<hbm>> -> memref<8x2048xf32, #tpu.memory_space<hbm>>
      tpu.wait_dma2 semaphore(%arg18 : memref<!tpu.dma_semaphore, #tpu.memory_space<semaphore_mem>>) src(%dma_wait3A_772 : memref<8x2048xf32, #tpu.memory_space<hbm>>) dst(%dma_wait3A_770 : memref<8x2048xf32, #tpu.memory_space<vmem_shared>>)
      %dma_start3A_773 = arith.constant 0 : i32
      %dma_start3A_774 = arith.constant 0 : i32
      %dma_start3A_775 = tpu.memref_slice %arg8[%arg1, %dma_start3A_773, %dma_start3A_774] : memref<16x8x2048xf32, #tpu.memory_space<vmem_shared>> -> memref<1x8x2048xf32, #tpu.memory_space<vmem_shared>>
      %dma_start3A_776 = tpu.memref_squeeze %dma_start3A_775 : memref<1x8x2048xf32, #tpu.memory_space<vmem_shared>> -> memref<8x2048xf32, #tpu.memory_space<vmem_shared>>
      %dma_start3A_777 = arith.constant 6 : i32
      %dma_start3A_778 = arith.constant 0 : i32
      %dma_start3A_779 = tpu.memref_slice %dma_start3A_776[%dma_start3A_777, %dma_start3A_778] : memref<8x2048xf32, #tpu.memory_space<vmem_shared>> -> memref<1x2048xf32, #tpu.memory_space<vmem_shared>>
      %dma_start3A_780 = arith.constant 0 : i32
      %dma_start3A_781 = arith.constant 0 : i32
      %dma_start3A_782 = tpu.memref_slice %arg8[%arg1, %dma_start3A_780, %dma_start3A_781] : memref<16x8x2048xf32, #tpu.memory_space<vmem_shared>> -> memref<1x8x2048xf32, #tpu.memory_space<vmem_shared>>
      %dma_start3A_783 = tpu.memref_squeeze %dma_start3A_782 : memref<1x8x2048xf32, #tpu.memory_space<vmem_shared>> -> memref<8x2048xf32, #tpu.memory_space<vmem_shared>>
      %dma_start3A_784 = arith.constant 6 : i32
      %dma_start3A_785 = arith.constant 0 : i32
      %dma_start3A_786 = tpu.memref_slice %dma_start3A_783[%dma_start3A_784, %dma_start3A_785] : memref<8x2048xf32, #tpu.memory_space<vmem_shared>> -> memref<1x2048xf32, #tpu.memory_space<vmem_shared>>
      tpu.enqueue_dma source(%arg10 : memref<1x2048xf32, #tpu.memory_space<vmem>>) target(%dma_start3A_786 : memref<1x2048xf32, #tpu.memory_space<vmem_shared>>) target_semaphore(%arg23 : memref<!tpu.dma_semaphore, #tpu.memory_space<semaphore_mem>>)
      %dma_wait3A_787 = arith.constant 0 : i32
      %dma_wait3A_788 = arith.constant 0 : i32
      %dma_wait3A_789 = tpu.memref_slice %arg8[%arg1, %dma_wait3A_787, %dma_wait3A_788] : memref<16x8x2048xf32, #tpu.memory_space<vmem_shared>> -> memref<1x8x2048xf32, #tpu.memory_space<vmem_shared>>
      %dma_wait3A_790 = tpu.memref_squeeze %dma_wait3A_789 : memref<1x8x2048xf32, #tpu.memory_space<vmem_shared>> -> memref<8x2048xf32, #tpu.memory_space<vmem_shared>>
      %dma_wait3A_791 = arith.constant 6 : i32
      %dma_wait3A_792 = arith.constant 0 : i32
      %dma_wait3A_793 = tpu.memref_slice %dma_wait3A_790[%dma_wait3A_791, %dma_wait3A_792] : memref<8x2048xf32, #tpu.memory_space<vmem_shared>> -> memref<1x2048xf32, #tpu.memory_space<vmem_shared>>
      %dma_wait3A_794 = arith.constant 0 : i32
      %dma_wait3A_795 = arith.constant 0 : i32
      %dma_wait3A_796 = tpu.memref_slice %arg8[%arg1, %dma_wait3A_794, %dma_wait3A_795] : memref<16x8x2048xf32, #tpu.memory_space<vmem_shared>> -> memref<1x8x2048xf32, #tpu.memory_space<vmem_shared>>
      %dma_wait3A_797 = tpu.memref_squeeze %dma_wait3A_796 : memref<1x8x2048xf32, #tpu.memory_space<vmem_shared>> -> memref<8x2048xf32, #tpu.memory_space<vmem_shared>>
      %dma_wait3A_798 = arith.constant 6 : i32
      %dma_wait3A_799 = arith.constant 0 : i32
      %dma_wait3A_800 = tpu.memref_slice %dma_wait3A_797[%dma_wait3A_798, %dma_wait3A_799] : memref<8x2048xf32, #tpu.memory_space<vmem_shared>> -> memref<1x2048xf32, #tpu.memory_space<vmem_shared>>
      tpu.wait_dma2 semaphore(%arg23 : memref<!tpu.dma_semaphore, #tpu.memory_space<semaphore_mem>>) src(%arg10 : memref<1x2048xf32, #tpu.memory_space<vmem>>) dst(%dma_wait3A_800 : memref<1x2048xf32, #tpu.memory_space<vmem_shared>>)
      %add3A_801 = arith.constant 168 : i32
      %add3A_802 = arith.addi %add3A_14, %add3A_801 : i32
      %dma_start3A_803 = arith.constant 0 : i32
      %dma_start3A_804 = tpu.memref_slice %arg3[%add3A_802, %dma_start3A_803] : memref<8192x2048xf32, #tpu.memory_space<hbm>> -> memref<8x2048xf32, #tpu.memory_space<hbm>>
      %dma_start3A_805 = arith.constant 0 : i32
      %dma_start3A_806 = arith.constant 0 : i32
      %dma_start3A_807 = tpu.memref_slice %arg8[%arg1, %dma_start3A_805, %dma_start3A_806] : memref<16x8x2048xf32, #tpu.memory_space<vmem_shared>> -> memref<1x8x2048xf32, #tpu.memory_space<vmem_shared>>
      %dma_start3A_808 = tpu.memref_squeeze %dma_start3A_807 : memref<1x8x2048xf32, #tpu.memory_space<vmem_shared>> -> memref<8x2048xf32, #tpu.memory_space<vmem_shared>>
      tpu.enqueue_dma source(%dma_start3A_808 : memref<8x2048xf32, #tpu.memory_space<vmem_shared>>) target(%dma_start3A_804 : memref<8x2048xf32, #tpu.memory_space<hbm>>) target_semaphore(%arg21 : memref<!tpu.dma_semaphore, #tpu.memory_space<semaphore_mem>>)
      %dma_wait3A_809 = arith.constant 0 : i32
      %dma_wait3A_810 = tpu.memref_slice %arg3[%add3A_748, %dma_wait3A_809] : memref<8192x2048xf32, #tpu.memory_space<hbm>> -> memref<8x2048xf32, #tpu.memory_space<hbm>>
      %dma_wait3A_811 = arith.constant 0 : i32
      %dma_wait3A_812 = tpu.memref_slice %arg3[%add3A_748, %dma_wait3A_811] : memref<8192x2048xf32, #tpu.memory_space<hbm>> -> memref<8x2048xf32, #tpu.memory_space<hbm>>
      tpu.wait_dma2 semaphore(%arg15 : memref<!tpu.dma_semaphore, #tpu.memory_space<semaphore_mem>>) src(%arg5 : memref<8x2048xf32, #tpu.memory_space<vmem>>) dst(%dma_wait3A_812 : memref<8x2048xf32, #tpu.memory_space<hbm>>)
      %add3A_813 = arith.constant 208 : i32
      %add3A_814 = arith.addi %add3A_14, %add3A_813 : i32
      %dma_start3A_815 = arith.constant 0 : i32
      %dma_start3A_816 = tpu.memref_slice %arg2[%add3A_814, %dma_start3A_815] : memref<8192x2048xf32, #tpu.memory_space<hbm>> -> memref<8x2048xf32, #tpu.memory_space<hbm>>
      %dma_start3A_817 = arith.constant 0 : i32
      %dma_start3A_818 = tpu.memref_slice %arg2[%add3A_814, %dma_start3A_817] : memref<8192x2048xf32, #tpu.memory_space<hbm>> -> memref<8x2048xf32, #tpu.memory_space<hbm>>
      tpu.enqueue_dma source(%dma_start3A_818 : memref<8x2048xf32, #tpu.memory_space<hbm>>) target(%arg5 : memref<8x2048xf32, #tpu.memory_space<vmem>>) target_semaphore(%arg12 : memref<!tpu.dma_semaphore, #tpu.memory_space<semaphore_mem>>)
      %dma_wait3A_819 = arith.constant 0 : i32
      %dma_wait3A_820 = tpu.memref_slice %arg2[%add3A_650, %dma_wait3A_819] : memref<8192x2048xf32, #tpu.memory_space<hbm>> -> memref<8x2048xf32, #tpu.memory_space<hbm>>
      %dma_wait3A_821 = arith.constant 0 : i32
      %dma_wait3A_822 = tpu.memref_slice %arg2[%add3A_650, %dma_wait3A_821] : memref<8192x2048xf32, #tpu.memory_space<hbm>> -> memref<8x2048xf32, #tpu.memory_space<hbm>>
      tpu.wait_dma2 semaphore(%arg13 : memref<!tpu.dma_semaphore, #tpu.memory_space<semaphore_mem>>) src(%dma_wait3A_822 : memref<8x2048xf32, #tpu.memory_space<hbm>>) dst(%arg6 : memref<8x2048xf32, #tpu.memory_space<vmem>>)
      %scan3A_823 = arith.constant 0 : i32
      %scan3A_824 = arith.constant 0 : i32
      %scan3A_825 = arith.constant 32 : i32
      %scan3A_826 = arith.addi %scan3A_824, %scan3A_825 : i32
      %scan3A_827 = arith.constant 1 : i32
      scf.for %scan3A_1105 = %scan3A_824 to %scan3A_826 step %scan3A_827  : i32 {
        %mul3A_1106 = arith.constant 64 : i32
        %mul3A_1107 = arith.muli %scan3A_1105, %mul3A_1106 : i32
        %swap3A = arith.constant 0 : i32
        %swap3A_1108 = arith.index_cast %swap3A : i32 to index
        %swap3A_1109 = arith.index_cast %mul3A_1107 : i32 to index
        %swap3A_1110 = tpu.vector_load %arg6[%swap3A_1108, %swap3A_1109] {strides = array<i32>} : memref<8x2048xf32, #tpu.memory_space<vmem>>, vector<1x16xf32>,
        %swap3A_1111 = vector.shape_cast %swap3A_1110 : vector<1x16xf32> to vector<16xf32>
        %swap3A_1112 = vector.shape_cast %broadcast_in_dim3A_0 : vector<16xf32> to vector<1x16xf32>
        tpu.vector_store %arg6[%swap3A_1108, %swap3A_1109], %swap3A_1112 {strides = array<i32>} : memref<8x2048xf32, #tpu.memory_space<vmem>>, vector<1x16xf32>,
        %mul3A_1113 = arith.constant 64 : i32
        %mul3A_1114 = arith.muli %scan3A_1105, %mul3A_1113 : i32
        %add3A_1115 = arith.constant 16 : i32
        %add3A_1116 = arith.addi %mul3A_1114, %add3A_1115 : i32
        %swap3A_1117 = arith.constant 0 : i32
        %swap3A_1118 = arith.index_cast %swap3A_1117 : i32 to index
        %swap3A_1119 = arith.index_cast %add3A_1116 : i32 to index
        %swap3A_1120 = tpu.vector_load %arg6[%swap3A_1118, %swap3A_1119] {strides = array<i32>} : memref<8x2048xf32, #tpu.memory_space<vmem>>, vector<1x16xf32>,
        %swap3A_1121 = vector.shape_cast %swap3A_1120 : vector<1x16xf32> to vector<16xf32>
        %swap3A_1122 = vector.shape_cast %broadcast_in_dim3A_0 : vector<16xf32> to vector<1x16xf32>
        tpu.vector_store %arg6[%swap3A_1118, %swap3A_1119], %swap3A_1122 {strides = array<i32>} : memref<8x2048xf32, #tpu.memory_space<vmem>>, vector<1x16xf32>,
        %mul3A_1123 = arith.constant 64 : i32
        %mul3A_1124 = arith.muli %scan3A_1105, %mul3A_1123 : i32
        %add3A_1125 = arith.constant 32 : i32
        %add3A_1126 = arith.addi %mul3A_1124, %add3A_1125 : i32
        %swap3A_1127 = arith.constant 0 : i32
        %swap3A_1128 = arith.index_cast %swap3A_1127 : i32 to index
        %swap3A_1129 = arith.index_cast %add3A_1126 : i32 to index
        %swap3A_1130 = tpu.vector_load %arg6[%swap3A_1128, %swap3A_1129] {strides = array<i32>} : memref<8x2048xf32, #tpu.memory_space<vmem>>, vector<1x16xf32>,
        %swap3A_1131 = vector.shape_cast %swap3A_1130 : vector<1x16xf32> to vector<16xf32>
        %swap3A_1132 = vector.shape_cast %broadcast_in_dim3A_0 : vector<16xf32> to vector<1x16xf32>
        tpu.vector_store %arg6[%swap3A_1128, %swap3A_1129], %swap3A_1132 {strides = array<i32>} : memref<8x2048xf32, #tpu.memory_space<vmem>>, vector<1x16xf32>,
        %mul3A_1133 = arith.constant 64 : i32
        %mul3A_1134 = arith.muli %scan3A_1105, %mul3A_1133 : i32
        %add3A_1135 = arith.constant 48 : i32
        %add3A_1136 = arith.addi %mul3A_1134, %add3A_1135 : i32
        %swap3A_1137 = arith.constant 0 : i32
        %swap3A_1138 = arith.index_cast %swap3A_1137 : i32 to index
        %swap3A_1139 = arith.index_cast %add3A_1136 : i32 to index
        %swap3A_1140 = tpu.vector_load %arg6[%swap3A_1138, %swap3A_1139] {strides = array<i32>} : memref<8x2048xf32, #tpu.memory_space<vmem>>, vector<1x16xf32>,
        %swap3A_1141 = vector.shape_cast %swap3A_1140 : vector<1x16xf32> to vector<16xf32>
        %swap3A_1142 = vector.shape_cast %broadcast_in_dim3A_0 : vector<16xf32> to vector<1x16xf32>
        tpu.vector_store %arg6[%swap3A_1138, %swap3A_1139], %swap3A_1142 {strides = array<i32>} : memref<8x2048xf32, #tpu.memory_space<vmem>>, vector<1x16xf32>,
      }
      %scan3A_828 = arith.constant 32 : i32
      %scan3A_829 = arith.constant 0 : i32
      %scan3A_830 = arith.constant 0 : i32
      %scan3A_831 = arith.constant 32 : i32
      %scan3A_832 = arith.addi %scan3A_830, %scan3A_831 : i32
      %scan3A_833 = arith.constant 1 : i32
      scf.for %scan3A_1105 = %scan3A_830 to %scan3A_832 step %scan3A_833  : i32 {
        %mul3A_1106 = arith.constant 64 : i32
        %mul3A_1107 = arith.muli %scan3A_1105, %mul3A_1106 : i32
        %swap3A = arith.constant 3 : i32
        %swap3A_1108 = arith.index_cast %swap3A : i32 to index
        %swap3A_1109 = arith.index_cast %mul3A_1107 : i32 to index
        %swap3A_1110 = tpu.vector_load %arg6[%swap3A_1108, %swap3A_1109] {strides = array<i32>} : memref<8x2048xf32, #tpu.memory_space<vmem>>, vector<1x16xf32>,
        %swap3A_1111 = vector.shape_cast %swap3A_1110 : vector<1x16xf32> to vector<16xf32>
        %swap3A_1112 = vector.shape_cast %broadcast_in_dim3A_0 : vector<16xf32> to vector<1x16xf32>
        tpu.vector_store %arg6[%swap3A_1108, %swap3A_1109], %swap3A_1112 {strides = array<i32>} : memref<8x2048xf32, #tpu.memory_space<vmem>>, vector<1x16xf32>,
        %mul3A_1113 = arith.constant 64 : i32
        %mul3A_1114 = arith.muli %scan3A_1105, %mul3A_1113 : i32
        %add3A_1115 = arith.constant 16 : i32
        %add3A_1116 = arith.addi %mul3A_1114, %add3A_1115 : i32
        %swap3A_1117 = arith.constant 3 : i32
        %swap3A_1118 = arith.index_cast %swap3A_1117 : i32 to index
        %swap3A_1119 = arith.index_cast %add3A_1116 : i32 to index
        %swap3A_1120 = tpu.vector_load %arg6[%swap3A_1118, %swap3A_1119] {strides = array<i32>} : memref<8x2048xf32, #tpu.memory_space<vmem>>, vector<1x16xf32>,
        %swap3A_1121 = vector.shape_cast %swap3A_1120 : vector<1x16xf32> to vector<16xf32>
        %swap3A_1122 = vector.shape_cast %broadcast_in_dim3A_0 : vector<16xf32> to vector<1x16xf32>
        tpu.vector_store %arg6[%swap3A_1118, %swap3A_1119], %swap3A_1122 {strides = array<i32>} : memref<8x2048xf32, #tpu.memory_space<vmem>>, vector<1x16xf32>,
        %mul3A_1123 = arith.constant 64 : i32
        %mul3A_1124 = arith.muli %scan3A_1105, %mul3A_1123 : i32
        %add3A_1125 = arith.constant 32 : i32
        %add3A_1126 = arith.addi %mul3A_1124, %add3A_1125 : i32
        %swap3A_1127 = arith.constant 3 : i32
        %swap3A_1128 = arith.index_cast %swap3A_1127 : i32 to index
        %swap3A_1129 = arith.index_cast %add3A_1126 : i32 to index
        %swap3A_1130 = tpu.vector_load %arg6[%swap3A_1128, %swap3A_1129] {strides = array<i32>} : memref<8x2048xf32, #tpu.memory_space<vmem>>, vector<1x16xf32>,
        %swap3A_1131 = vector.shape_cast %swap3A_1130 : vector<1x16xf32> to vector<16xf32>
        %swap3A_1132 = vector.shape_cast %broadcast_in_dim3A_0 : vector<16xf32> to vector<1x16xf32>
        tpu.vector_store %arg6[%swap3A_1128, %swap3A_1129], %swap3A_1132 {strides = array<i32>} : memref<8x2048xf32, #tpu.memory_space<vmem>>, vector<1x16xf32>,
        %mul3A_1133 = arith.constant 64 : i32
        %mul3A_1134 = arith.muli %scan3A_1105, %mul3A_1133 : i32
        %add3A_1135 = arith.constant 48 : i32
        %add3A_1136 = arith.addi %mul3A_1134, %add3A_1135 : i32
        %swap3A_1137 = arith.constant 3 : i32
        %swap3A_1138 = arith.index_cast %swap3A_1137 : i32 to index
        %swap3A_1139 = arith.index_cast %add3A_1136 : i32 to index
        %swap3A_1140 = tpu.vector_load %arg6[%swap3A_1138, %swap3A_1139] {strides = array<i32>} : memref<8x2048xf32, #tpu.memory_space<vmem>>, vector<1x16xf32>,
        %swap3A_1141 = vector.shape_cast %swap3A_1140 : vector<1x16xf32> to vector<16xf32>
        %swap3A_1142 = vector.shape_cast %broadcast_in_dim3A_0 : vector<16xf32> to vector<1x16xf32>
        tpu.vector_store %arg6[%swap3A_1138, %swap3A_1139], %swap3A_1142 {strides = array<i32>} : memref<8x2048xf32, #tpu.memory_space<vmem>>, vector<1x16xf32>,
      }
      %scan3A_834 = arith.constant 32 : i32
      %add3A_835 = arith.constant 176 : i32
      %add3A_836 = arith.addi %add3A_14, %add3A_835 : i32
      %dma_start3A_837 = arith.constant 0 : i32
      %dma_start3A_838 = tpu.memref_slice %arg3[%add3A_836, %dma_start3A_837] : memref<8192x2048xf32, #tpu.memory_space<hbm>> -> memref<8x2048xf32, #tpu.memory_space<hbm>>
      %dma_start3A_839 = arith.constant 0 : i32
      %dma_start3A_840 = tpu.memref_slice %arg3[%add3A_836, %dma_start3A_839] : memref<8192x2048xf32, #tpu.memory_space<hbm>> -> memref<8x2048xf32, #tpu.memory_space<hbm>>
      tpu.enqueue_dma source(%arg6 : memref<8x2048xf32, #tpu.memory_space<vmem>>) target(%dma_start3A_840 : memref<8x2048xf32, #tpu.memory_space<hbm>>) target_semaphore(%arg16 : memref<!tpu.dma_semaphore, #tpu.memory_space<semaphore_mem>>)
      %dma_wait3A_841 = arith.constant 0 : i32
      %dma_wait3A_842 = tpu.memref_slice %arg3[%add3A_802, %dma_wait3A_841] : memref<8192x2048xf32, #tpu.memory_space<hbm>> -> memref<8x2048xf32, #tpu.memory_space<hbm>>
      %dma_wait3A_843 = arith.constant 0 : i32
      %dma_wait3A_844 = arith.constant 0 : i32
      %dma_wait3A_845 = tpu.memref_slice %arg8[%arg1, %dma_wait3A_843, %dma_wait3A_844] : memref<16x8x2048xf32, #tpu.memory_space<vmem_shared>> -> memref<1x8x2048xf32, #tpu.memory_space<vmem_shared>>
      %dma_wait3A_846 = tpu.memref_squeeze %dma_wait3A_845 : memref<1x8x2048xf32, #tpu.memory_space<vmem_shared>> -> memref<8x2048xf32, #tpu.memory_space<vmem_shared>>
      tpu.wait_dma2 semaphore(%arg21 : memref<!tpu.dma_semaphore, #tpu.memory_space<semaphore_mem>>) src(%dma_wait3A_846 : memref<8x2048xf32, #tpu.memory_space<vmem_shared>>) dst(%dma_wait3A_842 : memref<8x2048xf32, #tpu.memory_space<hbm>>)
      %add3A_847 = arith.constant 216 : i32
      %add3A_848 = arith.addi %add3A_14, %add3A_847 : i32
      %dma_start3A_849 = arith.constant 0 : i32
      %dma_start3A_850 = arith.constant 0 : i32
      %dma_start3A_851 = tpu.memref_slice %arg8[%arg1, %dma_start3A_849, %dma_start3A_850] : memref<16x8x2048xf32, #tpu.memory_space<vmem_shared>> -> memref<1x8x2048xf32, #tpu.memory_space<vmem_shared>>
      %dma_start3A_852 = tpu.memref_squeeze %dma_start3A_851 : memref<1x8x2048xf32, #tpu.memory_space<vmem_shared>> -> memref<8x2048xf32, #tpu.memory_space<vmem_shared>>
      %dma_start3A_853 = arith.constant 0 : i32
      %dma_start3A_854 = tpu.memref_slice %arg2[%add3A_848, %dma_start3A_853] : memref<8192x2048xf32, #tpu.memory_space<hbm>> -> memref<8x2048xf32, #tpu.memory_space<hbm>>
      tpu.enqueue_dma source(%dma_start3A_854 : memref<8x2048xf32, #tpu.memory_space<hbm>>) target(%dma_start3A_852 : memref<8x2048xf32, #tpu.memory_space<vmem_shared>>) target_semaphore(%arg18 : memref<!tpu.dma_semaphore, #tpu.memory_space<semaphore_mem>>)
      %dma_wait3A_855 = arith.constant 0 : i32
      %dma_wait3A_856 = arith.constant 0 : i32
      %dma_wait3A_857 = tpu.memref_slice %arg9[%arg1, %dma_wait3A_855, %dma_wait3A_856] : memref<16x8x2048xf32, #tpu.memory_space<vmem_shared>> -> memref<1x8x2048xf32, #tpu.memory_space<vmem_shared>>
      %dma_wait3A_858 = tpu.memref_squeeze %dma_wait3A_857 : memref<1x8x2048xf32, #tpu.memory_space<vmem_shared>> -> memref<8x2048xf32, #tpu.memory_space<vmem_shared>>
      %dma_wait3A_859 = arith.constant 0 : i32
      %dma_wait3A_860 = tpu.memref_slice %arg2[%add3A_684, %dma_wait3A_859] : memref<8192x2048xf32, #tpu.memory_space<hbm>> -> memref<8x2048xf32, #tpu.memory_space<hbm>>
      tpu.wait_dma2 semaphore(%arg19 : memref<!tpu.dma_semaphore, #tpu.memory_space<semaphore_mem>>) src(%dma_wait3A_860 : memref<8x2048xf32, #tpu.memory_space<hbm>>) dst(%dma_wait3A_858 : memref<8x2048xf32, #tpu.memory_space<vmem_shared>>)
      %dma_start3A_861 = arith.constant 0 : i32
      %dma_start3A_862 = arith.constant 0 : i32
      %dma_start3A_863 = tpu.memref_slice %arg9[%arg1, %dma_start3A_861, %dma_start3A_862] : memref<16x8x2048xf32, #tpu.memory_space<vmem_shared>> -> memref<1x8x2048xf32, #tpu.memory_space<vmem_shared>>
      %dma_start3A_864 = tpu.memref_squeeze %dma_start3A_863 : memref<1x8x2048xf32, #tpu.memory_space<vmem_shared>> -> memref<8x2048xf32, #tpu.memory_space<vmem_shared>>
      %dma_start3A_865 = arith.constant 4 : i32
      %dma_start3A_866 = arith.constant 0 : i32
      %dma_start3A_867 = tpu.memref_slice %dma_start3A_864[%dma_start3A_865, %dma_start3A_866] : memref<8x2048xf32, #tpu.memory_space<vmem_shared>> -> memref<1x2048xf32, #tpu.memory_space<vmem_shared>>
      %dma_start3A_868 = arith.constant 0 : i32
      %dma_start3A_869 = arith.constant 0 : i32
      %dma_start3A_870 = tpu.memref_slice %arg9[%arg1, %dma_start3A_868, %dma_start3A_869] : memref<16x8x2048xf32, #tpu.memory_space<vmem_shared>> -> memref<1x8x2048xf32, #tpu.memory_space<vmem_shared>>
      %dma_start3A_871 = tpu.memref_squeeze %dma_start3A_870 : memref<1x8x2048xf32, #tpu.memory_space<vmem_shared>> -> memref<8x2048xf32, #tpu.memory_space<vmem_shared>>
      %dma_start3A_872 = arith.constant 4 : i32
      %dma_start3A_873 = arith.constant 0 : i32
      %dma_start3A_874 = tpu.memref_slice %dma_start3A_871[%dma_start3A_872, %dma_start3A_873] : memref<8x2048xf32, #tpu.memory_space<vmem_shared>> -> memref<1x2048xf32, #tpu.memory_space<vmem_shared>>
      tpu.enqueue_dma source(%arg10 : memref<1x2048xf32, #tpu.memory_space<vmem>>) target(%dma_start3A_874 : memref<1x2048xf32, #tpu.memory_space<vmem_shared>>) target_semaphore(%arg23 : memref<!tpu.dma_semaphore, #tpu.memory_space<semaphore_mem>>)
      %dma_wait3A_875 = arith.constant 0 : i32
      %dma_wait3A_876 = arith.constant 0 : i32
      %dma_wait3A_877 = tpu.memref_slice %arg9[%arg1, %dma_wait3A_875, %dma_wait3A_876] : memref<16x8x2048xf32, #tpu.memory_space<vmem_shared>> -> memref<1x8x2048xf32, #tpu.memory_space<vmem_shared>>
      %dma_wait3A_878 = tpu.memref_squeeze %dma_wait3A_877 : memref<1x8x2048xf32, #tpu.memory_space<vmem_shared>> -> memref<8x2048xf32, #tpu.memory_space<vmem_shared>>
      %dma_wait3A_879 = arith.constant 4 : i32
      %dma_wait3A_880 = arith.constant 0 : i32
      %dma_wait3A_881 = tpu.memref_slice %dma_wait3A_878[%dma_wait3A_879, %dma_wait3A_880] : memref<8x2048xf32, #tpu.memory_space<vmem_shared>> -> memref<1x2048xf32, #tpu.memory_space<vmem_shared>>
      %dma_wait3A_882 = arith.constant 0 : i32
      %dma_wait3A_883 = arith.constant 0 : i32
      %dma_wait3A_884 = tpu.memref_slice %arg9[%arg1, %dma_wait3A_882, %dma_wait3A_883] : memref<16x8x2048xf32, #tpu.memory_space<vmem_shared>> -> memref<1x8x2048xf32, #tpu.memory_space<vmem_shared>>
      %dma_wait3A_885 = tpu.memref_squeeze %dma_wait3A_884 : memref<1x8x2048xf32, #tpu.memory_space<vmem_shared>> -> memref<8x2048xf32, #tpu.memory_space<vmem_shared>>
      %dma_wait3A_886 = arith.constant 4 : i32
      %dma_wait3A_887 = arith.constant 0 : i32
      %dma_wait3A_888 = tpu.memref_slice %dma_wait3A_885[%dma_wait3A_886, %dma_wait3A_887] : memref<8x2048xf32, #tpu.memory_space<vmem_shared>> -> memref<1x2048xf32, #tpu.memory_space<vmem_shared>>
      tpu.wait_dma2 semaphore(%arg23 : memref<!tpu.dma_semaphore, #tpu.memory_space<semaphore_mem>>) src(%arg10 : memref<1x2048xf32, #tpu.memory_space<vmem>>) dst(%dma_wait3A_888 : memref<1x2048xf32, #tpu.memory_space<vmem_shared>>)
      %dma_start3A_889 = arith.constant 0 : i32
      %dma_start3A_890 = arith.constant 0 : i32
      %dma_start3A_891 = tpu.memref_slice %arg9[%arg1, %dma_start3A_889, %dma_start3A_890] : memref<16x8x2048xf32, #tpu.memory_space<vmem_shared>> -> memref<1x8x2048xf32, #tpu.memory_space<vmem_shared>>
      %dma_start3A_892 = tpu.memref_squeeze %dma_start3A_891 : memref<1x8x2048xf32, #tpu.memory_space<vmem_shared>> -> memref<8x2048xf32, #tpu.memory_space<vmem_shared>>
      %dma_start3A_893 = arith.constant 5 : i32
      %dma_start3A_894 = arith.constant 0 : i32
      %dma_start3A_895 = tpu.memref_slice %dma_start3A_892[%dma_start3A_893, %dma_start3A_894] : memref<8x2048xf32, #tpu.memory_space<vmem_shared>> -> memref<1x2048xf32, #tpu.memory_space<vmem_shared>>
      %dma_start3A_896 = arith.constant 0 : i32
      %dma_start3A_897 = arith.constant 0 : i32
      %dma_start3A_898 = tpu.memref_slice %arg9[%arg1, %dma_start3A_896, %dma_start3A_897] : memref<16x8x2048xf32, #tpu.memory_space<vmem_shared>> -> memref<1x8x2048xf32, #tpu.memory_space<vmem_shared>>
      %dma_start3A_899 = tpu.memref_squeeze %dma_start3A_898 : memref<1x8x2048xf32, #tpu.memory_space<vmem_shared>> -> memref<8x2048xf32, #tpu.memory_space<vmem_shared>>
      %dma_start3A_900 = arith.constant 5 : i32
      %dma_start3A_901 = arith.constant 0 : i32
      %dma_start3A_902 = tpu.memref_slice %dma_start3A_899[%dma_start3A_900, %dma_start3A_901] : memref<8x2048xf32, #tpu.memory_space<vmem_shared>> -> memref<1x2048xf32, #tpu.memory_space<vmem_shared>>
      tpu.enqueue_dma source(%arg10 : memref<1x2048xf32, #tpu.memory_space<vmem>>) target(%dma_start3A_902 : memref<1x2048xf32, #tpu.memory_space<vmem_shared>>) target_semaphore(%arg23 : memref<!tpu.dma_semaphore, #tpu.memory_space<semaphore_mem>>)
      %dma_wait3A_903 = arith.constant 0 : i32
      %dma_wait3A_904 = arith.constant 0 : i32
      %dma_wait3A_905 = tpu.memref_slice %arg9[%arg1, %dma_wait3A_903, %dma_wait3A_904] : memref<16x8x2048xf32, #tpu.memory_space<vmem_shared>> -> memref<1x8x2048xf32, #tpu.memory_space<vmem_shared>>
      %dma_wait3A_906 = tpu.memref_squeeze %dma_wait3A_905 : memref<1x8x2048xf32, #tpu.memory_space<vmem_shared>> -> memref<8x2048xf32, #tpu.memory_space<vmem_shared>>
      %dma_wait3A_907 = arith.constant 5 : i32
      %dma_wait3A_908 = arith.constant 0 : i32
      %dma_wait3A_909 = tpu.memref_slice %dma_wait3A_906[%dma_wait3A_907, %dma_wait3A_908] : memref<8x2048xf32, #tpu.memory_space<vmem_shared>> -> memref<1x2048xf32, #tpu.memory_space<vmem_shared>>
      %dma_wait3A_910 = arith.constant 0 : i32
      %dma_wait3A_911 = arith.constant 0 : i32
      %dma_wait3A_912 = tpu.memref_slice %arg9[%arg1, %dma_wait3A_910, %dma_wait3A_911] : memref<16x8x2048xf32, #tpu.memory_space<vmem_shared>> -> memref<1x8x2048xf32, #tpu.memory_space<vmem_shared>>
      %dma_wait3A_913 = tpu.memref_squeeze %dma_wait3A_912 : memref<1x8x2048xf32, #tpu.memory_space<vmem_shared>> -> memref<8x2048xf32, #tpu.memory_space<vmem_shared>>
      %dma_wait3A_914 = arith.constant 5 : i32
      %dma_wait3A_915 = arith.constant 0 : i32
      %dma_wait3A_916 = tpu.memref_slice %dma_wait3A_913[%dma_wait3A_914, %dma_wait3A_915] : memref<8x2048xf32, #tpu.memory_space<vmem_shared>> -> memref<1x2048xf32, #tpu.memory_space<vmem_shared>>
      tpu.wait_dma2 semaphore(%arg23 : memref<!tpu.dma_semaphore, #tpu.memory_space<semaphore_mem>>) src(%arg10 : memref<1x2048xf32, #tpu.memory_space<vmem>>) dst(%dma_wait3A_916 : memref<1x2048xf32, #tpu.memory_space<vmem_shared>>)
      %add3A_917 = arith.constant 184 : i32
      %add3A_918 = arith.addi %add3A_14, %add3A_917 : i32
      %dma_start3A_919 = arith.constant 0 : i32
      %dma_start3A_920 = tpu.memref_slice %arg3[%add3A_918, %dma_start3A_919] : memref<8192x2048xf32, #tpu.memory_space<hbm>> -> memref<8x2048xf32, #tpu.memory_space<hbm>>
      %dma_start3A_921 = arith.constant 0 : i32
      %dma_start3A_922 = arith.constant 0 : i32
      %dma_start3A_923 = tpu.memref_slice %arg9[%arg1, %dma_start3A_921, %dma_start3A_922] : memref<16x8x2048xf32, #tpu.memory_space<vmem_shared>> -> memref<1x8x2048xf32, #tpu.memory_space<vmem_shared>>
      %dma_start3A_924 = tpu.memref_squeeze %dma_start3A_923 : memref<1x8x2048xf32, #tpu.memory_space<vmem_shared>> -> memref<8x2048xf32, #tpu.memory_space<vmem_shared>>
      tpu.enqueue_dma source(%dma_start3A_924 : memref<8x2048xf32, #tpu.memory_space<vmem_shared>>) target(%dma_start3A_920 : memref<8x2048xf32, #tpu.memory_space<hbm>>) target_semaphore(%arg22 : memref<!tpu.dma_semaphore, #tpu.memory_space<semaphore_mem>>)
      %dma_wait3A_925 = arith.constant 0 : i32
      %dma_wait3A_926 = tpu.memref_slice %arg3[%add3A_836, %dma_wait3A_925] : memref<8192x2048xf32, #tpu.memory_space<hbm>> -> memref<8x2048xf32, #tpu.memory_space<hbm>>
      %dma_wait3A_927 = arith.constant 0 : i32
      %dma_wait3A_928 = tpu.memref_slice %arg3[%add3A_836, %dma_wait3A_927] : memref<8192x2048xf32, #tpu.memory_space<hbm>> -> memref<8x2048xf32, #tpu.memory_space<hbm>>
      tpu.wait_dma2 semaphore(%arg16 : memref<!tpu.dma_semaphore, #tpu.memory_space<semaphore_mem>>) src(%arg6 : memref<8x2048xf32, #tpu.memory_space<vmem>>) dst(%dma_wait3A_928 : memref<8x2048xf32, #tpu.memory_space<hbm>>)
      %add3A_929 = arith.constant 224 : i32
      %add3A_930 = arith.addi %add3A_14, %add3A_929 : i32
      %dma_start3A_931 = arith.constant 0 : i32
      %dma_start3A_932 = tpu.memref_slice %arg2[%add3A_930, %dma_start3A_931] : memref<8192x2048xf32, #tpu.memory_space<hbm>> -> memref<8x2048xf32, #tpu.memory_space<hbm>>
      %dma_start3A_933 = arith.constant 0 : i32
      %dma_start3A_934 = tpu.memref_slice %arg2[%add3A_930, %dma_start3A_933] : memref<8192x2048xf32, #tpu.memory_space<hbm>> -> memref<8x2048xf32, #tpu.memory_space<hbm>>
      tpu.enqueue_dma source(%dma_start3A_934 : memref<8x2048xf32, #tpu.memory_space<hbm>>) target(%arg6 : memref<8x2048xf32, #tpu.memory_space<vmem>>) target_semaphore(%arg13 : memref<!tpu.dma_semaphore, #tpu.memory_space<semaphore_mem>>)
      %dma_wait3A_935 = arith.constant 0 : i32
      %dma_wait3A_936 = tpu.memref_slice %arg2[%add3A_738, %dma_wait3A_935] : memref<8192x2048xf32, #tpu.memory_space<hbm>> -> memref<8x2048xf32, #tpu.memory_space<hbm>>
      %dma_wait3A_937 = arith.constant 0 : i32
      %dma_wait3A_938 = tpu.memref_slice %arg2[%add3A_738, %dma_wait3A_937] : memref<8192x2048xf32, #tpu.memory_space<hbm>> -> memref<8x2048xf32, #tpu.memory_space<hbm>>
      tpu.wait_dma2 semaphore(%arg11 : memref<!tpu.dma_semaphore, #tpu.memory_space<semaphore_mem>>) src(%dma_wait3A_938 : memref<8x2048xf32, #tpu.memory_space<hbm>>) dst(%arg4 : memref<8x2048xf32, #tpu.memory_space<vmem>>)
      %scan3A_939 = arith.constant 0 : i32
      %scan3A_940 = arith.constant 0 : i32
      %scan3A_941 = arith.constant 32 : i32
      %scan3A_942 = arith.addi %scan3A_940, %scan3A_941 : i32
      %scan3A_943 = arith.constant 1 : i32
      scf.for %scan3A_1105 = %scan3A_940 to %scan3A_942 step %scan3A_943  : i32 {
        %mul3A_1106 = arith.constant 64 : i32
        %mul3A_1107 = arith.muli %scan3A_1105, %mul3A_1106 : i32
        %swap3A = arith.constant 5 : i32
        %swap3A_1108 = arith.index_cast %swap3A : i32 to index
        %swap3A_1109 = arith.index_cast %mul3A_1107 : i32 to index
        %swap3A_1110 = tpu.vector_load %arg4[%swap3A_1108, %swap3A_1109] {strides = array<i32>} : memref<8x2048xf32, #tpu.memory_space<vmem>>, vector<1x16xf32>,
        %swap3A_1111 = vector.shape_cast %swap3A_1110 : vector<1x16xf32> to vector<16xf32>
        %swap3A_1112 = vector.shape_cast %broadcast_in_dim3A_0 : vector<16xf32> to vector<1x16xf32>
        tpu.vector_store %arg4[%swap3A_1108, %swap3A_1109], %swap3A_1112 {strides = array<i32>} : memref<8x2048xf32, #tpu.memory_space<vmem>>, vector<1x16xf32>,
        %mul3A_1113 = arith.constant 64 : i32
        %mul3A_1114 = arith.muli %scan3A_1105, %mul3A_1113 : i32
        %add3A_1115 = arith.constant 16 : i32
        %add3A_1116 = arith.addi %mul3A_1114, %add3A_1115 : i32
        %swap3A_1117 = arith.constant 5 : i32
        %swap3A_1118 = arith.index_cast %swap3A_1117 : i32 to index
        %swap3A_1119 = arith.index_cast %add3A_1116 : i32 to index
        %swap3A_1120 = tpu.vector_load %arg4[%swap3A_1118, %swap3A_1119] {strides = array<i32>} : memref<8x2048xf32, #tpu.memory_space<vmem>>, vector<1x16xf32>,
        %swap3A_1121 = vector.shape_cast %swap3A_1120 : vector<1x16xf32> to vector<16xf32>
        %swap3A_1122 = vector.shape_cast %broadcast_in_dim3A_0 : vector<16xf32> to vector<1x16xf32>
        tpu.vector_store %arg4[%swap3A_1118, %swap3A_1119], %swap3A_1122 {strides = array<i32>} : memref<8x2048xf32, #tpu.memory_space<vmem>>, vector<1x16xf32>,
        %mul3A_1123 = arith.constant 64 : i32
        %mul3A_1124 = arith.muli %scan3A_1105, %mul3A_1123 : i32
        %add3A_1125 = arith.constant 32 : i32
        %add3A_1126 = arith.addi %mul3A_1124, %add3A_1125 : i32
        %swap3A_1127 = arith.constant 5 : i32
        %swap3A_1128 = arith.index_cast %swap3A_1127 : i32 to index
        %swap3A_1129 = arith.index_cast %add3A_1126 : i32 to index
        %swap3A_1130 = tpu.vector_load %arg4[%swap3A_1128, %swap3A_1129] {strides = array<i32>} : memref<8x2048xf32, #tpu.memory_space<vmem>>, vector<1x16xf32>,
        %swap3A_1131 = vector.shape_cast %swap3A_1130 : vector<1x16xf32> to vector<16xf32>
        %swap3A_1132 = vector.shape_cast %broadcast_in_dim3A_0 : vector<16xf32> to vector<1x16xf32>
        tpu.vector_store %arg4[%swap3A_1128, %swap3A_1129], %swap3A_1132 {strides = array<i32>} : memref<8x2048xf32, #tpu.memory_space<vmem>>, vector<1x16xf32>,
        %mul3A_1133 = arith.constant 64 : i32
        %mul3A_1134 = arith.muli %scan3A_1105, %mul3A_1133 : i32
        %add3A_1135 = arith.constant 48 : i32
        %add3A_1136 = arith.addi %mul3A_1134, %add3A_1135 : i32
        %swap3A_1137 = arith.constant 5 : i32
        %swap3A_1138 = arith.index_cast %swap3A_1137 : i32 to index
        %swap3A_1139 = arith.index_cast %add3A_1136 : i32 to index
        %swap3A_1140 = tpu.vector_load %arg4[%swap3A_1138, %swap3A_1139] {strides = array<i32>} : memref<8x2048xf32, #tpu.memory_space<vmem>>, vector<1x16xf32>,
        %swap3A_1141 = vector.shape_cast %swap3A_1140 : vector<1x16xf32> to vector<16xf32>
        %swap3A_1142 = vector.shape_cast %broadcast_in_dim3A_0 : vector<16xf32> to vector<1x16xf32>
        tpu.vector_store %arg4[%swap3A_1138, %swap3A_1139], %swap3A_1142 {strides = array<i32>} : memref<8x2048xf32, #tpu.memory_space<vmem>>, vector<1x16xf32>,
      }
      %scan3A_944 = arith.constant 32 : i32
      %add3A_945 = arith.constant 192 : i32
      %add3A_946 = arith.addi %add3A_14, %add3A_945 : i32
      %dma_start3A_947 = arith.constant 0 : i32
      %dma_start3A_948 = tpu.memref_slice %arg3[%add3A_946, %dma_start3A_947] : memref<8192x2048xf32, #tpu.memory_space<hbm>> -> memref<8x2048xf32, #tpu.memory_space<hbm>>
      %dma_start3A_949 = arith.constant 0 : i32
      %dma_start3A_950 = tpu.memref_slice %arg3[%add3A_946, %dma_start3A_949] : memref<8192x2048xf32, #tpu.memory_space<hbm>> -> memref<8x2048xf32, #tpu.memory_space<hbm>>
      tpu.enqueue_dma source(%arg4 : memref<8x2048xf32, #tpu.memory_space<vmem>>) target(%dma_start3A_950 : memref<8x2048xf32, #tpu.memory_space<hbm>>) target_semaphore(%arg14 : memref<!tpu.dma_semaphore, #tpu.memory_space<semaphore_mem>>)
      %dma_wait3A_951 = arith.constant 0 : i32
      %dma_wait3A_952 = tpu.memref_slice %arg3[%add3A_918, %dma_wait3A_951] : memref<8192x2048xf32, #tpu.memory_space<hbm>> -> memref<8x2048xf32, #tpu.memory_space<hbm>>
      %dma_wait3A_953 = arith.constant 0 : i32
      %dma_wait3A_954 = arith.constant 0 : i32
      %dma_wait3A_955 = tpu.memref_slice %arg9[%arg1, %dma_wait3A_953, %dma_wait3A_954] : memref<16x8x2048xf32, #tpu.memory_space<vmem_shared>> -> memref<1x8x2048xf32, #tpu.memory_space<vmem_shared>>
      %dma_wait3A_956 = tpu.memref_squeeze %dma_wait3A_955 : memref<1x8x2048xf32, #tpu.memory_space<vmem_shared>> -> memref<8x2048xf32, #tpu.memory_space<vmem_shared>>
      tpu.wait_dma2 semaphore(%arg22 : memref<!tpu.dma_semaphore, #tpu.memory_space<semaphore_mem>>) src(%dma_wait3A_956 : memref<8x2048xf32, #tpu.memory_space<vmem_shared>>) dst(%dma_wait3A_952 : memref<8x2048xf32, #tpu.memory_space<hbm>>)
      %add3A_957 = arith.constant 232 : i32
      %add3A_958 = arith.addi %add3A_14, %add3A_957 : i32
      %dma_start3A_959 = arith.constant 0 : i32
      %dma_start3A_960 = arith.constant 0 : i32
      %dma_start3A_961 = tpu.memref_slice %arg9[%arg1, %dma_start3A_959, %dma_start3A_960] : memref<16x8x2048xf32, #tpu.memory_space<vmem_shared>> -> memref<1x8x2048xf32, #tpu.memory_space<vmem_shared>>
      %dma_start3A_962 = tpu.memref_squeeze %dma_start3A_961 : memref<1x8x2048xf32, #tpu.memory_space<vmem_shared>> -> memref<8x2048xf32, #tpu.memory_space<vmem_shared>>
      %dma_start3A_963 = arith.constant 0 : i32
      %dma_start3A_964 = tpu.memref_slice %arg2[%add3A_958, %dma_start3A_963] : memref<8192x2048xf32, #tpu.memory_space<hbm>> -> memref<8x2048xf32, #tpu.memory_space<hbm>>
      tpu.enqueue_dma source(%dma_start3A_964 : memref<8x2048xf32, #tpu.memory_space<hbm>>) target(%dma_start3A_962 : memref<8x2048xf32, #tpu.memory_space<vmem_shared>>) target_semaphore(%arg19 : memref<!tpu.dma_semaphore, #tpu.memory_space<semaphore_mem>>)
      %dma_wait3A_965 = arith.constant 0 : i32
      %dma_wait3A_966 = arith.constant 0 : i32
      %dma_wait3A_967 = tpu.memref_slice %arg7[%arg1, %dma_wait3A_965, %dma_wait3A_966] : memref<16x8x2048xf32, #tpu.memory_space<vmem_shared>> -> memref<1x8x2048xf32, #tpu.memory_space<vmem_shared>>
      %dma_wait3A_968 = tpu.memref_squeeze %dma_wait3A_967 : memref<1x8x2048xf32, #tpu.memory_space<vmem_shared>> -> memref<8x2048xf32, #tpu.memory_space<vmem_shared>>
      %dma_wait3A_969 = arith.constant 0 : i32
      %dma_wait3A_970 = tpu.memref_slice %arg2[%add3A_760, %dma_wait3A_969] : memref<8192x2048xf32, #tpu.memory_space<hbm>> -> memref<8x2048xf32, #tpu.memory_space<hbm>>
      tpu.wait_dma2 semaphore(%arg17 : memref<!tpu.dma_semaphore, #tpu.memory_space<semaphore_mem>>) src(%dma_wait3A_970 : memref<8x2048xf32, #tpu.memory_space<hbm>>) dst(%dma_wait3A_968 : memref<8x2048xf32, #tpu.memory_space<vmem_shared>>)
      %add3A_971 = arith.constant 200 : i32
      %add3A_972 = arith.addi %add3A_14, %add3A_971 : i32
      %dma_start3A_973 = arith.constant 0 : i32
      %dma_start3A_974 = tpu.memref_slice %arg3[%add3A_972, %dma_start3A_973] : memref<8192x2048xf32, #tpu.memory_space<hbm>> -> memref<8x2048xf32, #tpu.memory_space<hbm>>
      %dma_start3A_975 = arith.constant 0 : i32
      %dma_start3A_976 = arith.constant 0 : i32
      %dma_start3A_977 = tpu.memref_slice %arg7[%arg1, %dma_start3A_975, %dma_start3A_976] : memref<16x8x2048xf32, #tpu.memory_space<vmem_shared>> -> memref<1x8x2048xf32, #tpu.memory_space<vmem_shared>>
      %dma_start3A_978 = tpu.memref_squeeze %dma_start3A_977 : memref<1x8x2048xf32, #tpu.memory_space<vmem_shared>> -> memref<8x2048xf32, #tpu.memory_space<vmem_shared>>
      tpu.enqueue_dma source(%dma_start3A_978 : memref<8x2048xf32, #tpu.memory_space<vmem_shared>>) target(%dma_start3A_974 : memref<8x2048xf32, #tpu.memory_space<hbm>>) target_semaphore(%arg20 : memref<!tpu.dma_semaphore, #tpu.memory_space<semaphore_mem>>)
      %dma_wait3A_979 = arith.constant 0 : i32
      %dma_wait3A_980 = tpu.memref_slice %arg3[%add3A_946, %dma_wait3A_979] : memref<8192x2048xf32, #tpu.memory_space<hbm>> -> memref<8x2048xf32, #tpu.memory_space<hbm>>
      %dma_wait3A_981 = arith.constant 0 : i32
      %dma_wait3A_982 = tpu.memref_slice %arg3[%add3A_946, %dma_wait3A_981] : memref<8192x2048xf32, #tpu.memory_space<hbm>> -> memref<8x2048xf32, #tpu.memory_space<hbm>>
      tpu.wait_dma2 semaphore(%arg14 : memref<!tpu.dma_semaphore, #tpu.memory_space<semaphore_mem>>) src(%arg4 : memref<8x2048xf32, #tpu.memory_space<vmem>>) dst(%dma_wait3A_982 : memref<8x2048xf32, #tpu.memory_space<hbm>>)
      %add3A_983 = arith.constant 240 : i32
      %add3A_984 = arith.addi %add3A_14, %add3A_983 : i32
      %dma_start3A_985 = arith.constant 0 : i32
      %dma_start3A_986 = tpu.memref_slice %arg2[%add3A_984, %dma_start3A_985] : memref<8192x2048xf32, #tpu.memory_space<hbm>> -> memref<8x2048xf32, #tpu.memory_space<hbm>>
      %dma_start3A_987 = arith.constant 0 : i32
      %dma_start3A_988 = tpu.memref_slice %arg2[%add3A_984, %dma_start3A_987] : memref<8192x2048xf32, #tpu.memory_space<hbm>> -> memref<8x2048xf32, #tpu.memory_space<hbm>>
      tpu.enqueue_dma source(%dma_start3A_988 : memref<8x2048xf32, #tpu.memory_space<hbm>>) target(%arg4 : memref<8x2048xf32, #tpu.memory_space<vmem>>) target_semaphore(%arg11 : memref<!tpu.dma_semaphore, #tpu.memory_space<semaphore_mem>>)
      %dma_wait3A_989 = arith.constant 0 : i32
      %dma_wait3A_990 = tpu.memref_slice %arg2[%add3A_814, %dma_wait3A_989] : memref<8192x2048xf32, #tpu.memory_space<hbm>> -> memref<8x2048xf32, #tpu.memory_space<hbm>>
      %dma_wait3A_991 = arith.constant 0 : i32
      %dma_wait3A_992 = tpu.memref_slice %arg2[%add3A_814, %dma_wait3A_991] : memref<8192x2048xf32, #tpu.memory_space<hbm>> -> memref<8x2048xf32, #tpu.memory_space<hbm>>
      tpu.wait_dma2 semaphore(%arg12 : memref<!tpu.dma_semaphore, #tpu.memory_space<semaphore_mem>>) src(%dma_wait3A_992 : memref<8x2048xf32, #tpu.memory_space<hbm>>) dst(%arg5 : memref<8x2048xf32, #tpu.memory_space<vmem>>)
      %add3A_993 = arith.constant 208 : i32
      %add3A_994 = arith.addi %add3A_14, %add3A_993 : i32
      %dma_start3A_995 = arith.constant 0 : i32
      %dma_start3A_996 = tpu.memref_slice %arg3[%add3A_994, %dma_start3A_995] : memref<8192x2048xf32, #tpu.memory_space<hbm>> -> memref<8x2048xf32, #tpu.memory_space<hbm>>
      %dma_start3A_997 = arith.constant 0 : i32
      %dma_start3A_998 = tpu.memref_slice %arg3[%add3A_994, %dma_start3A_997] : memref<8192x2048xf32, #tpu.memory_space<hbm>> -> memref<8x2048xf32, #tpu.memory_space<hbm>>
      tpu.enqueue_dma source(%arg5 : memref<8x2048xf32, #tpu.memory_space<vmem>>) target(%dma_start3A_998 : memref<8x2048xf32, #tpu.memory_space<hbm>>) target_semaphore(%arg15 : memref<!tpu.dma_semaphore, #tpu.memory_space<semaphore_mem>>)
      %dma_wait3A_999 = arith.constant 0 : i32
      %dma_wait3A_1000 = tpu.memref_slice %arg3[%add3A_972, %dma_wait3A_999] : memref<8192x2048xf32, #tpu.memory_space<hbm>> -> memref<8x2048xf32, #tpu.memory_space<hbm>>
      %dma_wait3A_1001 = arith.constant 0 : i32
      %dma_wait3A_1002 = arith.constant 0 : i32
      %dma_wait3A_1003 = tpu.memref_slice %arg7[%arg1, %dma_wait3A_1001, %dma_wait3A_1002] : memref<16x8x2048xf32, #tpu.memory_space<vmem_shared>> -> memref<1x8x2048xf32, #tpu.memory_space<vmem_shared>>
      %dma_wait3A_1004 = tpu.memref_squeeze %dma_wait3A_1003 : memref<1x8x2048xf32, #tpu.memory_space<vmem_shared>> -> memref<8x2048xf32, #tpu.memory_space<vmem_shared>>
      tpu.wait_dma2 semaphore(%arg20 : memref<!tpu.dma_semaphore, #tpu.memory_space<semaphore_mem>>) src(%dma_wait3A_1004 : memref<8x2048xf32, #tpu.memory_space<vmem_shared>>) dst(%dma_wait3A_1000 : memref<8x2048xf32, #tpu.memory_space<hbm>>)
      %add3A_1005 = arith.constant 248 : i32
      %add3A_1006 = arith.addi %add3A_14, %add3A_1005 : i32
      %dma_start3A_1007 = arith.constant 0 : i32
      %dma_start3A_1008 = arith.constant 0 : i32
      %dma_start3A_1009 = tpu.memref_slice %arg7[%arg1, %dma_start3A_1007, %dma_start3A_1008] : memref<16x8x2048xf32, #tpu.memory_space<vmem_shared>> -> memref<1x8x2048xf32, #tpu.memory_space<vmem_shared>>
      %dma_start3A_1010 = tpu.memref_squeeze %dma_start3A_1009 : memref<1x8x2048xf32, #tpu.memory_space<vmem_shared>> -> memref<8x2048xf32, #tpu.memory_space<vmem_shared>>
      %dma_start3A_1011 = arith.constant 0 : i32
      %dma_start3A_1012 = tpu.memref_slice %arg2[%add3A_1006, %dma_start3A_1011] : memref<8192x2048xf32, #tpu.memory_space<hbm>> -> memref<8x2048xf32, #tpu.memory_space<hbm>>
      tpu.enqueue_dma source(%dma_start3A_1012 : memref<8x2048xf32, #tpu.memory_space<hbm>>) target(%dma_start3A_1010 : memref<8x2048xf32, #tpu.memory_space<vmem_shared>>) target_semaphore(%arg17 : memref<!tpu.dma_semaphore, #tpu.memory_space<semaphore_mem>>)
      %dma_wait3A_1013 = arith.constant 0 : i32
      %dma_wait3A_1014 = arith.constant 0 : i32
      %dma_wait3A_1015 = tpu.memref_slice %arg8[%arg1, %dma_wait3A_1013, %dma_wait3A_1014] : memref<16x8x2048xf32, #tpu.memory_space<vmem_shared>> -> memref<1x8x2048xf32, #tpu.memory_space<vmem_shared>>
      %dma_wait3A_1016 = tpu.memref_squeeze %dma_wait3A_1015 : memref<1x8x2048xf32, #tpu.memory_space<vmem_shared>> -> memref<8x2048xf32, #tpu.memory_space<vmem_shared>>
      %dma_wait3A_1017 = arith.constant 0 : i32
      %dma_wait3A_1018 = tpu.memref_slice %arg2[%add3A_848, %dma_wait3A_1017] : memref<8192x2048xf32, #tpu.memory_space<hbm>> -> memref<8x2048xf32, #tpu.memory_space<hbm>>
      tpu.wait_dma2 semaphore(%arg18 : memref<!tpu.dma_semaphore, #tpu.memory_space<semaphore_mem>>) src(%dma_wait3A_1018 : memref<8x2048xf32, #tpu.memory_space<hbm>>) dst(%dma_wait3A_1016 : memref<8x2048xf32, #tpu.memory_space<vmem_shared>>)
      %add3A_1019 = arith.constant 216 : i32
      %add3A_1020 = arith.addi %add3A_14, %add3A_1019 : i32
      %dma_start3A_1021 = arith.constant 0 : i32
      %dma_start3A_1022 = tpu.memref_slice %arg3[%add3A_1020, %dma_start3A_1021] : memref<8192x2048xf32, #tpu.memory_space<hbm>> -> memref<8x2048xf32, #tpu.memory_space<hbm>>
      %dma_start3A_1023 = arith.constant 0 : i32
      %dma_start3A_1024 = arith.constant 0 : i32
      %dma_start3A_1025 = tpu.memref_slice %arg8[%arg1, %dma_start3A_1023, %dma_start3A_1024] : memref<16x8x2048xf32, #tpu.memory_space<vmem_shared>> -> memref<1x8x2048xf32, #tpu.memory_space<vmem_shared>>
      %dma_start3A_1026 = tpu.memref_squeeze %dma_start3A_1025 : memref<1x8x2048xf32, #tpu.memory_space<vmem_shared>> -> memref<8x2048xf32, #tpu.memory_space<vmem_shared>>
      tpu.enqueue_dma source(%dma_start3A_1026 : memref<8x2048xf32, #tpu.memory_space<vmem_shared>>) target(%dma_start3A_1022 : memref<8x2048xf32, #tpu.memory_space<hbm>>) target_semaphore(%arg21 : memref<!tpu.dma_semaphore, #tpu.memory_space<semaphore_mem>>)
      %dma_wait3A_1027 = arith.constant 0 : i32
      %dma_wait3A_1028 = tpu.memref_slice %arg2[%add3A_930, %dma_wait3A_1027] : memref<8192x2048xf32, #tpu.memory_space<hbm>> -> memref<8x2048xf32, #tpu.memory_space<hbm>>
      %dma_wait3A_1029 = arith.constant 0 : i32
      %dma_wait3A_1030 = tpu.memref_slice %arg2[%add3A_930, %dma_wait3A_1029] : memref<8192x2048xf32, #tpu.memory_space<hbm>> -> memref<8x2048xf32, #tpu.memory_space<hbm>>
      tpu.wait_dma2 semaphore(%arg13 : memref<!tpu.dma_semaphore, #tpu.memory_space<semaphore_mem>>) src(%dma_wait3A_1030 : memref<8x2048xf32, #tpu.memory_space<hbm>>) dst(%arg6 : memref<8x2048xf32, #tpu.memory_space<vmem>>)
      %add3A_1031 = arith.constant 224 : i32
      %add3A_1032 = arith.addi %add3A_14, %add3A_1031 : i32
      %dma_start3A_1033 = arith.constant 0 : i32
      %dma_start3A_1034 = tpu.memref_slice %arg3[%add3A_1032, %dma_start3A_1033] : memref<8192x2048xf32, #tpu.memory_space<hbm>> -> memref<8x2048xf32, #tpu.memory_space<hbm>>
      %dma_start3A_1035 = arith.constant 0 : i32
      %dma_start3A_1036 = tpu.memref_slice %arg3[%add3A_1032, %dma_start3A_1035] : memref<8192x2048xf32, #tpu.memory_space<hbm>> -> memref<8x2048xf32, #tpu.memory_space<hbm>>
      tpu.enqueue_dma source(%arg6 : memref<8x2048xf32, #tpu.memory_space<vmem>>) target(%dma_start3A_1036 : memref<8x2048xf32, #tpu.memory_space<hbm>>) target_semaphore(%arg16 : memref<!tpu.dma_semaphore, #tpu.memory_space<semaphore_mem>>)
      %dma_wait3A_1037 = arith.constant 0 : i32
      %dma_wait3A_1038 = arith.constant 0 : i32
      %dma_wait3A_1039 = tpu.memref_slice %arg9[%arg1, %dma_wait3A_1037, %dma_wait3A_1038] : memref<16x8x2048xf32, #tpu.memory_space<vmem_shared>> -> memref<1x8x2048xf32, #tpu.memory_space<vmem_shared>>
      %dma_wait3A_1040 = tpu.memref_squeeze %dma_wait3A_1039 : memref<1x8x2048xf32, #tpu.memory_space<vmem_shared>> -> memref<8x2048xf32, #tpu.memory_space<vmem_shared>>
      %dma_wait3A_1041 = arith.constant 0 : i32
      %dma_wait3A_1042 = tpu.memref_slice %arg2[%add3A_958, %dma_wait3A_1041] : memref<8192x2048xf32, #tpu.memory_space<hbm>> -> memref<8x2048xf32, #tpu.memory_space<hbm>>
      tpu.wait_dma2 semaphore(%arg19 : memref<!tpu.dma_semaphore, #tpu.memory_space<semaphore_mem>>) src(%dma_wait3A_1042 : memref<8x2048xf32, #tpu.memory_space<hbm>>) dst(%dma_wait3A_1040 : memref<8x2048xf32, #tpu.memory_space<vmem_shared>>)
      %add3A_1043 = arith.constant 232 : i32
      %add3A_1044 = arith.addi %add3A_14, %add3A_1043 : i32
      %dma_start3A_1045 = arith.constant 0 : i32
      %dma_start3A_1046 = tpu.memref_slice %arg3[%add3A_1044, %dma_start3A_1045] : memref<8192x2048xf32, #tpu.memory_space<hbm>> -> memref<8x2048xf32, #tpu.memory_space<hbm>>
      %dma_start3A_1047 = arith.constant 0 : i32
      %dma_start3A_1048 = arith.constant 0 : i32
      %dma_start3A_1049 = tpu.memref_slice %arg9[%arg1, %dma_start3A_1047, %dma_start3A_1048] : memref<16x8x2048xf32, #tpu.memory_space<vmem_shared>> -> memref<1x8x2048xf32, #tpu.memory_space<vmem_shared>>
      %dma_start3A_1050 = tpu.memref_squeeze %dma_start3A_1049 : memref<1x8x2048xf32, #tpu.memory_space<vmem_shared>> -> memref<8x2048xf32, #tpu.memory_space<vmem_shared>>
      tpu.enqueue_dma source(%dma_start3A_1050 : memref<8x2048xf32, #tpu.memory_space<vmem_shared>>) target(%dma_start3A_1046 : memref<8x2048xf32, #tpu.memory_space<hbm>>) target_semaphore(%arg22 : memref<!tpu.dma_semaphore, #tpu.memory_space<semaphore_mem>>)
      %dma_wait3A_1051 = arith.constant 0 : i32
      %dma_wait3A_1052 = tpu.memref_slice %arg2[%add3A_984, %dma_wait3A_1051] : memref<8192x2048xf32, #tpu.memory_space<hbm>> -> memref<8x2048xf32, #tpu.memory_space<hbm>>
      %dma_wait3A_1053 = arith.constant 0 : i32
      %dma_wait3A_1054 = tpu.memref_slice %arg2[%add3A_984, %dma_wait3A_1053] : memref<8192x2048xf32, #tpu.memory_space<hbm>> -> memref<8x2048xf32, #tpu.memory_space<hbm>>
      tpu.wait_dma2 semaphore(%arg11 : memref<!tpu.dma_semaphore, #tpu.memory_space<semaphore_mem>>) src(%dma_wait3A_1054 : memref<8x2048xf32, #tpu.memory_space<hbm>>) dst(%arg4 : memref<8x2048xf32, #tpu.memory_space<vmem>>)
      %add3A_1055 = arith.constant 240 : i32
      %add3A_1056 = arith.addi %add3A_14, %add3A_1055 : i32
      %dma_start3A_1057 = arith.constant 0 : i32
      %dma_start3A_1058 = tpu.memref_slice %arg3[%add3A_1056, %dma_start3A_1057] : memref<8192x2048xf32, #tpu.memory_space<hbm>> -> memref<8x2048xf32, #tpu.memory_space<hbm>>
      %dma_start3A_1059 = arith.constant 0 : i32
      %dma_start3A_1060 = tpu.memref_slice %arg3[%add3A_1056, %dma_start3A_1059] : memref<8192x2048xf32, #tpu.memory_space<hbm>> -> memref<8x2048xf32, #tpu.memory_space<hbm>>
      tpu.enqueue_dma source(%arg4 : memref<8x2048xf32, #tpu.memory_space<vmem>>) target(%dma_start3A_1060 : memref<8x2048xf32, #tpu.memory_space<hbm>>) target_semaphore(%arg14 : memref<!tpu.dma_semaphore, #tpu.memory_space<semaphore_mem>>)
      %dma_wait3A_1061 = arith.constant 0 : i32
      %dma_wait3A_1062 = arith.constant 0 : i32
      %dma_wait3A_1063 = tpu.memref_slice %arg7[%arg1, %dma_wait3A_1061, %dma_wait3A_1062] : memref<16x8x2048xf32, #tpu.memory_space<vmem_shared>> -> memref<1x8x2048xf32, #tpu.memory_space<vmem_shared>>
      %dma_wait3A_1064 = tpu.memref_squeeze %dma_wait3A_1063 : memref<1x8x2048xf32, #tpu.memory_space<vmem_shared>> -> memref<8x2048xf32, #tpu.memory_space<vmem_shared>>
      %dma_wait3A_1065 = arith.constant 0 : i32
      %dma_wait3A_1066 = tpu.memref_slice %arg2[%add3A_1006, %dma_wait3A_1065] : memref<8192x2048xf32, #tpu.memory_space<hbm>> -> memref<8x2048xf32, #tpu.memory_space<hbm>>
      tpu.wait_dma2 semaphore(%arg17 : memref<!tpu.dma_semaphore, #tpu.memory_space<semaphore_mem>>) src(%dma_wait3A_1066 : memref<8x2048xf32, #tpu.memory_space<hbm>>) dst(%dma_wait3A_1064 : memref<8x2048xf32, #tpu.memory_space<vmem_shared>>)
      %add3A_1067 = arith.constant 248 : i32
      %add3A_1068 = arith.addi %add3A_14, %add3A_1067 : i32
      %dma_start3A_1069 = arith.constant 0 : i32
      %dma_start3A_1070 = tpu.memref_slice %arg3[%add3A_1068, %dma_start3A_1069] : memref<8192x2048xf32, #tpu.memory_space<hbm>> -> memref<8x2048xf32, #tpu.memory_space<hbm>>
      %dma_start3A_1071 = arith.constant 0 : i32
      %dma_start3A_1072 = arith.constant 0 : i32
      %dma_start3A_1073 = tpu.memref_slice %arg7[%arg1, %dma_start3A_1071, %dma_start3A_1072] : memref<16x8x2048xf32, #tpu.memory_space<vmem_shared>> -> memref<1x8x2048xf32, #tpu.memory_space<vmem_shared>>
      %dma_start3A_1074 = tpu.memref_squeeze %dma_start3A_1073 : memref<1x8x2048xf32, #tpu.memory_space<vmem_shared>> -> memref<8x2048xf32, #tpu.memory_space<vmem_shared>>
      tpu.enqueue_dma source(%dma_start3A_1074 : memref<8x2048xf32, #tpu.memory_space<vmem_shared>>) target(%dma_start3A_1070 : memref<8x2048xf32, #tpu.memory_space<hbm>>) target_semaphore(%arg20 : memref<!tpu.dma_semaphore, #tpu.memory_space<semaphore_mem>>)
      %dma_wait3A_1075 = arith.constant 0 : i32
      %dma_wait3A_1076 = tpu.memref_slice %arg3[%add3A_994, %dma_wait3A_1075] : memref<8192x2048xf32, #tpu.memory_space<hbm>> -> memref<8x2048xf32, #tpu.memory_space<hbm>>
      %dma_wait3A_1077 = arith.constant 0 : i32
      %dma_wait3A_1078 = tpu.memref_slice %arg3[%add3A_994, %dma_wait3A_1077] : memref<8192x2048xf32, #tpu.memory_space<hbm>> -> memref<8x2048xf32, #tpu.memory_space<hbm>>
      tpu.wait_dma2 semaphore(%arg15 : memref<!tpu.dma_semaphore, #tpu.memory_space<semaphore_mem>>) src(%arg5 : memref<8x2048xf32, #tpu.memory_space<vmem>>) dst(%dma_wait3A_1078 : memref<8x2048xf32, #tpu.memory_space<hbm>>)
      %dma_wait3A_1079 = arith.constant 0 : i32
      %dma_wait3A_1080 = tpu.memref_slice %arg3[%add3A_1032, %dma_wait3A_1079] : memref<8192x2048xf32, #tpu.memory_space<hbm>> -> memref<8x2048xf32, #tpu.memory_space<hbm>>
      %dma_wait3A_1081 = arith.constant 0 : i32
      %dma_wait3A_1082 = tpu.memref_slice %arg3[%add3A_1032, %dma_wait3A_1081] : memref<8192x2048xf32, #tpu.memory_space<hbm>> -> memref<8x2048xf32, #tpu.memory_space<hbm>>
      tpu.wait_dma2 semaphore(%arg16 : memref<!tpu.dma_semaphore, #tpu.memory_space<semaphore_mem>>) src(%arg6 : memref<8x2048xf32, #tpu.memory_space<vmem>>) dst(%dma_wait3A_1082 : memref<8x2048xf32, #tpu.memory_space<hbm>>)
      %dma_wait3A_1083 = arith.constant 0 : i32
      %dma_wait3A_1084 = tpu.memref_slice %arg3[%add3A_1056, %dma_wait3A_1083] : memref<8192x2048xf32, #tpu.memory_space<hbm>> -> memref<8x2048xf32, #tpu.memory_space<hbm>>
      %dma_wait3A_1085 = arith.constant 0 : i32
      %dma_wait3A_1086 = tpu.memref_slice %arg3[%add3A_1056, %dma_wait3A_1085] : memref<8192x2048xf32, #tpu.memory_space<hbm>> -> memref<8x2048xf32, #tpu.memory_space<hbm>>
      tpu.wait_dma2 semaphore(%arg14 : memref<!tpu.dma_semaphore, #tpu.memory_space<semaphore_mem>>) src(%arg4 : memref<8x2048xf32, #tpu.memory_space<vmem>>) dst(%dma_wait3A_1086 : memref<8x2048xf32, #tpu.memory_space<hbm>>)
      %dma_wait3A_1087 = arith.constant 0 : i32
      %dma_wait3A_1088 = tpu.memref_slice %arg3[%add3A_1020, %dma_wait3A_1087] : memref<8192x2048xf32, #tpu.memory_space<hbm>> -> memref<8x2048xf32, #tpu.memory_space<hbm>>
      %dma_wait3A_1089 = arith.constant 0 : i32
      %dma_wait3A_1090 = arith.constant 0 : i32
      %dma_wait3A_1091 = tpu.memref_slice %arg8[%arg1, %dma_wait3A_1089, %dma_wait3A_1090] : memref<16x8x2048xf32, #tpu.memory_space<vmem_shared>> -> memref<1x8x2048xf32, #tpu.memory_space<vmem_shared>>
      %dma_wait3A_1092 = tpu.memref_squeeze %dma_wait3A_1091 : memref<1x8x2048xf32, #tpu.memory_space<vmem_shared>> -> memref<8x2048xf32, #tpu.memory_space<vmem_shared>>
      tpu.wait_dma2 semaphore(%arg21 : memref<!tpu.dma_semaphore, #tpu.memory_space<semaphore_mem>>) src(%dma_wait3A_1092 : memref<8x2048xf32, #tpu.memory_space<vmem_shared>>) dst(%dma_wait3A_1088 : memref<8x2048xf32, #tpu.memory_space<hbm>>)
      %dma_wait3A_1093 = arith.constant 0 : i32
      %dma_wait3A_1094 = tpu.memref_slice %arg3[%add3A_1044, %dma_wait3A_1093] : memref<8192x2048xf32, #tpu.memory_space<hbm>> -> memref<8x2048xf32, #tpu.memory_space<hbm>>
      %dma_wait3A_1095 = arith.constant 0 : i32
      %dma_wait3A_1096 = arith.constant 0 : i32
      %dma_wait3A_1097 = tpu.memref_slice %arg9[%arg1, %dma_wait3A_1095, %dma_wait3A_1096] : memref<16x8x2048xf32, #tpu.memory_space<vmem_shared>> -> memref<1x8x2048xf32, #tpu.memory_space<vmem_shared>>
      %dma_wait3A_1098 = tpu.memref_squeeze %dma_wait3A_1097 : memref<1x8x2048xf32, #tpu.memory_space<vmem_shared>> -> memref<8x2048xf32, #tpu.memory_space<vmem_shared>>
      tpu.wait_dma2 semaphore(%arg22 : memref<!tpu.dma_semaphore, #tpu.memory_space<semaphore_mem>>) src(%dma_wait3A_1098 : memref<8x2048xf32, #tpu.memory_space<vmem_shared>>) dst(%dma_wait3A_1094 : memref<8x2048xf32, #tpu.memory_space<hbm>>)
      %dma_wait3A_1099 = arith.constant 0 : i32
      %dma_wait3A_1100 = tpu.memref_slice %arg3[%add3A_1068, %dma_wait3A_1099] : memref<8192x2048xf32, #tpu.memory_space<hbm>> -> memref<8x2048xf32, #tpu.memory_space<hbm>>
      %dma_wait3A_1101 = arith.constant 0 : i32
      %dma_wait3A_1102 = arith.constant 0 : i32
      %dma_wait3A_1103 = tpu.memref_slice %arg7[%arg1, %dma_wait3A_1101, %dma_wait3A_1102] : memref<16x8x2048xf32, #tpu.memory_space<vmem_shared>> -> memref<1x8x2048xf32, #tpu.memory_space<vmem_shared>>
      %dma_wait3A_1104 = tpu.memref_squeeze %dma_wait3A_1103 : memref<1x8x2048xf32, #tpu.memory_space<vmem_shared>> -> memref<8x2048xf32, #tpu.memory_space<vmem_shared>>
      tpu.wait_dma2 semaphore(%arg20 : memref<!tpu.dma_semaphore, #tpu.memory_space<semaphore_mem>>) src(%dma_wait3A_1104 : memref<8x2048xf32, #tpu.memory_space<vmem_shared>>) dst(%dma_wait3A_1100 : memref<8x2048xf32, #tpu.memory_space<hbm>>)
    } else {
    }
    %eq3A_8 = arith.constant 1 : i32
    %eq3A_9 = arith.cmpi eq, %arg0, %eq3A_8 : i32
    %convert_element_type3A_10 = arith.extui %eq3A_9 : i1 to i32
    %cond3A_11 = arith.constant 0 : i32
    %cond3A_12 = arith.cmpi ne, %convert_element_type3A_10, %cond3A_11 : i32
    scf.if %cond3A_12 {
      %mul3A = arith.constant 512 : i32
      %mul3A_13 = arith.muli %arg1, %mul3A : i32
      %add3A = arith.constant 256 : i32
      %add3A_14 = arith.addi %mul3A_13, %add3A : i32
      %add3A_15 = arith.constant 0 : i32
      %add3A_16 = arith.addi %add3A_14, %add3A_15 : i32
      %dma_start3A = arith.constant 0 : i32
      %dma_start3A_17 = tpu.memref_slice %arg2[%add3A_16, %dma_start3A] : memref<8192x2048xf32, #tpu.memory_space<hbm>> -> memref<8x2048xf32, #tpu.memory_space<hbm>>
      %dma_start3A_18 = arith.constant 0 : i32
      %dma_start3A_19 = tpu.memref_slice %arg2[%add3A_16, %dma_start3A_18] : memref<8192x2048xf32, #tpu.memory_space<hbm>> -> memref<8x2048xf32, #tpu.memory_space<hbm>>
      tpu.enqueue_dma source(%dma_start3A_19 : memref<8x2048xf32, #tpu.memory_space<hbm>>) target(%arg4 : memref<8x2048xf32, #tpu.memory_space<vmem>>) target_semaphore(%arg11 : memref<!tpu.dma_semaphore, #tpu.memory_space<semaphore_mem>>)
      %add3A_20 = arith.constant 16 : i32
      %add3A_21 = arith.addi %add3A_14, %add3A_20 : i32
      %dma_start3A_22 = arith.constant 0 : i32
      %dma_start3A_23 = tpu.memref_slice %arg2[%add3A_21, %dma_start3A_22] : memref<8192x2048xf32, #tpu.memory_space<hbm>> -> memref<8x2048xf32, #tpu.memory_space<hbm>>
      %dma_start3A_24 = arith.constant 0 : i32
      %dma_start3A_25 = tpu.memref_slice %arg2[%add3A_21, %dma_start3A_24] : memref<8192x2048xf32, #tpu.memory_space<hbm>> -> memref<8x2048xf32, #tpu.memory_space<hbm>>
      tpu.enqueue_dma source(%dma_start3A_25 : memref<8x2048xf32, #tpu.memory_space<hbm>>) target(%arg5 : memref<8x2048xf32, #tpu.memory_space<vmem>>) target_semaphore(%arg12 : memref<!tpu.dma_semaphore, #tpu.memory_space<semaphore_mem>>)
      %add3A_26 = arith.constant 8 : i32
      %add3A_27 = arith.addi %add3A_14, %add3A_26 : i32
      %dma_start3A_28 = arith.constant 0 : i32
      %dma_start3A_29 = arith.constant 0 : i32
      %dma_start3A_30 = tpu.memref_slice %arg7[%arg1, %dma_start3A_28, %dma_start3A_29] : memref<16x8x2048xf32, #tpu.memory_space<vmem_shared>> -> memref<1x8x2048xf32, #tpu.memory_space<vmem_shared>>
      %dma_start3A_31 = tpu.memref_squeeze %dma_start3A_30 : memref<1x8x2048xf32, #tpu.memory_space<vmem_shared>> -> memref<8x2048xf32, #tpu.memory_space<vmem_shared>>
      %dma_start3A_32 = arith.constant 0 : i32
      %dma_start3A_33 = tpu.memref_slice %arg2[%add3A_27, %dma_start3A_32] : memref<8192x2048xf32, #tpu.memory_space<hbm>> -> memref<8x2048xf32, #tpu.memory_space<hbm>>
      tpu.enqueue_dma source(%dma_start3A_33 : memref<8x2048xf32, #tpu.memory_space<hbm>>) target(%dma_start3A_31 : memref<8x2048xf32, #tpu.memory_space<vmem_shared>>) target_semaphore(%arg17 : memref<!tpu.dma_semaphore, #tpu.memory_space<semaphore_mem>>)
      %add3A_34 = arith.constant 24 : i32
      %add3A_35 = arith.addi %add3A_14, %add3A_34 : i32
      %dma_start3A_36 = arith.constant 0 : i32
      %dma_start3A_37 = arith.constant 0 : i32
      %dma_start3A_38 = tpu.memref_slice %arg8[%arg1, %dma_start3A_36, %dma_start3A_37] : memref<16x8x2048xf32, #tpu.memory_space<vmem_shared>> -> memref<1x8x2048xf32, #tpu.memory_space<vmem_shared>>
      %dma_start3A_39 = tpu.memref_squeeze %dma_start3A_38 : memref<1x8x2048xf32, #tpu.memory_space<vmem_shared>> -> memref<8x2048xf32, #tpu.memory_space<vmem_shared>>
      %dma_start3A_40 = arith.constant 0 : i32
      %dma_start3A_41 = tpu.memref_slice %arg2[%add3A_35, %dma_start3A_40] : memref<8192x2048xf32, #tpu.memory_space<hbm>> -> memref<8x2048xf32, #tpu.memory_space<hbm>>
      tpu.enqueue_dma source(%dma_start3A_41 : memref<8x2048xf32, #tpu.memory_space<hbm>>) target(%dma_start3A_39 : memref<8x2048xf32, #tpu.memory_space<vmem_shared>>) target_semaphore(%arg18 : memref<!tpu.dma_semaphore, #tpu.memory_space<semaphore_mem>>)
      %add3A_42 = arith.constant 32 : i32
      %add3A_43 = arith.addi %add3A_14, %add3A_42 : i32
      %dma_start3A_44 = arith.constant 0 : i32
      %dma_start3A_45 = tpu.memref_slice %arg2[%add3A_43, %dma_start3A_44] : memref<8192x2048xf32, #tpu.memory_space<hbm>> -> memref<8x2048xf32, #tpu.memory_space<hbm>>
      %dma_start3A_46 = arith.constant 0 : i32
      %dma_start3A_47 = tpu.memref_slice %arg2[%add3A_43, %dma_start3A_46] : memref<8192x2048xf32, #tpu.memory_space<hbm>> -> memref<8x2048xf32, #tpu.memory_space<hbm>>
      tpu.enqueue_dma source(%dma_start3A_47 : memref<8x2048xf32, #tpu.memory_space<hbm>>) target(%arg6 : memref<8x2048xf32, #tpu.memory_space<vmem>>) target_semaphore(%arg13 : memref<!tpu.dma_semaphore, #tpu.memory_space<semaphore_mem>>)
      %dma_wait3A = arith.constant 0 : i32
      %dma_wait3A_48 = tpu.memref_slice %arg2[%add3A_16, %dma_wait3A] : memref<8192x2048xf32, #tpu.memory_space<hbm>> -> memref<8x2048xf32, #tpu.memory_space<hbm>>
      %dma_wait3A_49 = arith.constant 0 : i32
      %dma_wait3A_50 = tpu.memref_slice %arg2[%add3A_16, %dma_wait3A_49] : memref<8192x2048xf32, #tpu.memory_space<hbm>> -> memref<8x2048xf32, #tpu.memory_space<hbm>>
      tpu.wait_dma2 semaphore(%arg11 : memref<!tpu.dma_semaphore, #tpu.memory_space<semaphore_mem>>) src(%dma_wait3A_50 : memref<8x2048xf32, #tpu.memory_space<hbm>>) dst(%arg4 : memref<8x2048xf32, #tpu.memory_space<vmem>>)
      %scan3A_51 = arith.constant 0 : i32
      %scan3A_52 = arith.constant 0 : i32
      %scan3A_53 = arith.constant 32 : i32
      %scan3A_54 = arith.addi %scan3A_52, %scan3A_53 : i32
      %scan3A_55 = arith.constant 1 : i32
      scf.for %scan3A_1313 = %scan3A_52 to %scan3A_54 step %scan3A_55  : i32 {
        %mul3A_1314 = arith.constant 64 : i32
        %mul3A_1315 = arith.muli %scan3A_1313, %mul3A_1314 : i32
        %swap3A = arith.constant 1 : i32
        %swap3A_1316 = arith.index_cast %swap3A : i32 to index
        %swap3A_1317 = arith.index_cast %mul3A_1315 : i32 to index
        %swap3A_1318 = tpu.vector_load %arg4[%swap3A_1316, %swap3A_1317] {strides = array<i32>} : memref<8x2048xf32, #tpu.memory_space<vmem>>, vector<1x16xf32>,
        %swap3A_1319 = vector.shape_cast %swap3A_1318 : vector<1x16xf32> to vector<16xf32>
        %swap3A_1320 = vector.shape_cast %broadcast_in_dim3A_0 : vector<16xf32> to vector<1x16xf32>
        tpu.vector_store %arg4[%swap3A_1316, %swap3A_1317], %swap3A_1320 {strides = array<i32>} : memref<8x2048xf32, #tpu.memory_space<vmem>>, vector<1x16xf32>,
        %mul3A_1321 = arith.constant 64 : i32
        %mul3A_1322 = arith.muli %scan3A_1313, %mul3A_1321 : i32
        %add3A_1323 = arith.constant 16 : i32
        %add3A_1324 = arith.addi %mul3A_1322, %add3A_1323 : i32
        %swap3A_1325 = arith.constant 1 : i32
        %swap3A_1326 = arith.index_cast %swap3A_1325 : i32 to index
        %swap3A_1327 = arith.index_cast %add3A_1324 : i32 to index
        %swap3A_1328 = tpu.vector_load %arg4[%swap3A_1326, %swap3A_1327] {strides = array<i32>} : memref<8x2048xf32, #tpu.memory_space<vmem>>, vector<1x16xf32>,
        %swap3A_1329 = vector.shape_cast %swap3A_1328 : vector<1x16xf32> to vector<16xf32>
        %swap3A_1330 = vector.shape_cast %broadcast_in_dim3A_0 : vector<16xf32> to vector<1x16xf32>
        tpu.vector_store %arg4[%swap3A_1326, %swap3A_1327], %swap3A_1330 {strides = array<i32>} : memref<8x2048xf32, #tpu.memory_space<vmem>>, vector<1x16xf32>,
        %mul3A_1331 = arith.constant 64 : i32
        %mul3A_1332 = arith.muli %scan3A_1313, %mul3A_1331 : i32
        %add3A_1333 = arith.constant 32 : i32
        %add3A_1334 = arith.addi %mul3A_1332, %add3A_1333 : i32
        %swap3A_1335 = arith.constant 1 : i32
        %swap3A_1336 = arith.index_cast %swap3A_1335 : i32 to index
        %swap3A_1337 = arith.index_cast %add3A_1334 : i32 to index
        %swap3A_1338 = tpu.vector_load %arg4[%swap3A_1336, %swap3A_1337] {strides = array<i32>} : memref<8x2048xf32, #tpu.memory_space<vmem>>, vector<1x16xf32>,
        %swap3A_1339 = vector.shape_cast %swap3A_1338 : vector<1x16xf32> to vector<16xf32>
        %swap3A_1340 = vector.shape_cast %broadcast_in_dim3A_0 : vector<16xf32> to vector<1x16xf32>
        tpu.vector_store %arg4[%swap3A_1336, %swap3A_1337], %swap3A_1340 {strides = array<i32>} : memref<8x2048xf32, #tpu.memory_space<vmem>>, vector<1x16xf32>,
        %mul3A_1341 = arith.constant 64 : i32
        %mul3A_1342 = arith.muli %scan3A_1313, %mul3A_1341 : i32
        %add3A_1343 = arith.constant 48 : i32
        %add3A_1344 = arith.addi %mul3A_1342, %add3A_1343 : i32
        %swap3A_1345 = arith.constant 1 : i32
        %swap3A_1346 = arith.index_cast %swap3A_1345 : i32 to index
        %swap3A_1347 = arith.index_cast %add3A_1344 : i32 to index
        %swap3A_1348 = tpu.vector_load %arg4[%swap3A_1346, %swap3A_1347] {strides = array<i32>} : memref<8x2048xf32, #tpu.memory_space<vmem>>, vector<1x16xf32>,
        %swap3A_1349 = vector.shape_cast %swap3A_1348 : vector<1x16xf32> to vector<16xf32>
        %swap3A_1350 = vector.shape_cast %broadcast_in_dim3A_0 : vector<16xf32> to vector<1x16xf32>
        tpu.vector_store %arg4[%swap3A_1346, %swap3A_1347], %swap3A_1350 {strides = array<i32>} : memref<8x2048xf32, #tpu.memory_space<vmem>>, vector<1x16xf32>,
      }
      %scan3A_56 = arith.constant 32 : i32
      %scan3A_57 = arith.constant 0 : i32
      %scan3A_58 = arith.constant 0 : i32
      %scan3A_59 = arith.constant 32 : i32
      %scan3A_60 = arith.addi %scan3A_58, %scan3A_59 : i32
      %scan3A_61 = arith.constant 1 : i32
      scf.for %scan3A_1313 = %scan3A_58 to %scan3A_60 step %scan3A_61  : i32 {
        %mul3A_1314 = arith.constant 64 : i32
        %mul3A_1315 = arith.muli %scan3A_1313, %mul3A_1314 : i32
        %swap3A = arith.constant 7 : i32
        %swap3A_1316 = arith.index_cast %swap3A : i32 to index
        %swap3A_1317 = arith.index_cast %mul3A_1315 : i32 to index
        %swap3A_1318 = tpu.vector_load %arg4[%swap3A_1316, %swap3A_1317] {strides = array<i32>} : memref<8x2048xf32, #tpu.memory_space<vmem>>, vector<1x16xf32>,
        %swap3A_1319 = vector.shape_cast %swap3A_1318 : vector<1x16xf32> to vector<16xf32>
        %swap3A_1320 = vector.shape_cast %broadcast_in_dim3A_0 : vector<16xf32> to vector<1x16xf32>
        tpu.vector_store %arg4[%swap3A_1316, %swap3A_1317], %swap3A_1320 {strides = array<i32>} : memref<8x2048xf32, #tpu.memory_space<vmem>>, vector<1x16xf32>,
        %mul3A_1321 = arith.constant 64 : i32
        %mul3A_1322 = arith.muli %scan3A_1313, %mul3A_1321 : i32
        %add3A_1323 = arith.constant 16 : i32
        %add3A_1324 = arith.addi %mul3A_1322, %add3A_1323 : i32
        %swap3A_1325 = arith.constant 7 : i32
        %swap3A_1326 = arith.index_cast %swap3A_1325 : i32 to index
        %swap3A_1327 = arith.index_cast %add3A_1324 : i32 to index
        %swap3A_1328 = tpu.vector_load %arg4[%swap3A_1326, %swap3A_1327] {strides = array<i32>} : memref<8x2048xf32, #tpu.memory_space<vmem>>, vector<1x16xf32>,
        %swap3A_1329 = vector.shape_cast %swap3A_1328 : vector<1x16xf32> to vector<16xf32>
        %swap3A_1330 = vector.shape_cast %broadcast_in_dim3A_0 : vector<16xf32> to vector<1x16xf32>
        tpu.vector_store %arg4[%swap3A_1326, %swap3A_1327], %swap3A_1330 {strides = array<i32>} : memref<8x2048xf32, #tpu.memory_space<vmem>>, vector<1x16xf32>,
        %mul3A_1331 = arith.constant 64 : i32
        %mul3A_1332 = arith.muli %scan3A_1313, %mul3A_1331 : i32
        %add3A_1333 = arith.constant 32 : i32
        %add3A_1334 = arith.addi %mul3A_1332, %add3A_1333 : i32
        %swap3A_1335 = arith.constant 7 : i32
        %swap3A_1336 = arith.index_cast %swap3A_1335 : i32 to index
        %swap3A_1337 = arith.index_cast %add3A_1334 : i32 to index
        %swap3A_1338 = tpu.vector_load %arg4[%swap3A_1336, %swap3A_1337] {strides = array<i32>} : memref<8x2048xf32, #tpu.memory_space<vmem>>, vector<1x16xf32>,
        %swap3A_1339 = vector.shape_cast %swap3A_1338 : vector<1x16xf32> to vector<16xf32>
        %swap3A_1340 = vector.shape_cast %broadcast_in_dim3A_0 : vector<16xf32> to vector<1x16xf32>
        tpu.vector_store %arg4[%swap3A_1336, %swap3A_1337], %swap3A_1340 {strides = array<i32>} : memref<8x2048xf32, #tpu.memory_space<vmem>>, vector<1x16xf32>,
        %mul3A_1341 = arith.constant 64 : i32
        %mul3A_1342 = arith.muli %scan3A_1313, %mul3A_1341 : i32
        %add3A_1343 = arith.constant 48 : i32
        %add3A_1344 = arith.addi %mul3A_1342, %add3A_1343 : i32
        %swap3A_1345 = arith.constant 7 : i32
        %swap3A_1346 = arith.index_cast %swap3A_1345 : i32 to index
        %swap3A_1347 = arith.index_cast %add3A_1344 : i32 to index
        %swap3A_1348 = tpu.vector_load %arg4[%swap3A_1346, %swap3A_1347] {strides = array<i32>} : memref<8x2048xf32, #tpu.memory_space<vmem>>, vector<1x16xf32>,
        %swap3A_1349 = vector.shape_cast %swap3A_1348 : vector<1x16xf32> to vector<16xf32>
        %swap3A_1350 = vector.shape_cast %broadcast_in_dim3A_0 : vector<16xf32> to vector<1x16xf32>
        tpu.vector_store %arg4[%swap3A_1346, %swap3A_1347], %swap3A_1350 {strides = array<i32>} : memref<8x2048xf32, #tpu.memory_space<vmem>>, vector<1x16xf32>,
      }
      %scan3A_62 = arith.constant 32 : i32
      %add3A_63 = arith.constant 0 : i32
      %add3A_64 = arith.addi %add3A_14, %add3A_63 : i32
      %dma_start3A_65 = arith.constant 0 : i32
      %dma_start3A_66 = tpu.memref_slice %arg3[%add3A_64, %dma_start3A_65] : memref<8192x2048xf32, #tpu.memory_space<hbm>> -> memref<8x2048xf32, #tpu.memory_space<hbm>>
      %dma_start3A_67 = arith.constant 0 : i32
      %dma_start3A_68 = tpu.memref_slice %arg3[%add3A_64, %dma_start3A_67] : memref<8192x2048xf32, #tpu.memory_space<hbm>> -> memref<8x2048xf32, #tpu.memory_space<hbm>>
      tpu.enqueue_dma source(%arg4 : memref<8x2048xf32, #tpu.memory_space<vmem>>) target(%dma_start3A_68 : memref<8x2048xf32, #tpu.memory_space<hbm>>) target_semaphore(%arg14 : memref<!tpu.dma_semaphore, #tpu.memory_space<semaphore_mem>>)
      %add3A_69 = arith.constant 40 : i32
      %add3A_70 = arith.addi %add3A_14, %add3A_69 : i32
      %dma_start3A_71 = arith.constant 0 : i32
      %dma_start3A_72 = arith.constant 0 : i32
      %dma_start3A_73 = tpu.memref_slice %arg9[%arg1, %dma_start3A_71, %dma_start3A_72] : memref<16x8x2048xf32, #tpu.memory_space<vmem_shared>> -> memref<1x8x2048xf32, #tpu.memory_space<vmem_shared>>
      %dma_start3A_74 = tpu.memref_squeeze %dma_start3A_73 : memref<1x8x2048xf32, #tpu.memory_space<vmem_shared>> -> memref<8x2048xf32, #tpu.memory_space<vmem_shared>>
      %dma_start3A_75 = arith.constant 0 : i32
      %dma_start3A_76 = tpu.memref_slice %arg2[%add3A_70, %dma_start3A_75] : memref<8192x2048xf32, #tpu.memory_space<hbm>> -> memref<8x2048xf32, #tpu.memory_space<hbm>>
      tpu.enqueue_dma source(%dma_start3A_76 : memref<8x2048xf32, #tpu.memory_space<hbm>>) target(%dma_start3A_74 : memref<8x2048xf32, #tpu.memory_space<vmem_shared>>) target_semaphore(%arg19 : memref<!tpu.dma_semaphore, #tpu.memory_space<semaphore_mem>>)
      %dma_wait3A_77 = arith.constant 0 : i32
      %dma_wait3A_78 = arith.constant 0 : i32
      %dma_wait3A_79 = tpu.memref_slice %arg7[%arg1, %dma_wait3A_77, %dma_wait3A_78] : memref<16x8x2048xf32, #tpu.memory_space<vmem_shared>> -> memref<1x8x2048xf32, #tpu.memory_space<vmem_shared>>
      %dma_wait3A_80 = tpu.memref_squeeze %dma_wait3A_79 : memref<1x8x2048xf32, #tpu.memory_space<vmem_shared>> -> memref<8x2048xf32, #tpu.memory_space<vmem_shared>>
      %dma_wait3A_81 = arith.constant 0 : i32
      %dma_wait3A_82 = tpu.memref_slice %arg2[%add3A_27, %dma_wait3A_81] : memref<8192x2048xf32, #tpu.memory_space<hbm>> -> memref<8x2048xf32, #tpu.memory_space<hbm>>
      tpu.wait_dma2 semaphore(%arg17 : memref<!tpu.dma_semaphore, #tpu.memory_space<semaphore_mem>>) src(%dma_wait3A_82 : memref<8x2048xf32, #tpu.memory_space<hbm>>) dst(%dma_wait3A_80 : memref<8x2048xf32, #tpu.memory_space<vmem_shared>>)
      %dma_start3A_83 = arith.constant 0 : i32
      %dma_start3A_84 = arith.constant 0 : i32
      %dma_start3A_85 = tpu.memref_slice %arg7[%arg1, %dma_start3A_83, %dma_start3A_84] : memref<16x8x2048xf32, #tpu.memory_space<vmem_shared>> -> memref<1x8x2048xf32, #tpu.memory_space<vmem_shared>>
      %dma_start3A_86 = tpu.memref_squeeze %dma_start3A_85 : memref<1x8x2048xf32, #tpu.memory_space<vmem_shared>> -> memref<8x2048xf32, #tpu.memory_space<vmem_shared>>
      %dma_start3A_87 = arith.constant 4 : i32
      %dma_start3A_88 = arith.constant 0 : i32
      %dma_start3A_89 = tpu.memref_slice %dma_start3A_86[%dma_start3A_87, %dma_start3A_88] : memref<8x2048xf32, #tpu.memory_space<vmem_shared>> -> memref<1x2048xf32, #tpu.memory_space<vmem_shared>>
      %dma_start3A_90 = arith.constant 0 : i32
      %dma_start3A_91 = arith.constant 0 : i32
      %dma_start3A_92 = tpu.memref_slice %arg7[%arg1, %dma_start3A_90, %dma_start3A_91] : memref<16x8x2048xf32, #tpu.memory_space<vmem_shared>> -> memref<1x8x2048xf32, #tpu.memory_space<vmem_shared>>
      %dma_start3A_93 = tpu.memref_squeeze %dma_start3A_92 : memref<1x8x2048xf32, #tpu.memory_space<vmem_shared>> -> memref<8x2048xf32, #tpu.memory_space<vmem_shared>>
      %dma_start3A_94 = arith.constant 4 : i32
      %dma_start3A_95 = arith.constant 0 : i32
      %dma_start3A_96 = tpu.memref_slice %dma_start3A_93[%dma_start3A_94, %dma_start3A_95] : memref<8x2048xf32, #tpu.memory_space<vmem_shared>> -> memref<1x2048xf32, #tpu.memory_space<vmem_shared>>
      tpu.enqueue_dma source(%arg10 : memref<1x2048xf32, #tpu.memory_space<vmem>>) target(%dma_start3A_96 : memref<1x2048xf32, #tpu.memory_space<vmem_shared>>) target_semaphore(%arg23 : memref<!tpu.dma_semaphore, #tpu.memory_space<semaphore_mem>>)
      %dma_wait3A_97 = arith.constant 0 : i32
      %dma_wait3A_98 = arith.constant 0 : i32
      %dma_wait3A_99 = tpu.memref_slice %arg7[%arg1, %dma_wait3A_97, %dma_wait3A_98] : memref<16x8x2048xf32, #tpu.memory_space<vmem_shared>> -> memref<1x8x2048xf32, #tpu.memory_space<vmem_shared>>
      %dma_wait3A_100 = tpu.memref_squeeze %dma_wait3A_99 : memref<1x8x2048xf32, #tpu.memory_space<vmem_shared>> -> memref<8x2048xf32, #tpu.memory_space<vmem_shared>>
      %dma_wait3A_101 = arith.constant 4 : i32
      %dma_wait3A_102 = arith.constant 0 : i32
      %dma_wait3A_103 = tpu.memref_slice %dma_wait3A_100[%dma_wait3A_101, %dma_wait3A_102] : memref<8x2048xf32, #tpu.memory_space<vmem_shared>> -> memref<1x2048xf32, #tpu.memory_space<vmem_shared>>
      %dma_wait3A_104 = arith.constant 0 : i32
      %dma_wait3A_105 = arith.constant 0 : i32
      %dma_wait3A_106 = tpu.memref_slice %arg7[%arg1, %dma_wait3A_104, %dma_wait3A_105] : memref<16x8x2048xf32, #tpu.memory_space<vmem_shared>> -> memref<1x8x2048xf32, #tpu.memory_space<vmem_shared>>
      %dma_wait3A_107 = tpu.memref_squeeze %dma_wait3A_106 : memref<1x8x2048xf32, #tpu.memory_space<vmem_shared>> -> memref<8x2048xf32, #tpu.memory_space<vmem_shared>>
      %dma_wait3A_108 = arith.constant 4 : i32
      %dma_wait3A_109 = arith.constant 0 : i32
      %dma_wait3A_110 = tpu.memref_slice %dma_wait3A_107[%dma_wait3A_108, %dma_wait3A_109] : memref<8x2048xf32, #tpu.memory_space<vmem_shared>> -> memref<1x2048xf32, #tpu.memory_space<vmem_shared>>
      tpu.wait_dma2 semaphore(%arg23 : memref<!tpu.dma_semaphore, #tpu.memory_space<semaphore_mem>>) src(%arg10 : memref<1x2048xf32, #tpu.memory_space<vmem>>) dst(%dma_wait3A_110 : memref<1x2048xf32, #tpu.memory_space<vmem_shared>>)
      %add3A_111 = arith.constant 8 : i32
      %add3A_112 = arith.addi %add3A_14, %add3A_111 : i32
      %dma_start3A_113 = arith.constant 0 : i32
      %dma_start3A_114 = tpu.memref_slice %arg3[%add3A_112, %dma_start3A_113] : memref<8192x2048xf32, #tpu.memory_space<hbm>> -> memref<8x2048xf32, #tpu.memory_space<hbm>>
      %dma_start3A_115 = arith.constant 0 : i32
      %dma_start3A_116 = arith.constant 0 : i32
      %dma_start3A_117 = tpu.memref_slice %arg7[%arg1, %dma_start3A_115, %dma_start3A_116] : memref<16x8x2048xf32, #tpu.memory_space<vmem_shared>> -> memref<1x8x2048xf32, #tpu.memory_space<vmem_shared>>
      %dma_start3A_118 = tpu.memref_squeeze %dma_start3A_117 : memref<1x8x2048xf32, #tpu.memory_space<vmem_shared>> -> memref<8x2048xf32, #tpu.memory_space<vmem_shared>>
      tpu.enqueue_dma source(%dma_start3A_118 : memref<8x2048xf32, #tpu.memory_space<vmem_shared>>) target(%dma_start3A_114 : memref<8x2048xf32, #tpu.memory_space<hbm>>) target_semaphore(%arg20 : memref<!tpu.dma_semaphore, #tpu.memory_space<semaphore_mem>>)
      %dma_wait3A_119 = arith.constant 0 : i32
      %dma_wait3A_120 = tpu.memref_slice %arg3[%add3A_64, %dma_wait3A_119] : memref<8192x2048xf32, #tpu.memory_space<hbm>> -> memref<8x2048xf32, #tpu.memory_space<hbm>>
      %dma_wait3A_121 = arith.constant 0 : i32
      %dma_wait3A_122 = tpu.memref_slice %arg3[%add3A_64, %dma_wait3A_121] : memref<8192x2048xf32, #tpu.memory_space<hbm>> -> memref<8x2048xf32, #tpu.memory_space<hbm>>
      tpu.wait_dma2 semaphore(%arg14 : memref<!tpu.dma_semaphore, #tpu.memory_space<semaphore_mem>>) src(%arg4 : memref<8x2048xf32, #tpu.memory_space<vmem>>) dst(%dma_wait3A_122 : memref<8x2048xf32, #tpu.memory_space<hbm>>)
      %add3A_123 = arith.constant 48 : i32
      %add3A_124 = arith.addi %add3A_14, %add3A_123 : i32
      %dma_start3A_125 = arith.constant 0 : i32
      %dma_start3A_126 = tpu.memref_slice %arg2[%add3A_124, %dma_start3A_125] : memref<8192x2048xf32, #tpu.memory_space<hbm>> -> memref<8x2048xf32, #tpu.memory_space<hbm>>
      %dma_start3A_127 = arith.constant 0 : i32
      %dma_start3A_128 = tpu.memref_slice %arg2[%add3A_124, %dma_start3A_127] : memref<8192x2048xf32, #tpu.memory_space<hbm>> -> memref<8x2048xf32, #tpu.memory_space<hbm>>
      tpu.enqueue_dma source(%dma_start3A_128 : memref<8x2048xf32, #tpu.memory_space<hbm>>) target(%arg4 : memref<8x2048xf32, #tpu.memory_space<vmem>>) target_semaphore(%arg11 : memref<!tpu.dma_semaphore, #tpu.memory_space<semaphore_mem>>)
      %dma_wait3A_129 = arith.constant 0 : i32
      %dma_wait3A_130 = tpu.memref_slice %arg2[%add3A_21, %dma_wait3A_129] : memref<8192x2048xf32, #tpu.memory_space<hbm>> -> memref<8x2048xf32, #tpu.memory_space<hbm>>
      %dma_wait3A_131 = arith.constant 0 : i32
      %dma_wait3A_132 = tpu.memref_slice %arg2[%add3A_21, %dma_wait3A_131] : memref<8192x2048xf32, #tpu.memory_space<hbm>> -> memref<8x2048xf32, #tpu.memory_space<hbm>>
      tpu.wait_dma2 semaphore(%arg12 : memref<!tpu.dma_semaphore, #tpu.memory_space<semaphore_mem>>) src(%dma_wait3A_132 : memref<8x2048xf32, #tpu.memory_space<hbm>>) dst(%arg5 : memref<8x2048xf32, #tpu.memory_space<vmem>>)
      %scan3A_133 = arith.constant 0 : i32
      %scan3A_134 = arith.constant 0 : i32
      %scan3A_135 = arith.constant 32 : i32
      %scan3A_136 = arith.addi %scan3A_134, %scan3A_135 : i32
      %scan3A_137 = arith.constant 1 : i32
      scf.for %scan3A_1313 = %scan3A_134 to %scan3A_136 step %scan3A_137  : i32 {
        %mul3A_1314 = arith.constant 64 : i32
        %mul3A_1315 = arith.muli %scan3A_1313, %mul3A_1314 : i32
        %swap3A = arith.constant 0 : i32
        %swap3A_1316 = arith.index_cast %swap3A : i32 to index
        %swap3A_1317 = arith.index_cast %mul3A_1315 : i32 to index
        %swap3A_1318 = tpu.vector_load %arg5[%swap3A_1316, %swap3A_1317] {strides = array<i32>} : memref<8x2048xf32, #tpu.memory_space<vmem>>, vector<1x16xf32>,
        %swap3A_1319 = vector.shape_cast %swap3A_1318 : vector<1x16xf32> to vector<16xf32>
        %swap3A_1320 = vector.shape_cast %broadcast_in_dim3A_0 : vector<16xf32> to vector<1x16xf32>
        tpu.vector_store %arg5[%swap3A_1316, %swap3A_1317], %swap3A_1320 {strides = array<i32>} : memref<8x2048xf32, #tpu.memory_space<vmem>>, vector<1x16xf32>,
        %mul3A_1321 = arith.constant 64 : i32
        %mul3A_1322 = arith.muli %scan3A_1313, %mul3A_1321 : i32
        %add3A_1323 = arith.constant 16 : i32
        %add3A_1324 = arith.addi %mul3A_1322, %add3A_1323 : i32
        %swap3A_1325 = arith.constant 0 : i32
        %swap3A_1326 = arith.index_cast %swap3A_1325 : i32 to index
        %swap3A_1327 = arith.index_cast %add3A_1324 : i32 to index
        %swap3A_1328 = tpu.vector_load %arg5[%swap3A_1326, %swap3A_1327] {strides = array<i32>} : memref<8x2048xf32, #tpu.memory_space<vmem>>, vector<1x16xf32>,
        %swap3A_1329 = vector.shape_cast %swap3A_1328 : vector<1x16xf32> to vector<16xf32>
        %swap3A_1330 = vector.shape_cast %broadcast_in_dim3A_0 : vector<16xf32> to vector<1x16xf32>
        tpu.vector_store %arg5[%swap3A_1326, %swap3A_1327], %swap3A_1330 {strides = array<i32>} : memref<8x2048xf32, #tpu.memory_space<vmem>>, vector<1x16xf32>,
        %mul3A_1331 = arith.constant 64 : i32
        %mul3A_1332 = arith.muli %scan3A_1313, %mul3A_1331 : i32
        %add3A_1333 = arith.constant 32 : i32
        %add3A_1334 = arith.addi %mul3A_1332, %add3A_1333 : i32
        %swap3A_1335 = arith.constant 0 : i32
        %swap3A_1336 = arith.index_cast %swap3A_1335 : i32 to index
        %swap3A_1337 = arith.index_cast %add3A_1334 : i32 to index
        %swap3A_1338 = tpu.vector_load %arg5[%swap3A_1336, %swap3A_1337] {strides = array<i32>} : memref<8x2048xf32, #tpu.memory_space<vmem>>, vector<1x16xf32>,
        %swap3A_1339 = vector.shape_cast %swap3A_1338 : vector<1x16xf32> to vector<16xf32>
        %swap3A_1340 = vector.shape_cast %broadcast_in_dim3A_0 : vector<16xf32> to vector<1x16xf32>
        tpu.vector_store %arg5[%swap3A_1336, %swap3A_1337], %swap3A_1340 {strides = array<i32>} : memref<8x2048xf32, #tpu.memory_space<vmem>>, vector<1x16xf32>,
        %mul3A_1341 = arith.constant 64 : i32
        %mul3A_1342 = arith.muli %scan3A_1313, %mul3A_1341 : i32
        %add3A_1343 = arith.constant 48 : i32
        %add3A_1344 = arith.addi %mul3A_1342, %add3A_1343 : i32
        %swap3A_1345 = arith.constant 0 : i32
        %swap3A_1346 = arith.index_cast %swap3A_1345 : i32 to index
        %swap3A_1347 = arith.index_cast %add3A_1344 : i32 to index
        %swap3A_1348 = tpu.vector_load %arg5[%swap3A_1346, %swap3A_1347] {strides = array<i32>} : memref<8x2048xf32, #tpu.memory_space<vmem>>, vector<1x16xf32>,
        %swap3A_1349 = vector.shape_cast %swap3A_1348 : vector<1x16xf32> to vector<16xf32>
        %swap3A_1350 = vector.shape_cast %broadcast_in_dim3A_0 : vector<16xf32> to vector<1x16xf32>
        tpu.vector_store %arg5[%swap3A_1346, %swap3A_1347], %swap3A_1350 {strides = array<i32>} : memref<8x2048xf32, #tpu.memory_space<vmem>>, vector<1x16xf32>,
      }
      %scan3A_138 = arith.constant 32 : i32
      %add3A_139 = arith.constant 16 : i32
      %add3A_140 = arith.addi %add3A_14, %add3A_139 : i32
      %dma_start3A_141 = arith.constant 0 : i32
      %dma_start3A_142 = tpu.memref_slice %arg3[%add3A_140, %dma_start3A_141] : memref<8192x2048xf32, #tpu.memory_space<hbm>> -> memref<8x2048xf32, #tpu.memory_space<hbm>>
      %dma_start3A_143 = arith.constant 0 : i32
      %dma_start3A_144 = tpu.memref_slice %arg3[%add3A_140, %dma_start3A_143] : memref<8192x2048xf32, #tpu.memory_space<hbm>> -> memref<8x2048xf32, #tpu.memory_space<hbm>>
      tpu.enqueue_dma source(%arg5 : memref<8x2048xf32, #tpu.memory_space<vmem>>) target(%dma_start3A_144 : memref<8x2048xf32, #tpu.memory_space<hbm>>) target_semaphore(%arg15 : memref<!tpu.dma_semaphore, #tpu.memory_space<semaphore_mem>>)
      %dma_wait3A_145 = arith.constant 0 : i32
      %dma_wait3A_146 = tpu.memref_slice %arg3[%add3A_112, %dma_wait3A_145] : memref<8192x2048xf32, #tpu.memory_space<hbm>> -> memref<8x2048xf32, #tpu.memory_space<hbm>>
      %dma_wait3A_147 = arith.constant 0 : i32
      %dma_wait3A_148 = arith.constant 0 : i32
      %dma_wait3A_149 = tpu.memref_slice %arg7[%arg1, %dma_wait3A_147, %dma_wait3A_148] : memref<16x8x2048xf32, #tpu.memory_space<vmem_shared>> -> memref<1x8x2048xf32, #tpu.memory_space<vmem_shared>>
      %dma_wait3A_150 = tpu.memref_squeeze %dma_wait3A_149 : memref<1x8x2048xf32, #tpu.memory_space<vmem_shared>> -> memref<8x2048xf32, #tpu.memory_space<vmem_shared>>
      tpu.wait_dma2 semaphore(%arg20 : memref<!tpu.dma_semaphore, #tpu.memory_space<semaphore_mem>>) src(%dma_wait3A_150 : memref<8x2048xf32, #tpu.memory_space<vmem_shared>>) dst(%dma_wait3A_146 : memref<8x2048xf32, #tpu.memory_space<hbm>>)
      %add3A_151 = arith.constant 56 : i32
      %add3A_152 = arith.addi %add3A_14, %add3A_151 : i32
      %dma_start3A_153 = arith.constant 0 : i32
      %dma_start3A_154 = arith.constant 0 : i32
      %dma_start3A_155 = tpu.memref_slice %arg7[%arg1, %dma_start3A_153, %dma_start3A_154] : memref<16x8x2048xf32, #tpu.memory_space<vmem_shared>> -> memref<1x8x2048xf32, #tpu.memory_space<vmem_shared>>
      %dma_start3A_156 = tpu.memref_squeeze %dma_start3A_155 : memref<1x8x2048xf32, #tpu.memory_space<vmem_shared>> -> memref<8x2048xf32, #tpu.memory_space<vmem_shared>>
      %dma_start3A_157 = arith.constant 0 : i32
      %dma_start3A_158 = tpu.memref_slice %arg2[%add3A_152, %dma_start3A_157] : memref<8192x2048xf32, #tpu.memory_space<hbm>> -> memref<8x2048xf32, #tpu.memory_space<hbm>>
      tpu.enqueue_dma source(%dma_start3A_158 : memref<8x2048xf32, #tpu.memory_space<hbm>>) target(%dma_start3A_156 : memref<8x2048xf32, #tpu.memory_space<vmem_shared>>) target_semaphore(%arg17 : memref<!tpu.dma_semaphore, #tpu.memory_space<semaphore_mem>>)
      %dma_wait3A_159 = arith.constant 0 : i32
      %dma_wait3A_160 = arith.constant 0 : i32
      %dma_wait3A_161 = tpu.memref_slice %arg8[%arg1, %dma_wait3A_159, %dma_wait3A_160] : memref<16x8x2048xf32, #tpu.memory_space<vmem_shared>> -> memref<1x8x2048xf32, #tpu.memory_space<vmem_shared>>
      %dma_wait3A_162 = tpu.memref_squeeze %dma_wait3A_161 : memref<1x8x2048xf32, #tpu.memory_space<vmem_shared>> -> memref<8x2048xf32, #tpu.memory_space<vmem_shared>>
      %dma_wait3A_163 = arith.constant 0 : i32
      %dma_wait3A_164 = tpu.memref_slice %arg2[%add3A_35, %dma_wait3A_163] : memref<8192x2048xf32, #tpu.memory_space<hbm>> -> memref<8x2048xf32, #tpu.memory_space<hbm>>
      tpu.wait_dma2 semaphore(%arg18 : memref<!tpu.dma_semaphore, #tpu.memory_space<semaphore_mem>>) src(%dma_wait3A_164 : memref<8x2048xf32, #tpu.memory_space<hbm>>) dst(%dma_wait3A_162 : memref<8x2048xf32, #tpu.memory_space<vmem_shared>>)
      %add3A_165 = arith.constant 24 : i32
      %add3A_166 = arith.addi %add3A_14, %add3A_165 : i32
      %dma_start3A_167 = arith.constant 0 : i32
      %dma_start3A_168 = tpu.memref_slice %arg3[%add3A_166, %dma_start3A_167] : memref<8192x2048xf32, #tpu.memory_space<hbm>> -> memref<8x2048xf32, #tpu.memory_space<hbm>>
      %dma_start3A_169 = arith.constant 0 : i32
      %dma_start3A_170 = arith.constant 0 : i32
      %dma_start3A_171 = tpu.memref_slice %arg8[%arg1, %dma_start3A_169, %dma_start3A_170] : memref<16x8x2048xf32, #tpu.memory_space<vmem_shared>> -> memref<1x8x2048xf32, #tpu.memory_space<vmem_shared>>
      %dma_start3A_172 = tpu.memref_squeeze %dma_start3A_171 : memref<1x8x2048xf32, #tpu.memory_space<vmem_shared>> -> memref<8x2048xf32, #tpu.memory_space<vmem_shared>>
      tpu.enqueue_dma source(%dma_start3A_172 : memref<8x2048xf32, #tpu.memory_space<vmem_shared>>) target(%dma_start3A_168 : memref<8x2048xf32, #tpu.memory_space<hbm>>) target_semaphore(%arg21 : memref<!tpu.dma_semaphore, #tpu.memory_space<semaphore_mem>>)
      %dma_wait3A_173 = arith.constant 0 : i32
      %dma_wait3A_174 = tpu.memref_slice %arg3[%add3A_140, %dma_wait3A_173] : memref<8192x2048xf32, #tpu.memory_space<hbm>> -> memref<8x2048xf32, #tpu.memory_space<hbm>>
      %dma_wait3A_175 = arith.constant 0 : i32
      %dma_wait3A_176 = tpu.memref_slice %arg3[%add3A_140, %dma_wait3A_175] : memref<8192x2048xf32, #tpu.memory_space<hbm>> -> memref<8x2048xf32, #tpu.memory_space<hbm>>
      tpu.wait_dma2 semaphore(%arg15 : memref<!tpu.dma_semaphore, #tpu.memory_space<semaphore_mem>>) src(%arg5 : memref<8x2048xf32, #tpu.memory_space<vmem>>) dst(%dma_wait3A_176 : memref<8x2048xf32, #tpu.memory_space<hbm>>)
      %add3A_177 = arith.constant 64 : i32
      %add3A_178 = arith.addi %add3A_14, %add3A_177 : i32
      %dma_start3A_179 = arith.constant 0 : i32
      %dma_start3A_180 = tpu.memref_slice %arg2[%add3A_178, %dma_start3A_179] : memref<8192x2048xf32, #tpu.memory_space<hbm>> -> memref<8x2048xf32, #tpu.memory_space<hbm>>
      %dma_start3A_181 = arith.constant 0 : i32
      %dma_start3A_182 = tpu.memref_slice %arg2[%add3A_178, %dma_start3A_181] : memref<8192x2048xf32, #tpu.memory_space<hbm>> -> memref<8x2048xf32, #tpu.memory_space<hbm>>
      tpu.enqueue_dma source(%dma_start3A_182 : memref<8x2048xf32, #tpu.memory_space<hbm>>) target(%arg5 : memref<8x2048xf32, #tpu.memory_space<vmem>>) target_semaphore(%arg12 : memref<!tpu.dma_semaphore, #tpu.memory_space<semaphore_mem>>)
      %dma_wait3A_183 = arith.constant 0 : i32
      %dma_wait3A_184 = tpu.memref_slice %arg2[%add3A_43, %dma_wait3A_183] : memref<8192x2048xf32, #tpu.memory_space<hbm>> -> memref<8x2048xf32, #tpu.memory_space<hbm>>
      %dma_wait3A_185 = arith.constant 0 : i32
      %dma_wait3A_186 = tpu.memref_slice %arg2[%add3A_43, %dma_wait3A_185] : memref<8192x2048xf32, #tpu.memory_space<hbm>> -> memref<8x2048xf32, #tpu.memory_space<hbm>>
      tpu.wait_dma2 semaphore(%arg13 : memref<!tpu.dma_semaphore, #tpu.memory_space<semaphore_mem>>) src(%dma_wait3A_186 : memref<8x2048xf32, #tpu.memory_space<hbm>>) dst(%arg6 : memref<8x2048xf32, #tpu.memory_space<vmem>>)
      %add3A_187 = arith.constant 32 : i32
      %add3A_188 = arith.addi %add3A_14, %add3A_187 : i32
      %dma_start3A_189 = arith.constant 0 : i32
      %dma_start3A_190 = tpu.memref_slice %arg3[%add3A_188, %dma_start3A_189] : memref<8192x2048xf32, #tpu.memory_space<hbm>> -> memref<8x2048xf32, #tpu.memory_space<hbm>>
      %dma_start3A_191 = arith.constant 0 : i32
      %dma_start3A_192 = tpu.memref_slice %arg3[%add3A_188, %dma_start3A_191] : memref<8192x2048xf32, #tpu.memory_space<hbm>> -> memref<8x2048xf32, #tpu.memory_space<hbm>>
      tpu.enqueue_dma source(%arg6 : memref<8x2048xf32, #tpu.memory_space<vmem>>) target(%dma_start3A_192 : memref<8x2048xf32, #tpu.memory_space<hbm>>) target_semaphore(%arg16 : memref<!tpu.dma_semaphore, #tpu.memory_space<semaphore_mem>>)
      %dma_wait3A_193 = arith.constant 0 : i32
      %dma_wait3A_194 = tpu.memref_slice %arg3[%add3A_166, %dma_wait3A_193] : memref<8192x2048xf32, #tpu.memory_space<hbm>> -> memref<8x2048xf32, #tpu.memory_space<hbm>>
      %dma_wait3A_195 = arith.constant 0 : i32
      %dma_wait3A_196 = arith.constant 0 : i32
      %dma_wait3A_197 = tpu.memref_slice %arg8[%arg1, %dma_wait3A_195, %dma_wait3A_196] : memref<16x8x2048xf32, #tpu.memory_space<vmem_shared>> -> memref<1x8x2048xf32, #tpu.memory_space<vmem_shared>>
      %dma_wait3A_198 = tpu.memref_squeeze %dma_wait3A_197 : memref<1x8x2048xf32, #tpu.memory_space<vmem_shared>> -> memref<8x2048xf32, #tpu.memory_space<vmem_shared>>
      tpu.wait_dma2 semaphore(%arg21 : memref<!tpu.dma_semaphore, #tpu.memory_space<semaphore_mem>>) src(%dma_wait3A_198 : memref<8x2048xf32, #tpu.memory_space<vmem_shared>>) dst(%dma_wait3A_194 : memref<8x2048xf32, #tpu.memory_space<hbm>>)
      %add3A_199 = arith.constant 72 : i32
      %add3A_200 = arith.addi %add3A_14, %add3A_199 : i32
      %dma_start3A_201 = arith.constant 0 : i32
      %dma_start3A_202 = arith.constant 0 : i32
      %dma_start3A_203 = tpu.memref_slice %arg8[%arg1, %dma_start3A_201, %dma_start3A_202] : memref<16x8x2048xf32, #tpu.memory_space<vmem_shared>> -> memref<1x8x2048xf32, #tpu.memory_space<vmem_shared>>
      %dma_start3A_204 = tpu.memref_squeeze %dma_start3A_203 : memref<1x8x2048xf32, #tpu.memory_space<vmem_shared>> -> memref<8x2048xf32, #tpu.memory_space<vmem_shared>>
      %dma_start3A_205 = arith.constant 0 : i32
      %dma_start3A_206 = tpu.memref_slice %arg2[%add3A_200, %dma_start3A_205] : memref<8192x2048xf32, #tpu.memory_space<hbm>> -> memref<8x2048xf32, #tpu.memory_space<hbm>>
      tpu.enqueue_dma source(%dma_start3A_206 : memref<8x2048xf32, #tpu.memory_space<hbm>>) target(%dma_start3A_204 : memref<8x2048xf32, #tpu.memory_space<vmem_shared>>) target_semaphore(%arg18 : memref<!tpu.dma_semaphore, #tpu.memory_space<semaphore_mem>>)
      %dma_wait3A_207 = arith.constant 0 : i32
      %dma_wait3A_208 = arith.constant 0 : i32
      %dma_wait3A_209 = tpu.memref_slice %arg9[%arg1, %dma_wait3A_207, %dma_wait3A_208] : memref<16x8x2048xf32, #tpu.memory_space<vmem_shared>> -> memref<1x8x2048xf32, #tpu.memory_space<vmem_shared>>
      %dma_wait3A_210 = tpu.memref_squeeze %dma_wait3A_209 : memref<1x8x2048xf32, #tpu.memory_space<vmem_shared>> -> memref<8x2048xf32, #tpu.memory_space<vmem_shared>>
      %dma_wait3A_211 = arith.constant 0 : i32
      %dma_wait3A_212 = tpu.memref_slice %arg2[%add3A_70, %dma_wait3A_211] : memref<8192x2048xf32, #tpu.memory_space<hbm>> -> memref<8x2048xf32, #tpu.memory_space<hbm>>
      tpu.wait_dma2 semaphore(%arg19 : memref<!tpu.dma_semaphore, #tpu.memory_space<semaphore_mem>>) src(%dma_wait3A_212 : memref<8x2048xf32, #tpu.memory_space<hbm>>) dst(%dma_wait3A_210 : memref<8x2048xf32, #tpu.memory_space<vmem_shared>>)
      %add3A_213 = arith.constant 40 : i32
      %add3A_214 = arith.addi %add3A_14, %add3A_213 : i32
      %dma_start3A_215 = arith.constant 0 : i32
      %dma_start3A_216 = tpu.memref_slice %arg3[%add3A_214, %dma_start3A_215] : memref<8192x2048xf32, #tpu.memory_space<hbm>> -> memref<8x2048xf32, #tpu.memory_space<hbm>>
      %dma_start3A_217 = arith.constant 0 : i32
      %dma_start3A_218 = arith.constant 0 : i32
      %dma_start3A_219 = tpu.memref_slice %arg9[%arg1, %dma_start3A_217, %dma_start3A_218] : memref<16x8x2048xf32, #tpu.memory_space<vmem_shared>> -> memref<1x8x2048xf32, #tpu.memory_space<vmem_shared>>
      %dma_start3A_220 = tpu.memref_squeeze %dma_start3A_219 : memref<1x8x2048xf32, #tpu.memory_space<vmem_shared>> -> memref<8x2048xf32, #tpu.memory_space<vmem_shared>>
      tpu.enqueue_dma source(%dma_start3A_220 : memref<8x2048xf32, #tpu.memory_space<vmem_shared>>) target(%dma_start3A_216 : memref<8x2048xf32, #tpu.memory_space<hbm>>) target_semaphore(%arg22 : memref<!tpu.dma_semaphore, #tpu.memory_space<semaphore_mem>>)
      %dma_wait3A_221 = arith.constant 0 : i32
      %dma_wait3A_222 = tpu.memref_slice %arg3[%add3A_188, %dma_wait3A_221] : memref<8192x2048xf32, #tpu.memory_space<hbm>> -> memref<8x2048xf32, #tpu.memory_space<hbm>>
      %dma_wait3A_223 = arith.constant 0 : i32
      %dma_wait3A_224 = tpu.memref_slice %arg3[%add3A_188, %dma_wait3A_223] : memref<8192x2048xf32, #tpu.memory_space<hbm>> -> memref<8x2048xf32, #tpu.memory_space<hbm>>
      tpu.wait_dma2 semaphore(%arg16 : memref<!tpu.dma_semaphore, #tpu.memory_space<semaphore_mem>>) src(%arg6 : memref<8x2048xf32, #tpu.memory_space<vmem>>) dst(%dma_wait3A_224 : memref<8x2048xf32, #tpu.memory_space<hbm>>)
      %add3A_225 = arith.constant 80 : i32
      %add3A_226 = arith.addi %add3A_14, %add3A_225 : i32
      %dma_start3A_227 = arith.constant 0 : i32
      %dma_start3A_228 = tpu.memref_slice %arg2[%add3A_226, %dma_start3A_227] : memref<8192x2048xf32, #tpu.memory_space<hbm>> -> memref<8x2048xf32, #tpu.memory_space<hbm>>
      %dma_start3A_229 = arith.constant 0 : i32
      %dma_start3A_230 = tpu.memref_slice %arg2[%add3A_226, %dma_start3A_229] : memref<8192x2048xf32, #tpu.memory_space<hbm>> -> memref<8x2048xf32, #tpu.memory_space<hbm>>
      tpu.enqueue_dma source(%dma_start3A_230 : memref<8x2048xf32, #tpu.memory_space<hbm>>) target(%arg6 : memref<8x2048xf32, #tpu.memory_space<vmem>>) target_semaphore(%arg13 : memref<!tpu.dma_semaphore, #tpu.memory_space<semaphore_mem>>)
      %dma_wait3A_231 = arith.constant 0 : i32
      %dma_wait3A_232 = tpu.memref_slice %arg2[%add3A_124, %dma_wait3A_231] : memref<8192x2048xf32, #tpu.memory_space<hbm>> -> memref<8x2048xf32, #tpu.memory_space<hbm>>
      %dma_wait3A_233 = arith.constant 0 : i32
      %dma_wait3A_234 = tpu.memref_slice %arg2[%add3A_124, %dma_wait3A_233] : memref<8192x2048xf32, #tpu.memory_space<hbm>> -> memref<8x2048xf32, #tpu.memory_space<hbm>>
      tpu.wait_dma2 semaphore(%arg11 : memref<!tpu.dma_semaphore, #tpu.memory_space<semaphore_mem>>) src(%dma_wait3A_234 : memref<8x2048xf32, #tpu.memory_space<hbm>>) dst(%arg4 : memref<8x2048xf32, #tpu.memory_space<vmem>>)
      %scan3A_235 = arith.constant 0 : i32
      %scan3A_236 = arith.constant 0 : i32
      %scan3A_237 = arith.constant 32 : i32
      %scan3A_238 = arith.addi %scan3A_236, %scan3A_237 : i32
      %scan3A_239 = arith.constant 1 : i32
      scf.for %scan3A_1313 = %scan3A_236 to %scan3A_238 step %scan3A_239  : i32 {
        %mul3A_1314 = arith.constant 64 : i32
        %mul3A_1315 = arith.muli %scan3A_1313, %mul3A_1314 : i32
        %swap3A = arith.constant 0 : i32
        %swap3A_1316 = arith.index_cast %swap3A : i32 to index
        %swap3A_1317 = arith.index_cast %mul3A_1315 : i32 to index
        %swap3A_1318 = tpu.vector_load %arg4[%swap3A_1316, %swap3A_1317] {strides = array<i32>} : memref<8x2048xf32, #tpu.memory_space<vmem>>, vector<1x16xf32>,
        %swap3A_1319 = vector.shape_cast %swap3A_1318 : vector<1x16xf32> to vector<16xf32>
        %swap3A_1320 = vector.shape_cast %broadcast_in_dim3A_0 : vector<16xf32> to vector<1x16xf32>
        tpu.vector_store %arg4[%swap3A_1316, %swap3A_1317], %swap3A_1320 {strides = array<i32>} : memref<8x2048xf32, #tpu.memory_space<vmem>>, vector<1x16xf32>,
        %mul3A_1321 = arith.constant 64 : i32
        %mul3A_1322 = arith.muli %scan3A_1313, %mul3A_1321 : i32
        %add3A_1323 = arith.constant 16 : i32
        %add3A_1324 = arith.addi %mul3A_1322, %add3A_1323 : i32
        %swap3A_1325 = arith.constant 0 : i32
        %swap3A_1326 = arith.index_cast %swap3A_1325 : i32 to index
        %swap3A_1327 = arith.index_cast %add3A_1324 : i32 to index
        %swap3A_1328 = tpu.vector_load %arg4[%swap3A_1326, %swap3A_1327] {strides = array<i32>} : memref<8x2048xf32, #tpu.memory_space<vmem>>, vector<1x16xf32>,
        %swap3A_1329 = vector.shape_cast %swap3A_1328 : vector<1x16xf32> to vector<16xf32>
        %swap3A_1330 = vector.shape_cast %broadcast_in_dim3A_0 : vector<16xf32> to vector<1x16xf32>
        tpu.vector_store %arg4[%swap3A_1326, %swap3A_1327], %swap3A_1330 {strides = array<i32>} : memref<8x2048xf32, #tpu.memory_space<vmem>>, vector<1x16xf32>,
        %mul3A_1331 = arith.constant 64 : i32
        %mul3A_1332 = arith.muli %scan3A_1313, %mul3A_1331 : i32
        %add3A_1333 = arith.constant 32 : i32
        %add3A_1334 = arith.addi %mul3A_1332, %add3A_1333 : i32
        %swap3A_1335 = arith.constant 0 : i32
        %swap3A_1336 = arith.index_cast %swap3A_1335 : i32 to index
        %swap3A_1337 = arith.index_cast %add3A_1334 : i32 to index
        %swap3A_1338 = tpu.vector_load %arg4[%swap3A_1336, %swap3A_1337] {strides = array<i32>} : memref<8x2048xf32, #tpu.memory_space<vmem>>, vector<1x16xf32>,
        %swap3A_1339 = vector.shape_cast %swap3A_1338 : vector<1x16xf32> to vector<16xf32>
        %swap3A_1340 = vector.shape_cast %broadcast_in_dim3A_0 : vector<16xf32> to vector<1x16xf32>
        tpu.vector_store %arg4[%swap3A_1336, %swap3A_1337], %swap3A_1340 {strides = array<i32>} : memref<8x2048xf32, #tpu.memory_space<vmem>>, vector<1x16xf32>,
        %mul3A_1341 = arith.constant 64 : i32
        %mul3A_1342 = arith.muli %scan3A_1313, %mul3A_1341 : i32
        %add3A_1343 = arith.constant 48 : i32
        %add3A_1344 = arith.addi %mul3A_1342, %add3A_1343 : i32
        %swap3A_1345 = arith.constant 0 : i32
        %swap3A_1346 = arith.index_cast %swap3A_1345 : i32 to index
        %swap3A_1347 = arith.index_cast %add3A_1344 : i32 to index
        %swap3A_1348 = tpu.vector_load %arg4[%swap3A_1346, %swap3A_1347] {strides = array<i32>} : memref<8x2048xf32, #tpu.memory_space<vmem>>, vector<1x16xf32>,
        %swap3A_1349 = vector.shape_cast %swap3A_1348 : vector<1x16xf32> to vector<16xf32>
        %swap3A_1350 = vector.shape_cast %broadcast_in_dim3A_0 : vector<16xf32> to vector<1x16xf32>
        tpu.vector_store %arg4[%swap3A_1346, %swap3A_1347], %swap3A_1350 {strides = array<i32>} : memref<8x2048xf32, #tpu.memory_space<vmem>>, vector<1x16xf32>,
      }
      %scan3A_240 = arith.constant 32 : i32
      %scan3A_241 = arith.constant 0 : i32
      %scan3A_242 = arith.constant 0 : i32
      %scan3A_243 = arith.constant 32 : i32
      %scan3A_244 = arith.addi %scan3A_242, %scan3A_243 : i32
      %scan3A_245 = arith.constant 1 : i32
      scf.for %scan3A_1313 = %scan3A_242 to %scan3A_244 step %scan3A_245  : i32 {
        %mul3A_1314 = arith.constant 64 : i32
        %mul3A_1315 = arith.muli %scan3A_1313, %mul3A_1314 : i32
        %swap3A = arith.constant 5 : i32
        %swap3A_1316 = arith.index_cast %swap3A : i32 to index
        %swap3A_1317 = arith.index_cast %mul3A_1315 : i32 to index
        %swap3A_1318 = tpu.vector_load %arg4[%swap3A_1316, %swap3A_1317] {strides = array<i32>} : memref<8x2048xf32, #tpu.memory_space<vmem>>, vector<1x16xf32>,
        %swap3A_1319 = vector.shape_cast %swap3A_1318 : vector<1x16xf32> to vector<16xf32>
        %swap3A_1320 = vector.shape_cast %broadcast_in_dim3A_0 : vector<16xf32> to vector<1x16xf32>
        tpu.vector_store %arg4[%swap3A_1316, %swap3A_1317], %swap3A_1320 {strides = array<i32>} : memref<8x2048xf32, #tpu.memory_space<vmem>>, vector<1x16xf32>,
        %mul3A_1321 = arith.constant 64 : i32
        %mul3A_1322 = arith.muli %scan3A_1313, %mul3A_1321 : i32
        %add3A_1323 = arith.constant 16 : i32
        %add3A_1324 = arith.addi %mul3A_1322, %add3A_1323 : i32
        %swap3A_1325 = arith.constant 5 : i32
        %swap3A_1326 = arith.index_cast %swap3A_1325 : i32 to index
        %swap3A_1327 = arith.index_cast %add3A_1324 : i32 to index
        %swap3A_1328 = tpu.vector_load %arg4[%swap3A_1326, %swap3A_1327] {strides = array<i32>} : memref<8x2048xf32, #tpu.memory_space<vmem>>, vector<1x16xf32>,
        %swap3A_1329 = vector.shape_cast %swap3A_1328 : vector<1x16xf32> to vector<16xf32>
        %swap3A_1330 = vector.shape_cast %broadcast_in_dim3A_0 : vector<16xf32> to vector<1x16xf32>
        tpu.vector_store %arg4[%swap3A_1326, %swap3A_1327], %swap3A_1330 {strides = array<i32>} : memref<8x2048xf32, #tpu.memory_space<vmem>>, vector<1x16xf32>,
        %mul3A_1331 = arith.constant 64 : i32
        %mul3A_1332 = arith.muli %scan3A_1313, %mul3A_1331 : i32
        %add3A_1333 = arith.constant 32 : i32
        %add3A_1334 = arith.addi %mul3A_1332, %add3A_1333 : i32
        %swap3A_1335 = arith.constant 5 : i32
        %swap3A_1336 = arith.index_cast %swap3A_1335 : i32 to index
        %swap3A_1337 = arith.index_cast %add3A_1334 : i32 to index
        %swap3A_1338 = tpu.vector_load %arg4[%swap3A_1336, %swap3A_1337] {strides = array<i32>} : memref<8x2048xf32, #tpu.memory_space<vmem>>, vector<1x16xf32>,
        %swap3A_1339 = vector.shape_cast %swap3A_1338 : vector<1x16xf32> to vector<16xf32>
        %swap3A_1340 = vector.shape_cast %broadcast_in_dim3A_0 : vector<16xf32> to vector<1x16xf32>
        tpu.vector_store %arg4[%swap3A_1336, %swap3A_1337], %swap3A_1340 {strides = array<i32>} : memref<8x2048xf32, #tpu.memory_space<vmem>>, vector<1x16xf32>,
        %mul3A_1341 = arith.constant 64 : i32
        %mul3A_1342 = arith.muli %scan3A_1313, %mul3A_1341 : i32
        %add3A_1343 = arith.constant 48 : i32
        %add3A_1344 = arith.addi %mul3A_1342, %add3A_1343 : i32
        %swap3A_1345 = arith.constant 5 : i32
        %swap3A_1346 = arith.index_cast %swap3A_1345 : i32 to index
        %swap3A_1347 = arith.index_cast %add3A_1344 : i32 to index
        %swap3A_1348 = tpu.vector_load %arg4[%swap3A_1346, %swap3A_1347] {strides = array<i32>} : memref<8x2048xf32, #tpu.memory_space<vmem>>, vector<1x16xf32>,
        %swap3A_1349 = vector.shape_cast %swap3A_1348 : vector<1x16xf32> to vector<16xf32>
        %swap3A_1350 = vector.shape_cast %broadcast_in_dim3A_0 : vector<16xf32> to vector<1x16xf32>
        tpu.vector_store %arg4[%swap3A_1346, %swap3A_1347], %swap3A_1350 {strides = array<i32>} : memref<8x2048xf32, #tpu.memory_space<vmem>>, vector<1x16xf32>,
      }
      %scan3A_246 = arith.constant 32 : i32
      %add3A_247 = arith.constant 48 : i32
      %add3A_248 = arith.addi %add3A_14, %add3A_247 : i32
      %dma_start3A_249 = arith.constant 0 : i32
      %dma_start3A_250 = tpu.memref_slice %arg3[%add3A_248, %dma_start3A_249] : memref<8192x2048xf32, #tpu.memory_space<hbm>> -> memref<8x2048xf32, #tpu.memory_space<hbm>>
      %dma_start3A_251 = arith.constant 0 : i32
      %dma_start3A_252 = tpu.memref_slice %arg3[%add3A_248, %dma_start3A_251] : memref<8192x2048xf32, #tpu.memory_space<hbm>> -> memref<8x2048xf32, #tpu.memory_space<hbm>>
      tpu.enqueue_dma source(%arg4 : memref<8x2048xf32, #tpu.memory_space<vmem>>) target(%dma_start3A_252 : memref<8x2048xf32, #tpu.memory_space<hbm>>) target_semaphore(%arg14 : memref<!tpu.dma_semaphore, #tpu.memory_space<semaphore_mem>>)
      %dma_wait3A_253 = arith.constant 0 : i32
      %dma_wait3A_254 = tpu.memref_slice %arg3[%add3A_214, %dma_wait3A_253] : memref<8192x2048xf32, #tpu.memory_space<hbm>> -> memref<8x2048xf32, #tpu.memory_space<hbm>>
      %dma_wait3A_255 = arith.constant 0 : i32
      %dma_wait3A_256 = arith.constant 0 : i32
      %dma_wait3A_257 = tpu.memref_slice %arg9[%arg1, %dma_wait3A_255, %dma_wait3A_256] : memref<16x8x2048xf32, #tpu.memory_space<vmem_shared>> -> memref<1x8x2048xf32, #tpu.memory_space<vmem_shared>>
      %dma_wait3A_258 = tpu.memref_squeeze %dma_wait3A_257 : memref<1x8x2048xf32, #tpu.memory_space<vmem_shared>> -> memref<8x2048xf32, #tpu.memory_space<vmem_shared>>
      tpu.wait_dma2 semaphore(%arg22 : memref<!tpu.dma_semaphore, #tpu.memory_space<semaphore_mem>>) src(%dma_wait3A_258 : memref<8x2048xf32, #tpu.memory_space<vmem_shared>>) dst(%dma_wait3A_254 : memref<8x2048xf32, #tpu.memory_space<hbm>>)
      %add3A_259 = arith.constant 88 : i32
      %add3A_260 = arith.addi %add3A_14, %add3A_259 : i32
      %dma_start3A_261 = arith.constant 0 : i32
      %dma_start3A_262 = arith.constant 0 : i32
      %dma_start3A_263 = tpu.memref_slice %arg9[%arg1, %dma_start3A_261, %dma_start3A_262] : memref<16x8x2048xf32, #tpu.memory_space<vmem_shared>> -> memref<1x8x2048xf32, #tpu.memory_space<vmem_shared>>
      %dma_start3A_264 = tpu.memref_squeeze %dma_start3A_263 : memref<1x8x2048xf32, #tpu.memory_space<vmem_shared>> -> memref<8x2048xf32, #tpu.memory_space<vmem_shared>>
      %dma_start3A_265 = arith.constant 0 : i32
      %dma_start3A_266 = tpu.memref_slice %arg2[%add3A_260, %dma_start3A_265] : memref<8192x2048xf32, #tpu.memory_space<hbm>> -> memref<8x2048xf32, #tpu.memory_space<hbm>>
      tpu.enqueue_dma source(%dma_start3A_266 : memref<8x2048xf32, #tpu.memory_space<hbm>>) target(%dma_start3A_264 : memref<8x2048xf32, #tpu.memory_space<vmem_shared>>) target_semaphore(%arg19 : memref<!tpu.dma_semaphore, #tpu.memory_space<semaphore_mem>>)
      %dma_wait3A_267 = arith.constant 0 : i32
      %dma_wait3A_268 = arith.constant 0 : i32
      %dma_wait3A_269 = tpu.memref_slice %arg7[%arg1, %dma_wait3A_267, %dma_wait3A_268] : memref<16x8x2048xf32, #tpu.memory_space<vmem_shared>> -> memref<1x8x2048xf32, #tpu.memory_space<vmem_shared>>
      %dma_wait3A_270 = tpu.memref_squeeze %dma_wait3A_269 : memref<1x8x2048xf32, #tpu.memory_space<vmem_shared>> -> memref<8x2048xf32, #tpu.memory_space<vmem_shared>>
      %dma_wait3A_271 = arith.constant 0 : i32
      %dma_wait3A_272 = tpu.memref_slice %arg2[%add3A_152, %dma_wait3A_271] : memref<8192x2048xf32, #tpu.memory_space<hbm>> -> memref<8x2048xf32, #tpu.memory_space<hbm>>
      tpu.wait_dma2 semaphore(%arg17 : memref<!tpu.dma_semaphore, #tpu.memory_space<semaphore_mem>>) src(%dma_wait3A_272 : memref<8x2048xf32, #tpu.memory_space<hbm>>) dst(%dma_wait3A_270 : memref<8x2048xf32, #tpu.memory_space<vmem_shared>>)
      %dma_start3A_273 = arith.constant 0 : i32
      %dma_start3A_274 = arith.constant 0 : i32
      %dma_start3A_275 = tpu.memref_slice %arg7[%arg1, %dma_start3A_273, %dma_start3A_274] : memref<16x8x2048xf32, #tpu.memory_space<vmem_shared>> -> memref<1x8x2048xf32, #tpu.memory_space<vmem_shared>>
      %dma_start3A_276 = tpu.memref_squeeze %dma_start3A_275 : memref<1x8x2048xf32, #tpu.memory_space<vmem_shared>> -> memref<8x2048xf32, #tpu.memory_space<vmem_shared>>
      %dma_start3A_277 = arith.constant 0 : i32
      %dma_start3A_278 = arith.constant 0 : i32
      %dma_start3A_279 = tpu.memref_slice %dma_start3A_276[%dma_start3A_277, %dma_start3A_278] : memref<8x2048xf32, #tpu.memory_space<vmem_shared>> -> memref<1x2048xf32, #tpu.memory_space<vmem_shared>>
      %dma_start3A_280 = arith.constant 0 : i32
      %dma_start3A_281 = arith.constant 0 : i32
      %dma_start3A_282 = tpu.memref_slice %arg7[%arg1, %dma_start3A_280, %dma_start3A_281] : memref<16x8x2048xf32, #tpu.memory_space<vmem_shared>> -> memref<1x8x2048xf32, #tpu.memory_space<vmem_shared>>
      %dma_start3A_283 = tpu.memref_squeeze %dma_start3A_282 : memref<1x8x2048xf32, #tpu.memory_space<vmem_shared>> -> memref<8x2048xf32, #tpu.memory_space<vmem_shared>>
      %dma_start3A_284 = arith.constant 0 : i32
      %dma_start3A_285 = arith.constant 0 : i32
      %dma_start3A_286 = tpu.memref_slice %dma_start3A_283[%dma_start3A_284, %dma_start3A_285] : memref<8x2048xf32, #tpu.memory_space<vmem_shared>> -> memref<1x2048xf32, #tpu.memory_space<vmem_shared>>
      tpu.enqueue_dma source(%arg10 : memref<1x2048xf32, #tpu.memory_space<vmem>>) target(%dma_start3A_286 : memref<1x2048xf32, #tpu.memory_space<vmem_shared>>) target_semaphore(%arg23 : memref<!tpu.dma_semaphore, #tpu.memory_space<semaphore_mem>>)
      %dma_wait3A_287 = arith.constant 0 : i32
      %dma_wait3A_288 = arith.constant 0 : i32
      %dma_wait3A_289 = tpu.memref_slice %arg7[%arg1, %dma_wait3A_287, %dma_wait3A_288] : memref<16x8x2048xf32, #tpu.memory_space<vmem_shared>> -> memref<1x8x2048xf32, #tpu.memory_space<vmem_shared>>
      %dma_wait3A_290 = tpu.memref_squeeze %dma_wait3A_289 : memref<1x8x2048xf32, #tpu.memory_space<vmem_shared>> -> memref<8x2048xf32, #tpu.memory_space<vmem_shared>>
      %dma_wait3A_291 = arith.constant 0 : i32
      %dma_wait3A_292 = arith.constant 0 : i32
      %dma_wait3A_293 = tpu.memref_slice %dma_wait3A_290[%dma_wait3A_291, %dma_wait3A_292] : memref<8x2048xf32, #tpu.memory_space<vmem_shared>> -> memref<1x2048xf32, #tpu.memory_space<vmem_shared>>
      %dma_wait3A_294 = arith.constant 0 : i32
      %dma_wait3A_295 = arith.constant 0 : i32
      %dma_wait3A_296 = tpu.memref_slice %arg7[%arg1, %dma_wait3A_294, %dma_wait3A_295] : memref<16x8x2048xf32, #tpu.memory_space<vmem_shared>> -> memref<1x8x2048xf32, #tpu.memory_space<vmem_shared>>
      %dma_wait3A_297 = tpu.memref_squeeze %dma_wait3A_296 : memref<1x8x2048xf32, #tpu.memory_space<vmem_shared>> -> memref<8x2048xf32, #tpu.memory_space<vmem_shared>>
      %dma_wait3A_298 = arith.constant 0 : i32
      %dma_wait3A_299 = arith.constant 0 : i32
      %dma_wait3A_300 = tpu.memref_slice %dma_wait3A_297[%dma_wait3A_298, %dma_wait3A_299] : memref<8x2048xf32, #tpu.memory_space<vmem_shared>> -> memref<1x2048xf32, #tpu.memory_space<vmem_shared>>
      tpu.wait_dma2 semaphore(%arg23 : memref<!tpu.dma_semaphore, #tpu.memory_space<semaphore_mem>>) src(%arg10 : memref<1x2048xf32, #tpu.memory_space<vmem>>) dst(%dma_wait3A_300 : memref<1x2048xf32, #tpu.memory_space<vmem_shared>>)
      %dma_start3A_301 = arith.constant 0 : i32
      %dma_start3A_302 = arith.constant 0 : i32
      %dma_start3A_303 = tpu.memref_slice %arg7[%arg1, %dma_start3A_301, %dma_start3A_302] : memref<16x8x2048xf32, #tpu.memory_space<vmem_shared>> -> memref<1x8x2048xf32, #tpu.memory_space<vmem_shared>>
      %dma_start3A_304 = tpu.memref_squeeze %dma_start3A_303 : memref<1x8x2048xf32, #tpu.memory_space<vmem_shared>> -> memref<8x2048xf32, #tpu.memory_space<vmem_shared>>
      %dma_start3A_305 = arith.constant 3 : i32
      %dma_start3A_306 = arith.constant 0 : i32
      %dma_start3A_307 = tpu.memref_slice %dma_start3A_304[%dma_start3A_305, %dma_start3A_306] : memref<8x2048xf32, #tpu.memory_space<vmem_shared>> -> memref<1x2048xf32, #tpu.memory_space<vmem_shared>>
      %dma_start3A_308 = arith.constant 0 : i32
      %dma_start3A_309 = arith.constant 0 : i32
      %dma_start3A_310 = tpu.memref_slice %arg7[%arg1, %dma_start3A_308, %dma_start3A_309] : memref<16x8x2048xf32, #tpu.memory_space<vmem_shared>> -> memref<1x8x2048xf32, #tpu.memory_space<vmem_shared>>
      %dma_start3A_311 = tpu.memref_squeeze %dma_start3A_310 : memref<1x8x2048xf32, #tpu.memory_space<vmem_shared>> -> memref<8x2048xf32, #tpu.memory_space<vmem_shared>>
      %dma_start3A_312 = arith.constant 3 : i32
      %dma_start3A_313 = arith.constant 0 : i32
      %dma_start3A_314 = tpu.memref_slice %dma_start3A_311[%dma_start3A_312, %dma_start3A_313] : memref<8x2048xf32, #tpu.memory_space<vmem_shared>> -> memref<1x2048xf32, #tpu.memory_space<vmem_shared>>
      tpu.enqueue_dma source(%arg10 : memref<1x2048xf32, #tpu.memory_space<vmem>>) target(%dma_start3A_314 : memref<1x2048xf32, #tpu.memory_space<vmem_shared>>) target_semaphore(%arg23 : memref<!tpu.dma_semaphore, #tpu.memory_space<semaphore_mem>>)
      %dma_wait3A_315 = arith.constant 0 : i32
      %dma_wait3A_316 = arith.constant 0 : i32
      %dma_wait3A_317 = tpu.memref_slice %arg7[%arg1, %dma_wait3A_315, %dma_wait3A_316] : memref<16x8x2048xf32, #tpu.memory_space<vmem_shared>> -> memref<1x8x2048xf32, #tpu.memory_space<vmem_shared>>
      %dma_wait3A_318 = tpu.memref_squeeze %dma_wait3A_317 : memref<1x8x2048xf32, #tpu.memory_space<vmem_shared>> -> memref<8x2048xf32, #tpu.memory_space<vmem_shared>>
      %dma_wait3A_319 = arith.constant 3 : i32
      %dma_wait3A_320 = arith.constant 0 : i32
      %dma_wait3A_321 = tpu.memref_slice %dma_wait3A_318[%dma_wait3A_319, %dma_wait3A_320] : memref<8x2048xf32, #tpu.memory_space<vmem_shared>> -> memref<1x2048xf32, #tpu.memory_space<vmem_shared>>
      %dma_wait3A_322 = arith.constant 0 : i32
      %dma_wait3A_323 = arith.constant 0 : i32
      %dma_wait3A_324 = tpu.memref_slice %arg7[%arg1, %dma_wait3A_322, %dma_wait3A_323] : memref<16x8x2048xf32, #tpu.memory_space<vmem_shared>> -> memref<1x8x2048xf32, #tpu.memory_space<vmem_shared>>
      %dma_wait3A_325 = tpu.memref_squeeze %dma_wait3A_324 : memref<1x8x2048xf32, #tpu.memory_space<vmem_shared>> -> memref<8x2048xf32, #tpu.memory_space<vmem_shared>>
      %dma_wait3A_326 = arith.constant 3 : i32
      %dma_wait3A_327 = arith.constant 0 : i32
      %dma_wait3A_328 = tpu.memref_slice %dma_wait3A_325[%dma_wait3A_326, %dma_wait3A_327] : memref<8x2048xf32, #tpu.memory_space<vmem_shared>> -> memref<1x2048xf32, #tpu.memory_space<vmem_shared>>
      tpu.wait_dma2 semaphore(%arg23 : memref<!tpu.dma_semaphore, #tpu.memory_space<semaphore_mem>>) src(%arg10 : memref<1x2048xf32, #tpu.memory_space<vmem>>) dst(%dma_wait3A_328 : memref<1x2048xf32, #tpu.memory_space<vmem_shared>>)
      %dma_start3A_329 = arith.constant 0 : i32
      %dma_start3A_330 = arith.constant 0 : i32
      %dma_start3A_331 = tpu.memref_slice %arg7[%arg1, %dma_start3A_329, %dma_start3A_330] : memref<16x8x2048xf32, #tpu.memory_space<vmem_shared>> -> memref<1x8x2048xf32, #tpu.memory_space<vmem_shared>>
      %dma_start3A_332 = tpu.memref_squeeze %dma_start3A_331 : memref<1x8x2048xf32, #tpu.memory_space<vmem_shared>> -> memref<8x2048xf32, #tpu.memory_space<vmem_shared>>
      %dma_start3A_333 = arith.constant 6 : i32
      %dma_start3A_334 = arith.constant 0 : i32
      %dma_start3A_335 = tpu.memref_slice %dma_start3A_332[%dma_start3A_333, %dma_start3A_334] : memref<8x2048xf32, #tpu.memory_space<vmem_shared>> -> memref<1x2048xf32, #tpu.memory_space<vmem_shared>>
      %dma_start3A_336 = arith.constant 0 : i32
      %dma_start3A_337 = arith.constant 0 : i32
      %dma_start3A_338 = tpu.memref_slice %arg7[%arg1, %dma_start3A_336, %dma_start3A_337] : memref<16x8x2048xf32, #tpu.memory_space<vmem_shared>> -> memref<1x8x2048xf32, #tpu.memory_space<vmem_shared>>
      %dma_start3A_339 = tpu.memref_squeeze %dma_start3A_338 : memref<1x8x2048xf32, #tpu.memory_space<vmem_shared>> -> memref<8x2048xf32, #tpu.memory_space<vmem_shared>>
      %dma_start3A_340 = arith.constant 6 : i32
      %dma_start3A_341 = arith.constant 0 : i32
      %dma_start3A_342 = tpu.memref_slice %dma_start3A_339[%dma_start3A_340, %dma_start3A_341] : memref<8x2048xf32, #tpu.memory_space<vmem_shared>> -> memref<1x2048xf32, #tpu.memory_space<vmem_shared>>
      tpu.enqueue_dma source(%arg10 : memref<1x2048xf32, #tpu.memory_space<vmem>>) target(%dma_start3A_342 : memref<1x2048xf32, #tpu.memory_space<vmem_shared>>) target_semaphore(%arg23 : memref<!tpu.dma_semaphore, #tpu.memory_space<semaphore_mem>>)
      %dma_wait3A_343 = arith.constant 0 : i32
      %dma_wait3A_344 = arith.constant 0 : i32
      %dma_wait3A_345 = tpu.memref_slice %arg7[%arg1, %dma_wait3A_343, %dma_wait3A_344] : memref<16x8x2048xf32, #tpu.memory_space<vmem_shared>> -> memref<1x8x2048xf32, #tpu.memory_space<vmem_shared>>
      %dma_wait3A_346 = tpu.memref_squeeze %dma_wait3A_345 : memref<1x8x2048xf32, #tpu.memory_space<vmem_shared>> -> memref<8x2048xf32, #tpu.memory_space<vmem_shared>>
      %dma_wait3A_347 = arith.constant 6 : i32
      %dma_wait3A_348 = arith.constant 0 : i32
      %dma_wait3A_349 = tpu.memref_slice %dma_wait3A_346[%dma_wait3A_347, %dma_wait3A_348] : memref<8x2048xf32, #tpu.memory_space<vmem_shared>> -> memref<1x2048xf32, #tpu.memory_space<vmem_shared>>
      %dma_wait3A_350 = arith.constant 0 : i32
      %dma_wait3A_351 = arith.constant 0 : i32
      %dma_wait3A_352 = tpu.memref_slice %arg7[%arg1, %dma_wait3A_350, %dma_wait3A_351] : memref<16x8x2048xf32, #tpu.memory_space<vmem_shared>> -> memref<1x8x2048xf32, #tpu.memory_space<vmem_shared>>
      %dma_wait3A_353 = tpu.memref_squeeze %dma_wait3A_352 : memref<1x8x2048xf32, #tpu.memory_space<vmem_shared>> -> memref<8x2048xf32, #tpu.memory_space<vmem_shared>>
      %dma_wait3A_354 = arith.constant 6 : i32
      %dma_wait3A_355 = arith.constant 0 : i32
      %dma_wait3A_356 = tpu.memref_slice %dma_wait3A_353[%dma_wait3A_354, %dma_wait3A_355] : memref<8x2048xf32, #tpu.memory_space<vmem_shared>> -> memref<1x2048xf32, #tpu.memory_space<vmem_shared>>
      tpu.wait_dma2 semaphore(%arg23 : memref<!tpu.dma_semaphore, #tpu.memory_space<semaphore_mem>>) src(%arg10 : memref<1x2048xf32, #tpu.memory_space<vmem>>) dst(%dma_wait3A_356 : memref<1x2048xf32, #tpu.memory_space<vmem_shared>>)
      %add3A_357 = arith.constant 56 : i32
      %add3A_358 = arith.addi %add3A_14, %add3A_357 : i32
      %dma_start3A_359 = arith.constant 0 : i32
      %dma_start3A_360 = tpu.memref_slice %arg3[%add3A_358, %dma_start3A_359] : memref<8192x2048xf32, #tpu.memory_space<hbm>> -> memref<8x2048xf32, #tpu.memory_space<hbm>>
      %dma_start3A_361 = arith.constant 0 : i32
      %dma_start3A_362 = arith.constant 0 : i32
      %dma_start3A_363 = tpu.memref_slice %arg7[%arg1, %dma_start3A_361, %dma_start3A_362] : memref<16x8x2048xf32, #tpu.memory_space<vmem_shared>> -> memref<1x8x2048xf32, #tpu.memory_space<vmem_shared>>
      %dma_start3A_364 = tpu.memref_squeeze %dma_start3A_363 : memref<1x8x2048xf32, #tpu.memory_space<vmem_shared>> -> memref<8x2048xf32, #tpu.memory_space<vmem_shared>>
      tpu.enqueue_dma source(%dma_start3A_364 : memref<8x2048xf32, #tpu.memory_space<vmem_shared>>) target(%dma_start3A_360 : memref<8x2048xf32, #tpu.memory_space<hbm>>) target_semaphore(%arg20 : memref<!tpu.dma_semaphore, #tpu.memory_space<semaphore_mem>>)
      %dma_wait3A_365 = arith.constant 0 : i32
      %dma_wait3A_366 = tpu.memref_slice %arg3[%add3A_248, %dma_wait3A_365] : memref<8192x2048xf32, #tpu.memory_space<hbm>> -> memref<8x2048xf32, #tpu.memory_space<hbm>>
      %dma_wait3A_367 = arith.constant 0 : i32
      %dma_wait3A_368 = tpu.memref_slice %arg3[%add3A_248, %dma_wait3A_367] : memref<8192x2048xf32, #tpu.memory_space<hbm>> -> memref<8x2048xf32, #tpu.memory_space<hbm>>
      tpu.wait_dma2 semaphore(%arg14 : memref<!tpu.dma_semaphore, #tpu.memory_space<semaphore_mem>>) src(%arg4 : memref<8x2048xf32, #tpu.memory_space<vmem>>) dst(%dma_wait3A_368 : memref<8x2048xf32, #tpu.memory_space<hbm>>)
      %add3A_369 = arith.constant 96 : i32
      %add3A_370 = arith.addi %add3A_14, %add3A_369 : i32
      %dma_start3A_371 = arith.constant 0 : i32
      %dma_start3A_372 = tpu.memref_slice %arg2[%add3A_370, %dma_start3A_371] : memref<8192x2048xf32, #tpu.memory_space<hbm>> -> memref<8x2048xf32, #tpu.memory_space<hbm>>
      %dma_start3A_373 = arith.constant 0 : i32
      %dma_start3A_374 = tpu.memref_slice %arg2[%add3A_370, %dma_start3A_373] : memref<8192x2048xf32, #tpu.memory_space<hbm>> -> memref<8x2048xf32, #tpu.memory_space<hbm>>
      tpu.enqueue_dma source(%dma_start3A_374 : memref<8x2048xf32, #tpu.memory_space<hbm>>) target(%arg4 : memref<8x2048xf32, #tpu.memory_space<vmem>>) target_semaphore(%arg11 : memref<!tpu.dma_semaphore, #tpu.memory_space<semaphore_mem>>)
      %dma_wait3A_375 = arith.constant 0 : i32
      %dma_wait3A_376 = tpu.memref_slice %arg2[%add3A_178, %dma_wait3A_375] : memref<8192x2048xf32, #tpu.memory_space<hbm>> -> memref<8x2048xf32, #tpu.memory_space<hbm>>
      %dma_wait3A_377 = arith.constant 0 : i32
      %dma_wait3A_378 = tpu.memref_slice %arg2[%add3A_178, %dma_wait3A_377] : memref<8192x2048xf32, #tpu.memory_space<hbm>> -> memref<8x2048xf32, #tpu.memory_space<hbm>>
      tpu.wait_dma2 semaphore(%arg12 : memref<!tpu.dma_semaphore, #tpu.memory_space<semaphore_mem>>) src(%dma_wait3A_378 : memref<8x2048xf32, #tpu.memory_space<hbm>>) dst(%arg5 : memref<8x2048xf32, #tpu.memory_space<vmem>>)
      %scan3A_379 = arith.constant 0 : i32
      %scan3A_380 = arith.constant 0 : i32
      %scan3A_381 = arith.constant 32 : i32
      %scan3A_382 = arith.addi %scan3A_380, %scan3A_381 : i32
      %scan3A_383 = arith.constant 1 : i32
      scf.for %scan3A_1313 = %scan3A_380 to %scan3A_382 step %scan3A_383  : i32 {
        %mul3A_1314 = arith.constant 64 : i32
        %mul3A_1315 = arith.muli %scan3A_1313, %mul3A_1314 : i32
        %swap3A = arith.constant 5 : i32
        %swap3A_1316 = arith.index_cast %swap3A : i32 to index
        %swap3A_1317 = arith.index_cast %mul3A_1315 : i32 to index
        %swap3A_1318 = tpu.vector_load %arg5[%swap3A_1316, %swap3A_1317] {strides = array<i32>} : memref<8x2048xf32, #tpu.memory_space<vmem>>, vector<1x16xf32>,
        %swap3A_1319 = vector.shape_cast %swap3A_1318 : vector<1x16xf32> to vector<16xf32>
        %swap3A_1320 = vector.shape_cast %broadcast_in_dim3A_0 : vector<16xf32> to vector<1x16xf32>
        tpu.vector_store %arg5[%swap3A_1316, %swap3A_1317], %swap3A_1320 {strides = array<i32>} : memref<8x2048xf32, #tpu.memory_space<vmem>>, vector<1x16xf32>,
        %mul3A_1321 = arith.constant 64 : i32
        %mul3A_1322 = arith.muli %scan3A_1313, %mul3A_1321 : i32
        %add3A_1323 = arith.constant 16 : i32
        %add3A_1324 = arith.addi %mul3A_1322, %add3A_1323 : i32
        %swap3A_1325 = arith.constant 5 : i32
        %swap3A_1326 = arith.index_cast %swap3A_1325 : i32 to index
        %swap3A_1327 = arith.index_cast %add3A_1324 : i32 to index
        %swap3A_1328 = tpu.vector_load %arg5[%swap3A_1326, %swap3A_1327] {strides = array<i32>} : memref<8x2048xf32, #tpu.memory_space<vmem>>, vector<1x16xf32>,
        %swap3A_1329 = vector.shape_cast %swap3A_1328 : vector<1x16xf32> to vector<16xf32>
        %swap3A_1330 = vector.shape_cast %broadcast_in_dim3A_0 : vector<16xf32> to vector<1x16xf32>
        tpu.vector_store %arg5[%swap3A_1326, %swap3A_1327], %swap3A_1330 {strides = array<i32>} : memref<8x2048xf32, #tpu.memory_space<vmem>>, vector<1x16xf32>,
        %mul3A_1331 = arith.constant 64 : i32
        %mul3A_1332 = arith.muli %scan3A_1313, %mul3A_1331 : i32
        %add3A_1333 = arith.constant 32 : i32
        %add3A_1334 = arith.addi %mul3A_1332, %add3A_1333 : i32
        %swap3A_1335 = arith.constant 5 : i32
        %swap3A_1336 = arith.index_cast %swap3A_1335 : i32 to index
        %swap3A_1337 = arith.index_cast %add3A_1334 : i32 to index
        %swap3A_1338 = tpu.vector_load %arg5[%swap3A_1336, %swap3A_1337] {strides = array<i32>} : memref<8x2048xf32, #tpu.memory_space<vmem>>, vector<1x16xf32>,
        %swap3A_1339 = vector.shape_cast %swap3A_1338 : vector<1x16xf32> to vector<16xf32>
        %swap3A_1340 = vector.shape_cast %broadcast_in_dim3A_0 : vector<16xf32> to vector<1x16xf32>
        tpu.vector_store %arg5[%swap3A_1336, %swap3A_1337], %swap3A_1340 {strides = array<i32>} : memref<8x2048xf32, #tpu.memory_space<vmem>>, vector<1x16xf32>,
        %mul3A_1341 = arith.constant 64 : i32
        %mul3A_1342 = arith.muli %scan3A_1313, %mul3A_1341 : i32
        %add3A_1343 = arith.constant 48 : i32
        %add3A_1344 = arith.addi %mul3A_1342, %add3A_1343 : i32
        %swap3A_1345 = arith.constant 5 : i32
        %swap3A_1346 = arith.index_cast %swap3A_1345 : i32 to index
        %swap3A_1347 = arith.index_cast %add3A_1344 : i32 to index
        %swap3A_1348 = tpu.vector_load %arg5[%swap3A_1346, %swap3A_1347] {strides = array<i32>} : memref<8x2048xf32, #tpu.memory_space<vmem>>, vector<1x16xf32>,
        %swap3A_1349 = vector.shape_cast %swap3A_1348 : vector<1x16xf32> to vector<16xf32>
        %swap3A_1350 = vector.shape_cast %broadcast_in_dim3A_0 : vector<16xf32> to vector<1x16xf32>
        tpu.vector_store %arg5[%swap3A_1346, %swap3A_1347], %swap3A_1350 {strides = array<i32>} : memref<8x2048xf32, #tpu.memory_space<vmem>>, vector<1x16xf32>,
      }
      %scan3A_384 = arith.constant 32 : i32
      %add3A_385 = arith.constant 64 : i32
      %add3A_386 = arith.addi %add3A_14, %add3A_385 : i32
      %dma_start3A_387 = arith.constant 0 : i32
      %dma_start3A_388 = tpu.memref_slice %arg3[%add3A_386, %dma_start3A_387] : memref<8192x2048xf32, #tpu.memory_space<hbm>> -> memref<8x2048xf32, #tpu.memory_space<hbm>>
      %dma_start3A_389 = arith.constant 0 : i32
      %dma_start3A_390 = tpu.memref_slice %arg3[%add3A_386, %dma_start3A_389] : memref<8192x2048xf32, #tpu.memory_space<hbm>> -> memref<8x2048xf32, #tpu.memory_space<hbm>>
      tpu.enqueue_dma source(%arg5 : memref<8x2048xf32, #tpu.memory_space<vmem>>) target(%dma_start3A_390 : memref<8x2048xf32, #tpu.memory_space<hbm>>) target_semaphore(%arg15 : memref<!tpu.dma_semaphore, #tpu.memory_space<semaphore_mem>>)
      %dma_wait3A_391 = arith.constant 0 : i32
      %dma_wait3A_392 = tpu.memref_slice %arg3[%add3A_358, %dma_wait3A_391] : memref<8192x2048xf32, #tpu.memory_space<hbm>> -> memref<8x2048xf32, #tpu.memory_space<hbm>>
      %dma_wait3A_393 = arith.constant 0 : i32
      %dma_wait3A_394 = arith.constant 0 : i32
      %dma_wait3A_395 = tpu.memref_slice %arg7[%arg1, %dma_wait3A_393, %dma_wait3A_394] : memref<16x8x2048xf32, #tpu.memory_space<vmem_shared>> -> memref<1x8x2048xf32, #tpu.memory_space<vmem_shared>>
      %dma_wait3A_396 = tpu.memref_squeeze %dma_wait3A_395 : memref<1x8x2048xf32, #tpu.memory_space<vmem_shared>> -> memref<8x2048xf32, #tpu.memory_space<vmem_shared>>
      tpu.wait_dma2 semaphore(%arg20 : memref<!tpu.dma_semaphore, #tpu.memory_space<semaphore_mem>>) src(%dma_wait3A_396 : memref<8x2048xf32, #tpu.memory_space<vmem_shared>>) dst(%dma_wait3A_392 : memref<8x2048xf32, #tpu.memory_space<hbm>>)
      %add3A_397 = arith.constant 104 : i32
      %add3A_398 = arith.addi %add3A_14, %add3A_397 : i32
      %dma_start3A_399 = arith.constant 0 : i32
      %dma_start3A_400 = arith.constant 0 : i32
      %dma_start3A_401 = tpu.memref_slice %arg7[%arg1, %dma_start3A_399, %dma_start3A_400] : memref<16x8x2048xf32, #tpu.memory_space<vmem_shared>> -> memref<1x8x2048xf32, #tpu.memory_space<vmem_shared>>
      %dma_start3A_402 = tpu.memref_squeeze %dma_start3A_401 : memref<1x8x2048xf32, #tpu.memory_space<vmem_shared>> -> memref<8x2048xf32, #tpu.memory_space<vmem_shared>>
      %dma_start3A_403 = arith.constant 0 : i32
      %dma_start3A_404 = tpu.memref_slice %arg2[%add3A_398, %dma_start3A_403] : memref<8192x2048xf32, #tpu.memory_space<hbm>> -> memref<8x2048xf32, #tpu.memory_space<hbm>>
      tpu.enqueue_dma source(%dma_start3A_404 : memref<8x2048xf32, #tpu.memory_space<hbm>>) target(%dma_start3A_402 : memref<8x2048xf32, #tpu.memory_space<vmem_shared>>) target_semaphore(%arg17 : memref<!tpu.dma_semaphore, #tpu.memory_space<semaphore_mem>>)
      %dma_wait3A_405 = arith.constant 0 : i32
      %dma_wait3A_406 = arith.constant 0 : i32
      %dma_wait3A_407 = tpu.memref_slice %arg8[%arg1, %dma_wait3A_405, %dma_wait3A_406] : memref<16x8x2048xf32, #tpu.memory_space<vmem_shared>> -> memref<1x8x2048xf32, #tpu.memory_space<vmem_shared>>
      %dma_wait3A_408 = tpu.memref_squeeze %dma_wait3A_407 : memref<1x8x2048xf32, #tpu.memory_space<vmem_shared>> -> memref<8x2048xf32, #tpu.memory_space<vmem_shared>>
      %dma_wait3A_409 = arith.constant 0 : i32
      %dma_wait3A_410 = tpu.memref_slice %arg2[%add3A_200, %dma_wait3A_409] : memref<8192x2048xf32, #tpu.memory_space<hbm>> -> memref<8x2048xf32, #tpu.memory_space<hbm>>
      tpu.wait_dma2 semaphore(%arg18 : memref<!tpu.dma_semaphore, #tpu.memory_space<semaphore_mem>>) src(%dma_wait3A_410 : memref<8x2048xf32, #tpu.memory_space<hbm>>) dst(%dma_wait3A_408 : memref<8x2048xf32, #tpu.memory_space<vmem_shared>>)
      %add3A_411 = arith.constant 72 : i32
      %add3A_412 = arith.addi %add3A_14, %add3A_411 : i32
      %dma_start3A_413 = arith.constant 0 : i32
      %dma_start3A_414 = tpu.memref_slice %arg3[%add3A_412, %dma_start3A_413] : memref<8192x2048xf32, #tpu.memory_space<hbm>> -> memref<8x2048xf32, #tpu.memory_space<hbm>>
      %dma_start3A_415 = arith.constant 0 : i32
      %dma_start3A_416 = arith.constant 0 : i32
      %dma_start3A_417 = tpu.memref_slice %arg8[%arg1, %dma_start3A_415, %dma_start3A_416] : memref<16x8x2048xf32, #tpu.memory_space<vmem_shared>> -> memref<1x8x2048xf32, #tpu.memory_space<vmem_shared>>
      %dma_start3A_418 = tpu.memref_squeeze %dma_start3A_417 : memref<1x8x2048xf32, #tpu.memory_space<vmem_shared>> -> memref<8x2048xf32, #tpu.memory_space<vmem_shared>>
      tpu.enqueue_dma source(%dma_start3A_418 : memref<8x2048xf32, #tpu.memory_space<vmem_shared>>) target(%dma_start3A_414 : memref<8x2048xf32, #tpu.memory_space<hbm>>) target_semaphore(%arg21 : memref<!tpu.dma_semaphore, #tpu.memory_space<semaphore_mem>>)
      %dma_wait3A_419 = arith.constant 0 : i32
      %dma_wait3A_420 = tpu.memref_slice %arg3[%add3A_386, %dma_wait3A_419] : memref<8192x2048xf32, #tpu.memory_space<hbm>> -> memref<8x2048xf32, #tpu.memory_space<hbm>>
      %dma_wait3A_421 = arith.constant 0 : i32
      %dma_wait3A_422 = tpu.memref_slice %arg3[%add3A_386, %dma_wait3A_421] : memref<8192x2048xf32, #tpu.memory_space<hbm>> -> memref<8x2048xf32, #tpu.memory_space<hbm>>
      tpu.wait_dma2 semaphore(%arg15 : memref<!tpu.dma_semaphore, #tpu.memory_space<semaphore_mem>>) src(%arg5 : memref<8x2048xf32, #tpu.memory_space<vmem>>) dst(%dma_wait3A_422 : memref<8x2048xf32, #tpu.memory_space<hbm>>)
      %add3A_423 = arith.constant 112 : i32
      %add3A_424 = arith.addi %add3A_14, %add3A_423 : i32
      %dma_start3A_425 = arith.constant 0 : i32
      %dma_start3A_426 = tpu.memref_slice %arg2[%add3A_424, %dma_start3A_425] : memref<8192x2048xf32, #tpu.memory_space<hbm>> -> memref<8x2048xf32, #tpu.memory_space<hbm>>
      %dma_start3A_427 = arith.constant 0 : i32
      %dma_start3A_428 = tpu.memref_slice %arg2[%add3A_424, %dma_start3A_427] : memref<8192x2048xf32, #tpu.memory_space<hbm>> -> memref<8x2048xf32, #tpu.memory_space<hbm>>
      tpu.enqueue_dma source(%dma_start3A_428 : memref<8x2048xf32, #tpu.memory_space<hbm>>) target(%arg5 : memref<8x2048xf32, #tpu.memory_space<vmem>>) target_semaphore(%arg12 : memref<!tpu.dma_semaphore, #tpu.memory_space<semaphore_mem>>)
      %dma_wait3A_429 = arith.constant 0 : i32
      %dma_wait3A_430 = tpu.memref_slice %arg2[%add3A_226, %dma_wait3A_429] : memref<8192x2048xf32, #tpu.memory_space<hbm>> -> memref<8x2048xf32, #tpu.memory_space<hbm>>
      %dma_wait3A_431 = arith.constant 0 : i32
      %dma_wait3A_432 = tpu.memref_slice %arg2[%add3A_226, %dma_wait3A_431] : memref<8192x2048xf32, #tpu.memory_space<hbm>> -> memref<8x2048xf32, #tpu.memory_space<hbm>>
      tpu.wait_dma2 semaphore(%arg13 : memref<!tpu.dma_semaphore, #tpu.memory_space<semaphore_mem>>) src(%dma_wait3A_432 : memref<8x2048xf32, #tpu.memory_space<hbm>>) dst(%arg6 : memref<8x2048xf32, #tpu.memory_space<vmem>>)
      %add3A_433 = arith.constant 80 : i32
      %add3A_434 = arith.addi %add3A_14, %add3A_433 : i32
      %dma_start3A_435 = arith.constant 0 : i32
      %dma_start3A_436 = tpu.memref_slice %arg3[%add3A_434, %dma_start3A_435] : memref<8192x2048xf32, #tpu.memory_space<hbm>> -> memref<8x2048xf32, #tpu.memory_space<hbm>>
      %dma_start3A_437 = arith.constant 0 : i32
      %dma_start3A_438 = tpu.memref_slice %arg3[%add3A_434, %dma_start3A_437] : memref<8192x2048xf32, #tpu.memory_space<hbm>> -> memref<8x2048xf32, #tpu.memory_space<hbm>>
      tpu.enqueue_dma source(%arg6 : memref<8x2048xf32, #tpu.memory_space<vmem>>) target(%dma_start3A_438 : memref<8x2048xf32, #tpu.memory_space<hbm>>) target_semaphore(%arg16 : memref<!tpu.dma_semaphore, #tpu.memory_space<semaphore_mem>>)
      %dma_wait3A_439 = arith.constant 0 : i32
      %dma_wait3A_440 = tpu.memref_slice %arg3[%add3A_412, %dma_wait3A_439] : memref<8192x2048xf32, #tpu.memory_space<hbm>> -> memref<8x2048xf32, #tpu.memory_space<hbm>>
      %dma_wait3A_441 = arith.constant 0 : i32
      %dma_wait3A_442 = arith.constant 0 : i32
      %dma_wait3A_443 = tpu.memref_slice %arg8[%arg1, %dma_wait3A_441, %dma_wait3A_442] : memref<16x8x2048xf32, #tpu.memory_space<vmem_shared>> -> memref<1x8x2048xf32, #tpu.memory_space<vmem_shared>>
      %dma_wait3A_444 = tpu.memref_squeeze %dma_wait3A_443 : memref<1x8x2048xf32, #tpu.memory_space<vmem_shared>> -> memref<8x2048xf32, #tpu.memory_space<vmem_shared>>
      tpu.wait_dma2 semaphore(%arg21 : memref<!tpu.dma_semaphore, #tpu.memory_space<semaphore_mem>>) src(%dma_wait3A_444 : memref<8x2048xf32, #tpu.memory_space<vmem_shared>>) dst(%dma_wait3A_440 : memref<8x2048xf32, #tpu.memory_space<hbm>>)
      %add3A_445 = arith.constant 120 : i32
      %add3A_446 = arith.addi %add3A_14, %add3A_445 : i32
      %dma_start3A_447 = arith.constant 0 : i32
      %dma_start3A_448 = arith.constant 0 : i32
      %dma_start3A_449 = tpu.memref_slice %arg8[%arg1, %dma_start3A_447, %dma_start3A_448] : memref<16x8x2048xf32, #tpu.memory_space<vmem_shared>> -> memref<1x8x2048xf32, #tpu.memory_space<vmem_shared>>
      %dma_start3A_450 = tpu.memref_squeeze %dma_start3A_449 : memref<1x8x2048xf32, #tpu.memory_space<vmem_shared>> -> memref<8x2048xf32, #tpu.memory_space<vmem_shared>>
      %dma_start3A_451 = arith.constant 0 : i32
      %dma_start3A_452 = tpu.memref_slice %arg2[%add3A_446, %dma_start3A_451] : memref<8192x2048xf32, #tpu.memory_space<hbm>> -> memref<8x2048xf32, #tpu.memory_space<hbm>>
      tpu.enqueue_dma source(%dma_start3A_452 : memref<8x2048xf32, #tpu.memory_space<hbm>>) target(%dma_start3A_450 : memref<8x2048xf32, #tpu.memory_space<vmem_shared>>) target_semaphore(%arg18 : memref<!tpu.dma_semaphore, #tpu.memory_space<semaphore_mem>>)
      %dma_wait3A_453 = arith.constant 0 : i32
      %dma_wait3A_454 = arith.constant 0 : i32
      %dma_wait3A_455 = tpu.memref_slice %arg9[%arg1, %dma_wait3A_453, %dma_wait3A_454] : memref<16x8x2048xf32, #tpu.memory_space<vmem_shared>> -> memref<1x8x2048xf32, #tpu.memory_space<vmem_shared>>
      %dma_wait3A_456 = tpu.memref_squeeze %dma_wait3A_455 : memref<1x8x2048xf32, #tpu.memory_space<vmem_shared>> -> memref<8x2048xf32, #tpu.memory_space<vmem_shared>>
      %dma_wait3A_457 = arith.constant 0 : i32
      %dma_wait3A_458 = tpu.memref_slice %arg2[%add3A_260, %dma_wait3A_457] : memref<8192x2048xf32, #tpu.memory_space<hbm>> -> memref<8x2048xf32, #tpu.memory_space<hbm>>
      tpu.wait_dma2 semaphore(%arg19 : memref<!tpu.dma_semaphore, #tpu.memory_space<semaphore_mem>>) src(%dma_wait3A_458 : memref<8x2048xf32, #tpu.memory_space<hbm>>) dst(%dma_wait3A_456 : memref<8x2048xf32, #tpu.memory_space<vmem_shared>>)
      %add3A_459 = arith.constant 88 : i32
      %add3A_460 = arith.addi %add3A_14, %add3A_459 : i32
      %dma_start3A_461 = arith.constant 0 : i32
      %dma_start3A_462 = tpu.memref_slice %arg3[%add3A_460, %dma_start3A_461] : memref<8192x2048xf32, #tpu.memory_space<hbm>> -> memref<8x2048xf32, #tpu.memory_space<hbm>>
      %dma_start3A_463 = arith.constant 0 : i32
      %dma_start3A_464 = arith.constant 0 : i32
      %dma_start3A_465 = tpu.memref_slice %arg9[%arg1, %dma_start3A_463, %dma_start3A_464] : memref<16x8x2048xf32, #tpu.memory_space<vmem_shared>> -> memref<1x8x2048xf32, #tpu.memory_space<vmem_shared>>
      %dma_start3A_466 = tpu.memref_squeeze %dma_start3A_465 : memref<1x8x2048xf32, #tpu.memory_space<vmem_shared>> -> memref<8x2048xf32, #tpu.memory_space<vmem_shared>>
      tpu.enqueue_dma source(%dma_start3A_466 : memref<8x2048xf32, #tpu.memory_space<vmem_shared>>) target(%dma_start3A_462 : memref<8x2048xf32, #tpu.memory_space<hbm>>) target_semaphore(%arg22 : memref<!tpu.dma_semaphore, #tpu.memory_space<semaphore_mem>>)
      %dma_wait3A_467 = arith.constant 0 : i32
      %dma_wait3A_468 = tpu.memref_slice %arg3[%add3A_434, %dma_wait3A_467] : memref<8192x2048xf32, #tpu.memory_space<hbm>> -> memref<8x2048xf32, #tpu.memory_space<hbm>>
      %dma_wait3A_469 = arith.constant 0 : i32
      %dma_wait3A_470 = tpu.memref_slice %arg3[%add3A_434, %dma_wait3A_469] : memref<8192x2048xf32, #tpu.memory_space<hbm>> -> memref<8x2048xf32, #tpu.memory_space<hbm>>
      tpu.wait_dma2 semaphore(%arg16 : memref<!tpu.dma_semaphore, #tpu.memory_space<semaphore_mem>>) src(%arg6 : memref<8x2048xf32, #tpu.memory_space<vmem>>) dst(%dma_wait3A_470 : memref<8x2048xf32, #tpu.memory_space<hbm>>)
      %add3A_471 = arith.constant 128 : i32
      %add3A_472 = arith.addi %add3A_14, %add3A_471 : i32
      %dma_start3A_473 = arith.constant 0 : i32
      %dma_start3A_474 = tpu.memref_slice %arg2[%add3A_472, %dma_start3A_473] : memref<8192x2048xf32, #tpu.memory_space<hbm>> -> memref<8x2048xf32, #tpu.memory_space<hbm>>
      %dma_start3A_475 = arith.constant 0 : i32
      %dma_start3A_476 = tpu.memref_slice %arg2[%add3A_472, %dma_start3A_475] : memref<8192x2048xf32, #tpu.memory_space<hbm>> -> memref<8x2048xf32, #tpu.memory_space<hbm>>
      tpu.enqueue_dma source(%dma_start3A_476 : memref<8x2048xf32, #tpu.memory_space<hbm>>) target(%arg6 : memref<8x2048xf32, #tpu.memory_space<vmem>>) target_semaphore(%arg13 : memref<!tpu.dma_semaphore, #tpu.memory_space<semaphore_mem>>)
      %dma_wait3A_477 = arith.constant 0 : i32
      %dma_wait3A_478 = tpu.memref_slice %arg2[%add3A_370, %dma_wait3A_477] : memref<8192x2048xf32, #tpu.memory_space<hbm>> -> memref<8x2048xf32, #tpu.memory_space<hbm>>
      %dma_wait3A_479 = arith.constant 0 : i32
      %dma_wait3A_480 = tpu.memref_slice %arg2[%add3A_370, %dma_wait3A_479] : memref<8192x2048xf32, #tpu.memory_space<hbm>> -> memref<8x2048xf32, #tpu.memory_space<hbm>>
      tpu.wait_dma2 semaphore(%arg11 : memref<!tpu.dma_semaphore, #tpu.memory_space<semaphore_mem>>) src(%dma_wait3A_480 : memref<8x2048xf32, #tpu.memory_space<hbm>>) dst(%arg4 : memref<8x2048xf32, #tpu.memory_space<vmem>>)
      %scan3A_481 = arith.constant 0 : i32
      %scan3A_482 = arith.constant 0 : i32
      %scan3A_483 = arith.constant 32 : i32
      %scan3A_484 = arith.addi %scan3A_482, %scan3A_483 : i32
      %scan3A_485 = arith.constant 1 : i32
      scf.for %scan3A_1313 = %scan3A_482 to %scan3A_484 step %scan3A_485  : i32 {
        %mul3A_1314 = arith.constant 64 : i32
        %mul3A_1315 = arith.muli %scan3A_1313, %mul3A_1314 : i32
        %swap3A = arith.constant 4 : i32
        %swap3A_1316 = arith.index_cast %swap3A : i32 to index
        %swap3A_1317 = arith.index_cast %mul3A_1315 : i32 to index
        %swap3A_1318 = tpu.vector_load %arg4[%swap3A_1316, %swap3A_1317] {strides = array<i32>} : memref<8x2048xf32, #tpu.memory_space<vmem>>, vector<1x16xf32>,
        %swap3A_1319 = vector.shape_cast %swap3A_1318 : vector<1x16xf32> to vector<16xf32>
        %swap3A_1320 = vector.shape_cast %broadcast_in_dim3A_0 : vector<16xf32> to vector<1x16xf32>
        tpu.vector_store %arg4[%swap3A_1316, %swap3A_1317], %swap3A_1320 {strides = array<i32>} : memref<8x2048xf32, #tpu.memory_space<vmem>>, vector<1x16xf32>,
        %mul3A_1321 = arith.constant 64 : i32
        %mul3A_1322 = arith.muli %scan3A_1313, %mul3A_1321 : i32
        %add3A_1323 = arith.constant 16 : i32
        %add3A_1324 = arith.addi %mul3A_1322, %add3A_1323 : i32
        %swap3A_1325 = arith.constant 4 : i32
        %swap3A_1326 = arith.index_cast %swap3A_1325 : i32 to index
        %swap3A_1327 = arith.index_cast %add3A_1324 : i32 to index
        %swap3A_1328 = tpu.vector_load %arg4[%swap3A_1326, %swap3A_1327] {strides = array<i32>} : memref<8x2048xf32, #tpu.memory_space<vmem>>, vector<1x16xf32>,
        %swap3A_1329 = vector.shape_cast %swap3A_1328 : vector<1x16xf32> to vector<16xf32>
        %swap3A_1330 = vector.shape_cast %broadcast_in_dim3A_0 : vector<16xf32> to vector<1x16xf32>
        tpu.vector_store %arg4[%swap3A_1326, %swap3A_1327], %swap3A_1330 {strides = array<i32>} : memref<8x2048xf32, #tpu.memory_space<vmem>>, vector<1x16xf32>,
        %mul3A_1331 = arith.constant 64 : i32
        %mul3A_1332 = arith.muli %scan3A_1313, %mul3A_1331 : i32
        %add3A_1333 = arith.constant 32 : i32
        %add3A_1334 = arith.addi %mul3A_1332, %add3A_1333 : i32
        %swap3A_1335 = arith.constant 4 : i32
        %swap3A_1336 = arith.index_cast %swap3A_1335 : i32 to index
        %swap3A_1337 = arith.index_cast %add3A_1334 : i32 to index
        %swap3A_1338 = tpu.vector_load %arg4[%swap3A_1336, %swap3A_1337] {strides = array<i32>} : memref<8x2048xf32, #tpu.memory_space<vmem>>, vector<1x16xf32>,
        %swap3A_1339 = vector.shape_cast %swap3A_1338 : vector<1x16xf32> to vector<16xf32>
        %swap3A_1340 = vector.shape_cast %broadcast_in_dim3A_0 : vector<16xf32> to vector<1x16xf32>
        tpu.vector_store %arg4[%swap3A_1336, %swap3A_1337], %swap3A_1340 {strides = array<i32>} : memref<8x2048xf32, #tpu.memory_space<vmem>>, vector<1x16xf32>,
        %mul3A_1341 = arith.constant 64 : i32
        %mul3A_1342 = arith.muli %scan3A_1313, %mul3A_1341 : i32
        %add3A_1343 = arith.constant 48 : i32
        %add3A_1344 = arith.addi %mul3A_1342, %add3A_1343 : i32
        %swap3A_1345 = arith.constant 4 : i32
        %swap3A_1346 = arith.index_cast %swap3A_1345 : i32 to index
        %swap3A_1347 = arith.index_cast %add3A_1344 : i32 to index
        %swap3A_1348 = tpu.vector_load %arg4[%swap3A_1346, %swap3A_1347] {strides = array<i32>} : memref<8x2048xf32, #tpu.memory_space<vmem>>, vector<1x16xf32>,
        %swap3A_1349 = vector.shape_cast %swap3A_1348 : vector<1x16xf32> to vector<16xf32>
        %swap3A_1350 = vector.shape_cast %broadcast_in_dim3A_0 : vector<16xf32> to vector<1x16xf32>
        tpu.vector_store %arg4[%swap3A_1346, %swap3A_1347], %swap3A_1350 {strides = array<i32>} : memref<8x2048xf32, #tpu.memory_space<vmem>>, vector<1x16xf32>,
      }
      %scan3A_486 = arith.constant 32 : i32
      %add3A_487 = arith.constant 96 : i32
      %add3A_488 = arith.addi %add3A_14, %add3A_487 : i32
      %dma_start3A_489 = arith.constant 0 : i32
      %dma_start3A_490 = tpu.memref_slice %arg3[%add3A_488, %dma_start3A_489] : memref<8192x2048xf32, #tpu.memory_space<hbm>> -> memref<8x2048xf32, #tpu.memory_space<hbm>>
      %dma_start3A_491 = arith.constant 0 : i32
      %dma_start3A_492 = tpu.memref_slice %arg3[%add3A_488, %dma_start3A_491] : memref<8192x2048xf32, #tpu.memory_space<hbm>> -> memref<8x2048xf32, #tpu.memory_space<hbm>>
      tpu.enqueue_dma source(%arg4 : memref<8x2048xf32, #tpu.memory_space<vmem>>) target(%dma_start3A_492 : memref<8x2048xf32, #tpu.memory_space<hbm>>) target_semaphore(%arg14 : memref<!tpu.dma_semaphore, #tpu.memory_space<semaphore_mem>>)
      %dma_wait3A_493 = arith.constant 0 : i32
      %dma_wait3A_494 = tpu.memref_slice %arg3[%add3A_460, %dma_wait3A_493] : memref<8192x2048xf32, #tpu.memory_space<hbm>> -> memref<8x2048xf32, #tpu.memory_space<hbm>>
      %dma_wait3A_495 = arith.constant 0 : i32
      %dma_wait3A_496 = arith.constant 0 : i32
      %dma_wait3A_497 = tpu.memref_slice %arg9[%arg1, %dma_wait3A_495, %dma_wait3A_496] : memref<16x8x2048xf32, #tpu.memory_space<vmem_shared>> -> memref<1x8x2048xf32, #tpu.memory_space<vmem_shared>>
      %dma_wait3A_498 = tpu.memref_squeeze %dma_wait3A_497 : memref<1x8x2048xf32, #tpu.memory_space<vmem_shared>> -> memref<8x2048xf32, #tpu.memory_space<vmem_shared>>
      tpu.wait_dma2 semaphore(%arg22 : memref<!tpu.dma_semaphore, #tpu.memory_space<semaphore_mem>>) src(%dma_wait3A_498 : memref<8x2048xf32, #tpu.memory_space<vmem_shared>>) dst(%dma_wait3A_494 : memref<8x2048xf32, #tpu.memory_space<hbm>>)
      %add3A_499 = arith.constant 136 : i32
      %add3A_500 = arith.addi %add3A_14, %add3A_499 : i32
      %dma_start3A_501 = arith.constant 0 : i32
      %dma_start3A_502 = arith.constant 0 : i32
      %dma_start3A_503 = tpu.memref_slice %arg9[%arg1, %dma_start3A_501, %dma_start3A_502] : memref<16x8x2048xf32, #tpu.memory_space<vmem_shared>> -> memref<1x8x2048xf32, #tpu.memory_space<vmem_shared>>
      %dma_start3A_504 = tpu.memref_squeeze %dma_start3A_503 : memref<1x8x2048xf32, #tpu.memory_space<vmem_shared>> -> memref<8x2048xf32, #tpu.memory_space<vmem_shared>>
      %dma_start3A_505 = arith.constant 0 : i32
      %dma_start3A_506 = tpu.memref_slice %arg2[%add3A_500, %dma_start3A_505] : memref<8192x2048xf32, #tpu.memory_space<hbm>> -> memref<8x2048xf32, #tpu.memory_space<hbm>>
      tpu.enqueue_dma source(%dma_start3A_506 : memref<8x2048xf32, #tpu.memory_space<hbm>>) target(%dma_start3A_504 : memref<8x2048xf32, #tpu.memory_space<vmem_shared>>) target_semaphore(%arg19 : memref<!tpu.dma_semaphore, #tpu.memory_space<semaphore_mem>>)
      %dma_wait3A_507 = arith.constant 0 : i32
      %dma_wait3A_508 = arith.constant 0 : i32
      %dma_wait3A_509 = tpu.memref_slice %arg7[%arg1, %dma_wait3A_507, %dma_wait3A_508] : memref<16x8x2048xf32, #tpu.memory_space<vmem_shared>> -> memref<1x8x2048xf32, #tpu.memory_space<vmem_shared>>
      %dma_wait3A_510 = tpu.memref_squeeze %dma_wait3A_509 : memref<1x8x2048xf32, #tpu.memory_space<vmem_shared>> -> memref<8x2048xf32, #tpu.memory_space<vmem_shared>>
      %dma_wait3A_511 = arith.constant 0 : i32
      %dma_wait3A_512 = tpu.memref_slice %arg2[%add3A_398, %dma_wait3A_511] : memref<8192x2048xf32, #tpu.memory_space<hbm>> -> memref<8x2048xf32, #tpu.memory_space<hbm>>
      tpu.wait_dma2 semaphore(%arg17 : memref<!tpu.dma_semaphore, #tpu.memory_space<semaphore_mem>>) src(%dma_wait3A_512 : memref<8x2048xf32, #tpu.memory_space<hbm>>) dst(%dma_wait3A_510 : memref<8x2048xf32, #tpu.memory_space<vmem_shared>>)
      %dma_start3A_513 = arith.constant 0 : i32
      %dma_start3A_514 = arith.constant 0 : i32
      %dma_start3A_515 = tpu.memref_slice %arg7[%arg1, %dma_start3A_513, %dma_start3A_514] : memref<16x8x2048xf32, #tpu.memory_space<vmem_shared>> -> memref<1x8x2048xf32, #tpu.memory_space<vmem_shared>>
      %dma_start3A_516 = tpu.memref_squeeze %dma_start3A_515 : memref<1x8x2048xf32, #tpu.memory_space<vmem_shared>> -> memref<8x2048xf32, #tpu.memory_space<vmem_shared>>
      %dma_start3A_517 = arith.constant 6 : i32
      %dma_start3A_518 = arith.constant 0 : i32
      %dma_start3A_519 = tpu.memref_slice %dma_start3A_516[%dma_start3A_517, %dma_start3A_518] : memref<8x2048xf32, #tpu.memory_space<vmem_shared>> -> memref<1x2048xf32, #tpu.memory_space<vmem_shared>>
      %dma_start3A_520 = arith.constant 0 : i32
      %dma_start3A_521 = arith.constant 0 : i32
      %dma_start3A_522 = tpu.memref_slice %arg7[%arg1, %dma_start3A_520, %dma_start3A_521] : memref<16x8x2048xf32, #tpu.memory_space<vmem_shared>> -> memref<1x8x2048xf32, #tpu.memory_space<vmem_shared>>
      %dma_start3A_523 = tpu.memref_squeeze %dma_start3A_522 : memref<1x8x2048xf32, #tpu.memory_space<vmem_shared>> -> memref<8x2048xf32, #tpu.memory_space<vmem_shared>>
      %dma_start3A_524 = arith.constant 6 : i32
      %dma_start3A_525 = arith.constant 0 : i32
      %dma_start3A_526 = tpu.memref_slice %dma_start3A_523[%dma_start3A_524, %dma_start3A_525] : memref<8x2048xf32, #tpu.memory_space<vmem_shared>> -> memref<1x2048xf32, #tpu.memory_space<vmem_shared>>
      tpu.enqueue_dma source(%arg10 : memref<1x2048xf32, #tpu.memory_space<vmem>>) target(%dma_start3A_526 : memref<1x2048xf32, #tpu.memory_space<vmem_shared>>) target_semaphore(%arg23 : memref<!tpu.dma_semaphore, #tpu.memory_space<semaphore_mem>>)
      %dma_wait3A_527 = arith.constant 0 : i32
      %dma_wait3A_528 = arith.constant 0 : i32
      %dma_wait3A_529 = tpu.memref_slice %arg7[%arg1, %dma_wait3A_527, %dma_wait3A_528] : memref<16x8x2048xf32, #tpu.memory_space<vmem_shared>> -> memref<1x8x2048xf32, #tpu.memory_space<vmem_shared>>
      %dma_wait3A_530 = tpu.memref_squeeze %dma_wait3A_529 : memref<1x8x2048xf32, #tpu.memory_space<vmem_shared>> -> memref<8x2048xf32, #tpu.memory_space<vmem_shared>>
      %dma_wait3A_531 = arith.constant 6 : i32
      %dma_wait3A_532 = arith.constant 0 : i32
      %dma_wait3A_533 = tpu.memref_slice %dma_wait3A_530[%dma_wait3A_531, %dma_wait3A_532] : memref<8x2048xf32, #tpu.memory_space<vmem_shared>> -> memref<1x2048xf32, #tpu.memory_space<vmem_shared>>
      %dma_wait3A_534 = arith.constant 0 : i32
      %dma_wait3A_535 = arith.constant 0 : i32
      %dma_wait3A_536 = tpu.memref_slice %arg7[%arg1, %dma_wait3A_534, %dma_wait3A_535] : memref<16x8x2048xf32, #tpu.memory_space<vmem_shared>> -> memref<1x8x2048xf32, #tpu.memory_space<vmem_shared>>
      %dma_wait3A_537 = tpu.memref_squeeze %dma_wait3A_536 : memref<1x8x2048xf32, #tpu.memory_space<vmem_shared>> -> memref<8x2048xf32, #tpu.memory_space<vmem_shared>>
      %dma_wait3A_538 = arith.constant 6 : i32
      %dma_wait3A_539 = arith.constant 0 : i32
      %dma_wait3A_540 = tpu.memref_slice %dma_wait3A_537[%dma_wait3A_538, %dma_wait3A_539] : memref<8x2048xf32, #tpu.memory_space<vmem_shared>> -> memref<1x2048xf32, #tpu.memory_space<vmem_shared>>
      tpu.wait_dma2 semaphore(%arg23 : memref<!tpu.dma_semaphore, #tpu.memory_space<semaphore_mem>>) src(%arg10 : memref<1x2048xf32, #tpu.memory_space<vmem>>) dst(%dma_wait3A_540 : memref<1x2048xf32, #tpu.memory_space<vmem_shared>>)
      %add3A_541 = arith.constant 104 : i32
      %add3A_542 = arith.addi %add3A_14, %add3A_541 : i32
      %dma_start3A_543 = arith.constant 0 : i32
      %dma_start3A_544 = tpu.memref_slice %arg3[%add3A_542, %dma_start3A_543] : memref<8192x2048xf32, #tpu.memory_space<hbm>> -> memref<8x2048xf32, #tpu.memory_space<hbm>>
      %dma_start3A_545 = arith.constant 0 : i32
      %dma_start3A_546 = arith.constant 0 : i32
      %dma_start3A_547 = tpu.memref_slice %arg7[%arg1, %dma_start3A_545, %dma_start3A_546] : memref<16x8x2048xf32, #tpu.memory_space<vmem_shared>> -> memref<1x8x2048xf32, #tpu.memory_space<vmem_shared>>
      %dma_start3A_548 = tpu.memref_squeeze %dma_start3A_547 : memref<1x8x2048xf32, #tpu.memory_space<vmem_shared>> -> memref<8x2048xf32, #tpu.memory_space<vmem_shared>>
      tpu.enqueue_dma source(%dma_start3A_548 : memref<8x2048xf32, #tpu.memory_space<vmem_shared>>) target(%dma_start3A_544 : memref<8x2048xf32, #tpu.memory_space<hbm>>) target_semaphore(%arg20 : memref<!tpu.dma_semaphore, #tpu.memory_space<semaphore_mem>>)
      %dma_wait3A_549 = arith.constant 0 : i32
      %dma_wait3A_550 = tpu.memref_slice %arg3[%add3A_488, %dma_wait3A_549] : memref<8192x2048xf32, #tpu.memory_space<hbm>> -> memref<8x2048xf32, #tpu.memory_space<hbm>>
      %dma_wait3A_551 = arith.constant 0 : i32
      %dma_wait3A_552 = tpu.memref_slice %arg3[%add3A_488, %dma_wait3A_551] : memref<8192x2048xf32, #tpu.memory_space<hbm>> -> memref<8x2048xf32, #tpu.memory_space<hbm>>
      tpu.wait_dma2 semaphore(%arg14 : memref<!tpu.dma_semaphore, #tpu.memory_space<semaphore_mem>>) src(%arg4 : memref<8x2048xf32, #tpu.memory_space<vmem>>) dst(%dma_wait3A_552 : memref<8x2048xf32, #tpu.memory_space<hbm>>)
      %add3A_553 = arith.constant 144 : i32
      %add3A_554 = arith.addi %add3A_14, %add3A_553 : i32
      %dma_start3A_555 = arith.constant 0 : i32
      %dma_start3A_556 = tpu.memref_slice %arg2[%add3A_554, %dma_start3A_555] : memref<8192x2048xf32, #tpu.memory_space<hbm>> -> memref<8x2048xf32, #tpu.memory_space<hbm>>
      %dma_start3A_557 = arith.constant 0 : i32
      %dma_start3A_558 = tpu.memref_slice %arg2[%add3A_554, %dma_start3A_557] : memref<8192x2048xf32, #tpu.memory_space<hbm>> -> memref<8x2048xf32, #tpu.memory_space<hbm>>
      tpu.enqueue_dma source(%dma_start3A_558 : memref<8x2048xf32, #tpu.memory_space<hbm>>) target(%arg4 : memref<8x2048xf32, #tpu.memory_space<vmem>>) target_semaphore(%arg11 : memref<!tpu.dma_semaphore, #tpu.memory_space<semaphore_mem>>)
      %dma_wait3A_559 = arith.constant 0 : i32
      %dma_wait3A_560 = tpu.memref_slice %arg2[%add3A_424, %dma_wait3A_559] : memref<8192x2048xf32, #tpu.memory_space<hbm>> -> memref<8x2048xf32, #tpu.memory_space<hbm>>
      %dma_wait3A_561 = arith.constant 0 : i32
      %dma_wait3A_562 = tpu.memref_slice %arg2[%add3A_424, %dma_wait3A_561] : memref<8192x2048xf32, #tpu.memory_space<hbm>> -> memref<8x2048xf32, #tpu.memory_space<hbm>>
      tpu.wait_dma2 semaphore(%arg12 : memref<!tpu.dma_semaphore, #tpu.memory_space<semaphore_mem>>) src(%dma_wait3A_562 : memref<8x2048xf32, #tpu.memory_space<hbm>>) dst(%arg5 : memref<8x2048xf32, #tpu.memory_space<vmem>>)
      %add3A_563 = arith.constant 112 : i32
      %add3A_564 = arith.addi %add3A_14, %add3A_563 : i32
      %dma_start3A_565 = arith.constant 0 : i32
      %dma_start3A_566 = tpu.memref_slice %arg3[%add3A_564, %dma_start3A_565] : memref<8192x2048xf32, #tpu.memory_space<hbm>> -> memref<8x2048xf32, #tpu.memory_space<hbm>>
      %dma_start3A_567 = arith.constant 0 : i32
      %dma_start3A_568 = tpu.memref_slice %arg3[%add3A_564, %dma_start3A_567] : memref<8192x2048xf32, #tpu.memory_space<hbm>> -> memref<8x2048xf32, #tpu.memory_space<hbm>>
      tpu.enqueue_dma source(%arg5 : memref<8x2048xf32, #tpu.memory_space<vmem>>) target(%dma_start3A_568 : memref<8x2048xf32, #tpu.memory_space<hbm>>) target_semaphore(%arg15 : memref<!tpu.dma_semaphore, #tpu.memory_space<semaphore_mem>>)
      %dma_wait3A_569 = arith.constant 0 : i32
      %dma_wait3A_570 = tpu.memref_slice %arg3[%add3A_542, %dma_wait3A_569] : memref<8192x2048xf32, #tpu.memory_space<hbm>> -> memref<8x2048xf32, #tpu.memory_space<hbm>>
      %dma_wait3A_571 = arith.constant 0 : i32
      %dma_wait3A_572 = arith.constant 0 : i32
      %dma_wait3A_573 = tpu.memref_slice %arg7[%arg1, %dma_wait3A_571, %dma_wait3A_572] : memref<16x8x2048xf32, #tpu.memory_space<vmem_shared>> -> memref<1x8x2048xf32, #tpu.memory_space<vmem_shared>>
      %dma_wait3A_574 = tpu.memref_squeeze %dma_wait3A_573 : memref<1x8x2048xf32, #tpu.memory_space<vmem_shared>> -> memref<8x2048xf32, #tpu.memory_space<vmem_shared>>
      tpu.wait_dma2 semaphore(%arg20 : memref<!tpu.dma_semaphore, #tpu.memory_space<semaphore_mem>>) src(%dma_wait3A_574 : memref<8x2048xf32, #tpu.memory_space<vmem_shared>>) dst(%dma_wait3A_570 : memref<8x2048xf32, #tpu.memory_space<hbm>>)
      %add3A_575 = arith.constant 152 : i32
      %add3A_576 = arith.addi %add3A_14, %add3A_575 : i32
      %dma_start3A_577 = arith.constant 0 : i32
      %dma_start3A_578 = arith.constant 0 : i32
      %dma_start3A_579 = tpu.memref_slice %arg7[%arg1, %dma_start3A_577, %dma_start3A_578] : memref<16x8x2048xf32, #tpu.memory_space<vmem_shared>> -> memref<1x8x2048xf32, #tpu.memory_space<vmem_shared>>
      %dma_start3A_580 = tpu.memref_squeeze %dma_start3A_579 : memref<1x8x2048xf32, #tpu.memory_space<vmem_shared>> -> memref<8x2048xf32, #tpu.memory_space<vmem_shared>>
      %dma_start3A_581 = arith.constant 0 : i32
      %dma_start3A_582 = tpu.memref_slice %arg2[%add3A_576, %dma_start3A_581] : memref<8192x2048xf32, #tpu.memory_space<hbm>> -> memref<8x2048xf32, #tpu.memory_space<hbm>>
      tpu.enqueue_dma source(%dma_start3A_582 : memref<8x2048xf32, #tpu.memory_space<hbm>>) target(%dma_start3A_580 : memref<8x2048xf32, #tpu.memory_space<vmem_shared>>) target_semaphore(%arg17 : memref<!tpu.dma_semaphore, #tpu.memory_space<semaphore_mem>>)
      %dma_wait3A_583 = arith.constant 0 : i32
      %dma_wait3A_584 = arith.constant 0 : i32
      %dma_wait3A_585 = tpu.memref_slice %arg8[%arg1, %dma_wait3A_583, %dma_wait3A_584] : memref<16x8x2048xf32, #tpu.memory_space<vmem_shared>> -> memref<1x8x2048xf32, #tpu.memory_space<vmem_shared>>
      %dma_wait3A_586 = tpu.memref_squeeze %dma_wait3A_585 : memref<1x8x2048xf32, #tpu.memory_space<vmem_shared>> -> memref<8x2048xf32, #tpu.memory_space<vmem_shared>>
      %dma_wait3A_587 = arith.constant 0 : i32
      %dma_wait3A_588 = tpu.memref_slice %arg2[%add3A_446, %dma_wait3A_587] : memref<8192x2048xf32, #tpu.memory_space<hbm>> -> memref<8x2048xf32, #tpu.memory_space<hbm>>
      tpu.wait_dma2 semaphore(%arg18 : memref<!tpu.dma_semaphore, #tpu.memory_space<semaphore_mem>>) src(%dma_wait3A_588 : memref<8x2048xf32, #tpu.memory_space<hbm>>) dst(%dma_wait3A_586 : memref<8x2048xf32, #tpu.memory_space<vmem_shared>>)
      %add3A_589 = arith.constant 120 : i32
      %add3A_590 = arith.addi %add3A_14, %add3A_589 : i32
      %dma_start3A_591 = arith.constant 0 : i32
      %dma_start3A_592 = tpu.memref_slice %arg3[%add3A_590, %dma_start3A_591] : memref<8192x2048xf32, #tpu.memory_space<hbm>> -> memref<8x2048xf32, #tpu.memory_space<hbm>>
      %dma_start3A_593 = arith.constant 0 : i32
      %dma_start3A_594 = arith.constant 0 : i32
      %dma_start3A_595 = tpu.memref_slice %arg8[%arg1, %dma_start3A_593, %dma_start3A_594] : memref<16x8x2048xf32, #tpu.memory_space<vmem_shared>> -> memref<1x8x2048xf32, #tpu.memory_space<vmem_shared>>
      %dma_start3A_596 = tpu.memref_squeeze %dma_start3A_595 : memref<1x8x2048xf32, #tpu.memory_space<vmem_shared>> -> memref<8x2048xf32, #tpu.memory_space<vmem_shared>>
      tpu.enqueue_dma source(%dma_start3A_596 : memref<8x2048xf32, #tpu.memory_space<vmem_shared>>) target(%dma_start3A_592 : memref<8x2048xf32, #tpu.memory_space<hbm>>) target_semaphore(%arg21 : memref<!tpu.dma_semaphore, #tpu.memory_space<semaphore_mem>>)
      %dma_wait3A_597 = arith.constant 0 : i32
      %dma_wait3A_598 = tpu.memref_slice %arg3[%add3A_564, %dma_wait3A_597] : memref<8192x2048xf32, #tpu.memory_space<hbm>> -> memref<8x2048xf32, #tpu.memory_space<hbm>>
      %dma_wait3A_599 = arith.constant 0 : i32
      %dma_wait3A_600 = tpu.memref_slice %arg3[%add3A_564, %dma_wait3A_599] : memref<8192x2048xf32, #tpu.memory_space<hbm>> -> memref<8x2048xf32, #tpu.memory_space<hbm>>
      tpu.wait_dma2 semaphore(%arg15 : memref<!tpu.dma_semaphore, #tpu.memory_space<semaphore_mem>>) src(%arg5 : memref<8x2048xf32, #tpu.memory_space<vmem>>) dst(%dma_wait3A_600 : memref<8x2048xf32, #tpu.memory_space<hbm>>)
      %add3A_601 = arith.constant 160 : i32
      %add3A_602 = arith.addi %add3A_14, %add3A_601 : i32
      %dma_start3A_603 = arith.constant 0 : i32
      %dma_start3A_604 = tpu.memref_slice %arg2[%add3A_602, %dma_start3A_603] : memref<8192x2048xf32, #tpu.memory_space<hbm>> -> memref<8x2048xf32, #tpu.memory_space<hbm>>
      %dma_start3A_605 = arith.constant 0 : i32
      %dma_start3A_606 = tpu.memref_slice %arg2[%add3A_602, %dma_start3A_605] : memref<8192x2048xf32, #tpu.memory_space<hbm>> -> memref<8x2048xf32, #tpu.memory_space<hbm>>
      tpu.enqueue_dma source(%dma_start3A_606 : memref<8x2048xf32, #tpu.memory_space<hbm>>) target(%arg5 : memref<8x2048xf32, #tpu.memory_space<vmem>>) target_semaphore(%arg12 : memref<!tpu.dma_semaphore, #tpu.memory_space<semaphore_mem>>)
      %dma_wait3A_607 = arith.constant 0 : i32
      %dma_wait3A_608 = tpu.memref_slice %arg2[%add3A_472, %dma_wait3A_607] : memref<8192x2048xf32, #tpu.memory_space<hbm>> -> memref<8x2048xf32, #tpu.memory_space<hbm>>
      %dma_wait3A_609 = arith.constant 0 : i32
      %dma_wait3A_610 = tpu.memref_slice %arg2[%add3A_472, %dma_wait3A_609] : memref<8192x2048xf32, #tpu.memory_space<hbm>> -> memref<8x2048xf32, #tpu.memory_space<hbm>>
      tpu.wait_dma2 semaphore(%arg13 : memref<!tpu.dma_semaphore, #tpu.memory_space<semaphore_mem>>) src(%dma_wait3A_610 : memref<8x2048xf32, #tpu.memory_space<hbm>>) dst(%arg6 : memref<8x2048xf32, #tpu.memory_space<vmem>>)
      %add3A_611 = arith.constant 128 : i32
      %add3A_612 = arith.addi %add3A_14, %add3A_611 : i32
      %dma_start3A_613 = arith.constant 0 : i32
      %dma_start3A_614 = tpu.memref_slice %arg3[%add3A_612, %dma_start3A_613] : memref<8192x2048xf32, #tpu.memory_space<hbm>> -> memref<8x2048xf32, #tpu.memory_space<hbm>>
      %dma_start3A_615 = arith.constant 0 : i32
      %dma_start3A_616 = tpu.memref_slice %arg3[%add3A_612, %dma_start3A_615] : memref<8192x2048xf32, #tpu.memory_space<hbm>> -> memref<8x2048xf32, #tpu.memory_space<hbm>>
      tpu.enqueue_dma source(%arg6 : memref<8x2048xf32, #tpu.memory_space<vmem>>) target(%dma_start3A_616 : memref<8x2048xf32, #tpu.memory_space<hbm>>) target_semaphore(%arg16 : memref<!tpu.dma_semaphore, #tpu.memory_space<semaphore_mem>>)
      %dma_wait3A_617 = arith.constant 0 : i32
      %dma_wait3A_618 = tpu.memref_slice %arg3[%add3A_590, %dma_wait3A_617] : memref<8192x2048xf32, #tpu.memory_space<hbm>> -> memref<8x2048xf32, #tpu.memory_space<hbm>>
      %dma_wait3A_619 = arith.constant 0 : i32
      %dma_wait3A_620 = arith.constant 0 : i32
      %dma_wait3A_621 = tpu.memref_slice %arg8[%arg1, %dma_wait3A_619, %dma_wait3A_620] : memref<16x8x2048xf32, #tpu.memory_space<vmem_shared>> -> memref<1x8x2048xf32, #tpu.memory_space<vmem_shared>>
      %dma_wait3A_622 = tpu.memref_squeeze %dma_wait3A_621 : memref<1x8x2048xf32, #tpu.memory_space<vmem_shared>> -> memref<8x2048xf32, #tpu.memory_space<vmem_shared>>
      tpu.wait_dma2 semaphore(%arg21 : memref<!tpu.dma_semaphore, #tpu.memory_space<semaphore_mem>>) src(%dma_wait3A_622 : memref<8x2048xf32, #tpu.memory_space<vmem_shared>>) dst(%dma_wait3A_618 : memref<8x2048xf32, #tpu.memory_space<hbm>>)
      %add3A_623 = arith.constant 168 : i32
      %add3A_624 = arith.addi %add3A_14, %add3A_623 : i32
      %dma_start3A_625 = arith.constant 0 : i32
      %dma_start3A_626 = arith.constant 0 : i32
      %dma_start3A_627 = tpu.memref_slice %arg8[%arg1, %dma_start3A_625, %dma_start3A_626] : memref<16x8x2048xf32, #tpu.memory_space<vmem_shared>> -> memref<1x8x2048xf32, #tpu.memory_space<vmem_shared>>
      %dma_start3A_628 = tpu.memref_squeeze %dma_start3A_627 : memref<1x8x2048xf32, #tpu.memory_space<vmem_shared>> -> memref<8x2048xf32, #tpu.memory_space<vmem_shared>>
      %dma_start3A_629 = arith.constant 0 : i32
      %dma_start3A_630 = tpu.memref_slice %arg2[%add3A_624, %dma_start3A_629] : memref<8192x2048xf32, #tpu.memory_space<hbm>> -> memref<8x2048xf32, #tpu.memory_space<hbm>>
      tpu.enqueue_dma source(%dma_start3A_630 : memref<8x2048xf32, #tpu.memory_space<hbm>>) target(%dma_start3A_628 : memref<8x2048xf32, #tpu.memory_space<vmem_shared>>) target_semaphore(%arg18 : memref<!tpu.dma_semaphore, #tpu.memory_space<semaphore_mem>>)
      %dma_wait3A_631 = arith.constant 0 : i32
      %dma_wait3A_632 = arith.constant 0 : i32
      %dma_wait3A_633 = tpu.memref_slice %arg9[%arg1, %dma_wait3A_631, %dma_wait3A_632] : memref<16x8x2048xf32, #tpu.memory_space<vmem_shared>> -> memref<1x8x2048xf32, #tpu.memory_space<vmem_shared>>
      %dma_wait3A_634 = tpu.memref_squeeze %dma_wait3A_633 : memref<1x8x2048xf32, #tpu.memory_space<vmem_shared>> -> memref<8x2048xf32, #tpu.memory_space<vmem_shared>>
      %dma_wait3A_635 = arith.constant 0 : i32
      %dma_wait3A_636 = tpu.memref_slice %arg2[%add3A_500, %dma_wait3A_635] : memref<8192x2048xf32, #tpu.memory_space<hbm>> -> memref<8x2048xf32, #tpu.memory_space<hbm>>
      tpu.wait_dma2 semaphore(%arg19 : memref<!tpu.dma_semaphore, #tpu.memory_space<semaphore_mem>>) src(%dma_wait3A_636 : memref<8x2048xf32, #tpu.memory_space<hbm>>) dst(%dma_wait3A_634 : memref<8x2048xf32, #tpu.memory_space<vmem_shared>>)
      %dma_start3A_637 = arith.constant 0 : i32
      %dma_start3A_638 = arith.constant 0 : i32
      %dma_start3A_639 = tpu.memref_slice %arg9[%arg1, %dma_start3A_637, %dma_start3A_638] : memref<16x8x2048xf32, #tpu.memory_space<vmem_shared>> -> memref<1x8x2048xf32, #tpu.memory_space<vmem_shared>>
      %dma_start3A_640 = tpu.memref_squeeze %dma_start3A_639 : memref<1x8x2048xf32, #tpu.memory_space<vmem_shared>> -> memref<8x2048xf32, #tpu.memory_space<vmem_shared>>
      %dma_start3A_641 = arith.constant 6 : i32
      %dma_start3A_642 = arith.constant 0 : i32
      %dma_start3A_643 = tpu.memref_slice %dma_start3A_640[%dma_start3A_641, %dma_start3A_642] : memref<8x2048xf32, #tpu.memory_space<vmem_shared>> -> memref<1x2048xf32, #tpu.memory_space<vmem_shared>>
      %dma_start3A_644 = arith.constant 0 : i32
      %dma_start3A_645 = arith.constant 0 : i32
      %dma_start3A_646 = tpu.memref_slice %arg9[%arg1, %dma_start3A_644, %dma_start3A_645] : memref<16x8x2048xf32, #tpu.memory_space<vmem_shared>> -> memref<1x8x2048xf32, #tpu.memory_space<vmem_shared>>
      %dma_start3A_647 = tpu.memref_squeeze %dma_start3A_646 : memref<1x8x2048xf32, #tpu.memory_space<vmem_shared>> -> memref<8x2048xf32, #tpu.memory_space<vmem_shared>>
      %dma_start3A_648 = arith.constant 6 : i32
      %dma_start3A_649 = arith.constant 0 : i32
      %dma_start3A_650 = tpu.memref_slice %dma_start3A_647[%dma_start3A_648, %dma_start3A_649] : memref<8x2048xf32, #tpu.memory_space<vmem_shared>> -> memref<1x2048xf32, #tpu.memory_space<vmem_shared>>
      tpu.enqueue_dma source(%arg10 : memref<1x2048xf32, #tpu.memory_space<vmem>>) target(%dma_start3A_650 : memref<1x2048xf32, #tpu.memory_space<vmem_shared>>) target_semaphore(%arg23 : memref<!tpu.dma_semaphore, #tpu.memory_space<semaphore_mem>>)
      %dma_wait3A_651 = arith.constant 0 : i32
      %dma_wait3A_652 = arith.constant 0 : i32
      %dma_wait3A_653 = tpu.memref_slice %arg9[%arg1, %dma_wait3A_651, %dma_wait3A_652] : memref<16x8x2048xf32, #tpu.memory_space<vmem_shared>> -> memref<1x8x2048xf32, #tpu.memory_space<vmem_shared>>
      %dma_wait3A_654 = tpu.memref_squeeze %dma_wait3A_653 : memref<1x8x2048xf32, #tpu.memory_space<vmem_shared>> -> memref<8x2048xf32, #tpu.memory_space<vmem_shared>>
      %dma_wait3A_655 = arith.constant 6 : i32
      %dma_wait3A_656 = arith.constant 0 : i32
      %dma_wait3A_657 = tpu.memref_slice %dma_wait3A_654[%dma_wait3A_655, %dma_wait3A_656] : memref<8x2048xf32, #tpu.memory_space<vmem_shared>> -> memref<1x2048xf32, #tpu.memory_space<vmem_shared>>
      %dma_wait3A_658 = arith.constant 0 : i32
      %dma_wait3A_659 = arith.constant 0 : i32
      %dma_wait3A_660 = tpu.memref_slice %arg9[%arg1, %dma_wait3A_658, %dma_wait3A_659] : memref<16x8x2048xf32, #tpu.memory_space<vmem_shared>> -> memref<1x8x2048xf32, #tpu.memory_space<vmem_shared>>
      %dma_wait3A_661 = tpu.memref_squeeze %dma_wait3A_660 : memref<1x8x2048xf32, #tpu.memory_space<vmem_shared>> -> memref<8x2048xf32, #tpu.memory_space<vmem_shared>>
      %dma_wait3A_662 = arith.constant 6 : i32
      %dma_wait3A_663 = arith.constant 0 : i32
      %dma_wait3A_664 = tpu.memref_slice %dma_wait3A_661[%dma_wait3A_662, %dma_wait3A_663] : memref<8x2048xf32, #tpu.memory_space<vmem_shared>> -> memref<1x2048xf32, #tpu.memory_space<vmem_shared>>
      tpu.wait_dma2 semaphore(%arg23 : memref<!tpu.dma_semaphore, #tpu.memory_space<semaphore_mem>>) src(%arg10 : memref<1x2048xf32, #tpu.memory_space<vmem>>) dst(%dma_wait3A_664 : memref<1x2048xf32, #tpu.memory_space<vmem_shared>>)
      %add3A_665 = arith.constant 136 : i32
      %add3A_666 = arith.addi %add3A_14, %add3A_665 : i32
      %dma_start3A_667 = arith.constant 0 : i32
      %dma_start3A_668 = tpu.memref_slice %arg3[%add3A_666, %dma_start3A_667] : memref<8192x2048xf32, #tpu.memory_space<hbm>> -> memref<8x2048xf32, #tpu.memory_space<hbm>>
      %dma_start3A_669 = arith.constant 0 : i32
      %dma_start3A_670 = arith.constant 0 : i32
      %dma_start3A_671 = tpu.memref_slice %arg9[%arg1, %dma_start3A_669, %dma_start3A_670] : memref<16x8x2048xf32, #tpu.memory_space<vmem_shared>> -> memref<1x8x2048xf32, #tpu.memory_space<vmem_shared>>
      %dma_start3A_672 = tpu.memref_squeeze %dma_start3A_671 : memref<1x8x2048xf32, #tpu.memory_space<vmem_shared>> -> memref<8x2048xf32, #tpu.memory_space<vmem_shared>>
      tpu.enqueue_dma source(%dma_start3A_672 : memref<8x2048xf32, #tpu.memory_space<vmem_shared>>) target(%dma_start3A_668 : memref<8x2048xf32, #tpu.memory_space<hbm>>) target_semaphore(%arg22 : memref<!tpu.dma_semaphore, #tpu.memory_space<semaphore_mem>>)
      %dma_wait3A_673 = arith.constant 0 : i32
      %dma_wait3A_674 = tpu.memref_slice %arg3[%add3A_612, %dma_wait3A_673] : memref<8192x2048xf32, #tpu.memory_space<hbm>> -> memref<8x2048xf32, #tpu.memory_space<hbm>>
      %dma_wait3A_675 = arith.constant 0 : i32
      %dma_wait3A_676 = tpu.memref_slice %arg3[%add3A_612, %dma_wait3A_675] : memref<8192x2048xf32, #tpu.memory_space<hbm>> -> memref<8x2048xf32, #tpu.memory_space<hbm>>
      tpu.wait_dma2 semaphore(%arg16 : memref<!tpu.dma_semaphore, #tpu.memory_space<semaphore_mem>>) src(%arg6 : memref<8x2048xf32, #tpu.memory_space<vmem>>) dst(%dma_wait3A_676 : memref<8x2048xf32, #tpu.memory_space<hbm>>)
      %add3A_677 = arith.constant 176 : i32
      %add3A_678 = arith.addi %add3A_14, %add3A_677 : i32
      %dma_start3A_679 = arith.constant 0 : i32
      %dma_start3A_680 = tpu.memref_slice %arg2[%add3A_678, %dma_start3A_679] : memref<8192x2048xf32, #tpu.memory_space<hbm>> -> memref<8x2048xf32, #tpu.memory_space<hbm>>
      %dma_start3A_681 = arith.constant 0 : i32
      %dma_start3A_682 = tpu.memref_slice %arg2[%add3A_678, %dma_start3A_681] : memref<8192x2048xf32, #tpu.memory_space<hbm>> -> memref<8x2048xf32, #tpu.memory_space<hbm>>
      tpu.enqueue_dma source(%dma_start3A_682 : memref<8x2048xf32, #tpu.memory_space<hbm>>) target(%arg6 : memref<8x2048xf32, #tpu.memory_space<vmem>>) target_semaphore(%arg13 : memref<!tpu.dma_semaphore, #tpu.memory_space<semaphore_mem>>)
      %dma_wait3A_683 = arith.constant 0 : i32
      %dma_wait3A_684 = tpu.memref_slice %arg2[%add3A_554, %dma_wait3A_683] : memref<8192x2048xf32, #tpu.memory_space<hbm>> -> memref<8x2048xf32, #tpu.memory_space<hbm>>
      %dma_wait3A_685 = arith.constant 0 : i32
      %dma_wait3A_686 = tpu.memref_slice %arg2[%add3A_554, %dma_wait3A_685] : memref<8192x2048xf32, #tpu.memory_space<hbm>> -> memref<8x2048xf32, #tpu.memory_space<hbm>>
      tpu.wait_dma2 semaphore(%arg11 : memref<!tpu.dma_semaphore, #tpu.memory_space<semaphore_mem>>) src(%dma_wait3A_686 : memref<8x2048xf32, #tpu.memory_space<hbm>>) dst(%arg4 : memref<8x2048xf32, #tpu.memory_space<vmem>>)
      %add3A_687 = arith.constant 144 : i32
      %add3A_688 = arith.addi %add3A_14, %add3A_687 : i32
      %dma_start3A_689 = arith.constant 0 : i32
      %dma_start3A_690 = tpu.memref_slice %arg3[%add3A_688, %dma_start3A_689] : memref<8192x2048xf32, #tpu.memory_space<hbm>> -> memref<8x2048xf32, #tpu.memory_space<hbm>>
      %dma_start3A_691 = arith.constant 0 : i32
      %dma_start3A_692 = tpu.memref_slice %arg3[%add3A_688, %dma_start3A_691] : memref<8192x2048xf32, #tpu.memory_space<hbm>> -> memref<8x2048xf32, #tpu.memory_space<hbm>>
      tpu.enqueue_dma source(%arg4 : memref<8x2048xf32, #tpu.memory_space<vmem>>) target(%dma_start3A_692 : memref<8x2048xf32, #tpu.memory_space<hbm>>) target_semaphore(%arg14 : memref<!tpu.dma_semaphore, #tpu.memory_space<semaphore_mem>>)
      %dma_wait3A_693 = arith.constant 0 : i32
      %dma_wait3A_694 = tpu.memref_slice %arg3[%add3A_666, %dma_wait3A_693] : memref<8192x2048xf32, #tpu.memory_space<hbm>> -> memref<8x2048xf32, #tpu.memory_space<hbm>>
      %dma_wait3A_695 = arith.constant 0 : i32
      %dma_wait3A_696 = arith.constant 0 : i32
      %dma_wait3A_697 = tpu.memref_slice %arg9[%arg1, %dma_wait3A_695, %dma_wait3A_696] : memref<16x8x2048xf32, #tpu.memory_space<vmem_shared>> -> memref<1x8x2048xf32, #tpu.memory_space<vmem_shared>>
      %dma_wait3A_698 = tpu.memref_squeeze %dma_wait3A_697 : memref<1x8x2048xf32, #tpu.memory_space<vmem_shared>> -> memref<8x2048xf32, #tpu.memory_space<vmem_shared>>
      tpu.wait_dma2 semaphore(%arg22 : memref<!tpu.dma_semaphore, #tpu.memory_space<semaphore_mem>>) src(%dma_wait3A_698 : memref<8x2048xf32, #tpu.memory_space<vmem_shared>>) dst(%dma_wait3A_694 : memref<8x2048xf32, #tpu.memory_space<hbm>>)
      %add3A_699 = arith.constant 184 : i32
      %add3A_700 = arith.addi %add3A_14, %add3A_699 : i32
      %dma_start3A_701 = arith.constant 0 : i32
      %dma_start3A_702 = arith.constant 0 : i32
      %dma_start3A_703 = tpu.memref_slice %arg9[%arg1, %dma_start3A_701, %dma_start3A_702] : memref<16x8x2048xf32, #tpu.memory_space<vmem_shared>> -> memref<1x8x2048xf32, #tpu.memory_space<vmem_shared>>
      %dma_start3A_704 = tpu.memref_squeeze %dma_start3A_703 : memref<1x8x2048xf32, #tpu.memory_space<vmem_shared>> -> memref<8x2048xf32, #tpu.memory_space<vmem_shared>>
      %dma_start3A_705 = arith.constant 0 : i32
      %dma_start3A_706 = tpu.memref_slice %arg2[%add3A_700, %dma_start3A_705] : memref<8192x2048xf32, #tpu.memory_space<hbm>> -> memref<8x2048xf32, #tpu.memory_space<hbm>>
      tpu.enqueue_dma source(%dma_start3A_706 : memref<8x2048xf32, #tpu.memory_space<hbm>>) target(%dma_start3A_704 : memref<8x2048xf32, #tpu.memory_space<vmem_shared>>) target_semaphore(%arg19 : memref<!tpu.dma_semaphore, #tpu.memory_space<semaphore_mem>>)
      %dma_wait3A_707 = arith.constant 0 : i32
      %dma_wait3A_708 = arith.constant 0 : i32
      %dma_wait3A_709 = tpu.memref_slice %arg7[%arg1, %dma_wait3A_707, %dma_wait3A_708] : memref<16x8x2048xf32, #tpu.memory_space<vmem_shared>> -> memref<1x8x2048xf32, #tpu.memory_space<vmem_shared>>
      %dma_wait3A_710 = tpu.memref_squeeze %dma_wait3A_709 : memref<1x8x2048xf32, #tpu.memory_space<vmem_shared>> -> memref<8x2048xf32, #tpu.memory_space<vmem_shared>>
      %dma_wait3A_711 = arith.constant 0 : i32
      %dma_wait3A_712 = tpu.memref_slice %arg2[%add3A_576, %dma_wait3A_711] : memref<8192x2048xf32, #tpu.memory_space<hbm>> -> memref<8x2048xf32, #tpu.memory_space<hbm>>
      tpu.wait_dma2 semaphore(%arg17 : memref<!tpu.dma_semaphore, #tpu.memory_space<semaphore_mem>>) src(%dma_wait3A_712 : memref<8x2048xf32, #tpu.memory_space<hbm>>) dst(%dma_wait3A_710 : memref<8x2048xf32, #tpu.memory_space<vmem_shared>>)
      %dma_start3A_713 = arith.constant 0 : i32
      %dma_start3A_714 = arith.constant 0 : i32
      %dma_start3A_715 = tpu.memref_slice %arg7[%arg1, %dma_start3A_713, %dma_start3A_714] : memref<16x8x2048xf32, #tpu.memory_space<vmem_shared>> -> memref<1x8x2048xf32, #tpu.memory_space<vmem_shared>>
      %dma_start3A_716 = tpu.memref_squeeze %dma_start3A_715 : memref<1x8x2048xf32, #tpu.memory_space<vmem_shared>> -> memref<8x2048xf32, #tpu.memory_space<vmem_shared>>
      %dma_start3A_717 = arith.constant 1 : i32
      %dma_start3A_718 = arith.constant 0 : i32
      %dma_start3A_719 = tpu.memref_slice %dma_start3A_716[%dma_start3A_717, %dma_start3A_718] : memref<8x2048xf32, #tpu.memory_space<vmem_shared>> -> memref<1x2048xf32, #tpu.memory_space<vmem_shared>>
      %dma_start3A_720 = arith.constant 0 : i32
      %dma_start3A_721 = arith.constant 0 : i32
      %dma_start3A_722 = tpu.memref_slice %arg7[%arg1, %dma_start3A_720, %dma_start3A_721] : memref<16x8x2048xf32, #tpu.memory_space<vmem_shared>> -> memref<1x8x2048xf32, #tpu.memory_space<vmem_shared>>
      %dma_start3A_723 = tpu.memref_squeeze %dma_start3A_722 : memref<1x8x2048xf32, #tpu.memory_space<vmem_shared>> -> memref<8x2048xf32, #tpu.memory_space<vmem_shared>>
      %dma_start3A_724 = arith.constant 1 : i32
      %dma_start3A_725 = arith.constant 0 : i32
      %dma_start3A_726 = tpu.memref_slice %dma_start3A_723[%dma_start3A_724, %dma_start3A_725] : memref<8x2048xf32, #tpu.memory_space<vmem_shared>> -> memref<1x2048xf32, #tpu.memory_space<vmem_shared>>
      tpu.enqueue_dma source(%arg10 : memref<1x2048xf32, #tpu.memory_space<vmem>>) target(%dma_start3A_726 : memref<1x2048xf32, #tpu.memory_space<vmem_shared>>) target_semaphore(%arg23 : memref<!tpu.dma_semaphore, #tpu.memory_space<semaphore_mem>>)
      %dma_wait3A_727 = arith.constant 0 : i32
      %dma_wait3A_728 = arith.constant 0 : i32
      %dma_wait3A_729 = tpu.memref_slice %arg7[%arg1, %dma_wait3A_727, %dma_wait3A_728] : memref<16x8x2048xf32, #tpu.memory_space<vmem_shared>> -> memref<1x8x2048xf32, #tpu.memory_space<vmem_shared>>
      %dma_wait3A_730 = tpu.memref_squeeze %dma_wait3A_729 : memref<1x8x2048xf32, #tpu.memory_space<vmem_shared>> -> memref<8x2048xf32, #tpu.memory_space<vmem_shared>>
      %dma_wait3A_731 = arith.constant 1 : i32
      %dma_wait3A_732 = arith.constant 0 : i32
      %dma_wait3A_733 = tpu.memref_slice %dma_wait3A_730[%dma_wait3A_731, %dma_wait3A_732] : memref<8x2048xf32, #tpu.memory_space<vmem_shared>> -> memref<1x2048xf32, #tpu.memory_space<vmem_shared>>
      %dma_wait3A_734 = arith.constant 0 : i32
      %dma_wait3A_735 = arith.constant 0 : i32
      %dma_wait3A_736 = tpu.memref_slice %arg7[%arg1, %dma_wait3A_734, %dma_wait3A_735] : memref<16x8x2048xf32, #tpu.memory_space<vmem_shared>> -> memref<1x8x2048xf32, #tpu.memory_space<vmem_shared>>
      %dma_wait3A_737 = tpu.memref_squeeze %dma_wait3A_736 : memref<1x8x2048xf32, #tpu.memory_space<vmem_shared>> -> memref<8x2048xf32, #tpu.memory_space<vmem_shared>>
      %dma_wait3A_738 = arith.constant 1 : i32
      %dma_wait3A_739 = arith.constant 0 : i32
      %dma_wait3A_740 = tpu.memref_slice %dma_wait3A_737[%dma_wait3A_738, %dma_wait3A_739] : memref<8x2048xf32, #tpu.memory_space<vmem_shared>> -> memref<1x2048xf32, #tpu.memory_space<vmem_shared>>
      tpu.wait_dma2 semaphore(%arg23 : memref<!tpu.dma_semaphore, #tpu.memory_space<semaphore_mem>>) src(%arg10 : memref<1x2048xf32, #tpu.memory_space<vmem>>) dst(%dma_wait3A_740 : memref<1x2048xf32, #tpu.memory_space<vmem_shared>>)
      %dma_start3A_741 = arith.constant 0 : i32
      %dma_start3A_742 = arith.constant 0 : i32
      %dma_start3A_743 = tpu.memref_slice %arg7[%arg1, %dma_start3A_741, %dma_start3A_742] : memref<16x8x2048xf32, #tpu.memory_space<vmem_shared>> -> memref<1x8x2048xf32, #tpu.memory_space<vmem_shared>>
      %dma_start3A_744 = tpu.memref_squeeze %dma_start3A_743 : memref<1x8x2048xf32, #tpu.memory_space<vmem_shared>> -> memref<8x2048xf32, #tpu.memory_space<vmem_shared>>
      %dma_start3A_745 = arith.constant 2 : i32
      %dma_start3A_746 = arith.constant 0 : i32
      %dma_start3A_747 = tpu.memref_slice %dma_start3A_744[%dma_start3A_745, %dma_start3A_746] : memref<8x2048xf32, #tpu.memory_space<vmem_shared>> -> memref<1x2048xf32, #tpu.memory_space<vmem_shared>>
      %dma_start3A_748 = arith.constant 0 : i32
      %dma_start3A_749 = arith.constant 0 : i32
      %dma_start3A_750 = tpu.memref_slice %arg7[%arg1, %dma_start3A_748, %dma_start3A_749] : memref<16x8x2048xf32, #tpu.memory_space<vmem_shared>> -> memref<1x8x2048xf32, #tpu.memory_space<vmem_shared>>
      %dma_start3A_751 = tpu.memref_squeeze %dma_start3A_750 : memref<1x8x2048xf32, #tpu.memory_space<vmem_shared>> -> memref<8x2048xf32, #tpu.memory_space<vmem_shared>>
      %dma_start3A_752 = arith.constant 2 : i32
      %dma_start3A_753 = arith.constant 0 : i32
      %dma_start3A_754 = tpu.memref_slice %dma_start3A_751[%dma_start3A_752, %dma_start3A_753] : memref<8x2048xf32, #tpu.memory_space<vmem_shared>> -> memref<1x2048xf32, #tpu.memory_space<vmem_shared>>
      tpu.enqueue_dma source(%arg10 : memref<1x2048xf32, #tpu.memory_space<vmem>>) target(%dma_start3A_754 : memref<1x2048xf32, #tpu.memory_space<vmem_shared>>) target_semaphore(%arg23 : memref<!tpu.dma_semaphore, #tpu.memory_space<semaphore_mem>>)
      %dma_wait3A_755 = arith.constant 0 : i32
      %dma_wait3A_756 = arith.constant 0 : i32
      %dma_wait3A_757 = tpu.memref_slice %arg7[%arg1, %dma_wait3A_755, %dma_wait3A_756] : memref<16x8x2048xf32, #tpu.memory_space<vmem_shared>> -> memref<1x8x2048xf32, #tpu.memory_space<vmem_shared>>
      %dma_wait3A_758 = tpu.memref_squeeze %dma_wait3A_757 : memref<1x8x2048xf32, #tpu.memory_space<vmem_shared>> -> memref<8x2048xf32, #tpu.memory_space<vmem_shared>>
      %dma_wait3A_759 = arith.constant 2 : i32
      %dma_wait3A_760 = arith.constant 0 : i32
      %dma_wait3A_761 = tpu.memref_slice %dma_wait3A_758[%dma_wait3A_759, %dma_wait3A_760] : memref<8x2048xf32, #tpu.memory_space<vmem_shared>> -> memref<1x2048xf32, #tpu.memory_space<vmem_shared>>
      %dma_wait3A_762 = arith.constant 0 : i32
      %dma_wait3A_763 = arith.constant 0 : i32
      %dma_wait3A_764 = tpu.memref_slice %arg7[%arg1, %dma_wait3A_762, %dma_wait3A_763] : memref<16x8x2048xf32, #tpu.memory_space<vmem_shared>> -> memref<1x8x2048xf32, #tpu.memory_space<vmem_shared>>
      %dma_wait3A_765 = tpu.memref_squeeze %dma_wait3A_764 : memref<1x8x2048xf32, #tpu.memory_space<vmem_shared>> -> memref<8x2048xf32, #tpu.memory_space<vmem_shared>>
      %dma_wait3A_766 = arith.constant 2 : i32
      %dma_wait3A_767 = arith.constant 0 : i32
      %dma_wait3A_768 = tpu.memref_slice %dma_wait3A_765[%dma_wait3A_766, %dma_wait3A_767] : memref<8x2048xf32, #tpu.memory_space<vmem_shared>> -> memref<1x2048xf32, #tpu.memory_space<vmem_shared>>
      tpu.wait_dma2 semaphore(%arg23 : memref<!tpu.dma_semaphore, #tpu.memory_space<semaphore_mem>>) src(%arg10 : memref<1x2048xf32, #tpu.memory_space<vmem>>) dst(%dma_wait3A_768 : memref<1x2048xf32, #tpu.memory_space<vmem_shared>>)
      %add3A_769 = arith.constant 152 : i32
      %add3A_770 = arith.addi %add3A_14, %add3A_769 : i32
      %dma_start3A_771 = arith.constant 0 : i32
      %dma_start3A_772 = tpu.memref_slice %arg3[%add3A_770, %dma_start3A_771] : memref<8192x2048xf32, #tpu.memory_space<hbm>> -> memref<8x2048xf32, #tpu.memory_space<hbm>>
      %dma_start3A_773 = arith.constant 0 : i32
      %dma_start3A_774 = arith.constant 0 : i32
      %dma_start3A_775 = tpu.memref_slice %arg7[%arg1, %dma_start3A_773, %dma_start3A_774] : memref<16x8x2048xf32, #tpu.memory_space<vmem_shared>> -> memref<1x8x2048xf32, #tpu.memory_space<vmem_shared>>
      %dma_start3A_776 = tpu.memref_squeeze %dma_start3A_775 : memref<1x8x2048xf32, #tpu.memory_space<vmem_shared>> -> memref<8x2048xf32, #tpu.memory_space<vmem_shared>>
      tpu.enqueue_dma source(%dma_start3A_776 : memref<8x2048xf32, #tpu.memory_space<vmem_shared>>) target(%dma_start3A_772 : memref<8x2048xf32, #tpu.memory_space<hbm>>) target_semaphore(%arg20 : memref<!tpu.dma_semaphore, #tpu.memory_space<semaphore_mem>>)
      %dma_wait3A_777 = arith.constant 0 : i32
      %dma_wait3A_778 = tpu.memref_slice %arg3[%add3A_688, %dma_wait3A_777] : memref<8192x2048xf32, #tpu.memory_space<hbm>> -> memref<8x2048xf32, #tpu.memory_space<hbm>>
      %dma_wait3A_779 = arith.constant 0 : i32
      %dma_wait3A_780 = tpu.memref_slice %arg3[%add3A_688, %dma_wait3A_779] : memref<8192x2048xf32, #tpu.memory_space<hbm>> -> memref<8x2048xf32, #tpu.memory_space<hbm>>
      tpu.wait_dma2 semaphore(%arg14 : memref<!tpu.dma_semaphore, #tpu.memory_space<semaphore_mem>>) src(%arg4 : memref<8x2048xf32, #tpu.memory_space<vmem>>) dst(%dma_wait3A_780 : memref<8x2048xf32, #tpu.memory_space<hbm>>)
      %add3A_781 = arith.constant 192 : i32
      %add3A_782 = arith.addi %add3A_14, %add3A_781 : i32
      %dma_start3A_783 = arith.constant 0 : i32
      %dma_start3A_784 = tpu.memref_slice %arg2[%add3A_782, %dma_start3A_783] : memref<8192x2048xf32, #tpu.memory_space<hbm>> -> memref<8x2048xf32, #tpu.memory_space<hbm>>
      %dma_start3A_785 = arith.constant 0 : i32
      %dma_start3A_786 = tpu.memref_slice %arg2[%add3A_782, %dma_start3A_785] : memref<8192x2048xf32, #tpu.memory_space<hbm>> -> memref<8x2048xf32, #tpu.memory_space<hbm>>
      tpu.enqueue_dma source(%dma_start3A_786 : memref<8x2048xf32, #tpu.memory_space<hbm>>) target(%arg4 : memref<8x2048xf32, #tpu.memory_space<vmem>>) target_semaphore(%arg11 : memref<!tpu.dma_semaphore, #tpu.memory_space<semaphore_mem>>)
      %dma_wait3A_787 = arith.constant 0 : i32
      %dma_wait3A_788 = tpu.memref_slice %arg2[%add3A_602, %dma_wait3A_787] : memref<8192x2048xf32, #tpu.memory_space<hbm>> -> memref<8x2048xf32, #tpu.memory_space<hbm>>
      %dma_wait3A_789 = arith.constant 0 : i32
      %dma_wait3A_790 = tpu.memref_slice %arg2[%add3A_602, %dma_wait3A_789] : memref<8192x2048xf32, #tpu.memory_space<hbm>> -> memref<8x2048xf32, #tpu.memory_space<hbm>>
      tpu.wait_dma2 semaphore(%arg12 : memref<!tpu.dma_semaphore, #tpu.memory_space<semaphore_mem>>) src(%dma_wait3A_790 : memref<8x2048xf32, #tpu.memory_space<hbm>>) dst(%arg5 : memref<8x2048xf32, #tpu.memory_space<vmem>>)
      %scan3A_791 = arith.constant 0 : i32
      %scan3A_792 = arith.constant 0 : i32
      %scan3A_793 = arith.constant 32 : i32
      %scan3A_794 = arith.addi %scan3A_792, %scan3A_793 : i32
      %scan3A_795 = arith.constant 1 : i32
      scf.for %scan3A_1313 = %scan3A_792 to %scan3A_794 step %scan3A_795  : i32 {
        %mul3A_1314 = arith.constant 64 : i32
        %mul3A_1315 = arith.muli %scan3A_1313, %mul3A_1314 : i32
        %swap3A = arith.constant 1 : i32
        %swap3A_1316 = arith.index_cast %swap3A : i32 to index
        %swap3A_1317 = arith.index_cast %mul3A_1315 : i32 to index
        %swap3A_1318 = tpu.vector_load %arg5[%swap3A_1316, %swap3A_1317] {strides = array<i32>} : memref<8x2048xf32, #tpu.memory_space<vmem>>, vector<1x16xf32>,
        %swap3A_1319 = vector.shape_cast %swap3A_1318 : vector<1x16xf32> to vector<16xf32>
        %swap3A_1320 = vector.shape_cast %broadcast_in_dim3A_0 : vector<16xf32> to vector<1x16xf32>
        tpu.vector_store %arg5[%swap3A_1316, %swap3A_1317], %swap3A_1320 {strides = array<i32>} : memref<8x2048xf32, #tpu.memory_space<vmem>>, vector<1x16xf32>,
        %mul3A_1321 = arith.constant 64 : i32
        %mul3A_1322 = arith.muli %scan3A_1313, %mul3A_1321 : i32
        %add3A_1323 = arith.constant 16 : i32
        %add3A_1324 = arith.addi %mul3A_1322, %add3A_1323 : i32
        %swap3A_1325 = arith.constant 1 : i32
        %swap3A_1326 = arith.index_cast %swap3A_1325 : i32 to index
        %swap3A_1327 = arith.index_cast %add3A_1324 : i32 to index
        %swap3A_1328 = tpu.vector_load %arg5[%swap3A_1326, %swap3A_1327] {strides = array<i32>} : memref<8x2048xf32, #tpu.memory_space<vmem>>, vector<1x16xf32>,
        %swap3A_1329 = vector.shape_cast %swap3A_1328 : vector<1x16xf32> to vector<16xf32>
        %swap3A_1330 = vector.shape_cast %broadcast_in_dim3A_0 : vector<16xf32> to vector<1x16xf32>
        tpu.vector_store %arg5[%swap3A_1326, %swap3A_1327], %swap3A_1330 {strides = array<i32>} : memref<8x2048xf32, #tpu.memory_space<vmem>>, vector<1x16xf32>,
        %mul3A_1331 = arith.constant 64 : i32
        %mul3A_1332 = arith.muli %scan3A_1313, %mul3A_1331 : i32
        %add3A_1333 = arith.constant 32 : i32
        %add3A_1334 = arith.addi %mul3A_1332, %add3A_1333 : i32
        %swap3A_1335 = arith.constant 1 : i32
        %swap3A_1336 = arith.index_cast %swap3A_1335 : i32 to index
        %swap3A_1337 = arith.index_cast %add3A_1334 : i32 to index
        %swap3A_1338 = tpu.vector_load %arg5[%swap3A_1336, %swap3A_1337] {strides = array<i32>} : memref<8x2048xf32, #tpu.memory_space<vmem>>, vector<1x16xf32>,
        %swap3A_1339 = vector.shape_cast %swap3A_1338 : vector<1x16xf32> to vector<16xf32>
        %swap3A_1340 = vector.shape_cast %broadcast_in_dim3A_0 : vector<16xf32> to vector<1x16xf32>
        tpu.vector_store %arg5[%swap3A_1336, %swap3A_1337], %swap3A_1340 {strides = array<i32>} : memref<8x2048xf32, #tpu.memory_space<vmem>>, vector<1x16xf32>,
        %mul3A_1341 = arith.constant 64 : i32
        %mul3A_1342 = arith.muli %scan3A_1313, %mul3A_1341 : i32
        %add3A_1343 = arith.constant 48 : i32
        %add3A_1344 = arith.addi %mul3A_1342, %add3A_1343 : i32
        %swap3A_1345 = arith.constant 1 : i32
        %swap3A_1346 = arith.index_cast %swap3A_1345 : i32 to index
        %swap3A_1347 = arith.index_cast %add3A_1344 : i32 to index
        %swap3A_1348 = tpu.vector_load %arg5[%swap3A_1346, %swap3A_1347] {strides = array<i32>} : memref<8x2048xf32, #tpu.memory_space<vmem>>, vector<1x16xf32>,
        %swap3A_1349 = vector.shape_cast %swap3A_1348 : vector<1x16xf32> to vector<16xf32>
        %swap3A_1350 = vector.shape_cast %broadcast_in_dim3A_0 : vector<16xf32> to vector<1x16xf32>
        tpu.vector_store %arg5[%swap3A_1346, %swap3A_1347], %swap3A_1350 {strides = array<i32>} : memref<8x2048xf32, #tpu.memory_space<vmem>>, vector<1x16xf32>,
      }
      %scan3A_796 = arith.constant 32 : i32
      %add3A_797 = arith.constant 160 : i32
      %add3A_798 = arith.addi %add3A_14, %add3A_797 : i32
      %dma_start3A_799 = arith.constant 0 : i32
      %dma_start3A_800 = tpu.memref_slice %arg3[%add3A_798, %dma_start3A_799] : memref<8192x2048xf32, #tpu.memory_space<hbm>> -> memref<8x2048xf32, #tpu.memory_space<hbm>>
      %dma_start3A_801 = arith.constant 0 : i32
      %dma_start3A_802 = tpu.memref_slice %arg3[%add3A_798, %dma_start3A_801] : memref<8192x2048xf32, #tpu.memory_space<hbm>> -> memref<8x2048xf32, #tpu.memory_space<hbm>>
      tpu.enqueue_dma source(%arg5 : memref<8x2048xf32, #tpu.memory_space<vmem>>) target(%dma_start3A_802 : memref<8x2048xf32, #tpu.memory_space<hbm>>) target_semaphore(%arg15 : memref<!tpu.dma_semaphore, #tpu.memory_space<semaphore_mem>>)
      %dma_wait3A_803 = arith.constant 0 : i32
      %dma_wait3A_804 = tpu.memref_slice %arg3[%add3A_770, %dma_wait3A_803] : memref<8192x2048xf32, #tpu.memory_space<hbm>> -> memref<8x2048xf32, #tpu.memory_space<hbm>>
      %dma_wait3A_805 = arith.constant 0 : i32
      %dma_wait3A_806 = arith.constant 0 : i32
      %dma_wait3A_807 = tpu.memref_slice %arg7[%arg1, %dma_wait3A_805, %dma_wait3A_806] : memref<16x8x2048xf32, #tpu.memory_space<vmem_shared>> -> memref<1x8x2048xf32, #tpu.memory_space<vmem_shared>>
      %dma_wait3A_808 = tpu.memref_squeeze %dma_wait3A_807 : memref<1x8x2048xf32, #tpu.memory_space<vmem_shared>> -> memref<8x2048xf32, #tpu.memory_space<vmem_shared>>
      tpu.wait_dma2 semaphore(%arg20 : memref<!tpu.dma_semaphore, #tpu.memory_space<semaphore_mem>>) src(%dma_wait3A_808 : memref<8x2048xf32, #tpu.memory_space<vmem_shared>>) dst(%dma_wait3A_804 : memref<8x2048xf32, #tpu.memory_space<hbm>>)
      %add3A_809 = arith.constant 200 : i32
      %add3A_810 = arith.addi %add3A_14, %add3A_809 : i32
      %dma_start3A_811 = arith.constant 0 : i32
      %dma_start3A_812 = arith.constant 0 : i32
      %dma_start3A_813 = tpu.memref_slice %arg7[%arg1, %dma_start3A_811, %dma_start3A_812] : memref<16x8x2048xf32, #tpu.memory_space<vmem_shared>> -> memref<1x8x2048xf32, #tpu.memory_space<vmem_shared>>
      %dma_start3A_814 = tpu.memref_squeeze %dma_start3A_813 : memref<1x8x2048xf32, #tpu.memory_space<vmem_shared>> -> memref<8x2048xf32, #tpu.memory_space<vmem_shared>>
      %dma_start3A_815 = arith.constant 0 : i32
      %dma_start3A_816 = tpu.memref_slice %arg2[%add3A_810, %dma_start3A_815] : memref<8192x2048xf32, #tpu.memory_space<hbm>> -> memref<8x2048xf32, #tpu.memory_space<hbm>>
      tpu.enqueue_dma source(%dma_start3A_816 : memref<8x2048xf32, #tpu.memory_space<hbm>>) target(%dma_start3A_814 : memref<8x2048xf32, #tpu.memory_space<vmem_shared>>) target_semaphore(%arg17 : memref<!tpu.dma_semaphore, #tpu.memory_space<semaphore_mem>>)
      %dma_wait3A_817 = arith.constant 0 : i32
      %dma_wait3A_818 = arith.constant 0 : i32
      %dma_wait3A_819 = tpu.memref_slice %arg8[%arg1, %dma_wait3A_817, %dma_wait3A_818] : memref<16x8x2048xf32, #tpu.memory_space<vmem_shared>> -> memref<1x8x2048xf32, #tpu.memory_space<vmem_shared>>
      %dma_wait3A_820 = tpu.memref_squeeze %dma_wait3A_819 : memref<1x8x2048xf32, #tpu.memory_space<vmem_shared>> -> memref<8x2048xf32, #tpu.memory_space<vmem_shared>>
      %dma_wait3A_821 = arith.constant 0 : i32
      %dma_wait3A_822 = tpu.memref_slice %arg2[%add3A_624, %dma_wait3A_821] : memref<8192x2048xf32, #tpu.memory_space<hbm>> -> memref<8x2048xf32, #tpu.memory_space<hbm>>
      tpu.wait_dma2 semaphore(%arg18 : memref<!tpu.dma_semaphore, #tpu.memory_space<semaphore_mem>>) src(%dma_wait3A_822 : memref<8x2048xf32, #tpu.memory_space<hbm>>) dst(%dma_wait3A_820 : memref<8x2048xf32, #tpu.memory_space<vmem_shared>>)
      %dma_start3A_823 = arith.constant 0 : i32
      %dma_start3A_824 = arith.constant 0 : i32
      %dma_start3A_825 = tpu.memref_slice %arg8[%arg1, %dma_start3A_823, %dma_start3A_824] : memref<16x8x2048xf32, #tpu.memory_space<vmem_shared>> -> memref<1x8x2048xf32, #tpu.memory_space<vmem_shared>>
      %dma_start3A_826 = tpu.memref_squeeze %dma_start3A_825 : memref<1x8x2048xf32, #tpu.memory_space<vmem_shared>> -> memref<8x2048xf32, #tpu.memory_space<vmem_shared>>
      %dma_start3A_827 = arith.constant 5 : i32
      %dma_start3A_828 = arith.constant 0 : i32
      %dma_start3A_829 = tpu.memref_slice %dma_start3A_826[%dma_start3A_827, %dma_start3A_828] : memref<8x2048xf32, #tpu.memory_space<vmem_shared>> -> memref<1x2048xf32, #tpu.memory_space<vmem_shared>>
      %dma_start3A_830 = arith.constant 0 : i32
      %dma_start3A_831 = arith.constant 0 : i32
      %dma_start3A_832 = tpu.memref_slice %arg8[%arg1, %dma_start3A_830, %dma_start3A_831] : memref<16x8x2048xf32, #tpu.memory_space<vmem_shared>> -> memref<1x8x2048xf32, #tpu.memory_space<vmem_shared>>
      %dma_start3A_833 = tpu.memref_squeeze %dma_start3A_832 : memref<1x8x2048xf32, #tpu.memory_space<vmem_shared>> -> memref<8x2048xf32, #tpu.memory_space<vmem_shared>>
      %dma_start3A_834 = arith.constant 5 : i32
      %dma_start3A_835 = arith.constant 0 : i32
      %dma_start3A_836 = tpu.memref_slice %dma_start3A_833[%dma_start3A_834, %dma_start3A_835] : memref<8x2048xf32, #tpu.memory_space<vmem_shared>> -> memref<1x2048xf32, #tpu.memory_space<vmem_shared>>
      tpu.enqueue_dma source(%arg10 : memref<1x2048xf32, #tpu.memory_space<vmem>>) target(%dma_start3A_836 : memref<1x2048xf32, #tpu.memory_space<vmem_shared>>) target_semaphore(%arg23 : memref<!tpu.dma_semaphore, #tpu.memory_space<semaphore_mem>>)
      %dma_wait3A_837 = arith.constant 0 : i32
      %dma_wait3A_838 = arith.constant 0 : i32
      %dma_wait3A_839 = tpu.memref_slice %arg8[%arg1, %dma_wait3A_837, %dma_wait3A_838] : memref<16x8x2048xf32, #tpu.memory_space<vmem_shared>> -> memref<1x8x2048xf32, #tpu.memory_space<vmem_shared>>
      %dma_wait3A_840 = tpu.memref_squeeze %dma_wait3A_839 : memref<1x8x2048xf32, #tpu.memory_space<vmem_shared>> -> memref<8x2048xf32, #tpu.memory_space<vmem_shared>>
      %dma_wait3A_841 = arith.constant 5 : i32
      %dma_wait3A_842 = arith.constant 0 : i32
      %dma_wait3A_843 = tpu.memref_slice %dma_wait3A_840[%dma_wait3A_841, %dma_wait3A_842] : memref<8x2048xf32, #tpu.memory_space<vmem_shared>> -> memref<1x2048xf32, #tpu.memory_space<vmem_shared>>
      %dma_wait3A_844 = arith.constant 0 : i32
      %dma_wait3A_845 = arith.constant 0 : i32
      %dma_wait3A_846 = tpu.memref_slice %arg8[%arg1, %dma_wait3A_844, %dma_wait3A_845] : memref<16x8x2048xf32, #tpu.memory_space<vmem_shared>> -> memref<1x8x2048xf32, #tpu.memory_space<vmem_shared>>
      %dma_wait3A_847 = tpu.memref_squeeze %dma_wait3A_846 : memref<1x8x2048xf32, #tpu.memory_space<vmem_shared>> -> memref<8x2048xf32, #tpu.memory_space<vmem_shared>>
      %dma_wait3A_848 = arith.constant 5 : i32
      %dma_wait3A_849 = arith.constant 0 : i32
      %dma_wait3A_850 = tpu.memref_slice %dma_wait3A_847[%dma_wait3A_848, %dma_wait3A_849] : memref<8x2048xf32, #tpu.memory_space<vmem_shared>> -> memref<1x2048xf32, #tpu.memory_space<vmem_shared>>
      tpu.wait_dma2 semaphore(%arg23 : memref<!tpu.dma_semaphore, #tpu.memory_space<semaphore_mem>>) src(%arg10 : memref<1x2048xf32, #tpu.memory_space<vmem>>) dst(%dma_wait3A_850 : memref<1x2048xf32, #tpu.memory_space<vmem_shared>>)
      %add3A_851 = arith.constant 168 : i32
      %add3A_852 = arith.addi %add3A_14, %add3A_851 : i32
      %dma_start3A_853 = arith.constant 0 : i32
      %dma_start3A_854 = tpu.memref_slice %arg3[%add3A_852, %dma_start3A_853] : memref<8192x2048xf32, #tpu.memory_space<hbm>> -> memref<8x2048xf32, #tpu.memory_space<hbm>>
      %dma_start3A_855 = arith.constant 0 : i32
      %dma_start3A_856 = arith.constant 0 : i32
      %dma_start3A_857 = tpu.memref_slice %arg8[%arg1, %dma_start3A_855, %dma_start3A_856] : memref<16x8x2048xf32, #tpu.memory_space<vmem_shared>> -> memref<1x8x2048xf32, #tpu.memory_space<vmem_shared>>
      %dma_start3A_858 = tpu.memref_squeeze %dma_start3A_857 : memref<1x8x2048xf32, #tpu.memory_space<vmem_shared>> -> memref<8x2048xf32, #tpu.memory_space<vmem_shared>>
      tpu.enqueue_dma source(%dma_start3A_858 : memref<8x2048xf32, #tpu.memory_space<vmem_shared>>) target(%dma_start3A_854 : memref<8x2048xf32, #tpu.memory_space<hbm>>) target_semaphore(%arg21 : memref<!tpu.dma_semaphore, #tpu.memory_space<semaphore_mem>>)
      %dma_wait3A_859 = arith.constant 0 : i32
      %dma_wait3A_860 = tpu.memref_slice %arg3[%add3A_798, %dma_wait3A_859] : memref<8192x2048xf32, #tpu.memory_space<hbm>> -> memref<8x2048xf32, #tpu.memory_space<hbm>>
      %dma_wait3A_861 = arith.constant 0 : i32
      %dma_wait3A_862 = tpu.memref_slice %arg3[%add3A_798, %dma_wait3A_861] : memref<8192x2048xf32, #tpu.memory_space<hbm>> -> memref<8x2048xf32, #tpu.memory_space<hbm>>
      tpu.wait_dma2 semaphore(%arg15 : memref<!tpu.dma_semaphore, #tpu.memory_space<semaphore_mem>>) src(%arg5 : memref<8x2048xf32, #tpu.memory_space<vmem>>) dst(%dma_wait3A_862 : memref<8x2048xf32, #tpu.memory_space<hbm>>)
      %add3A_863 = arith.constant 208 : i32
      %add3A_864 = arith.addi %add3A_14, %add3A_863 : i32
      %dma_start3A_865 = arith.constant 0 : i32
      %dma_start3A_866 = tpu.memref_slice %arg2[%add3A_864, %dma_start3A_865] : memref<8192x2048xf32, #tpu.memory_space<hbm>> -> memref<8x2048xf32, #tpu.memory_space<hbm>>
      %dma_start3A_867 = arith.constant 0 : i32
      %dma_start3A_868 = tpu.memref_slice %arg2[%add3A_864, %dma_start3A_867] : memref<8192x2048xf32, #tpu.memory_space<hbm>> -> memref<8x2048xf32, #tpu.memory_space<hbm>>
      tpu.enqueue_dma source(%dma_start3A_868 : memref<8x2048xf32, #tpu.memory_space<hbm>>) target(%arg5 : memref<8x2048xf32, #tpu.memory_space<vmem>>) target_semaphore(%arg12 : memref<!tpu.dma_semaphore, #tpu.memory_space<semaphore_mem>>)
      %dma_wait3A_869 = arith.constant 0 : i32
      %dma_wait3A_870 = tpu.memref_slice %arg2[%add3A_678, %dma_wait3A_869] : memref<8192x2048xf32, #tpu.memory_space<hbm>> -> memref<8x2048xf32, #tpu.memory_space<hbm>>
      %dma_wait3A_871 = arith.constant 0 : i32
      %dma_wait3A_872 = tpu.memref_slice %arg2[%add3A_678, %dma_wait3A_871] : memref<8192x2048xf32, #tpu.memory_space<hbm>> -> memref<8x2048xf32, #tpu.memory_space<hbm>>
      tpu.wait_dma2 semaphore(%arg13 : memref<!tpu.dma_semaphore, #tpu.memory_space<semaphore_mem>>) src(%dma_wait3A_872 : memref<8x2048xf32, #tpu.memory_space<hbm>>) dst(%arg6 : memref<8x2048xf32, #tpu.memory_space<vmem>>)
      %add3A_873 = arith.constant 176 : i32
      %add3A_874 = arith.addi %add3A_14, %add3A_873 : i32
      %dma_start3A_875 = arith.constant 0 : i32
      %dma_start3A_876 = tpu.memref_slice %arg3[%add3A_874, %dma_start3A_875] : memref<8192x2048xf32, #tpu.memory_space<hbm>> -> memref<8x2048xf32, #tpu.memory_space<hbm>>
      %dma_start3A_877 = arith.constant 0 : i32
      %dma_start3A_878 = tpu.memref_slice %arg3[%add3A_874, %dma_start3A_877] : memref<8192x2048xf32, #tpu.memory_space<hbm>> -> memref<8x2048xf32, #tpu.memory_space<hbm>>
      tpu.enqueue_dma source(%arg6 : memref<8x2048xf32, #tpu.memory_space<vmem>>) target(%dma_start3A_878 : memref<8x2048xf32, #tpu.memory_space<hbm>>) target_semaphore(%arg16 : memref<!tpu.dma_semaphore, #tpu.memory_space<semaphore_mem>>)
      %dma_wait3A_879 = arith.constant 0 : i32
      %dma_wait3A_880 = tpu.memref_slice %arg3[%add3A_852, %dma_wait3A_879] : memref<8192x2048xf32, #tpu.memory_space<hbm>> -> memref<8x2048xf32, #tpu.memory_space<hbm>>
      %dma_wait3A_881 = arith.constant 0 : i32
      %dma_wait3A_882 = arith.constant 0 : i32
      %dma_wait3A_883 = tpu.memref_slice %arg8[%arg1, %dma_wait3A_881, %dma_wait3A_882] : memref<16x8x2048xf32, #tpu.memory_space<vmem_shared>> -> memref<1x8x2048xf32, #tpu.memory_space<vmem_shared>>
      %dma_wait3A_884 = tpu.memref_squeeze %dma_wait3A_883 : memref<1x8x2048xf32, #tpu.memory_space<vmem_shared>> -> memref<8x2048xf32, #tpu.memory_space<vmem_shared>>
      tpu.wait_dma2 semaphore(%arg21 : memref<!tpu.dma_semaphore, #tpu.memory_space<semaphore_mem>>) src(%dma_wait3A_884 : memref<8x2048xf32, #tpu.memory_space<vmem_shared>>) dst(%dma_wait3A_880 : memref<8x2048xf32, #tpu.memory_space<hbm>>)
      %add3A_885 = arith.constant 216 : i32
      %add3A_886 = arith.addi %add3A_14, %add3A_885 : i32
      %dma_start3A_887 = arith.constant 0 : i32
      %dma_start3A_888 = arith.constant 0 : i32
      %dma_start3A_889 = tpu.memref_slice %arg8[%arg1, %dma_start3A_887, %dma_start3A_888] : memref<16x8x2048xf32, #tpu.memory_space<vmem_shared>> -> memref<1x8x2048xf32, #tpu.memory_space<vmem_shared>>
      %dma_start3A_890 = tpu.memref_squeeze %dma_start3A_889 : memref<1x8x2048xf32, #tpu.memory_space<vmem_shared>> -> memref<8x2048xf32, #tpu.memory_space<vmem_shared>>
      %dma_start3A_891 = arith.constant 0 : i32
      %dma_start3A_892 = tpu.memref_slice %arg2[%add3A_886, %dma_start3A_891] : memref<8192x2048xf32, #tpu.memory_space<hbm>> -> memref<8x2048xf32, #tpu.memory_space<hbm>>
      tpu.enqueue_dma source(%dma_start3A_892 : memref<8x2048xf32, #tpu.memory_space<hbm>>) target(%dma_start3A_890 : memref<8x2048xf32, #tpu.memory_space<vmem_shared>>) target_semaphore(%arg18 : memref<!tpu.dma_semaphore, #tpu.memory_space<semaphore_mem>>)
      %dma_wait3A_893 = arith.constant 0 : i32
      %dma_wait3A_894 = arith.constant 0 : i32
      %dma_wait3A_895 = tpu.memref_slice %arg9[%arg1, %dma_wait3A_893, %dma_wait3A_894] : memref<16x8x2048xf32, #tpu.memory_space<vmem_shared>> -> memref<1x8x2048xf32, #tpu.memory_space<vmem_shared>>
      %dma_wait3A_896 = tpu.memref_squeeze %dma_wait3A_895 : memref<1x8x2048xf32, #tpu.memory_space<vmem_shared>> -> memref<8x2048xf32, #tpu.memory_space<vmem_shared>>
      %dma_wait3A_897 = arith.constant 0 : i32
      %dma_wait3A_898 = tpu.memref_slice %arg2[%add3A_700, %dma_wait3A_897] : memref<8192x2048xf32, #tpu.memory_space<hbm>> -> memref<8x2048xf32, #tpu.memory_space<hbm>>
      tpu.wait_dma2 semaphore(%arg19 : memref<!tpu.dma_semaphore, #tpu.memory_space<semaphore_mem>>) src(%dma_wait3A_898 : memref<8x2048xf32, #tpu.memory_space<hbm>>) dst(%dma_wait3A_896 : memref<8x2048xf32, #tpu.memory_space<vmem_shared>>)
      %dma_start3A_899 = arith.constant 0 : i32
      %dma_start3A_900 = arith.constant 0 : i32
      %dma_start3A_901 = tpu.memref_slice %arg9[%arg1, %dma_start3A_899, %dma_start3A_900] : memref<16x8x2048xf32, #tpu.memory_space<vmem_shared>> -> memref<1x8x2048xf32, #tpu.memory_space<vmem_shared>>
      %dma_start3A_902 = tpu.memref_squeeze %dma_start3A_901 : memref<1x8x2048xf32, #tpu.memory_space<vmem_shared>> -> memref<8x2048xf32, #tpu.memory_space<vmem_shared>>
      %dma_start3A_903 = arith.constant 1 : i32
      %dma_start3A_904 = arith.constant 0 : i32
      %dma_start3A_905 = tpu.memref_slice %dma_start3A_902[%dma_start3A_903, %dma_start3A_904] : memref<8x2048xf32, #tpu.memory_space<vmem_shared>> -> memref<1x2048xf32, #tpu.memory_space<vmem_shared>>
      %dma_start3A_906 = arith.constant 0 : i32
      %dma_start3A_907 = arith.constant 0 : i32
      %dma_start3A_908 = tpu.memref_slice %arg9[%arg1, %dma_start3A_906, %dma_start3A_907] : memref<16x8x2048xf32, #tpu.memory_space<vmem_shared>> -> memref<1x8x2048xf32, #tpu.memory_space<vmem_shared>>
      %dma_start3A_909 = tpu.memref_squeeze %dma_start3A_908 : memref<1x8x2048xf32, #tpu.memory_space<vmem_shared>> -> memref<8x2048xf32, #tpu.memory_space<vmem_shared>>
      %dma_start3A_910 = arith.constant 1 : i32
      %dma_start3A_911 = arith.constant 0 : i32
      %dma_start3A_912 = tpu.memref_slice %dma_start3A_909[%dma_start3A_910, %dma_start3A_911] : memref<8x2048xf32, #tpu.memory_space<vmem_shared>> -> memref<1x2048xf32, #tpu.memory_space<vmem_shared>>
      tpu.enqueue_dma source(%arg10 : memref<1x2048xf32, #tpu.memory_space<vmem>>) target(%dma_start3A_912 : memref<1x2048xf32, #tpu.memory_space<vmem_shared>>) target_semaphore(%arg23 : memref<!tpu.dma_semaphore, #tpu.memory_space<semaphore_mem>>)
      %dma_wait3A_913 = arith.constant 0 : i32
      %dma_wait3A_914 = arith.constant 0 : i32
      %dma_wait3A_915 = tpu.memref_slice %arg9[%arg1, %dma_wait3A_913, %dma_wait3A_914] : memref<16x8x2048xf32, #tpu.memory_space<vmem_shared>> -> memref<1x8x2048xf32, #tpu.memory_space<vmem_shared>>
      %dma_wait3A_916 = tpu.memref_squeeze %dma_wait3A_915 : memref<1x8x2048xf32, #tpu.memory_space<vmem_shared>> -> memref<8x2048xf32, #tpu.memory_space<vmem_shared>>
      %dma_wait3A_917 = arith.constant 1 : i32
      %dma_wait3A_918 = arith.constant 0 : i32
      %dma_wait3A_919 = tpu.memref_slice %dma_wait3A_916[%dma_wait3A_917, %dma_wait3A_918] : memref<8x2048xf32, #tpu.memory_space<vmem_shared>> -> memref<1x2048xf32, #tpu.memory_space<vmem_shared>>
      %dma_wait3A_920 = arith.constant 0 : i32
      %dma_wait3A_921 = arith.constant 0 : i32
      %dma_wait3A_922 = tpu.memref_slice %arg9[%arg1, %dma_wait3A_920, %dma_wait3A_921] : memref<16x8x2048xf32, #tpu.memory_space<vmem_shared>> -> memref<1x8x2048xf32, #tpu.memory_space<vmem_shared>>
      %dma_wait3A_923 = tpu.memref_squeeze %dma_wait3A_922 : memref<1x8x2048xf32, #tpu.memory_space<vmem_shared>> -> memref<8x2048xf32, #tpu.memory_space<vmem_shared>>
      %dma_wait3A_924 = arith.constant 1 : i32
      %dma_wait3A_925 = arith.constant 0 : i32
      %dma_wait3A_926 = tpu.memref_slice %dma_wait3A_923[%dma_wait3A_924, %dma_wait3A_925] : memref<8x2048xf32, #tpu.memory_space<vmem_shared>> -> memref<1x2048xf32, #tpu.memory_space<vmem_shared>>
      tpu.wait_dma2 semaphore(%arg23 : memref<!tpu.dma_semaphore, #tpu.memory_space<semaphore_mem>>) src(%arg10 : memref<1x2048xf32, #tpu.memory_space<vmem>>) dst(%dma_wait3A_926 : memref<1x2048xf32, #tpu.memory_space<vmem_shared>>)
      %dma_start3A_927 = arith.constant 0 : i32
      %dma_start3A_928 = arith.constant 0 : i32
      %dma_start3A_929 = tpu.memref_slice %arg9[%arg1, %dma_start3A_927, %dma_start3A_928] : memref<16x8x2048xf32, #tpu.memory_space<vmem_shared>> -> memref<1x8x2048xf32, #tpu.memory_space<vmem_shared>>
      %dma_start3A_930 = tpu.memref_squeeze %dma_start3A_929 : memref<1x8x2048xf32, #tpu.memory_space<vmem_shared>> -> memref<8x2048xf32, #tpu.memory_space<vmem_shared>>
      %dma_start3A_931 = arith.constant 6 : i32
      %dma_start3A_932 = arith.constant 0 : i32
      %dma_start3A_933 = tpu.memref_slice %dma_start3A_930[%dma_start3A_931, %dma_start3A_932] : memref<8x2048xf32, #tpu.memory_space<vmem_shared>> -> memref<1x2048xf32, #tpu.memory_space<vmem_shared>>
      %dma_start3A_934 = arith.constant 0 : i32
      %dma_start3A_935 = arith.constant 0 : i32
      %dma_start3A_936 = tpu.memref_slice %arg9[%arg1, %dma_start3A_934, %dma_start3A_935] : memref<16x8x2048xf32, #tpu.memory_space<vmem_shared>> -> memref<1x8x2048xf32, #tpu.memory_space<vmem_shared>>
      %dma_start3A_937 = tpu.memref_squeeze %dma_start3A_936 : memref<1x8x2048xf32, #tpu.memory_space<vmem_shared>> -> memref<8x2048xf32, #tpu.memory_space<vmem_shared>>
      %dma_start3A_938 = arith.constant 6 : i32
      %dma_start3A_939 = arith.constant 0 : i32
      %dma_start3A_940 = tpu.memref_slice %dma_start3A_937[%dma_start3A_938, %dma_start3A_939] : memref<8x2048xf32, #tpu.memory_space<vmem_shared>> -> memref<1x2048xf32, #tpu.memory_space<vmem_shared>>
      tpu.enqueue_dma source(%arg10 : memref<1x2048xf32, #tpu.memory_space<vmem>>) target(%dma_start3A_940 : memref<1x2048xf32, #tpu.memory_space<vmem_shared>>) target_semaphore(%arg23 : memref<!tpu.dma_semaphore, #tpu.memory_space<semaphore_mem>>)
      %dma_wait3A_941 = arith.constant 0 : i32
      %dma_wait3A_942 = arith.constant 0 : i32
      %dma_wait3A_943 = tpu.memref_slice %arg9[%arg1, %dma_wait3A_941, %dma_wait3A_942] : memref<16x8x2048xf32, #tpu.memory_space<vmem_shared>> -> memref<1x8x2048xf32, #tpu.memory_space<vmem_shared>>
      %dma_wait3A_944 = tpu.memref_squeeze %dma_wait3A_943 : memref<1x8x2048xf32, #tpu.memory_space<vmem_shared>> -> memref<8x2048xf32, #tpu.memory_space<vmem_shared>>
      %dma_wait3A_945 = arith.constant 6 : i32
      %dma_wait3A_946 = arith.constant 0 : i32
      %dma_wait3A_947 = tpu.memref_slice %dma_wait3A_944[%dma_wait3A_945, %dma_wait3A_946] : memref<8x2048xf32, #tpu.memory_space<vmem_shared>> -> memref<1x2048xf32, #tpu.memory_space<vmem_shared>>
      %dma_wait3A_948 = arith.constant 0 : i32
      %dma_wait3A_949 = arith.constant 0 : i32
      %dma_wait3A_950 = tpu.memref_slice %arg9[%arg1, %dma_wait3A_948, %dma_wait3A_949] : memref<16x8x2048xf32, #tpu.memory_space<vmem_shared>> -> memref<1x8x2048xf32, #tpu.memory_space<vmem_shared>>
      %dma_wait3A_951 = tpu.memref_squeeze %dma_wait3A_950 : memref<1x8x2048xf32, #tpu.memory_space<vmem_shared>> -> memref<8x2048xf32, #tpu.memory_space<vmem_shared>>
      %dma_wait3A_952 = arith.constant 6 : i32
      %dma_wait3A_953 = arith.constant 0 : i32
      %dma_wait3A_954 = tpu.memref_slice %dma_wait3A_951[%dma_wait3A_952, %dma_wait3A_953] : memref<8x2048xf32, #tpu.memory_space<vmem_shared>> -> memref<1x2048xf32, #tpu.memory_space<vmem_shared>>
      tpu.wait_dma2 semaphore(%arg23 : memref<!tpu.dma_semaphore, #tpu.memory_space<semaphore_mem>>) src(%arg10 : memref<1x2048xf32, #tpu.memory_space<vmem>>) dst(%dma_wait3A_954 : memref<1x2048xf32, #tpu.memory_space<vmem_shared>>)
      %add3A_955 = arith.constant 184 : i32
      %add3A_956 = arith.addi %add3A_14, %add3A_955 : i32
      %dma_start3A_957 = arith.constant 0 : i32
      %dma_start3A_958 = tpu.memref_slice %arg3[%add3A_956, %dma_start3A_957] : memref<8192x2048xf32, #tpu.memory_space<hbm>> -> memref<8x2048xf32, #tpu.memory_space<hbm>>
      %dma_start3A_959 = arith.constant 0 : i32
      %dma_start3A_960 = arith.constant 0 : i32
      %dma_start3A_961 = tpu.memref_slice %arg9[%arg1, %dma_start3A_959, %dma_start3A_960] : memref<16x8x2048xf32, #tpu.memory_space<vmem_shared>> -> memref<1x8x2048xf32, #tpu.memory_space<vmem_shared>>
      %dma_start3A_962 = tpu.memref_squeeze %dma_start3A_961 : memref<1x8x2048xf32, #tpu.memory_space<vmem_shared>> -> memref<8x2048xf32, #tpu.memory_space<vmem_shared>>
      tpu.enqueue_dma source(%dma_start3A_962 : memref<8x2048xf32, #tpu.memory_space<vmem_shared>>) target(%dma_start3A_958 : memref<8x2048xf32, #tpu.memory_space<hbm>>) target_semaphore(%arg22 : memref<!tpu.dma_semaphore, #tpu.memory_space<semaphore_mem>>)
      %dma_wait3A_963 = arith.constant 0 : i32
      %dma_wait3A_964 = tpu.memref_slice %arg3[%add3A_874, %dma_wait3A_963] : memref<8192x2048xf32, #tpu.memory_space<hbm>> -> memref<8x2048xf32, #tpu.memory_space<hbm>>
      %dma_wait3A_965 = arith.constant 0 : i32
      %dma_wait3A_966 = tpu.memref_slice %arg3[%add3A_874, %dma_wait3A_965] : memref<8192x2048xf32, #tpu.memory_space<hbm>> -> memref<8x2048xf32, #tpu.memory_space<hbm>>
      tpu.wait_dma2 semaphore(%arg16 : memref<!tpu.dma_semaphore, #tpu.memory_space<semaphore_mem>>) src(%arg6 : memref<8x2048xf32, #tpu.memory_space<vmem>>) dst(%dma_wait3A_966 : memref<8x2048xf32, #tpu.memory_space<hbm>>)
      %add3A_967 = arith.constant 224 : i32
      %add3A_968 = arith.addi %add3A_14, %add3A_967 : i32
      %dma_start3A_969 = arith.constant 0 : i32
      %dma_start3A_970 = tpu.memref_slice %arg2[%add3A_968, %dma_start3A_969] : memref<8192x2048xf32, #tpu.memory_space<hbm>> -> memref<8x2048xf32, #tpu.memory_space<hbm>>
      %dma_start3A_971 = arith.constant 0 : i32
      %dma_start3A_972 = tpu.memref_slice %arg2[%add3A_968, %dma_start3A_971] : memref<8192x2048xf32, #tpu.memory_space<hbm>> -> memref<8x2048xf32, #tpu.memory_space<hbm>>
      tpu.enqueue_dma source(%dma_start3A_972 : memref<8x2048xf32, #tpu.memory_space<hbm>>) target(%arg6 : memref<8x2048xf32, #tpu.memory_space<vmem>>) target_semaphore(%arg13 : memref<!tpu.dma_semaphore, #tpu.memory_space<semaphore_mem>>)
      %dma_wait3A_973 = arith.constant 0 : i32
      %dma_wait3A_974 = tpu.memref_slice %arg2[%add3A_782, %dma_wait3A_973] : memref<8192x2048xf32, #tpu.memory_space<hbm>> -> memref<8x2048xf32, #tpu.memory_space<hbm>>
      %dma_wait3A_975 = arith.constant 0 : i32
      %dma_wait3A_976 = tpu.memref_slice %arg2[%add3A_782, %dma_wait3A_975] : memref<8192x2048xf32, #tpu.memory_space<hbm>> -> memref<8x2048xf32, #tpu.memory_space<hbm>>
      tpu.wait_dma2 semaphore(%arg11 : memref<!tpu.dma_semaphore, #tpu.memory_space<semaphore_mem>>) src(%dma_wait3A_976 : memref<8x2048xf32, #tpu.memory_space<hbm>>) dst(%arg4 : memref<8x2048xf32, #tpu.memory_space<vmem>>)
      %scan3A_977 = arith.constant 0 : i32
      %scan3A_978 = arith.constant 0 : i32
      %scan3A_979 = arith.constant 32 : i32
      %scan3A_980 = arith.addi %scan3A_978, %scan3A_979 : i32
      %scan3A_981 = arith.constant 1 : i32
      scf.for %scan3A_1313 = %scan3A_978 to %scan3A_980 step %scan3A_981  : i32 {
        %mul3A_1314 = arith.constant 64 : i32
        %mul3A_1315 = arith.muli %scan3A_1313, %mul3A_1314 : i32
        %swap3A = arith.constant 0 : i32
        %swap3A_1316 = arith.index_cast %swap3A : i32 to index
        %swap3A_1317 = arith.index_cast %mul3A_1315 : i32 to index
        %swap3A_1318 = tpu.vector_load %arg4[%swap3A_1316, %swap3A_1317] {strides = array<i32>} : memref<8x2048xf32, #tpu.memory_space<vmem>>, vector<1x16xf32>,
        %swap3A_1319 = vector.shape_cast %swap3A_1318 : vector<1x16xf32> to vector<16xf32>
        %swap3A_1320 = vector.shape_cast %broadcast_in_dim3A_0 : vector<16xf32> to vector<1x16xf32>
        tpu.vector_store %arg4[%swap3A_1316, %swap3A_1317], %swap3A_1320 {strides = array<i32>} : memref<8x2048xf32, #tpu.memory_space<vmem>>, vector<1x16xf32>,
        %mul3A_1321 = arith.constant 64 : i32
        %mul3A_1322 = arith.muli %scan3A_1313, %mul3A_1321 : i32
        %add3A_1323 = arith.constant 16 : i32
        %add3A_1324 = arith.addi %mul3A_1322, %add3A_1323 : i32
        %swap3A_1325 = arith.constant 0 : i32
        %swap3A_1326 = arith.index_cast %swap3A_1325 : i32 to index
        %swap3A_1327 = arith.index_cast %add3A_1324 : i32 to index
        %swap3A_1328 = tpu.vector_load %arg4[%swap3A_1326, %swap3A_1327] {strides = array<i32>} : memref<8x2048xf32, #tpu.memory_space<vmem>>, vector<1x16xf32>,
        %swap3A_1329 = vector.shape_cast %swap3A_1328 : vector<1x16xf32> to vector<16xf32>
        %swap3A_1330 = vector.shape_cast %broadcast_in_dim3A_0 : vector<16xf32> to vector<1x16xf32>
        tpu.vector_store %arg4[%swap3A_1326, %swap3A_1327], %swap3A_1330 {strides = array<i32>} : memref<8x2048xf32, #tpu.memory_space<vmem>>, vector<1x16xf32>,
        %mul3A_1331 = arith.constant 64 : i32
        %mul3A_1332 = arith.muli %scan3A_1313, %mul3A_1331 : i32
        %add3A_1333 = arith.constant 32 : i32
        %add3A_1334 = arith.addi %mul3A_1332, %add3A_1333 : i32
        %swap3A_1335 = arith.constant 0 : i32
        %swap3A_1336 = arith.index_cast %swap3A_1335 : i32 to index
        %swap3A_1337 = arith.index_cast %add3A_1334 : i32 to index
        %swap3A_1338 = tpu.vector_load %arg4[%swap3A_1336, %swap3A_1337] {strides = array<i32>} : memref<8x2048xf32, #tpu.memory_space<vmem>>, vector<1x16xf32>,
        %swap3A_1339 = vector.shape_cast %swap3A_1338 : vector<1x16xf32> to vector<16xf32>
        %swap3A_1340 = vector.shape_cast %broadcast_in_dim3A_0 : vector<16xf32> to vector<1x16xf32>
        tpu.vector_store %arg4[%swap3A_1336, %swap3A_1337], %swap3A_1340 {strides = array<i32>} : memref<8x2048xf32, #tpu.memory_space<vmem>>, vector<1x16xf32>,
        %mul3A_1341 = arith.constant 64 : i32
        %mul3A_1342 = arith.muli %scan3A_1313, %mul3A_1341 : i32
        %add3A_1343 = arith.constant 48 : i32
        %add3A_1344 = arith.addi %mul3A_1342, %add3A_1343 : i32
        %swap3A_1345 = arith.constant 0 : i32
        %swap3A_1346 = arith.index_cast %swap3A_1345 : i32 to index
        %swap3A_1347 = arith.index_cast %add3A_1344 : i32 to index
        %swap3A_1348 = tpu.vector_load %arg4[%swap3A_1346, %swap3A_1347] {strides = array<i32>} : memref<8x2048xf32, #tpu.memory_space<vmem>>, vector<1x16xf32>,
        %swap3A_1349 = vector.shape_cast %swap3A_1348 : vector<1x16xf32> to vector<16xf32>
        %swap3A_1350 = vector.shape_cast %broadcast_in_dim3A_0 : vector<16xf32> to vector<1x16xf32>
        tpu.vector_store %arg4[%swap3A_1346, %swap3A_1347], %swap3A_1350 {strides = array<i32>} : memref<8x2048xf32, #tpu.memory_space<vmem>>, vector<1x16xf32>,
      }
      %scan3A_982 = arith.constant 32 : i32
      %add3A_983 = arith.constant 192 : i32
      %add3A_984 = arith.addi %add3A_14, %add3A_983 : i32
      %dma_start3A_985 = arith.constant 0 : i32
      %dma_start3A_986 = tpu.memref_slice %arg3[%add3A_984, %dma_start3A_985] : memref<8192x2048xf32, #tpu.memory_space<hbm>> -> memref<8x2048xf32, #tpu.memory_space<hbm>>
      %dma_start3A_987 = arith.constant 0 : i32
      %dma_start3A_988 = tpu.memref_slice %arg3[%add3A_984, %dma_start3A_987] : memref<8192x2048xf32, #tpu.memory_space<hbm>> -> memref<8x2048xf32, #tpu.memory_space<hbm>>
      tpu.enqueue_dma source(%arg4 : memref<8x2048xf32, #tpu.memory_space<vmem>>) target(%dma_start3A_988 : memref<8x2048xf32, #tpu.memory_space<hbm>>) target_semaphore(%arg14 : memref<!tpu.dma_semaphore, #tpu.memory_space<semaphore_mem>>)
      %dma_wait3A_989 = arith.constant 0 : i32
      %dma_wait3A_990 = tpu.memref_slice %arg3[%add3A_956, %dma_wait3A_989] : memref<8192x2048xf32, #tpu.memory_space<hbm>> -> memref<8x2048xf32, #tpu.memory_space<hbm>>
      %dma_wait3A_991 = arith.constant 0 : i32
      %dma_wait3A_992 = arith.constant 0 : i32
      %dma_wait3A_993 = tpu.memref_slice %arg9[%arg1, %dma_wait3A_991, %dma_wait3A_992] : memref<16x8x2048xf32, #tpu.memory_space<vmem_shared>> -> memref<1x8x2048xf32, #tpu.memory_space<vmem_shared>>
      %dma_wait3A_994 = tpu.memref_squeeze %dma_wait3A_993 : memref<1x8x2048xf32, #tpu.memory_space<vmem_shared>> -> memref<8x2048xf32, #tpu.memory_space<vmem_shared>>
      tpu.wait_dma2 semaphore(%arg22 : memref<!tpu.dma_semaphore, #tpu.memory_space<semaphore_mem>>) src(%dma_wait3A_994 : memref<8x2048xf32, #tpu.memory_space<vmem_shared>>) dst(%dma_wait3A_990 : memref<8x2048xf32, #tpu.memory_space<hbm>>)
      %add3A_995 = arith.constant 232 : i32
      %add3A_996 = arith.addi %add3A_14, %add3A_995 : i32
      %dma_start3A_997 = arith.constant 0 : i32
      %dma_start3A_998 = arith.constant 0 : i32
      %dma_start3A_999 = tpu.memref_slice %arg9[%arg1, %dma_start3A_997, %dma_start3A_998] : memref<16x8x2048xf32, #tpu.memory_space<vmem_shared>> -> memref<1x8x2048xf32, #tpu.memory_space<vmem_shared>>
      %dma_start3A_1000 = tpu.memref_squeeze %dma_start3A_999 : memref<1x8x2048xf32, #tpu.memory_space<vmem_shared>> -> memref<8x2048xf32, #tpu.memory_space<vmem_shared>>
      %dma_start3A_1001 = arith.constant 0 : i32
      %dma_start3A_1002 = tpu.memref_slice %arg2[%add3A_996, %dma_start3A_1001] : memref<8192x2048xf32, #tpu.memory_space<hbm>> -> memref<8x2048xf32, #tpu.memory_space<hbm>>
      tpu.enqueue_dma source(%dma_start3A_1002 : memref<8x2048xf32, #tpu.memory_space<hbm>>) target(%dma_start3A_1000 : memref<8x2048xf32, #tpu.memory_space<vmem_shared>>) target_semaphore(%arg19 : memref<!tpu.dma_semaphore, #tpu.memory_space<semaphore_mem>>)
      %dma_wait3A_1003 = arith.constant 0 : i32
      %dma_wait3A_1004 = arith.constant 0 : i32
      %dma_wait3A_1005 = tpu.memref_slice %arg7[%arg1, %dma_wait3A_1003, %dma_wait3A_1004] : memref<16x8x2048xf32, #tpu.memory_space<vmem_shared>> -> memref<1x8x2048xf32, #tpu.memory_space<vmem_shared>>
      %dma_wait3A_1006 = tpu.memref_squeeze %dma_wait3A_1005 : memref<1x8x2048xf32, #tpu.memory_space<vmem_shared>> -> memref<8x2048xf32, #tpu.memory_space<vmem_shared>>
      %dma_wait3A_1007 = arith.constant 0 : i32
      %dma_wait3A_1008 = tpu.memref_slice %arg2[%add3A_810, %dma_wait3A_1007] : memref<8192x2048xf32, #tpu.memory_space<hbm>> -> memref<8x2048xf32, #tpu.memory_space<hbm>>
      tpu.wait_dma2 semaphore(%arg17 : memref<!tpu.dma_semaphore, #tpu.memory_space<semaphore_mem>>) src(%dma_wait3A_1008 : memref<8x2048xf32, #tpu.memory_space<hbm>>) dst(%dma_wait3A_1006 : memref<8x2048xf32, #tpu.memory_space<vmem_shared>>)
      %dma_start3A_1009 = arith.constant 0 : i32
      %dma_start3A_1010 = arith.constant 0 : i32
      %dma_start3A_1011 = tpu.memref_slice %arg7[%arg1, %dma_start3A_1009, %dma_start3A_1010] : memref<16x8x2048xf32, #tpu.memory_space<vmem_shared>> -> memref<1x8x2048xf32, #tpu.memory_space<vmem_shared>>
      %dma_start3A_1012 = tpu.memref_squeeze %dma_start3A_1011 : memref<1x8x2048xf32, #tpu.memory_space<vmem_shared>> -> memref<8x2048xf32, #tpu.memory_space<vmem_shared>>
      %dma_start3A_1013 = arith.constant 6 : i32
      %dma_start3A_1014 = arith.constant 0 : i32
      %dma_start3A_1015 = tpu.memref_slice %dma_start3A_1012[%dma_start3A_1013, %dma_start3A_1014] : memref<8x2048xf32, #tpu.memory_space<vmem_shared>> -> memref<1x2048xf32, #tpu.memory_space<vmem_shared>>
      %dma_start3A_1016 = arith.constant 0 : i32
      %dma_start3A_1017 = arith.constant 0 : i32
      %dma_start3A_1018 = tpu.memref_slice %arg7[%arg1, %dma_start3A_1016, %dma_start3A_1017] : memref<16x8x2048xf32, #tpu.memory_space<vmem_shared>> -> memref<1x8x2048xf32, #tpu.memory_space<vmem_shared>>
      %dma_start3A_1019 = tpu.memref_squeeze %dma_start3A_1018 : memref<1x8x2048xf32, #tpu.memory_space<vmem_shared>> -> memref<8x2048xf32, #tpu.memory_space<vmem_shared>>
      %dma_start3A_1020 = arith.constant 6 : i32
      %dma_start3A_1021 = arith.constant 0 : i32
      %dma_start3A_1022 = tpu.memref_slice %dma_start3A_1019[%dma_start3A_1020, %dma_start3A_1021] : memref<8x2048xf32, #tpu.memory_space<vmem_shared>> -> memref<1x2048xf32, #tpu.memory_space<vmem_shared>>
      tpu.enqueue_dma source(%arg10 : memref<1x2048xf32, #tpu.memory_space<vmem>>) target(%dma_start3A_1022 : memref<1x2048xf32, #tpu.memory_space<vmem_shared>>) target_semaphore(%arg23 : memref<!tpu.dma_semaphore, #tpu.memory_space<semaphore_mem>>)
      %dma_wait3A_1023 = arith.constant 0 : i32
      %dma_wait3A_1024 = arith.constant 0 : i32
      %dma_wait3A_1025 = tpu.memref_slice %arg7[%arg1, %dma_wait3A_1023, %dma_wait3A_1024] : memref<16x8x2048xf32, #tpu.memory_space<vmem_shared>> -> memref<1x8x2048xf32, #tpu.memory_space<vmem_shared>>
      %dma_wait3A_1026 = tpu.memref_squeeze %dma_wait3A_1025 : memref<1x8x2048xf32, #tpu.memory_space<vmem_shared>> -> memref<8x2048xf32, #tpu.memory_space<vmem_shared>>
      %dma_wait3A_1027 = arith.constant 6 : i32
      %dma_wait3A_1028 = arith.constant 0 : i32
      %dma_wait3A_1029 = tpu.memref_slice %dma_wait3A_1026[%dma_wait3A_1027, %dma_wait3A_1028] : memref<8x2048xf32, #tpu.memory_space<vmem_shared>> -> memref<1x2048xf32, #tpu.memory_space<vmem_shared>>
      %dma_wait3A_1030 = arith.constant 0 : i32
      %dma_wait3A_1031 = arith.constant 0 : i32
      %dma_wait3A_1032 = tpu.memref_slice %arg7[%arg1, %dma_wait3A_1030, %dma_wait3A_1031] : memref<16x8x2048xf32, #tpu.memory_space<vmem_shared>> -> memref<1x8x2048xf32, #tpu.memory_space<vmem_shared>>
      %dma_wait3A_1033 = tpu.memref_squeeze %dma_wait3A_1032 : memref<1x8x2048xf32, #tpu.memory_space<vmem_shared>> -> memref<8x2048xf32, #tpu.memory_space<vmem_shared>>
      %dma_wait3A_1034 = arith.constant 6 : i32
      %dma_wait3A_1035 = arith.constant 0 : i32
      %dma_wait3A_1036 = tpu.memref_slice %dma_wait3A_1033[%dma_wait3A_1034, %dma_wait3A_1035] : memref<8x2048xf32, #tpu.memory_space<vmem_shared>> -> memref<1x2048xf32, #tpu.memory_space<vmem_shared>>
      tpu.wait_dma2 semaphore(%arg23 : memref<!tpu.dma_semaphore, #tpu.memory_space<semaphore_mem>>) src(%arg10 : memref<1x2048xf32, #tpu.memory_space<vmem>>) dst(%dma_wait3A_1036 : memref<1x2048xf32, #tpu.memory_space<vmem_shared>>)
      %add3A_1037 = arith.constant 200 : i32
      %add3A_1038 = arith.addi %add3A_14, %add3A_1037 : i32
      %dma_start3A_1039 = arith.constant 0 : i32
      %dma_start3A_1040 = tpu.memref_slice %arg3[%add3A_1038, %dma_start3A_1039] : memref<8192x2048xf32, #tpu.memory_space<hbm>> -> memref<8x2048xf32, #tpu.memory_space<hbm>>
      %dma_start3A_1041 = arith.constant 0 : i32
      %dma_start3A_1042 = arith.constant 0 : i32
      %dma_start3A_1043 = tpu.memref_slice %arg7[%arg1, %dma_start3A_1041, %dma_start3A_1042] : memref<16x8x2048xf32, #tpu.memory_space<vmem_shared>> -> memref<1x8x2048xf32, #tpu.memory_space<vmem_shared>>
      %dma_start3A_1044 = tpu.memref_squeeze %dma_start3A_1043 : memref<1x8x2048xf32, #tpu.memory_space<vmem_shared>> -> memref<8x2048xf32, #tpu.memory_space<vmem_shared>>
      tpu.enqueue_dma source(%dma_start3A_1044 : memref<8x2048xf32, #tpu.memory_space<vmem_shared>>) target(%dma_start3A_1040 : memref<8x2048xf32, #tpu.memory_space<hbm>>) target_semaphore(%arg20 : memref<!tpu.dma_semaphore, #tpu.memory_space<semaphore_mem>>)
      %dma_wait3A_1045 = arith.constant 0 : i32
      %dma_wait3A_1046 = tpu.memref_slice %arg3[%add3A_984, %dma_wait3A_1045] : memref<8192x2048xf32, #tpu.memory_space<hbm>> -> memref<8x2048xf32, #tpu.memory_space<hbm>>
      %dma_wait3A_1047 = arith.constant 0 : i32
      %dma_wait3A_1048 = tpu.memref_slice %arg3[%add3A_984, %dma_wait3A_1047] : memref<8192x2048xf32, #tpu.memory_space<hbm>> -> memref<8x2048xf32, #tpu.memory_space<hbm>>
      tpu.wait_dma2 semaphore(%arg14 : memref<!tpu.dma_semaphore, #tpu.memory_space<semaphore_mem>>) src(%arg4 : memref<8x2048xf32, #tpu.memory_space<vmem>>) dst(%dma_wait3A_1048 : memref<8x2048xf32, #tpu.memory_space<hbm>>)
      %add3A_1049 = arith.constant 240 : i32
      %add3A_1050 = arith.addi %add3A_14, %add3A_1049 : i32
      %dma_start3A_1051 = arith.constant 0 : i32
      %dma_start3A_1052 = tpu.memref_slice %arg2[%add3A_1050, %dma_start3A_1051] : memref<8192x2048xf32, #tpu.memory_space<hbm>> -> memref<8x2048xf32, #tpu.memory_space<hbm>>
      %dma_start3A_1053 = arith.constant 0 : i32
      %dma_start3A_1054 = tpu.memref_slice %arg2[%add3A_1050, %dma_start3A_1053] : memref<8192x2048xf32, #tpu.memory_space<hbm>> -> memref<8x2048xf32, #tpu.memory_space<hbm>>
      tpu.enqueue_dma source(%dma_start3A_1054 : memref<8x2048xf32, #tpu.memory_space<hbm>>) target(%arg4 : memref<8x2048xf32, #tpu.memory_space<vmem>>) target_semaphore(%arg11 : memref<!tpu.dma_semaphore, #tpu.memory_space<semaphore_mem>>)
      %dma_wait3A_1055 = arith.constant 0 : i32
      %dma_wait3A_1056 = tpu.memref_slice %arg2[%add3A_864, %dma_wait3A_1055] : memref<8192x2048xf32, #tpu.memory_space<hbm>> -> memref<8x2048xf32, #tpu.memory_space<hbm>>
      %dma_wait3A_1057 = arith.constant 0 : i32
      %dma_wait3A_1058 = tpu.memref_slice %arg2[%add3A_864, %dma_wait3A_1057] : memref<8192x2048xf32, #tpu.memory_space<hbm>> -> memref<8x2048xf32, #tpu.memory_space<hbm>>
      tpu.wait_dma2 semaphore(%arg12 : memref<!tpu.dma_semaphore, #tpu.memory_space<semaphore_mem>>) src(%dma_wait3A_1058 : memref<8x2048xf32, #tpu.memory_space<hbm>>) dst(%arg5 : memref<8x2048xf32, #tpu.memory_space<vmem>>)
      %add3A_1059 = arith.constant 208 : i32
      %add3A_1060 = arith.addi %add3A_14, %add3A_1059 : i32
      %dma_start3A_1061 = arith.constant 0 : i32
      %dma_start3A_1062 = tpu.memref_slice %arg3[%add3A_1060, %dma_start3A_1061] : memref<8192x2048xf32, #tpu.memory_space<hbm>> -> memref<8x2048xf32, #tpu.memory_space<hbm>>
      %dma_start3A_1063 = arith.constant 0 : i32
      %dma_start3A_1064 = tpu.memref_slice %arg3[%add3A_1060, %dma_start3A_1063] : memref<8192x2048xf32, #tpu.memory_space<hbm>> -> memref<8x2048xf32, #tpu.memory_space<hbm>>
      tpu.enqueue_dma source(%arg5 : memref<8x2048xf32, #tpu.memory_space<vmem>>) target(%dma_start3A_1064 : memref<8x2048xf32, #tpu.memory_space<hbm>>) target_semaphore(%arg15 : memref<!tpu.dma_semaphore, #tpu.memory_space<semaphore_mem>>)
      %dma_wait3A_1065 = arith.constant 0 : i32
      %dma_wait3A_1066 = tpu.memref_slice %arg3[%add3A_1038, %dma_wait3A_1065] : memref<8192x2048xf32, #tpu.memory_space<hbm>> -> memref<8x2048xf32, #tpu.memory_space<hbm>>
      %dma_wait3A_1067 = arith.constant 0 : i32
      %dma_wait3A_1068 = arith.constant 0 : i32
      %dma_wait3A_1069 = tpu.memref_slice %arg7[%arg1, %dma_wait3A_1067, %dma_wait3A_1068] : memref<16x8x2048xf32, #tpu.memory_space<vmem_shared>> -> memref<1x8x2048xf32, #tpu.memory_space<vmem_shared>>
      %dma_wait3A_1070 = tpu.memref_squeeze %dma_wait3A_1069 : memref<1x8x2048xf32, #tpu.memory_space<vmem_shared>> -> memref<8x2048xf32, #tpu.memory_space<vmem_shared>>
      tpu.wait_dma2 semaphore(%arg20 : memref<!tpu.dma_semaphore, #tpu.memory_space<semaphore_mem>>) src(%dma_wait3A_1070 : memref<8x2048xf32, #tpu.memory_space<vmem_shared>>) dst(%dma_wait3A_1066 : memref<8x2048xf32, #tpu.memory_space<hbm>>)
      %add3A_1071 = arith.constant 248 : i32
      %add3A_1072 = arith.addi %add3A_14, %add3A_1071 : i32
      %dma_start3A_1073 = arith.constant 0 : i32
      %dma_start3A_1074 = arith.constant 0 : i32
      %dma_start3A_1075 = tpu.memref_slice %arg7[%arg1, %dma_start3A_1073, %dma_start3A_1074] : memref<16x8x2048xf32, #tpu.memory_space<vmem_shared>> -> memref<1x8x2048xf32, #tpu.memory_space<vmem_shared>>
      %dma_start3A_1076 = tpu.memref_squeeze %dma_start3A_1075 : memref<1x8x2048xf32, #tpu.memory_space<vmem_shared>> -> memref<8x2048xf32, #tpu.memory_space<vmem_shared>>
      %dma_start3A_1077 = arith.constant 0 : i32
      %dma_start3A_1078 = tpu.memref_slice %arg2[%add3A_1072, %dma_start3A_1077] : memref<8192x2048xf32, #tpu.memory_space<hbm>> -> memref<8x2048xf32, #tpu.memory_space<hbm>>
      tpu.enqueue_dma source(%dma_start3A_1078 : memref<8x2048xf32, #tpu.memory_space<hbm>>) target(%dma_start3A_1076 : memref<8x2048xf32, #tpu.memory_space<vmem_shared>>) target_semaphore(%arg17 : memref<!tpu.dma_semaphore, #tpu.memory_space<semaphore_mem>>)
      %dma_wait3A_1079 = arith.constant 0 : i32
      %dma_wait3A_1080 = arith.constant 0 : i32
      %dma_wait3A_1081 = tpu.memref_slice %arg8[%arg1, %dma_wait3A_1079, %dma_wait3A_1080] : memref<16x8x2048xf32, #tpu.memory_space<vmem_shared>> -> memref<1x8x2048xf32, #tpu.memory_space<vmem_shared>>
      %dma_wait3A_1082 = tpu.memref_squeeze %dma_wait3A_1081 : memref<1x8x2048xf32, #tpu.memory_space<vmem_shared>> -> memref<8x2048xf32, #tpu.memory_space<vmem_shared>>
      %dma_wait3A_1083 = arith.constant 0 : i32
      %dma_wait3A_1084 = tpu.memref_slice %arg2[%add3A_886, %dma_wait3A_1083] : memref<8192x2048xf32, #tpu.memory_space<hbm>> -> memref<8x2048xf32, #tpu.memory_space<hbm>>
      tpu.wait_dma2 semaphore(%arg18 : memref<!tpu.dma_semaphore, #tpu.memory_space<semaphore_mem>>) src(%dma_wait3A_1084 : memref<8x2048xf32, #tpu.memory_space<hbm>>) dst(%dma_wait3A_1082 : memref<8x2048xf32, #tpu.memory_space<vmem_shared>>)
      %add3A_1085 = arith.constant 216 : i32
      %add3A_1086 = arith.addi %add3A_14, %add3A_1085 : i32
      %dma_start3A_1087 = arith.constant 0 : i32
      %dma_start3A_1088 = tpu.memref_slice %arg3[%add3A_1086, %dma_start3A_1087] : memref<8192x2048xf32, #tpu.memory_space<hbm>> -> memref<8x2048xf32, #tpu.memory_space<hbm>>
      %dma_start3A_1089 = arith.constant 0 : i32
      %dma_start3A_1090 = arith.constant 0 : i32
      %dma_start3A_1091 = tpu.memref_slice %arg8[%arg1, %dma_start3A_1089, %dma_start3A_1090] : memref<16x8x2048xf32, #tpu.memory_space<vmem_shared>> -> memref<1x8x2048xf32, #tpu.memory_space<vmem_shared>>
      %dma_start3A_1092 = tpu.memref_squeeze %dma_start3A_1091 : memref<1x8x2048xf32, #tpu.memory_space<vmem_shared>> -> memref<8x2048xf32, #tpu.memory_space<vmem_shared>>
      tpu.enqueue_dma source(%dma_start3A_1092 : memref<8x2048xf32, #tpu.memory_space<vmem_shared>>) target(%dma_start3A_1088 : memref<8x2048xf32, #tpu.memory_space<hbm>>) target_semaphore(%arg21 : memref<!tpu.dma_semaphore, #tpu.memory_space<semaphore_mem>>)
      %dma_wait3A_1093 = arith.constant 0 : i32
      %dma_wait3A_1094 = tpu.memref_slice %arg2[%add3A_968, %dma_wait3A_1093] : memref<8192x2048xf32, #tpu.memory_space<hbm>> -> memref<8x2048xf32, #tpu.memory_space<hbm>>
      %dma_wait3A_1095 = arith.constant 0 : i32
      %dma_wait3A_1096 = tpu.memref_slice %arg2[%add3A_968, %dma_wait3A_1095] : memref<8192x2048xf32, #tpu.memory_space<hbm>> -> memref<8x2048xf32, #tpu.memory_space<hbm>>
      tpu.wait_dma2 semaphore(%arg13 : memref<!tpu.dma_semaphore, #tpu.memory_space<semaphore_mem>>) src(%dma_wait3A_1096 : memref<8x2048xf32, #tpu.memory_space<hbm>>) dst(%arg6 : memref<8x2048xf32, #tpu.memory_space<vmem>>)
      %scan3A_1097 = arith.constant 0 : i32
      %scan3A_1098 = arith.constant 0 : i32
      %scan3A_1099 = arith.constant 32 : i32
      %scan3A_1100 = arith.addi %scan3A_1098, %scan3A_1099 : i32
      %scan3A_1101 = arith.constant 1 : i32
      scf.for %scan3A_1313 = %scan3A_1098 to %scan3A_1100 step %scan3A_1101  : i32 {
        %mul3A_1314 = arith.constant 64 : i32
        %mul3A_1315 = arith.muli %scan3A_1313, %mul3A_1314 : i32
        %swap3A = arith.constant 0 : i32
        %swap3A_1316 = arith.index_cast %swap3A : i32 to index
        %swap3A_1317 = arith.index_cast %mul3A_1315 : i32 to index
        %swap3A_1318 = tpu.vector_load %arg6[%swap3A_1316, %swap3A_1317] {strides = array<i32>} : memref<8x2048xf32, #tpu.memory_space<vmem>>, vector<1x16xf32>,
        %swap3A_1319 = vector.shape_cast %swap3A_1318 : vector<1x16xf32> to vector<16xf32>
        %swap3A_1320 = vector.shape_cast %broadcast_in_dim3A_0 : vector<16xf32> to vector<1x16xf32>
        tpu.vector_store %arg6[%swap3A_1316, %swap3A_1317], %swap3A_1320 {strides = array<i32>} : memref<8x2048xf32, #tpu.memory_space<vmem>>, vector<1x16xf32>,
        %mul3A_1321 = arith.constant 64 : i32
        %mul3A_1322 = arith.muli %scan3A_1313, %mul3A_1321 : i32
        %add3A_1323 = arith.constant 16 : i32
        %add3A_1324 = arith.addi %mul3A_1322, %add3A_1323 : i32
        %swap3A_1325 = arith.constant 0 : i32
        %swap3A_1326 = arith.index_cast %swap3A_1325 : i32 to index
        %swap3A_1327 = arith.index_cast %add3A_1324 : i32 to index
        %swap3A_1328 = tpu.vector_load %arg6[%swap3A_1326, %swap3A_1327] {strides = array<i32>} : memref<8x2048xf32, #tpu.memory_space<vmem>>, vector<1x16xf32>,
        %swap3A_1329 = vector.shape_cast %swap3A_1328 : vector<1x16xf32> to vector<16xf32>
        %swap3A_1330 = vector.shape_cast %broadcast_in_dim3A_0 : vector<16xf32> to vector<1x16xf32>
        tpu.vector_store %arg6[%swap3A_1326, %swap3A_1327], %swap3A_1330 {strides = array<i32>} : memref<8x2048xf32, #tpu.memory_space<vmem>>, vector<1x16xf32>,
        %mul3A_1331 = arith.constant 64 : i32
        %mul3A_1332 = arith.muli %scan3A_1313, %mul3A_1331 : i32
        %add3A_1333 = arith.constant 32 : i32
        %add3A_1334 = arith.addi %mul3A_1332, %add3A_1333 : i32
        %swap3A_1335 = arith.constant 0 : i32
        %swap3A_1336 = arith.index_cast %swap3A_1335 : i32 to index
        %swap3A_1337 = arith.index_cast %add3A_1334 : i32 to index
        %swap3A_1338 = tpu.vector_load %arg6[%swap3A_1336, %swap3A_1337] {strides = array<i32>} : memref<8x2048xf32, #tpu.memory_space<vmem>>, vector<1x16xf32>,
        %swap3A_1339 = vector.shape_cast %swap3A_1338 : vector<1x16xf32> to vector<16xf32>
        %swap3A_1340 = vector.shape_cast %broadcast_in_dim3A_0 : vector<16xf32> to vector<1x16xf32>
        tpu.vector_store %arg6[%swap3A_1336, %swap3A_1337], %swap3A_1340 {strides = array<i32>} : memref<8x2048xf32, #tpu.memory_space<vmem>>, vector<1x16xf32>,
        %mul3A_1341 = arith.constant 64 : i32
        %mul3A_1342 = arith.muli %scan3A_1313, %mul3A_1341 : i32
        %add3A_1343 = arith.constant 48 : i32
        %add3A_1344 = arith.addi %mul3A_1342, %add3A_1343 : i32
        %swap3A_1345 = arith.constant 0 : i32
        %swap3A_1346 = arith.index_cast %swap3A_1345 : i32 to index
        %swap3A_1347 = arith.index_cast %add3A_1344 : i32 to index
        %swap3A_1348 = tpu.vector_load %arg6[%swap3A_1346, %swap3A_1347] {strides = array<i32>} : memref<8x2048xf32, #tpu.memory_space<vmem>>, vector<1x16xf32>,
        %swap3A_1349 = vector.shape_cast %swap3A_1348 : vector<1x16xf32> to vector<16xf32>
        %swap3A_1350 = vector.shape_cast %broadcast_in_dim3A_0 : vector<16xf32> to vector<1x16xf32>
        tpu.vector_store %arg6[%swap3A_1346, %swap3A_1347], %swap3A_1350 {strides = array<i32>} : memref<8x2048xf32, #tpu.memory_space<vmem>>, vector<1x16xf32>,
      }
      %scan3A_1102 = arith.constant 32 : i32
      %scan3A_1103 = arith.constant 0 : i32
      %scan3A_1104 = arith.constant 0 : i32
      %scan3A_1105 = arith.constant 32 : i32
      %scan3A_1106 = arith.addi %scan3A_1104, %scan3A_1105 : i32
      %scan3A_1107 = arith.constant 1 : i32
      scf.for %scan3A_1313 = %scan3A_1104 to %scan3A_1106 step %scan3A_1107  : i32 {
        %mul3A_1314 = arith.constant 64 : i32
        %mul3A_1315 = arith.muli %scan3A_1313, %mul3A_1314 : i32
        %swap3A = arith.constant 1 : i32
        %swap3A_1316 = arith.index_cast %swap3A : i32 to index
        %swap3A_1317 = arith.index_cast %mul3A_1315 : i32 to index
        %swap3A_1318 = tpu.vector_load %arg6[%swap3A_1316, %swap3A_1317] {strides = array<i32>} : memref<8x2048xf32, #tpu.memory_space<vmem>>, vector<1x16xf32>,
        %swap3A_1319 = vector.shape_cast %swap3A_1318 : vector<1x16xf32> to vector<16xf32>
        %swap3A_1320 = vector.shape_cast %broadcast_in_dim3A_0 : vector<16xf32> to vector<1x16xf32>
        tpu.vector_store %arg6[%swap3A_1316, %swap3A_1317], %swap3A_1320 {strides = array<i32>} : memref<8x2048xf32, #tpu.memory_space<vmem>>, vector<1x16xf32>,
        %mul3A_1321 = arith.constant 64 : i32
        %mul3A_1322 = arith.muli %scan3A_1313, %mul3A_1321 : i32
        %add3A_1323 = arith.constant 16 : i32
        %add3A_1324 = arith.addi %mul3A_1322, %add3A_1323 : i32
        %swap3A_1325 = arith.constant 1 : i32
        %swap3A_1326 = arith.index_cast %swap3A_1325 : i32 to index
        %swap3A_1327 = arith.index_cast %add3A_1324 : i32 to index
        %swap3A_1328 = tpu.vector_load %arg6[%swap3A_1326, %swap3A_1327] {strides = array<i32>} : memref<8x2048xf32, #tpu.memory_space<vmem>>, vector<1x16xf32>,
        %swap3A_1329 = vector.shape_cast %swap3A_1328 : vector<1x16xf32> to vector<16xf32>
        %swap3A_1330 = vector.shape_cast %broadcast_in_dim3A_0 : vector<16xf32> to vector<1x16xf32>
        tpu.vector_store %arg6[%swap3A_1326, %swap3A_1327], %swap3A_1330 {strides = array<i32>} : memref<8x2048xf32, #tpu.memory_space<vmem>>, vector<1x16xf32>,
        %mul3A_1331 = arith.constant 64 : i32
        %mul3A_1332 = arith.muli %scan3A_1313, %mul3A_1331 : i32
        %add3A_1333 = arith.constant 32 : i32
        %add3A_1334 = arith.addi %mul3A_1332, %add3A_1333 : i32
        %swap3A_1335 = arith.constant 1 : i32
        %swap3A_1336 = arith.index_cast %swap3A_1335 : i32 to index
        %swap3A_1337 = arith.index_cast %add3A_1334 : i32 to index
        %swap3A_1338 = tpu.vector_load %arg6[%swap3A_1336, %swap3A_1337] {strides = array<i32>} : memref<8x2048xf32, #tpu.memory_space<vmem>>, vector<1x16xf32>,
        %swap3A_1339 = vector.shape_cast %swap3A_1338 : vector<1x16xf32> to vector<16xf32>
        %swap3A_1340 = vector.shape_cast %broadcast_in_dim3A_0 : vector<16xf32> to vector<1x16xf32>
        tpu.vector_store %arg6[%swap3A_1336, %swap3A_1337], %swap3A_1340 {strides = array<i32>} : memref<8x2048xf32, #tpu.memory_space<vmem>>, vector<1x16xf32>,
        %mul3A_1341 = arith.constant 64 : i32
        %mul3A_1342 = arith.muli %scan3A_1313, %mul3A_1341 : i32
        %add3A_1343 = arith.constant 48 : i32
        %add3A_1344 = arith.addi %mul3A_1342, %add3A_1343 : i32
        %swap3A_1345 = arith.constant 1 : i32
        %swap3A_1346 = arith.index_cast %swap3A_1345 : i32 to index
        %swap3A_1347 = arith.index_cast %add3A_1344 : i32 to index
        %swap3A_1348 = tpu.vector_load %arg6[%swap3A_1346, %swap3A_1347] {strides = array<i32>} : memref<8x2048xf32, #tpu.memory_space<vmem>>, vector<1x16xf32>,
        %swap3A_1349 = vector.shape_cast %swap3A_1348 : vector<1x16xf32> to vector<16xf32>
        %swap3A_1350 = vector.shape_cast %broadcast_in_dim3A_0 : vector<16xf32> to vector<1x16xf32>
        tpu.vector_store %arg6[%swap3A_1346, %swap3A_1347], %swap3A_1350 {strides = array<i32>} : memref<8x2048xf32, #tpu.memory_space<vmem>>, vector<1x16xf32>,
      }
      %scan3A_1108 = arith.constant 32 : i32
      %scan3A_1109 = arith.constant 0 : i32
      %scan3A_1110 = arith.constant 0 : i32
      %scan3A_1111 = arith.constant 32 : i32
      %scan3A_1112 = arith.addi %scan3A_1110, %scan3A_1111 : i32
      %scan3A_1113 = arith.constant 1 : i32
      scf.for %scan3A_1313 = %scan3A_1110 to %scan3A_1112 step %scan3A_1113  : i32 {
        %mul3A_1314 = arith.constant 64 : i32
        %mul3A_1315 = arith.muli %scan3A_1313, %mul3A_1314 : i32
        %swap3A = arith.constant 7 : i32
        %swap3A_1316 = arith.index_cast %swap3A : i32 to index
        %swap3A_1317 = arith.index_cast %mul3A_1315 : i32 to index
        %swap3A_1318 = tpu.vector_load %arg6[%swap3A_1316, %swap3A_1317] {strides = array<i32>} : memref<8x2048xf32, #tpu.memory_space<vmem>>, vector<1x16xf32>,
        %swap3A_1319 = vector.shape_cast %swap3A_1318 : vector<1x16xf32> to vector<16xf32>
        %swap3A_1320 = vector.shape_cast %broadcast_in_dim3A_0 : vector<16xf32> to vector<1x16xf32>
        tpu.vector_store %arg6[%swap3A_1316, %swap3A_1317], %swap3A_1320 {strides = array<i32>} : memref<8x2048xf32, #tpu.memory_space<vmem>>, vector<1x16xf32>,
        %mul3A_1321 = arith.constant 64 : i32
        %mul3A_1322 = arith.muli %scan3A_1313, %mul3A_1321 : i32
        %add3A_1323 = arith.constant 16 : i32
        %add3A_1324 = arith.addi %mul3A_1322, %add3A_1323 : i32
        %swap3A_1325 = arith.constant 7 : i32
        %swap3A_1326 = arith.index_cast %swap3A_1325 : i32 to index
        %swap3A_1327 = arith.index_cast %add3A_1324 : i32 to index
        %swap3A_1328 = tpu.vector_load %arg6[%swap3A_1326, %swap3A_1327] {strides = array<i32>} : memref<8x2048xf32, #tpu.memory_space<vmem>>, vector<1x16xf32>,
        %swap3A_1329 = vector.shape_cast %swap3A_1328 : vector<1x16xf32> to vector<16xf32>
        %swap3A_1330 = vector.shape_cast %broadcast_in_dim3A_0 : vector<16xf32> to vector<1x16xf32>
        tpu.vector_store %arg6[%swap3A_1326, %swap3A_1327], %swap3A_1330 {strides = array<i32>} : memref<8x2048xf32, #tpu.memory_space<vmem>>, vector<1x16xf32>,
        %mul3A_1331 = arith.constant 64 : i32
        %mul3A_1332 = arith.muli %scan3A_1313, %mul3A_1331 : i32
        %add3A_1333 = arith.constant 32 : i32
        %add3A_1334 = arith.addi %mul3A_1332, %add3A_1333 : i32
        %swap3A_1335 = arith.constant 7 : i32
        %swap3A_1336 = arith.index_cast %swap3A_1335 : i32 to index
        %swap3A_1337 = arith.index_cast %add3A_1334 : i32 to index
        %swap3A_1338 = tpu.vector_load %arg6[%swap3A_1336, %swap3A_1337] {strides = array<i32>} : memref<8x2048xf32, #tpu.memory_space<vmem>>, vector<1x16xf32>,
        %swap3A_1339 = vector.shape_cast %swap3A_1338 : vector<1x16xf32> to vector<16xf32>
        %swap3A_1340 = vector.shape_cast %broadcast_in_dim3A_0 : vector<16xf32> to vector<1x16xf32>
        tpu.vector_store %arg6[%swap3A_1336, %swap3A_1337], %swap3A_1340 {strides = array<i32>} : memref<8x2048xf32, #tpu.memory_space<vmem>>, vector<1x16xf32>,
        %mul3A_1341 = arith.constant 64 : i32
        %mul3A_1342 = arith.muli %scan3A_1313, %mul3A_1341 : i32
        %add3A_1343 = arith.constant 48 : i32
        %add3A_1344 = arith.addi %mul3A_1342, %add3A_1343 : i32
        %swap3A_1345 = arith.constant 7 : i32
        %swap3A_1346 = arith.index_cast %swap3A_1345 : i32 to index
        %swap3A_1347 = arith.index_cast %add3A_1344 : i32 to index
        %swap3A_1348 = tpu.vector_load %arg6[%swap3A_1346, %swap3A_1347] {strides = array<i32>} : memref<8x2048xf32, #tpu.memory_space<vmem>>, vector<1x16xf32>,
        %swap3A_1349 = vector.shape_cast %swap3A_1348 : vector<1x16xf32> to vector<16xf32>
        %swap3A_1350 = vector.shape_cast %broadcast_in_dim3A_0 : vector<16xf32> to vector<1x16xf32>
        tpu.vector_store %arg6[%swap3A_1346, %swap3A_1347], %swap3A_1350 {strides = array<i32>} : memref<8x2048xf32, #tpu.memory_space<vmem>>, vector<1x16xf32>,
      }
      %scan3A_1114 = arith.constant 32 : i32
      %add3A_1115 = arith.constant 224 : i32
      %add3A_1116 = arith.addi %add3A_14, %add3A_1115 : i32
      %dma_start3A_1117 = arith.constant 0 : i32
      %dma_start3A_1118 = tpu.memref_slice %arg3[%add3A_1116, %dma_start3A_1117] : memref<8192x2048xf32, #tpu.memory_space<hbm>> -> memref<8x2048xf32, #tpu.memory_space<hbm>>
      %dma_start3A_1119 = arith.constant 0 : i32
      %dma_start3A_1120 = tpu.memref_slice %arg3[%add3A_1116, %dma_start3A_1119] : memref<8192x2048xf32, #tpu.memory_space<hbm>> -> memref<8x2048xf32, #tpu.memory_space<hbm>>
      tpu.enqueue_dma source(%arg6 : memref<8x2048xf32, #tpu.memory_space<vmem>>) target(%dma_start3A_1120 : memref<8x2048xf32, #tpu.memory_space<hbm>>) target_semaphore(%arg16 : memref<!tpu.dma_semaphore, #tpu.memory_space<semaphore_mem>>)
      %dma_wait3A_1121 = arith.constant 0 : i32
      %dma_wait3A_1122 = arith.constant 0 : i32
      %dma_wait3A_1123 = tpu.memref_slice %arg9[%arg1, %dma_wait3A_1121, %dma_wait3A_1122] : memref<16x8x2048xf32, #tpu.memory_space<vmem_shared>> -> memref<1x8x2048xf32, #tpu.memory_space<vmem_shared>>
      %dma_wait3A_1124 = tpu.memref_squeeze %dma_wait3A_1123 : memref<1x8x2048xf32, #tpu.memory_space<vmem_shared>> -> memref<8x2048xf32, #tpu.memory_space<vmem_shared>>
      %dma_wait3A_1125 = arith.constant 0 : i32
      %dma_wait3A_1126 = tpu.memref_slice %arg2[%add3A_996, %dma_wait3A_1125] : memref<8192x2048xf32, #tpu.memory_space<hbm>> -> memref<8x2048xf32, #tpu.memory_space<hbm>>
      tpu.wait_dma2 semaphore(%arg19 : memref<!tpu.dma_semaphore, #tpu.memory_space<semaphore_mem>>) src(%dma_wait3A_1126 : memref<8x2048xf32, #tpu.memory_space<hbm>>) dst(%dma_wait3A_1124 : memref<8x2048xf32, #tpu.memory_space<vmem_shared>>)
      %dma_start3A_1127 = arith.constant 0 : i32
      %dma_start3A_1128 = arith.constant 0 : i32
      %dma_start3A_1129 = tpu.memref_slice %arg9[%arg1, %dma_start3A_1127, %dma_start3A_1128] : memref<16x8x2048xf32, #tpu.memory_space<vmem_shared>> -> memref<1x8x2048xf32, #tpu.memory_space<vmem_shared>>
      %dma_start3A_1130 = tpu.memref_squeeze %dma_start3A_1129 : memref<1x8x2048xf32, #tpu.memory_space<vmem_shared>> -> memref<8x2048xf32, #tpu.memory_space<vmem_shared>>
      %dma_start3A_1131 = arith.constant 5 : i32
      %dma_start3A_1132 = arith.constant 0 : i32
      %dma_start3A_1133 = tpu.memref_slice %dma_start3A_1130[%dma_start3A_1131, %dma_start3A_1132] : memref<8x2048xf32, #tpu.memory_space<vmem_shared>> -> memref<1x2048xf32, #tpu.memory_space<vmem_shared>>
      %dma_start3A_1134 = arith.constant 0 : i32
      %dma_start3A_1135 = arith.constant 0 : i32
      %dma_start3A_1136 = tpu.memref_slice %arg9[%arg1, %dma_start3A_1134, %dma_start3A_1135] : memref<16x8x2048xf32, #tpu.memory_space<vmem_shared>> -> memref<1x8x2048xf32, #tpu.memory_space<vmem_shared>>
      %dma_start3A_1137 = tpu.memref_squeeze %dma_start3A_1136 : memref<1x8x2048xf32, #tpu.memory_space<vmem_shared>> -> memref<8x2048xf32, #tpu.memory_space<vmem_shared>>
      %dma_start3A_1138 = arith.constant 5 : i32
      %dma_start3A_1139 = arith.constant 0 : i32
      %dma_start3A_1140 = tpu.memref_slice %dma_start3A_1137[%dma_start3A_1138, %dma_start3A_1139] : memref<8x2048xf32, #tpu.memory_space<vmem_shared>> -> memref<1x2048xf32, #tpu.memory_space<vmem_shared>>
      tpu.enqueue_dma source(%arg10 : memref<1x2048xf32, #tpu.memory_space<vmem>>) target(%dma_start3A_1140 : memref<1x2048xf32, #tpu.memory_space<vmem_shared>>) target_semaphore(%arg23 : memref<!tpu.dma_semaphore, #tpu.memory_space<semaphore_mem>>)
      %dma_wait3A_1141 = arith.constant 0 : i32
      %dma_wait3A_1142 = arith.constant 0 : i32
      %dma_wait3A_1143 = tpu.memref_slice %arg9[%arg1, %dma_wait3A_1141, %dma_wait3A_1142] : memref<16x8x2048xf32, #tpu.memory_space<vmem_shared>> -> memref<1x8x2048xf32, #tpu.memory_space<vmem_shared>>
      %dma_wait3A_1144 = tpu.memref_squeeze %dma_wait3A_1143 : memref<1x8x2048xf32, #tpu.memory_space<vmem_shared>> -> memref<8x2048xf32, #tpu.memory_space<vmem_shared>>
      %dma_wait3A_1145 = arith.constant 5 : i32
      %dma_wait3A_1146 = arith.constant 0 : i32
      %dma_wait3A_1147 = tpu.memref_slice %dma_wait3A_1144[%dma_wait3A_1145, %dma_wait3A_1146] : memref<8x2048xf32, #tpu.memory_space<vmem_shared>> -> memref<1x2048xf32, #tpu.memory_space<vmem_shared>>
      %dma_wait3A_1148 = arith.constant 0 : i32
      %dma_wait3A_1149 = arith.constant 0 : i32
      %dma_wait3A_1150 = tpu.memref_slice %arg9[%arg1, %dma_wait3A_1148, %dma_wait3A_1149] : memref<16x8x2048xf32, #tpu.memory_space<vmem_shared>> -> memref<1x8x2048xf32, #tpu.memory_space<vmem_shared>>
      %dma_wait3A_1151 = tpu.memref_squeeze %dma_wait3A_1150 : memref<1x8x2048xf32, #tpu.memory_space<vmem_shared>> -> memref<8x2048xf32, #tpu.memory_space<vmem_shared>>
      %dma_wait3A_1152 = arith.constant 5 : i32
      %dma_wait3A_1153 = arith.constant 0 : i32
      %dma_wait3A_1154 = tpu.memref_slice %dma_wait3A_1151[%dma_wait3A_1152, %dma_wait3A_1153] : memref<8x2048xf32, #tpu.memory_space<vmem_shared>> -> memref<1x2048xf32, #tpu.memory_space<vmem_shared>>
      tpu.wait_dma2 semaphore(%arg23 : memref<!tpu.dma_semaphore, #tpu.memory_space<semaphore_mem>>) src(%arg10 : memref<1x2048xf32, #tpu.memory_space<vmem>>) dst(%dma_wait3A_1154 : memref<1x2048xf32, #tpu.memory_space<vmem_shared>>)
      %dma_start3A_1155 = arith.constant 0 : i32
      %dma_start3A_1156 = arith.constant 0 : i32
      %dma_start3A_1157 = tpu.memref_slice %arg9[%arg1, %dma_start3A_1155, %dma_start3A_1156] : memref<16x8x2048xf32, #tpu.memory_space<vmem_shared>> -> memref<1x8x2048xf32, #tpu.memory_space<vmem_shared>>
      %dma_start3A_1158 = tpu.memref_squeeze %dma_start3A_1157 : memref<1x8x2048xf32, #tpu.memory_space<vmem_shared>> -> memref<8x2048xf32, #tpu.memory_space<vmem_shared>>
      %dma_start3A_1159 = arith.constant 7 : i32
      %dma_start3A_1160 = arith.constant 0 : i32
      %dma_start3A_1161 = tpu.memref_slice %dma_start3A_1158[%dma_start3A_1159, %dma_start3A_1160] : memref<8x2048xf32, #tpu.memory_space<vmem_shared>> -> memref<1x2048xf32, #tpu.memory_space<vmem_shared>>
      %dma_start3A_1162 = arith.constant 0 : i32
      %dma_start3A_1163 = arith.constant 0 : i32
      %dma_start3A_1164 = tpu.memref_slice %arg9[%arg1, %dma_start3A_1162, %dma_start3A_1163] : memref<16x8x2048xf32, #tpu.memory_space<vmem_shared>> -> memref<1x8x2048xf32, #tpu.memory_space<vmem_shared>>
      %dma_start3A_1165 = tpu.memref_squeeze %dma_start3A_1164 : memref<1x8x2048xf32, #tpu.memory_space<vmem_shared>> -> memref<8x2048xf32, #tpu.memory_space<vmem_shared>>
      %dma_start3A_1166 = arith.constant 7 : i32
      %dma_start3A_1167 = arith.constant 0 : i32
      %dma_start3A_1168 = tpu.memref_slice %dma_start3A_1165[%dma_start3A_1166, %dma_start3A_1167] : memref<8x2048xf32, #tpu.memory_space<vmem_shared>> -> memref<1x2048xf32, #tpu.memory_space<vmem_shared>>
      tpu.enqueue_dma source(%arg10 : memref<1x2048xf32, #tpu.memory_space<vmem>>) target(%dma_start3A_1168 : memref<1x2048xf32, #tpu.memory_space<vmem_shared>>) target_semaphore(%arg23 : memref<!tpu.dma_semaphore, #tpu.memory_space<semaphore_mem>>)
      %dma_wait3A_1169 = arith.constant 0 : i32
      %dma_wait3A_1170 = arith.constant 0 : i32
      %dma_wait3A_1171 = tpu.memref_slice %arg9[%arg1, %dma_wait3A_1169, %dma_wait3A_1170] : memref<16x8x2048xf32, #tpu.memory_space<vmem_shared>> -> memref<1x8x2048xf32, #tpu.memory_space<vmem_shared>>
      %dma_wait3A_1172 = tpu.memref_squeeze %dma_wait3A_1171 : memref<1x8x2048xf32, #tpu.memory_space<vmem_shared>> -> memref<8x2048xf32, #tpu.memory_space<vmem_shared>>
      %dma_wait3A_1173 = arith.constant 7 : i32
      %dma_wait3A_1174 = arith.constant 0 : i32
      %dma_wait3A_1175 = tpu.memref_slice %dma_wait3A_1172[%dma_wait3A_1173, %dma_wait3A_1174] : memref<8x2048xf32, #tpu.memory_space<vmem_shared>> -> memref<1x2048xf32, #tpu.memory_space<vmem_shared>>
      %dma_wait3A_1176 = arith.constant 0 : i32
      %dma_wait3A_1177 = arith.constant 0 : i32
      %dma_wait3A_1178 = tpu.memref_slice %arg9[%arg1, %dma_wait3A_1176, %dma_wait3A_1177] : memref<16x8x2048xf32, #tpu.memory_space<vmem_shared>> -> memref<1x8x2048xf32, #tpu.memory_space<vmem_shared>>
      %dma_wait3A_1179 = tpu.memref_squeeze %dma_wait3A_1178 : memref<1x8x2048xf32, #tpu.memory_space<vmem_shared>> -> memref<8x2048xf32, #tpu.memory_space<vmem_shared>>
      %dma_wait3A_1180 = arith.constant 7 : i32
      %dma_wait3A_1181 = arith.constant 0 : i32
      %dma_wait3A_1182 = tpu.memref_slice %dma_wait3A_1179[%dma_wait3A_1180, %dma_wait3A_1181] : memref<8x2048xf32, #tpu.memory_space<vmem_shared>> -> memref<1x2048xf32, #tpu.memory_space<vmem_shared>>
      tpu.wait_dma2 semaphore(%arg23 : memref<!tpu.dma_semaphore, #tpu.memory_space<semaphore_mem>>) src(%arg10 : memref<1x2048xf32, #tpu.memory_space<vmem>>) dst(%dma_wait3A_1182 : memref<1x2048xf32, #tpu.memory_space<vmem_shared>>)
      %add3A_1183 = arith.constant 232 : i32
      %add3A_1184 = arith.addi %add3A_14, %add3A_1183 : i32
      %dma_start3A_1185 = arith.constant 0 : i32
      %dma_start3A_1186 = tpu.memref_slice %arg3[%add3A_1184, %dma_start3A_1185] : memref<8192x2048xf32, #tpu.memory_space<hbm>> -> memref<8x2048xf32, #tpu.memory_space<hbm>>
      %dma_start3A_1187 = arith.constant 0 : i32
      %dma_start3A_1188 = arith.constant 0 : i32
      %dma_start3A_1189 = tpu.memref_slice %arg9[%arg1, %dma_start3A_1187, %dma_start3A_1188] : memref<16x8x2048xf32, #tpu.memory_space<vmem_shared>> -> memref<1x8x2048xf32, #tpu.memory_space<vmem_shared>>
      %dma_start3A_1190 = tpu.memref_squeeze %dma_start3A_1189 : memref<1x8x2048xf32, #tpu.memory_space<vmem_shared>> -> memref<8x2048xf32, #tpu.memory_space<vmem_shared>>
      tpu.enqueue_dma source(%dma_start3A_1190 : memref<8x2048xf32, #tpu.memory_space<vmem_shared>>) target(%dma_start3A_1186 : memref<8x2048xf32, #tpu.memory_space<hbm>>) target_semaphore(%arg22 : memref<!tpu.dma_semaphore, #tpu.memory_space<semaphore_mem>>)
      %dma_wait3A_1191 = arith.constant 0 : i32
      %dma_wait3A_1192 = tpu.memref_slice %arg2[%add3A_1050, %dma_wait3A_1191] : memref<8192x2048xf32, #tpu.memory_space<hbm>> -> memref<8x2048xf32, #tpu.memory_space<hbm>>
      %dma_wait3A_1193 = arith.constant 0 : i32
      %dma_wait3A_1194 = tpu.memref_slice %arg2[%add3A_1050, %dma_wait3A_1193] : memref<8192x2048xf32, #tpu.memory_space<hbm>> -> memref<8x2048xf32, #tpu.memory_space<hbm>>
      tpu.wait_dma2 semaphore(%arg11 : memref<!tpu.dma_semaphore, #tpu.memory_space<semaphore_mem>>) src(%dma_wait3A_1194 : memref<8x2048xf32, #tpu.memory_space<hbm>>) dst(%arg4 : memref<8x2048xf32, #tpu.memory_space<vmem>>)
      %scan3A_1195 = arith.constant 0 : i32
      %scan3A_1196 = arith.constant 0 : i32
      %scan3A_1197 = arith.constant 32 : i32
      %scan3A_1198 = arith.addi %scan3A_1196, %scan3A_1197 : i32
      %scan3A_1199 = arith.constant 1 : i32
      scf.for %scan3A_1313 = %scan3A_1196 to %scan3A_1198 step %scan3A_1199  : i32 {
        %mul3A_1314 = arith.constant 64 : i32
        %mul3A_1315 = arith.muli %scan3A_1313, %mul3A_1314 : i32
        %swap3A = arith.constant 3 : i32
        %swap3A_1316 = arith.index_cast %swap3A : i32 to index
        %swap3A_1317 = arith.index_cast %mul3A_1315 : i32 to index
        %swap3A_1318 = tpu.vector_load %arg4[%swap3A_1316, %swap3A_1317] {strides = array<i32>} : memref<8x2048xf32, #tpu.memory_space<vmem>>, vector<1x16xf32>,
        %swap3A_1319 = vector.shape_cast %swap3A_1318 : vector<1x16xf32> to vector<16xf32>
        %swap3A_1320 = vector.shape_cast %broadcast_in_dim3A_0 : vector<16xf32> to vector<1x16xf32>
        tpu.vector_store %arg4[%swap3A_1316, %swap3A_1317], %swap3A_1320 {strides = array<i32>} : memref<8x2048xf32, #tpu.memory_space<vmem>>, vector<1x16xf32>,
        %mul3A_1321 = arith.constant 64 : i32
        %mul3A_1322 = arith.muli %scan3A_1313, %mul3A_1321 : i32
        %add3A_1323 = arith.constant 16 : i32
        %add3A_1324 = arith.addi %mul3A_1322, %add3A_1323 : i32
        %swap3A_1325 = arith.constant 3 : i32
        %swap3A_1326 = arith.index_cast %swap3A_1325 : i32 to index
        %swap3A_1327 = arith.index_cast %add3A_1324 : i32 to index
        %swap3A_1328 = tpu.vector_load %arg4[%swap3A_1326, %swap3A_1327] {strides = array<i32>} : memref<8x2048xf32, #tpu.memory_space<vmem>>, vector<1x16xf32>,
        %swap3A_1329 = vector.shape_cast %swap3A_1328 : vector<1x16xf32> to vector<16xf32>
        %swap3A_1330 = vector.shape_cast %broadcast_in_dim3A_0 : vector<16xf32> to vector<1x16xf32>
        tpu.vector_store %arg4[%swap3A_1326, %swap3A_1327], %swap3A_1330 {strides = array<i32>} : memref<8x2048xf32, #tpu.memory_space<vmem>>, vector<1x16xf32>,
        %mul3A_1331 = arith.constant 64 : i32
        %mul3A_1332 = arith.muli %scan3A_1313, %mul3A_1331 : i32
        %add3A_1333 = arith.constant 32 : i32
        %add3A_1334 = arith.addi %mul3A_1332, %add3A_1333 : i32
        %swap3A_1335 = arith.constant 3 : i32
        %swap3A_1336 = arith.index_cast %swap3A_1335 : i32 to index
        %swap3A_1337 = arith.index_cast %add3A_1334 : i32 to index
        %swap3A_1338 = tpu.vector_load %arg4[%swap3A_1336, %swap3A_1337] {strides = array<i32>} : memref<8x2048xf32, #tpu.memory_space<vmem>>, vector<1x16xf32>,
        %swap3A_1339 = vector.shape_cast %swap3A_1338 : vector<1x16xf32> to vector<16xf32>
        %swap3A_1340 = vector.shape_cast %broadcast_in_dim3A_0 : vector<16xf32> to vector<1x16xf32>
        tpu.vector_store %arg4[%swap3A_1336, %swap3A_1337], %swap3A_1340 {strides = array<i32>} : memref<8x2048xf32, #tpu.memory_space<vmem>>, vector<1x16xf32>,
        %mul3A_1341 = arith.constant 64 : i32
        %mul3A_1342 = arith.muli %scan3A_1313, %mul3A_1341 : i32
        %add3A_1343 = arith.constant 48 : i32
        %add3A_1344 = arith.addi %mul3A_1342, %add3A_1343 : i32
        %swap3A_1345 = arith.constant 3 : i32
        %swap3A_1346 = arith.index_cast %swap3A_1345 : i32 to index
        %swap3A_1347 = arith.index_cast %add3A_1344 : i32 to index
        %swap3A_1348 = tpu.vector_load %arg4[%swap3A_1346, %swap3A_1347] {strides = array<i32>} : memref<8x2048xf32, #tpu.memory_space<vmem>>, vector<1x16xf32>,
        %swap3A_1349 = vector.shape_cast %swap3A_1348 : vector<1x16xf32> to vector<16xf32>
        %swap3A_1350 = vector.shape_cast %broadcast_in_dim3A_0 : vector<16xf32> to vector<1x16xf32>
        tpu.vector_store %arg4[%swap3A_1346, %swap3A_1347], %swap3A_1350 {strides = array<i32>} : memref<8x2048xf32, #tpu.memory_space<vmem>>, vector<1x16xf32>,
      }
      %scan3A_1200 = arith.constant 32 : i32
      %scan3A_1201 = arith.constant 0 : i32
      %scan3A_1202 = arith.constant 0 : i32
      %scan3A_1203 = arith.constant 32 : i32
      %scan3A_1204 = arith.addi %scan3A_1202, %scan3A_1203 : i32
      %scan3A_1205 = arith.constant 1 : i32
      scf.for %scan3A_1313 = %scan3A_1202 to %scan3A_1204 step %scan3A_1205  : i32 {
        %mul3A_1314 = arith.constant 64 : i32
        %mul3A_1315 = arith.muli %scan3A_1313, %mul3A_1314 : i32
        %swap3A = arith.constant 5 : i32
        %swap3A_1316 = arith.index_cast %swap3A : i32 to index
        %swap3A_1317 = arith.index_cast %mul3A_1315 : i32 to index
        %swap3A_1318 = tpu.vector_load %arg4[%swap3A_1316, %swap3A_1317] {strides = array<i32>} : memref<8x2048xf32, #tpu.memory_space<vmem>>, vector<1x16xf32>,
        %swap3A_1319 = vector.shape_cast %swap3A_1318 : vector<1x16xf32> to vector<16xf32>
        %swap3A_1320 = vector.shape_cast %broadcast_in_dim3A_0 : vector<16xf32> to vector<1x16xf32>
        tpu.vector_store %arg4[%swap3A_1316, %swap3A_1317], %swap3A_1320 {strides = array<i32>} : memref<8x2048xf32, #tpu.memory_space<vmem>>, vector<1x16xf32>,
        %mul3A_1321 = arith.constant 64 : i32
        %mul3A_1322 = arith.muli %scan3A_1313, %mul3A_1321 : i32
        %add3A_1323 = arith.constant 16 : i32
        %add3A_1324 = arith.addi %mul3A_1322, %add3A_1323 : i32
        %swap3A_1325 = arith.constant 5 : i32
        %swap3A_1326 = arith.index_cast %swap3A_1325 : i32 to index
        %swap3A_1327 = arith.index_cast %add3A_1324 : i32 to index
        %swap3A_1328 = tpu.vector_load %arg4[%swap3A_1326, %swap3A_1327] {strides = array<i32>} : memref<8x2048xf32, #tpu.memory_space<vmem>>, vector<1x16xf32>,
        %swap3A_1329 = vector.shape_cast %swap3A_1328 : vector<1x16xf32> to vector<16xf32>
        %swap3A_1330 = vector.shape_cast %broadcast_in_dim3A_0 : vector<16xf32> to vector<1x16xf32>
        tpu.vector_store %arg4[%swap3A_1326, %swap3A_1327], %swap3A_1330 {strides = array<i32>} : memref<8x2048xf32, #tpu.memory_space<vmem>>, vector<1x16xf32>,
        %mul3A_1331 = arith.constant 64 : i32
        %mul3A_1332 = arith.muli %scan3A_1313, %mul3A_1331 : i32
        %add3A_1333 = arith.constant 32 : i32
        %add3A_1334 = arith.addi %mul3A_1332, %add3A_1333 : i32
        %swap3A_1335 = arith.constant 5 : i32
        %swap3A_1336 = arith.index_cast %swap3A_1335 : i32 to index
        %swap3A_1337 = arith.index_cast %add3A_1334 : i32 to index
        %swap3A_1338 = tpu.vector_load %arg4[%swap3A_1336, %swap3A_1337] {strides = array<i32>} : memref<8x2048xf32, #tpu.memory_space<vmem>>, vector<1x16xf32>,
        %swap3A_1339 = vector.shape_cast %swap3A_1338 : vector<1x16xf32> to vector<16xf32>
        %swap3A_1340 = vector.shape_cast %broadcast_in_dim3A_0 : vector<16xf32> to vector<1x16xf32>
        tpu.vector_store %arg4[%swap3A_1336, %swap3A_1337], %swap3A_1340 {strides = array<i32>} : memref<8x2048xf32, #tpu.memory_space<vmem>>, vector<1x16xf32>,
        %mul3A_1341 = arith.constant 64 : i32
        %mul3A_1342 = arith.muli %scan3A_1313, %mul3A_1341 : i32
        %add3A_1343 = arith.constant 48 : i32
        %add3A_1344 = arith.addi %mul3A_1342, %add3A_1343 : i32
        %swap3A_1345 = arith.constant 5 : i32
        %swap3A_1346 = arith.index_cast %swap3A_1345 : i32 to index
        %swap3A_1347 = arith.index_cast %add3A_1344 : i32 to index
        %swap3A_1348 = tpu.vector_load %arg4[%swap3A_1346, %swap3A_1347] {strides = array<i32>} : memref<8x2048xf32, #tpu.memory_space<vmem>>, vector<1x16xf32>,
        %swap3A_1349 = vector.shape_cast %swap3A_1348 : vector<1x16xf32> to vector<16xf32>
        %swap3A_1350 = vector.shape_cast %broadcast_in_dim3A_0 : vector<16xf32> to vector<1x16xf32>
        tpu.vector_store %arg4[%swap3A_1346, %swap3A_1347], %swap3A_1350 {strides = array<i32>} : memref<8x2048xf32, #tpu.memory_space<vmem>>, vector<1x16xf32>,
      }
      %scan3A_1206 = arith.constant 32 : i32
      %add3A_1207 = arith.constant 240 : i32
      %add3A_1208 = arith.addi %add3A_14, %add3A_1207 : i32
      %dma_start3A_1209 = arith.constant 0 : i32
      %dma_start3A_1210 = tpu.memref_slice %arg3[%add3A_1208, %dma_start3A_1209] : memref<8192x2048xf32, #tpu.memory_space<hbm>> -> memref<8x2048xf32, #tpu.memory_space<hbm>>
      %dma_start3A_1211 = arith.constant 0 : i32
      %dma_start3A_1212 = tpu.memref_slice %arg3[%add3A_1208, %dma_start3A_1211] : memref<8192x2048xf32, #tpu.memory_space<hbm>> -> memref<8x2048xf32, #tpu.memory_space<hbm>>
      tpu.enqueue_dma source(%arg4 : memref<8x2048xf32, #tpu.memory_space<vmem>>) target(%dma_start3A_1212 : memref<8x2048xf32, #tpu.memory_space<hbm>>) target_semaphore(%arg14 : memref<!tpu.dma_semaphore, #tpu.memory_space<semaphore_mem>>)
      %dma_wait3A_1213 = arith.constant 0 : i32
      %dma_wait3A_1214 = arith.constant 0 : i32
      %dma_wait3A_1215 = tpu.memref_slice %arg7[%arg1, %dma_wait3A_1213, %dma_wait3A_1214] : memref<16x8x2048xf32, #tpu.memory_space<vmem_shared>> -> memref<1x8x2048xf32, #tpu.memory_space<vmem_shared>>
      %dma_wait3A_1216 = tpu.memref_squeeze %dma_wait3A_1215 : memref<1x8x2048xf32, #tpu.memory_space<vmem_shared>> -> memref<8x2048xf32, #tpu.memory_space<vmem_shared>>
      %dma_wait3A_1217 = arith.constant 0 : i32
      %dma_wait3A_1218 = tpu.memref_slice %arg2[%add3A_1072, %dma_wait3A_1217] : memref<8192x2048xf32, #tpu.memory_space<hbm>> -> memref<8x2048xf32, #tpu.memory_space<hbm>>
      tpu.wait_dma2 semaphore(%arg17 : memref<!tpu.dma_semaphore, #tpu.memory_space<semaphore_mem>>) src(%dma_wait3A_1218 : memref<8x2048xf32, #tpu.memory_space<hbm>>) dst(%dma_wait3A_1216 : memref<8x2048xf32, #tpu.memory_space<vmem_shared>>)
      %dma_start3A_1219 = arith.constant 0 : i32
      %dma_start3A_1220 = arith.constant 0 : i32
      %dma_start3A_1221 = tpu.memref_slice %arg7[%arg1, %dma_start3A_1219, %dma_start3A_1220] : memref<16x8x2048xf32, #tpu.memory_space<vmem_shared>> -> memref<1x8x2048xf32, #tpu.memory_space<vmem_shared>>
      %dma_start3A_1222 = tpu.memref_squeeze %dma_start3A_1221 : memref<1x8x2048xf32, #tpu.memory_space<vmem_shared>> -> memref<8x2048xf32, #tpu.memory_space<vmem_shared>>
      %dma_start3A_1223 = arith.constant 3 : i32
      %dma_start3A_1224 = arith.constant 0 : i32
      %dma_start3A_1225 = tpu.memref_slice %dma_start3A_1222[%dma_start3A_1223, %dma_start3A_1224] : memref<8x2048xf32, #tpu.memory_space<vmem_shared>> -> memref<1x2048xf32, #tpu.memory_space<vmem_shared>>
      %dma_start3A_1226 = arith.constant 0 : i32
      %dma_start3A_1227 = arith.constant 0 : i32
      %dma_start3A_1228 = tpu.memref_slice %arg7[%arg1, %dma_start3A_1226, %dma_start3A_1227] : memref<16x8x2048xf32, #tpu.memory_space<vmem_shared>> -> memref<1x8x2048xf32, #tpu.memory_space<vmem_shared>>
      %dma_start3A_1229 = tpu.memref_squeeze %dma_start3A_1228 : memref<1x8x2048xf32, #tpu.memory_space<vmem_shared>> -> memref<8x2048xf32, #tpu.memory_space<vmem_shared>>
      %dma_start3A_1230 = arith.constant 3 : i32
      %dma_start3A_1231 = arith.constant 0 : i32
      %dma_start3A_1232 = tpu.memref_slice %dma_start3A_1229[%dma_start3A_1230, %dma_start3A_1231] : memref<8x2048xf32, #tpu.memory_space<vmem_shared>> -> memref<1x2048xf32, #tpu.memory_space<vmem_shared>>
      tpu.enqueue_dma source(%arg10 : memref<1x2048xf32, #tpu.memory_space<vmem>>) target(%dma_start3A_1232 : memref<1x2048xf32, #tpu.memory_space<vmem_shared>>) target_semaphore(%arg23 : memref<!tpu.dma_semaphore, #tpu.memory_space<semaphore_mem>>)
      %dma_wait3A_1233 = arith.constant 0 : i32
      %dma_wait3A_1234 = arith.constant 0 : i32
      %dma_wait3A_1235 = tpu.memref_slice %arg7[%arg1, %dma_wait3A_1233, %dma_wait3A_1234] : memref<16x8x2048xf32, #tpu.memory_space<vmem_shared>> -> memref<1x8x2048xf32, #tpu.memory_space<vmem_shared>>
      %dma_wait3A_1236 = tpu.memref_squeeze %dma_wait3A_1235 : memref<1x8x2048xf32, #tpu.memory_space<vmem_shared>> -> memref<8x2048xf32, #tpu.memory_space<vmem_shared>>
      %dma_wait3A_1237 = arith.constant 3 : i32
      %dma_wait3A_1238 = arith.constant 0 : i32
      %dma_wait3A_1239 = tpu.memref_slice %dma_wait3A_1236[%dma_wait3A_1237, %dma_wait3A_1238] : memref<8x2048xf32, #tpu.memory_space<vmem_shared>> -> memref<1x2048xf32, #tpu.memory_space<vmem_shared>>
      %dma_wait3A_1240 = arith.constant 0 : i32
      %dma_wait3A_1241 = arith.constant 0 : i32
      %dma_wait3A_1242 = tpu.memref_slice %arg7[%arg1, %dma_wait3A_1240, %dma_wait3A_1241] : memref<16x8x2048xf32, #tpu.memory_space<vmem_shared>> -> memref<1x8x2048xf32, #tpu.memory_space<vmem_shared>>
      %dma_wait3A_1243 = tpu.memref_squeeze %dma_wait3A_1242 : memref<1x8x2048xf32, #tpu.memory_space<vmem_shared>> -> memref<8x2048xf32, #tpu.memory_space<vmem_shared>>
      %dma_wait3A_1244 = arith.constant 3 : i32
      %dma_wait3A_1245 = arith.constant 0 : i32
      %dma_wait3A_1246 = tpu.memref_slice %dma_wait3A_1243[%dma_wait3A_1244, %dma_wait3A_1245] : memref<8x2048xf32, #tpu.memory_space<vmem_shared>> -> memref<1x2048xf32, #tpu.memory_space<vmem_shared>>
      tpu.wait_dma2 semaphore(%arg23 : memref<!tpu.dma_semaphore, #tpu.memory_space<semaphore_mem>>) src(%arg10 : memref<1x2048xf32, #tpu.memory_space<vmem>>) dst(%dma_wait3A_1246 : memref<1x2048xf32, #tpu.memory_space<vmem_shared>>)
      %dma_start3A_1247 = arith.constant 0 : i32
      %dma_start3A_1248 = arith.constant 0 : i32
      %dma_start3A_1249 = tpu.memref_slice %arg7[%arg1, %dma_start3A_1247, %dma_start3A_1248] : memref<16x8x2048xf32, #tpu.memory_space<vmem_shared>> -> memref<1x8x2048xf32, #tpu.memory_space<vmem_shared>>
      %dma_start3A_1250 = tpu.memref_squeeze %dma_start3A_1249 : memref<1x8x2048xf32, #tpu.memory_space<vmem_shared>> -> memref<8x2048xf32, #tpu.memory_space<vmem_shared>>
      %dma_start3A_1251 = arith.constant 5 : i32
      %dma_start3A_1252 = arith.constant 0 : i32
      %dma_start3A_1253 = tpu.memref_slice %dma_start3A_1250[%dma_start3A_1251, %dma_start3A_1252] : memref<8x2048xf32, #tpu.memory_space<vmem_shared>> -> memref<1x2048xf32, #tpu.memory_space<vmem_shared>>
      %dma_start3A_1254 = arith.constant 0 : i32
      %dma_start3A_1255 = arith.constant 0 : i32
      %dma_start3A_1256 = tpu.memref_slice %arg7[%arg1, %dma_start3A_1254, %dma_start3A_1255] : memref<16x8x2048xf32, #tpu.memory_space<vmem_shared>> -> memref<1x8x2048xf32, #tpu.memory_space<vmem_shared>>
      %dma_start3A_1257 = tpu.memref_squeeze %dma_start3A_1256 : memref<1x8x2048xf32, #tpu.memory_space<vmem_shared>> -> memref<8x2048xf32, #tpu.memory_space<vmem_shared>>
      %dma_start3A_1258 = arith.constant 5 : i32
      %dma_start3A_1259 = arith.constant 0 : i32
      %dma_start3A_1260 = tpu.memref_slice %dma_start3A_1257[%dma_start3A_1258, %dma_start3A_1259] : memref<8x2048xf32, #tpu.memory_space<vmem_shared>> -> memref<1x2048xf32, #tpu.memory_space<vmem_shared>>
      tpu.enqueue_dma source(%arg10 : memref<1x2048xf32, #tpu.memory_space<vmem>>) target(%dma_start3A_1260 : memref<1x2048xf32, #tpu.memory_space<vmem_shared>>) target_semaphore(%arg23 : memref<!tpu.dma_semaphore, #tpu.memory_space<semaphore_mem>>)
      %dma_wait3A_1261 = arith.constant 0 : i32
      %dma_wait3A_1262 = arith.constant 0 : i32
      %dma_wait3A_1263 = tpu.memref_slice %arg7[%arg1, %dma_wait3A_1261, %dma_wait3A_1262] : memref<16x8x2048xf32, #tpu.memory_space<vmem_shared>> -> memref<1x8x2048xf32, #tpu.memory_space<vmem_shared>>
      %dma_wait3A_1264 = tpu.memref_squeeze %dma_wait3A_1263 : memref<1x8x2048xf32, #tpu.memory_space<vmem_shared>> -> memref<8x2048xf32, #tpu.memory_space<vmem_shared>>
      %dma_wait3A_1265 = arith.constant 5 : i32
      %dma_wait3A_1266 = arith.constant 0 : i32
      %dma_wait3A_1267 = tpu.memref_slice %dma_wait3A_1264[%dma_wait3A_1265, %dma_wait3A_1266] : memref<8x2048xf32, #tpu.memory_space<vmem_shared>> -> memref<1x2048xf32, #tpu.memory_space<vmem_shared>>
      %dma_wait3A_1268 = arith.constant 0 : i32
      %dma_wait3A_1269 = arith.constant 0 : i32
      %dma_wait3A_1270 = tpu.memref_slice %arg7[%arg1, %dma_wait3A_1268, %dma_wait3A_1269] : memref<16x8x2048xf32, #tpu.memory_space<vmem_shared>> -> memref<1x8x2048xf32, #tpu.memory_space<vmem_shared>>
      %dma_wait3A_1271 = tpu.memref_squeeze %dma_wait3A_1270 : memref<1x8x2048xf32, #tpu.memory_space<vmem_shared>> -> memref<8x2048xf32, #tpu.memory_space<vmem_shared>>
      %dma_wait3A_1272 = arith.constant 5 : i32
      %dma_wait3A_1273 = arith.constant 0 : i32
      %dma_wait3A_1274 = tpu.memref_slice %dma_wait3A_1271[%dma_wait3A_1272, %dma_wait3A_1273] : memref<8x2048xf32, #tpu.memory_space<vmem_shared>> -> memref<1x2048xf32, #tpu.memory_space<vmem_shared>>
      tpu.wait_dma2 semaphore(%arg23 : memref<!tpu.dma_semaphore, #tpu.memory_space<semaphore_mem>>) src(%arg10 : memref<1x2048xf32, #tpu.memory_space<vmem>>) dst(%dma_wait3A_1274 : memref<1x2048xf32, #tpu.memory_space<vmem_shared>>)
      %add3A_1275 = arith.constant 248 : i32
      %add3A_1276 = arith.addi %add3A_14, %add3A_1275 : i32
      %dma_start3A_1277 = arith.constant 0 : i32
      %dma_start3A_1278 = tpu.memref_slice %arg3[%add3A_1276, %dma_start3A_1277] : memref<8192x2048xf32, #tpu.memory_space<hbm>> -> memref<8x2048xf32, #tpu.memory_space<hbm>>
      %dma_start3A_1279 = arith.constant 0 : i32
      %dma_start3A_1280 = arith.constant 0 : i32
      %dma_start3A_1281 = tpu.memref_slice %arg7[%arg1, %dma_start3A_1279, %dma_start3A_1280] : memref<16x8x2048xf32, #tpu.memory_space<vmem_shared>> -> memref<1x8x2048xf32, #tpu.memory_space<vmem_shared>>
      %dma_start3A_1282 = tpu.memref_squeeze %dma_start3A_1281 : memref<1x8x2048xf32, #tpu.memory_space<vmem_shared>> -> memref<8x2048xf32, #tpu.memory_space<vmem_shared>>
      tpu.enqueue_dma source(%dma_start3A_1282 : memref<8x2048xf32, #tpu.memory_space<vmem_shared>>) target(%dma_start3A_1278 : memref<8x2048xf32, #tpu.memory_space<hbm>>) target_semaphore(%arg20 : memref<!tpu.dma_semaphore, #tpu.memory_space<semaphore_mem>>)
      %dma_wait3A_1283 = arith.constant 0 : i32
      %dma_wait3A_1284 = tpu.memref_slice %arg3[%add3A_1060, %dma_wait3A_1283] : memref<8192x2048xf32, #tpu.memory_space<hbm>> -> memref<8x2048xf32, #tpu.memory_space<hbm>>
      %dma_wait3A_1285 = arith.constant 0 : i32
      %dma_wait3A_1286 = tpu.memref_slice %arg3[%add3A_1060, %dma_wait3A_1285] : memref<8192x2048xf32, #tpu.memory_space<hbm>> -> memref<8x2048xf32, #tpu.memory_space<hbm>>
      tpu.wait_dma2 semaphore(%arg15 : memref<!tpu.dma_semaphore, #tpu.memory_space<semaphore_mem>>) src(%arg5 : memref<8x2048xf32, #tpu.memory_space<vmem>>) dst(%dma_wait3A_1286 : memref<8x2048xf32, #tpu.memory_space<hbm>>)
      %dma_wait3A_1287 = arith.constant 0 : i32
      %dma_wait3A_1288 = tpu.memref_slice %arg3[%add3A_1116, %dma_wait3A_1287] : memref<8192x2048xf32, #tpu.memory_space<hbm>> -> memref<8x2048xf32, #tpu.memory_space<hbm>>
      %dma_wait3A_1289 = arith.constant 0 : i32
      %dma_wait3A_1290 = tpu.memref_slice %arg3[%add3A_1116, %dma_wait3A_1289] : memref<8192x2048xf32, #tpu.memory_space<hbm>> -> memref<8x2048xf32, #tpu.memory_space<hbm>>
      tpu.wait_dma2 semaphore(%arg16 : memref<!tpu.dma_semaphore, #tpu.memory_space<semaphore_mem>>) src(%arg6 : memref<8x2048xf32, #tpu.memory_space<vmem>>) dst(%dma_wait3A_1290 : memref<8x2048xf32, #tpu.memory_space<hbm>>)
      %dma_wait3A_1291 = arith.constant 0 : i32
      %dma_wait3A_1292 = tpu.memref_slice %arg3[%add3A_1208, %dma_wait3A_1291] : memref<8192x2048xf32, #tpu.memory_space<hbm>> -> memref<8x2048xf32, #tpu.memory_space<hbm>>
      %dma_wait3A_1293 = arith.constant 0 : i32
      %dma_wait3A_1294 = tpu.memref_slice %arg3[%add3A_1208, %dma_wait3A_1293] : memref<8192x2048xf32, #tpu.memory_space<hbm>> -> memref<8x2048xf32, #tpu.memory_space<hbm>>
      tpu.wait_dma2 semaphore(%arg14 : memref<!tpu.dma_semaphore, #tpu.memory_space<semaphore_mem>>) src(%arg4 : memref<8x2048xf32, #tpu.memory_space<vmem>>) dst(%dma_wait3A_1294 : memref<8x2048xf32, #tpu.memory_space<hbm>>)
      %dma_wait3A_1295 = arith.constant 0 : i32
      %dma_wait3A_1296 = tpu.memref_slice %arg3[%add3A_1086, %dma_wait3A_1295] : memref<8192x2048xf32, #tpu.memory_space<hbm>> -> memref<8x2048xf32, #tpu.memory_space<hbm>>
      %dma_wait3A_1297 = arith.constant 0 : i32
      %dma_wait3A_1298 = arith.constant 0 : i32
      %dma_wait3A_1299 = tpu.memref_slice %arg8[%arg1, %dma_wait3A_1297, %dma_wait3A_1298] : memref<16x8x2048xf32, #tpu.memory_space<vmem_shared>> -> memref<1x8x2048xf32, #tpu.memory_space<vmem_shared>>
      %dma_wait3A_1300 = tpu.memref_squeeze %dma_wait3A_1299 : memref<1x8x2048xf32, #tpu.memory_space<vmem_shared>> -> memref<8x2048xf32, #tpu.memory_space<vmem_shared>>
      tpu.wait_dma2 semaphore(%arg21 : memref<!tpu.dma_semaphore, #tpu.memory_space<semaphore_mem>>) src(%dma_wait3A_1300 : memref<8x2048xf32, #tpu.memory_space<vmem_shared>>) dst(%dma_wait3A_1296 : memref<8x2048xf32, #tpu.memory_space<hbm>>)
      %dma_wait3A_1301 = arith.constant 0 : i32
      %dma_wait3A_1302 = tpu.memref_slice %arg3[%add3A_1184, %dma_wait3A_1301] : memref<8192x2048xf32, #tpu.memory_space<hbm>> -> memref<8x2048xf32, #tpu.memory_space<hbm>>
      %dma_wait3A_1303 = arith.constant 0 : i32
      %dma_wait3A_1304 = arith.constant 0 : i32
      %dma_wait3A_1305 = tpu.memref_slice %arg9[%arg1, %dma_wait3A_1303, %dma_wait3A_1304] : memref<16x8x2048xf32, #tpu.memory_space<vmem_shared>> -> memref<1x8x2048xf32, #tpu.memory_space<vmem_shared>>
      %dma_wait3A_1306 = tpu.memref_squeeze %dma_wait3A_1305 : memref<1x8x2048xf32, #tpu.memory_space<vmem_shared>> -> memref<8x2048xf32, #tpu.memory_space<vmem_shared>>
      tpu.wait_dma2 semaphore(%arg22 : memref<!tpu.dma_semaphore, #tpu.memory_space<semaphore_mem>>) src(%dma_wait3A_1306 : memref<8x2048xf32, #tpu.memory_space<vmem_shared>>) dst(%dma_wait3A_1302 : memref<8x2048xf32, #tpu.memory_space<hbm>>)
      %dma_wait3A_1307 = arith.constant 0 : i32
      %dma_wait3A_1308 = tpu.memref_slice %arg3[%add3A_1276, %dma_wait3A_1307] : memref<8192x2048xf32, #tpu.memory_space<hbm>> -> memref<8x2048xf32, #tpu.memory_space<hbm>>
      %dma_wait3A_1309 = arith.constant 0 : i32
      %dma_wait3A_1310 = arith.constant 0 : i32
      %dma_wait3A_1311 = tpu.memref_slice %arg7[%arg1, %dma_wait3A_1309, %dma_wait3A_1310] : memref<16x8x2048xf32, #tpu.memory_space<vmem_shared>> -> memref<1x8x2048xf32, #tpu.memory_space<vmem_shared>>
      %dma_wait3A_1312 = tpu.memref_squeeze %dma_wait3A_1311 : memref<1x8x2048xf32, #tpu.memory_space<vmem_shared>> -> memref<8x2048xf32, #tpu.memory_space<vmem_shared>>
      tpu.wait_dma2 semaphore(%arg20 : memref<!tpu.dma_semaphore, #tpu.memory_space<semaphore_mem>>) src(%dma_wait3A_1312 : memref<8x2048xf32, #tpu.memory_space<vmem_shared>>) dst(%dma_wait3A_1308 : memref<8x2048xf32, #tpu.memory_space<hbm>>)
    } else {
    }
    return
  }
}

</mosaic_0001>

<sc_bundles>
// kernel: kernel.3.cloned.1.call-start
scs
__scs_entry_jumppad:
0x0: {  	(pc) =	sbr.rel $0x88, $3  }
0x1: {  	(tag) =	ssettag $0x0;
	lr =	simm.s32 $0x1  }
0x2: {  	[smem:$0x3FA0] =	sst lr;
	_ =	strace $0xD0000000  }
0x3: {  	_ = 	snop  }
0x4: {  	_ = 	snop  }
0x5: {  	_ = 	snop  }
0x6: {  	_ = 	snop  }
0x7: {  	_ = 	snop  }
__scs_overlays_trampoline_lowered:
0x8: {  	[smem:$0x3FAF] =	sst s0  }
0x9: {  	[smem:$0x3FB0] =	sst s1  }
0xa: {  	[smem:$0x3FB1] =	sst s2  }
0xb: {  	[smem:$0x3FB2] =	sst s3  }
0xc: {  	[smem:$0x3FB3] =	sst s4  }
0xd: {  	[smem:$0x3FB4] =	sst s5  }
0xe: {  	[smem:$0x3FB5] =	sst s6  }
0xf: {  	[smem:$0x3FB6] =	sst s7  }
0x10: {  	[smem:$0x3FB7] =	sst s8  }
0x11: {  	[smem:$0x3FB8] =	sst s9;
	s0 =	simm.s32 @!p0 $0x0  }
0x12: {  	s1 =	sld [smem:$0x3F9E];
	s0 =	simm.s32 @p0 $0x1  }
0x13: {  	[smem:$0x3FB9] =	sst s0;
	s0 =	simm.s32 @!p1 $0x0  }
0x14: {  	s2 =	sld [smem:$0x3F9D];
	s0 =	simm.s32 @p1 $0x1  }
0x15: {  	[smem:$0x3FBA] =	sst s0;
	s0 =	simm.s32 @!p2 $0x0  }
0x16: {  	s3 =	sld [smem:$0x3FDB];
	s0 =	simm.s32 @p2 $0x1  }
0x17: {  	s4 =	simm.s32 $0x1BF5;
	[smem:$0x3FBC] =	sst s0  }
0x18: {  	s0 =	sld [smem:$0x3F9F];
	_ =	swait.ge [sflag:s4], $0x0  }
0x19: {  	s7 =	sld [smem:$0x3FA0]  }
0x1a: {  	s8 =	sadd.s32 $0xFFFFE003, lr  }
0x1b: {  	s9 =	sadd.s32 $0xFFFFFEF7, lr;
	s5 =	simm.s32 $0xFFFFFFFF;
	p2 =	slt.u32 s8, $0xFFFFF086  }
0x1c: {  	p1 =	slt.u32 s9, $0xF7A;
	s5 =	simm.s32 @!p2 $0x0  }
0x1d: {  	s5 =	simm.s32 @p1 $0x1;
	p0 =	seq.s32 s7, s2  }
0x1e: {  	s7 =	smul.u32 @!p0 $0xF7A, s2;
	p2 =	seq.s32 @!p0 s5, $0x0  }
0x1f: {  	s9 =	smul.u32 $0xF7A, s1;
	s8 =	simm.s32 @!p0 $0x1BF5;
	p2 =	por !p2, p0  }
0x20: {  	[sflag:s8] =	ssyncset.s32 @!p0 $0xFFFFF086;
	s6 =	sadd.s32 @!p0 s3, s7;
	s7 =	simm.s32 @!p0 $0x108  }
0x21: {  	s3 =	sadd.s32 s3, s9;
	s6 =	sadd.s32 @!p0 $0x88, s6;
	s7 =	simm.s32 @p2 $0x1082  }
0x22: {  	[simem:s7], [sflag:s8] =	dma.local @!p0 [hbm:s6], $0xF7A  }
0x23: {  	s9 =	sor.u32 $0xD0000000, s2;
	s6 =	simm.s32 $0x108;
	_ =	swait.ge @!p0 [sflag:s8], $0x0  }
0x24: {  	s3 =	sadd.s32 $0x88, s3;
	s6 =	simm.s32 @!p1 $0x1082;
	[sflag:s4] =	ssyncset.s32 $0xFFFFF086  }
0x25: {  	[simem:s6], [sflag:s4] =	dma.local [hbm:s3], $0xF7A  }
0x26: {  	[smem:$0x3FA0] =	sst s1;
	(tag) =	ssettag s2;
	_ =	strace s9  }
0x27: {  	s1 =	sld [smem:$0x3FB0]  }
0x28: {  	s2 =	sld [smem:$0x3FB1]  }
0x29: {  	s4 =	sld [smem:$0x3FB3]  }
0x2a: {  	p0 =	seq.s32 s5, $0x0;
	s5 =	sld [smem:$0x3FB4]  }
0x2b: {  	s6 =	sld [smem:$0x3FB5]  }
0x2c: {  	s7 =	sld [smem:$0x3FB6]  }
0x2d: {  	s3 =	simm.s32 $0x108;
	s8 =	sld [smem:$0x3FB7]  }
0x2e: {  	s3 =	simm.s32 @!p0 $0x1082;
	s9 =	sld [smem:$0x3FB8]  }
0x2f: {  	lr =	sadd.s32 s0, s3;
	s0 =	sld [smem:$0x3FAF]  }
0x30: {  	s3 =	sld [smem:$0x3FB2]  }
0x31: {  	[smem:$0x3FBB] =	sst s10  }
0x32: {  	s10 =	sld [smem:$0x3FB9];
	_ =	sdelay $0x3  }
0x33: {  	p0 =	seq.s32 s10, $0x1;
	s10 =	sld [smem:$0x3FBB];
	_ =	sdelay $0x3  }
0x34: {  	[smem:$0x3FBB] =	sst s10  }
0x35: {  	s10 =	sld [smem:$0x3FBA];
	_ =	sdelay $0x3  }
0x36: {  	p1 =	seq.s32 s10, $0x1;
	s10 =	sld [smem:$0x3FBB];
	_ =	sdelay $0x3  }
0x37: {  	[smem:$0x3FBB] =	sst s10  }
0x38: {  	s10 =	sld [smem:$0x3FBC]  }
0x39: {  	_ = 	snop;
	(pc) =	sbr.ind lr, $3  }
0x3a: {  	_ = 	snop  }
0x3b: {  	_ = 	snop  }
0x3c: {  	p2 =	seq.s32 s10, $0x1;
	s10 =	sld [smem:$0x3FBB]  }
0x3d: {  	_ =	shalt  }
0x3e: {  	_ =	shalt  }
0x3f: {  	_ =	shalt  }
0x40: {  	_ =	shalt  }
0x41: {  	_ =	shalt  }
0x42: {  	_ =	shalt  }
0x43: {  	_ =	shalt  }
0x44: {  	_ =	shalt  }
0x45: {  	_ =	shalt  }
0x46: {  	_ =	shalt  }
0x47: {  	_ =	shalt  }
0x48: {  	_ =	shalt  }
0x49: {  	_ =	shalt  }
0x4a: {  	_ =	shalt  }
0x4b: {  	_ =	shalt  }
0x4c: {  	_ =	shalt  }
0x4d: {  	_ =	shalt  }
0x4e: {  	_ =	shalt  }
0x4f: {  	_ =	shalt  }
0x50: {  	_ =	shalt  }
0x51: {  	_ =	shalt  }
0x52: {  	_ =	shalt  }
0x53: {  	_ =	shalt  }
0x54: {  	_ =	shalt  }
0x55: {  	_ =	shalt  }
0x56: {  	_ =	shalt  }
0x57: {  	_ =	shalt  }
0x58: {  	_ =	shalt  }
0x59: {  	_ =	shalt  }
0x5a: {  	_ =	shalt  }
0x5b: {  	_ =	shalt  }
0x5c: {  	_ =	shalt  }
0x5d: {  	_ =	shalt  }
0x5e: {  	_ =	shalt  }
0x5f: {  	_ =	shalt  }
0x60: {  	_ =	shalt  }
0x61: {  	_ =	shalt  }
0x62: {  	_ =	shalt  }
0x63: {  	_ =	shalt  }
0x64: {  	_ =	shalt  }
0x65: {  	_ =	shalt  }
0x66: {  	_ =	shalt  }
0x67: {  	_ =	shalt  }
0x68: {  	_ =	shalt  }
0x69: {  	_ =	shalt  }
0x6a: {  	_ =	shalt  }
0x6b: {  	_ =	shalt  }
0x6c: {  	_ =	shalt  }
0x6d: {  	_ =	shalt  }
0x6e: {  	_ =	shalt  }
0x6f: {  	_ =	shalt  }
0x70: {  	_ =	shalt  }
0x71: {  	_ =	shalt  }
0x72: {  	_ =	shalt  }
0x73: {  	_ =	shalt  }
0x74: {  	_ =	shalt  }
0x75: {  	_ =	shalt  }
0x76: {  	_ =	shalt  }
0x77: {  	_ =	shalt  }
0x78: {  	_ =	shalt  }
0x79: {  	_ =	shalt  }
0x7a: {  	_ =	shalt  }
0x7b: {  	_ =	shalt  }
0x7c: {  	_ =	shalt  }
0x7d: {  	_ =	shalt  }
0x7e: {  	_ =	shalt  }
0x7f: {  	_ =	shalt  }
0x80: {  	_ =	shalt  }
0x81: {  	_ =	shalt  }
0x82: {  	_ =	shalt  }
0x83: {  	_ =	shalt  }
0x84: {  	_ =	shalt  }
0x85: {  	_ =	shalt  }
0x86: {  	_ =	shalt  }
0x87: {  	_ =	shalt  }
.Lfunc_end0:
.L_simem_size_0:
called_computation_lowered:
.L_overlay_start_0:
0x88: {  	s2 =	sld [smem:$0x3FD9]  }
0x89: {  	s3 =	sld [smem:$0x3FFE];
	_ =	sdelay $0x1  }
0x8a: {  	s1 =	srdreg.scid  }
0x8b: {  	s0 =	sand.u32 $0x1, s1  }
0x8c: {  	s18 =	sshll.u32 s0, $0xA;
	s2 =	sadd.s32 s3, s2  }
0x8d: {  	s2 =	sadd.s32 s2, s18  }
0x8e: {  	[smem:$0x3FC7] =	sst s2  }
0x8f: {  	_ = 	snop  }
0x90: {  	s2 =	sld [smem:$0x3FC9]  }
0x91: {  	s19 =	sld [smem:$0x3FD0];
	(tm) =	ssettm $0x1  }
0x92: {  	s4 =	sld [smem:$0x3FFB];
	_ =	sdelay $0x3  }
0x93: {  	_ =	strace s4  }
0x94: {  	s4 =	sld [smem:$0x3FFC];
	_ =	sdelay $0x3  }
0x95: {  	_ =	strace s4  }
0x96: {  	s4 =	sld [smem:$0x3FFD];
	_ =	sdelay $0x3  }
0x97: {  	_ =	strace s4  }
0x98: {  	_ =	strace $0x8FFFFFFF  }
0x99: {  	s20 =	sld [smem:$0x3FDB];
	_ =	sdelay $0x1  }
0x9a: {  	s5 =	simm.s32 $_scs_section_size  }
0x9b: {  	s6 =	simm.s32 $_size__tile_overlayer_lowered;
	s7 =	simm.s32 $_tile_overlayer_lowered  }
0x9c: {  	s23 =	simm.s32 $0x1BFF;
	s22 =	sshll.u32 s7, $0x1;
	s4 =	sadd.s32 s5, s20  }
0x9d: {  	s8 =	simm.s32 $0x0;
	s21 =	sshll.u32 s6, $0x1;
	s6 =	sadd.s32 s22, s4  }
0x9e: {  	[timem:s8], [sflag:s23] =	dma.local [hbm:s6], s21  }
0x9f: {  	_ =	swait.ge [sflag:s23], s21  }
0xa0: {  	s5 =	ssub.s32 $0x0, s21;
	[sflag:s23] =	ssyncset.done $0x0  }
0xa1: {  	[sflag:s23] =	ssyncadd.s32 s5;
	_ =	sdelay $0x1  }
0xa2: {  	s24 =	simm.s32 $0x1B8B  }
0xa3: {  	_ =	swait.ge [sflag:s24], $0x1  }
0xa4: {  	[sflag:s24] =	ssyncset.done $0x0  }
0xa5: {  	s25 =	simm.s32 $0x1B8E;
	[sflag:s24] =	ssyncadd.s32 $0xFFFFFFFF  }
0xa6: {  	s26 =	simm.s32 $execute0_lowered;
	[smem:$0x3FD2] =	sst s25  }
0xa7: {  	s5 =	sshll.u32 s26, $0x1;
	_ =	strace $0x80000046;
	[dreg:$0x1] =	wrdreg $0xFFFFFFFF  }
0xa8: {  	s28 =	simm.s32 $_size_execute0_lowered;
	s4 =	sadd.s32 s4, s5;
	[dreg:$0x0] =	wrdreg $0x0  }
0xa9: {  	s5 =	sshll.u32 s28, $0x1;
	[dreg:$0x2] =	wrdreg s4  }
0xaa: {  	[dreg:$0x3] =	wrdreg s5  }
0xab: {  	[dreg:$0x4] =	wrdreg $0xC0  }
0xac: {  	_ =	task [dreg:s8], $0x5FFFF  }
0xad: {  	[dreg:$0x1] =	wrdreg $0xFFFFFFFF  }
0xae: {  	[dreg:$0x0] =	wrdreg $0x60  }
0xaf: {  	[dreg:$0x2] =	wrdreg s2  }
0xb0: {  	[dreg:$0x3] =	wrdreg s19  }
0xb1: {  	[dreg:$0x4] =	wrdreg $0xC0000  }
0xb2: {  	[dreg:$0x5] =	wrdreg $0x100000  }
0xb3: {  	[dreg:$0x6] =	wrdreg $0x140000  }
0xb4: {  	[dreg:$0x7] =	wrdreg $0x9  }
0xb5: {  	_ =	task.clear_ibuf [dreg:s8], $0x8FFFF;
	_ =	strace $0x90000046  }
0xb6: {  	s29 =	simm.s32 $0x9;
	_ =	strace $0x80000048  }
0xb7: {  	_ =	swait.ge [sflag:s29], $0x1  }
0xb8: {  	[sflag:s29] =	ssyncadd.s32 $0xFFFFFFFF  }
0xb9: {  	_ =	strace $0x90000048  }
0xba: {  	_ =	sfence  }
0xbb: {  	s30 =	sld [smem:$0x0];
	_ =	sdelay $0x2  }
0xbc: {  	s31 =	sshll.u32 s1, $0xD;
	s1 =	sshrl.u32 s1, $0x2  }
0xbd: {  	s3 =	sand.u32 $0x4000, s31;
	s1 =	sadd.s32 s1, s30  }
0xbe: {  	s0 =	sor.u32 s3, s0;
	s1 =	sshll.u32 s1, $0x11  }
0xbf: {  	s0 =	sor.u32 s1, s0  }
0xc0: {  	s0 =	sadd.s32 $0x8F2B, s0  }
0xc1: {  	[sflag:s0] =	ssyncadd.remote.s32 $0x1  }
0xc2: {  	_ =	sfence.sel $0xFFFF  }
0xc3: {  	[dreg:$0x0] =	wrdreg $0xFFFFFFFF;
	(pc) =	sbr.abs _section_cstart, $3  }
0xc4: {  	[dreg:$0x1] =	wrdreg $0xFFFFFFFF  }
0xc5: {  	_ =	task.clear_ibuf [dreg:s8], $0x2FFFF;
	_ =	strace $0x9FFFFFFF  }
0xc6: {  	(tm) =	ssettm $0x7FFFFFFF  }
0xc7: {  	_ =	shalt  }
tec
execute0_lowered:
.L_overlay_start_1:
0x0: {  	(tag) =	ssettag $0x1  }
0x1: {  	s0 =	rddreg [dreg:$0x0]  }
0x2: {  	s28 =	rddreg [dreg:$0x1]  }
0x3: {  	s3 =	rddreg [dreg:$0x2]  }
0x4: {  	s4 =	rddreg [dreg:$0x3];
	s2 =	simm.s32 $0x0;
	s7 =	stileid.u32  }
0x5: {  	[smem:$0x7FF] =	sst s2;
	s2 =	sshll.u32 s7, $0x11;
	s7 =	sshll.u32 s7, $0xE  }
0x6: {  	s5 =	rddreg [dreg:$0x4];
	_ =	strace $0x80000047;
	s11 =	sadd.s32 s7, s4  }
0x7: {  	s10 =	sadd.s32 s7, s3;
	s7 =	sadd.s32 s7, s5;
	[dreg:$0x9] =	wrdreg s11  }
0x8: {  	s26 =	sor.u32 $0x1000, s2;
	[dreg:$0xc] =	wrdreg s7  }
0x9: {  	s13 =	sor.u32 $0x800, s2;
	s8 =	sadd.s32 s0, s26;
	[dreg:$0x7] =	wrdreg s10  }
0xa: {  	s15 =	sor.u32 $0x1800, s2;
	s14 =	sadd.s32 s0, s13;
	[dreg:$0x6] =	wrdreg s8  }
0xb: {  	s9 =	sor.u32 $0x2000, s2;
	s16 =	sadd.s32 s0, s15;
	[dreg:$0x8] =	wrdreg s14  }
0xc: {  	s18 =	sor.u32 $0x2800, s2;
	s17 =	sadd.s32 s0, s9;
	[dreg:$0xa] =	wrdreg s16  }
0xd: {  	s12 =	sadd.s32 s0, s18;
	[dreg:$0xb] =	wrdreg s17  }
0xe: {  	s19 =	sor.u32 $0x3000, s2;
	s3 =	sadd.s32 s28, s13;
	[dreg:$0xd] =	wrdreg s12  }
0xf: {  	s1 =	srdreg.scid;
	s20 =	sadd.s32 s0, s19;
	[dreg:$0xe] =	wrdreg s3  }
0x10: {  	s22 =	sor.u32 $0x3800, s2;
	s21 =	sadd.s32 s28, s26;
	[dreg:$0xf] =	wrdreg s20  }
0x11: {  	s6 =	sand.u32 $0x1, s1;
	s24 =	sadd.s32 s0, s22;
	[dreg:$0x10] =	wrdreg s21  }
0x12: {  	s1 =	ssub.s32 $0x2, s6;
	s26 =	sadd.s32 s28, s9;
	[dreg:$0x11] =	wrdreg s24  }
0x13: {  	p0 =	seq.s32 s6, $0x1;
	s4 =	sadd.s32 s28, s18;
	[dreg:$0x14] =	wrdreg s26  }
0x14: {  	s5 =	sor.u32 $0x8000, s2;
	s9 =	sadd.s32 s28, s19;
	[dreg:$0x15] =	wrdreg s4  }
0x15: {  	s23 =	sor.u32 $0x4000, s2;
	s6 =	sadd.s32 s0, s5;
	[dreg:$0x16] =	wrdreg s9  }
0x16: {  	s25 =	sshrl.u32 s1, $0x1;
	s8 =	sadd.s32 s28, s15;
	[smem:$0x78A] =	sst s6  }
0x17: {  	s1 =	ssub.s32 s1, s25;
	s25 =	sadd.s32 s0, s23;
	[dreg:$0x12] =	wrdreg s8  }
0x18: {  	s3 =	sadd.s32 s28, s22;
	[dreg:$0x13] =	wrdreg s25  }
0x19: {  	s13 =	sor.u32 $0x4800, s2;
	s12 =	sadd.s32 s28, s23;
	[dreg:$0x17] =	wrdreg s3  }
0x1a: {  	s19 =	sor.u32 $0x6000, s2;
	s14 =	sadd.s32 s0, s13;
	[dreg:$0x18] =	wrdreg s12  }
0x1b: {  	s20 =	sadd.s32 s0, s19;
	[dreg:$0x19] =	wrdreg s14  }
0x1c: {  	s15 =	sor.u32 $0x5000, s2;
	s3 =	sadd.s32 s28, s13;
	[dreg:$0x1f] =	wrdreg s20  }
0x1d: {  	s17 =	sor.u32 $0x5800, s2;
	s16 =	sadd.s32 s0, s15;
	[dreg:$0x1a] =	wrdreg s3  }
0x1e: {  	s21 =	sor.u32 $0x6800, s2;
	s18 =	sadd.s32 s0, s17;
	[dreg:$0x1b] =	wrdreg s16  }
0x1f: {  	s23 =	sor.u32 $0x7000, s2;
	s22 =	sadd.s32 s0, s21;
	[dreg:$0x1d] =	wrdreg s18  }
0x20: {  	s24 =	sadd.s32 s0, s23;
	[smem:$0x784] =	sst s22  }
0x21: {  	s25 =	sor.u32 $0x7800, s2;
	s3 =	sadd.s32 s28, s15;
	[smem:$0x786] =	sst s24  }
0x22: {  	s8 =	sor.u32 $0x8800, s2;
	s26 =	sadd.s32 s0, s25;
	[dreg:$0x1c] =	wrdreg s3  }
0x23: {  	s12 =	sor.u32 $0x9000, s2;
	s9 =	sadd.s32 s0, s8;
	[smem:$0x788] =	sst s26  }
0x24: {  	s14 =	sor.u32 $0x9800, s2;
	s13 =	sadd.s32 s0, s12;
	[smem:$0x78C] =	sst s9  }
0x25: {  	s15 =	sadd.s32 s0, s14;
	[smem:$0x78E] =	sst s13  }
0x26: {  	s16 =	sor.u32 $0xA000, s2;
	s3 =	sadd.s32 s28, s17;
	[smem:$0x790] =	sst s15  }
0x27: {  	s17 =	sadd.s32 s0, s16;
	[dreg:$0x1e] =	wrdreg s3  }
0x28: {  	s18 =	sor.u32 $0xA800, s2;
	s3 =	sadd.s32 s28, s19;
	[smem:$0x792] =	sst s17  }
0x29: {  	s19 =	sadd.s32 s0, s18;
	[smem:$0x783] =	sst s3  }
0x2a: {  	s20 =	sor.u32 $0xB000, s2;
	s3 =	sadd.s32 s28, s21;
	[smem:$0x794] =	sst s19  }
0x2b: {  	s21 =	sadd.s32 s0, s20;
	[smem:$0x785] =	sst s3  }
0x2c: {  	s22 =	sor.u32 $0xB800, s2;
	s3 =	sadd.s32 s28, s23;
	[smem:$0x796] =	sst s21  }
0x2d: {  	s23 =	sadd.s32 s0, s22;
	[smem:$0x787] =	sst s3  }
0x2e: {  	s24 =	sor.u32 $0xC000, s2;
	s3 =	sadd.s32 s28, s25;
	[smem:$0x798] =	sst s23  }
0x2f: {  	s25 =	sadd.s32 s0, s24;
	[smem:$0x789] =	sst s3  }
0x30: {  	s26 =	sor.u32 $0xC800, s2;
	s3 =	sadd.s32 s28, s5;
	[smem:$0x79A] =	sst s25  }
0x31: {  	s5 =	sadd.s32 s0, s26;
	[smem:$0x78B] =	sst s3  }
0x32: {  	s6 =	sor.u32 $0xD000, s2;
	s3 =	sadd.s32 s28, s8;
	[smem:$0x79C] =	sst s5  }
0x33: {  	s8 =	sadd.s32 s0, s6;
	[smem:$0x78D] =	sst s3  }
0x34: {  	s9 =	sor.u32 $0xD800, s2;
	s3 =	sadd.s32 s28, s12;
	[smem:$0x79E] =	sst s8  }
0x35: {  	s12 =	sadd.s32 s0, s9;
	[smem:$0x78F] =	sst s3  }
0x36: {  	s13 =	sor.u32 $0xE000, s2;
	s3 =	sadd.s32 s28, s14;
	[smem:$0x7A0] =	sst s12  }
0x37: {  	s14 =	sadd.s32 s0, s13;
	[smem:$0x791] =	sst s3  }
0x38: {  	s15 =	sor.u32 $0xE800, s2;
	s3 =	sadd.s32 s28, s16;
	[smem:$0x7A2] =	sst s14  }
0x39: {  	s16 =	sadd.s32 s0, s15;
	[smem:$0x793] =	sst s3  }
0x3a: {  	s17 =	sor.u32 $0xF000, s2;
	s3 =	sadd.s32 s28, s18;
	[smem:$0x7A4] =	sst s16  }
0x3b: {  	s18 =	sadd.s32 s0, s17;
	[smem:$0x795] =	sst s3  }
0x3c: {  	s19 =	sor.u32 $0x10000, s2;
	s3 =	sadd.s32 s28, s20;
	[smem:$0x7A6] =	sst s18  }
0x3d: {  	s20 =	sadd.s32 s0, s19;
	[smem:$0x797] =	sst s3  }
0x3e: {  	s21 =	sor.u32 $0x10800, s2;
	s3 =	sadd.s32 s28, s22;
	[smem:$0x7A8] =	sst s20  }
0x3f: {  	s22 =	sadd.s32 s0, s21;
	[smem:$0x799] =	sst s3  }
0x40: {  	s23 =	sor.u32 $0x11000, s2;
	s3 =	sadd.s32 s28, s24;
	[smem:$0x7AA] =	sst s22  }
0x41: {  	s24 =	sadd.s32 s0, s23;
	[smem:$0x79B] =	sst s3  }
0x42: {  	s25 =	sor.u32 $0x11800, s2;
	s3 =	sadd.s32 s28, s26;
	[smem:$0x7AC] =	sst s24  }
0x43: {  	s26 =	sadd.s32 s0, s25;
	[smem:$0x79D] =	sst s3  }
0x44: {  	s5 =	sor.u32 $0x12000, s2;
	s3 =	sadd.s32 s28, s6;
	[smem:$0x7AE] =	sst s26  }
0x45: {  	s6 =	sadd.s32 s0, s5;
	[smem:$0x79F] =	sst s3  }
0x46: {  	s8 =	sor.u32 $0x12800, s2;
	s3 =	sadd.s32 s28, s9;
	[smem:$0x7B0] =	sst s6  }
0x47: {  	s9 =	sadd.s32 s0, s8;
	[smem:$0x7A1] =	sst s3  }
0x48: {  	s12 =	sor.u32 $0x13000, s2;
	s3 =	sadd.s32 s28, s13;
	[smem:$0x7B2] =	sst s9  }
0x49: {  	s13 =	sadd.s32 s0, s12;
	[smem:$0x7A3] =	sst s3  }
0x4a: {  	s14 =	sor.u32 $0x13800, s2;
	s3 =	sadd.s32 s28, s15;
	[smem:$0x7B4] =	sst s13  }
0x4b: {  	s15 =	sadd.s32 s0, s14;
	[smem:$0x7A5] =	sst s3  }
0x4c: {  	s16 =	sor.u32 $0x14000, s2;
	s3 =	sadd.s32 s28, s17;
	[smem:$0x7B6] =	sst s15  }
0x4d: {  	s17 =	sadd.s32 s0, s16;
	[smem:$0x7A7] =	sst s3  }
0x4e: {  	s18 =	sor.u32 $0x14800, s2;
	s3 =	sadd.s32 s28, s19;
	[smem:$0x7B8] =	sst s17  }
0x4f: {  	s19 =	sadd.s32 s0, s18;
	[smem:$0x7A9] =	sst s3  }
0x50: {  	s20 =	sor.u32 $0x15000, s2;
	s3 =	sadd.s32 s28, s21;
	[smem:$0x7BA] =	sst s19  }
0x51: {  	s21 =	sadd.s32 s0, s20;
	[smem:$0x7AB] =	sst s3  }
0x52: {  	s22 =	sor.u32 $0x15800, s2;
	s3 =	sadd.s32 s28, s23;
	[smem:$0x7BC] =	sst s21  }
0x53: {  	s23 =	sadd.s32 s0, s22;
	[smem:$0x7AD] =	sst s3  }
0x54: {  	s24 =	sor.u32 $0x16000, s2;
	s3 =	sadd.s32 s28, s25;
	[smem:$0x7BE] =	sst s23  }
0x55: {  	s25 =	sadd.s32 s0, s24;
	[smem:$0x7AF] =	sst s3  }
0x56: {  	s26 =	sor.u32 $0x16800, s2;
	s3 =	sadd.s32 s28, s5;
	[smem:$0x7C0] =	sst s25  }
0x57: {  	s5 =	sadd.s32 s0, s26;
	[smem:$0x7B1] =	sst s3  }
0x58: {  	s6 =	sor.u32 $0x17000, s2;
	s3 =	sadd.s32 s28, s8;
	[smem:$0x7C2] =	sst s5  }
0x59: {  	s8 =	sadd.s32 s0, s6;
	[smem:$0x7B3] =	sst s3  }
0x5a: {  	s9 =	sor.u32 $0x17800, s2;
	s3 =	sadd.s32 s28, s12;
	[smem:$0x7C4] =	sst s8  }
0x5b: {  	s12 =	sadd.s32 s0, s9;
	[smem:$0x7B5] =	sst s3  }
0x5c: {  	s13 =	sor.u32 $0x18000, s2;
	s3 =	sadd.s32 s28, s14;
	[smem:$0x7C6] =	sst s12  }
0x5d: {  	s14 =	sadd.s32 s0, s13;
	[smem:$0x7B7] =	sst s3  }
0x5e: {  	s15 =	sor.u32 $0x18800, s2;
	s3 =	sadd.s32 s28, s16;
	[smem:$0x7C8] =	sst s14  }
0x5f: {  	s16 =	sadd.s32 s0, s15;
	[smem:$0x7B9] =	sst s3  }
0x60: {  	s17 =	sor.u32 $0x19000, s2;
	s3 =	sadd.s32 s28, s18;
	[smem:$0x7CA] =	sst s16  }
0x61: {  	s18 =	sadd.s32 s0, s17;
	[smem:$0x7BB] =	sst s3  }
0x62: {  	s16 =	sadd.s32 s0, s2;
	[smem:$0x7CC] =	sst s18  }
0x63: {  	s19 =	sor.u32 $0x19800, s2;
	s3 =	sadd.s32 s28, s20;
	[smem:$0x7DE] =	sst s16  }
0x64: {  	s20 =	sadd.s32 s0, s19;
	[smem:$0x7BD] =	sst s3  }
0x65: {  	s18 =	sor.u32 $0xF800, s2;
	[smem:$0x7CE] =	sst s20  }
0x66: {  	s16 =	sadd.s32 $0x200, s7;
	[smem:$0x7E0] =	sst s18  }
0x67: {  	s21 =	sor.u32 $0x1A000, s2;
	s3 =	sadd.s32 s28, s22;
	[smem:$0x7F3] =	sst s16  }
0x68: {  	s22 =	sadd.s32 s0, s21;
	[smem:$0x7BF] =	sst s3  }
0x69: {  	s23 =	sor.u32 $0x1A800, s2;
	s3 =	sadd.s32 s28, s24;
	[smem:$0x7D0] =	sst s22  }
0x6a: {  	s24 =	sadd.s32 s0, s23;
	[smem:$0x7C1] =	sst s3  }
0x6b: {  	s25 =	sor.u32 $0x1B000, s2;
	s3 =	sadd.s32 s28, s26;
	[smem:$0x7D2] =	sst s24  }
0x6c: {  	s20 =	sor.u32 $0x1E000, s2;
	s26 =	sadd.s32 s0, s25;
	[smem:$0x7C3] =	sst s3  }
0x6d: {  	s24 =	sadd.s32 s0, s20;
	[smem:$0x7D4] =	sst s26  }
0x6e: {  	s5 =	sor.u32 $0x1B800, s2;
	s3 =	sadd.s32 s28, s6;
	[smem:$0x7E3] =	sst s24  }
0x6f: {  	s22 =	sor.u32 $0x1F000, s2;
	s6 =	sadd.s32 s0, s5;
	[smem:$0x7C5] =	sst s3  }
0x70: {  	s26 =	sadd.s32 s0, s22;
	[smem:$0x7D6] =	sst s6  }
0x71: {  	s24 =	sadd.s32 $0x80, s7;
	[smem:$0x7E5] =	sst s26  }
0x72: {  	s8 =	sor.u32 $0x1C000, s2;
	s3 =	sadd.s32 s28, s9;
	[smem:$0x7FB] =	sst s24  }
0x73: {  	s9 =	sadd.s32 s0, s8;
	[smem:$0x7C7] =	sst s3  }
0x74: {  	s6 =	smax.u32 s1, $0x1;
	[smem:$0x7D8] =	sst s9  }
0x75: {  	s26 =	sadd.s32 $0x280, s10;
	[smem:$0x7EC] =	sst s6  }
0x76: {  	s12 =	sor.u32 $0x1C800, s2;
	s3 =	sadd.s32 s28, s13;
	[smem:$0x7FD] =	sst s26  }
0x77: {  	s13 =	sadd.s32 s0, s12;
	[smem:$0x7C9] =	sst s3  }
0x78: {  	s9 =	sadd.s32 $0x280, s7;
	[smem:$0x7DA] =	sst s13  }
0x79: {  	s14 =	sor.u32 $0x1D000, s2;
	s3 =	sadd.s32 s28, s15;
	[smem:$0x7EE] =	sst s9  }
0x7a: {  	s15 =	sadd.s32 s0, s14;
	[smem:$0x7CB] =	sst s3  }
0x7b: {  	s13 =	sadd.s32 $0x80, s11;
	[smem:$0x7DC] =	sst s15  }
0x7c: {  	s3 =	sadd.s32 s28, s17;
	[smem:$0x7F0] =	sst s13  }
0x7d: {  	s17 =	sadd.s32 s28, s2;
	[smem:$0x7CD] =	sst s3  }
0x7e: {  	s15 =	sadd.s32 $0x300, s11;
	[smem:$0x7DF] =	sst s17  }
0x7f: {  	s3 =	sadd.s32 s28, s19;
	[smem:$0x7F2] =	sst s15  }
0x80: {  	s17 =	sadd.s32 $0x200, s10;
	[smem:$0x7CF] =	sst s3  }
0x81: {  	s19 =	sor.u32 $0x1D800, s2;
	s3 =	sadd.s32 s28, s21;
	[smem:$0x7F4] =	sst s17  }
0x82: {  	s21 =	sor.u32 $0x1E800, s2;
	s2 =	sor.u32 $0x1F800, s2;
	[smem:$0x7D1] =	sst s3  }
0x83: {  	s3 =	sadd.s32 s28, s23;
	[smem:$0x7E6] =	sst s2  }
0x84: {  	s23 =	sadd.s32 s0, s19;
	[smem:$0x7D3] =	sst s3  }
0x85: {  	s4 =	sadd.s32 s28, s21;
	[smem:$0x7E2] =	sst s23  }
0x86: {  	s3 =	sadd.s32 s28, s25;
	[smem:$0x7EA] =	sst s4  }
0x87: {  	s25 =	sadd.s32 s0, s21;
	[smem:$0x7D5] =	sst s3  }
0x88: {  	s21 =	sadd.s32 $0x80, s10;
	[smem:$0x7E4] =	sst s25  }
0x89: {  	s23 =	sadd.s32 $0x280, s11;
	[smem:$0x7F8] =	sst s21  }
0x8a: {  	s30 =	simm.s32 $0x1;
	s3 =	sadd.s32 s28, s5;
	[smem:$0x7FA] =	sst s23  }
0x8b: {  	s31 =	simm.s32 $0x7;
	s5 =	sadd.s32 s28, s22;
	[smem:$0x7D7] =	sst s3  }
0x8c: {  	s29 =	simm.s32 $0x80;
	s22 =	sadd.s32 $0x100, s10;
	[smem:$0x7EB] =	sst s5  }
0x8d: {  	s24 =	simm.s32 $0x6;
	s25 =	sadd.s32 $0x380, s7;
	[smem:$0x7F9] =	sst s22  }
0x8e: {  	s26 =	simm.s32 $0x400;
	s3 =	sadd.s32 s28, s8;
	[smem:$0x7FC] =	sst s25  }
0x8f: {  	s13 =	simm.s32 $0x2;
	s8 =	sadd.s32 s0, s18;
	[smem:$0x7D9] =	sst s3  }
0x90: {  	s15 =	simm.s32 $0x5;
	s0 =	sadd.s32 s0, s2;
	[smem:$0x7E1] =	sst s8  }
0x91: {  	s17 =	simm.s32 $0x8000;
	s2 =	sadd.s32 s28, s19;
	[smem:$0x7E7] =	sst s0  }
0x92: {  	s4 =	simm.s32 $0x0;
	s18 =	sadd.s32 $0x180, s10;
	[smem:$0x7E8] =	sst s2  }
0x93: {  	s23 =	simm.s32 $0x9;
	s19 =	sadd.s32 $0x300, s10;
	[smem:$0x7F5] =	sst s18  }
0x94: {  	s25 =	simm.s32 $0xC;
	s3 =	sadd.s32 s28, s12;
	[smem:$0x7F6] =	sst s19  }
0x95: {  	s8 =	sadd.s32 $0x380, s11;
	s12 =	sadd.s32 $0x380, s10;
	[smem:$0x7DB] =	sst s3  }
0x96: {  	s11 =	simm.s32 $0xD;
	s2 =	simm.s32 $0xA;
	[smem:$0x7ED] =	sst s8  }
.Ltmp0:
0x97: {  	s3 =	sadd.s32 s28, s14;
	[smem:$0x7EF] =	sst s12;
	(pc) =	sbr.rel .LBB2_1-.Ltmp0, $4  }
0x98: {  	s19 =	simm.s32 $0x3;
	s14 =	sadd.s32 $0x180, s7;
	[smem:$0x7DD] =	sst s3  }
0x99: {  	s12 =	simm.s32 $0x4;
	s3 =	sadd.s32 s28, s20;
	[smem:$0x7F1] =	sst s14  }
0x9a: {  	s20 =	sadd.s32 $0x300, s7;
	s28 =	simm.s32 $0x18000;
	[smem:$0x7E9] =	sst s3  }
0x9b: {  	v0 =	vimm.f32 $0.0e+00;
	s14 =	simm.s32 $0x8;
	[smem:$0x7F7] =	sst s20;
	s20 =	simm.s32 $0xB  }
.LBB2_28:
0x9c: {  	s0 =	sor.u32 $0x290, s3  }
0x9d: {  	s9 =	sor.u32 $0x2A0, s3;
	s4 =	sld [smem:$0x79B];
	[tilespmem:s0+$0x0] =	vst v0  }
0x9e: {  	s3 =	sor.u32 $0x2B0, s3;
	[tilespmem:s9+$0x0] =	vst v0  }
0x9f: {  	s0 =	simm.s32 $0x0;
	[tilespmem:s3+$0x0] =	vst v0  }
0xa0: {  	[hbm4b:s4+s0] =	stream.linear.scatter [tilespmem:s0], [sflag:$0x4], $0x4000, $0x38;
	[tilespmem:$0x18800] =	vst v63  }
0xa1: {  	_ =	swait.ge [sflag:s25], $0x800  }
0xa2: {  	s5 =	sld [smem:$0x7A4]  }
0xa3: {  	[sflag:s25] =	ssyncset.done $0x0  }
0xa4: {  	s3 =	simm.s32 $0x7;
	[sflag:s25] =	ssyncadd.s32 $0xFFFFF800  }
0xa5: {  	[spmem:s7], [sflag:s18] =	dma.local [hbm:s5], $0x800  }
0xa6: {  	_ =	swait.ge [sflag:s3], $0x800  }
0xa7: {  	s4 =	sld [smem:$0x79D]  }
0xa8: {  	[sflag:s3] =	ssyncset.done $0x0  }
0xa9: {  	[sflag:s3] =	ssyncadd.s32 $0xFFFFF800  }
0xaa: {  	[hbm:s4], [sflag:s21] =	dma.local [spmem:s16], $0x800  }
0xab: {  	_ =	swait.ge [sflag:s12], $0x4000  }
0xac: {  	s9 =	sld [smem:$0x7A6]  }
0xad: {  	[sflag:s12] =	ssyncset.done $0x0  }
0xae: {  	[sflag:s12] =	ssyncadd.s32 $0xFFFFC000  }
0xaf: {  	[tilespmem:s0], [sflag:$0x1] =	stream.linear.gather [hbm4b:s9+s0], $0x4000, $0x38;
	[tilespmem:$0x18800] =	vst v63  }
0xb0: {  	_ =	swait.ge [sflag:s13], $0x4000  }
0xb1: {  	s18 =	sld [smem:$0x79F]  }
0xb2: {  	[sflag:s13] =	ssyncset.done $0x0  }
0xb3: {  	s5 =	simm.s32 $0x4000;
	[sflag:s13] =	ssyncadd.s32 $0xFFFFC000  }
0xb4: {  	[hbm4b:s18+s0] =	stream.linear.scatter [tilespmem:s5], [sflag:$0x5], $0x4000, $0x38;
	[tilespmem:$0x18800] =	vst v63  }
0xb5: {  	_ =	swait.ge [sflag:s2], $0x800  }
0xb6: {  	s5 =	sld [smem:$0x7E1]  }
0xb7: {  	[sflag:s2] =	ssyncset.done $0x0  }
0xb8: {  	[sflag:s2] =	ssyncadd.s32 $0xFFFFF800  }
0xb9: {  	[spmem:s16], [sflag:s22] =	dma.local [hbm:s5], $0x800  }
0xba: {  	_ =	swait.ge [sflag:s14], $0x800  }
0xbb: {  	s9 =	sld [smem:$0x7A1]  }
0xbc: {  	[sflag:s14] =	ssyncset.done $0x0  }
0xbd: {  	[sflag:s14] =	ssyncadd.s32 $0xFFFFF800  }
0xbe: {  	[hbm:s9], [sflag:s10] =	dma.local [spmem:s6], $0x800  }
0xbf: {  	_ =	swait.ge [sflag:s19], $0x4000  }
0xc0: {  	s16 =	sld [smem:$0x7A3]  }
0xc1: {  	[sflag:s19] =	ssyncset.done $0x0  }
0xc2: {  	[sflag:s19] =	ssyncadd.s32 $0xFFFFC000  }
0xc3: {  	[hbm4b:s16+s0] =	stream.linear.scatter [tilespmem:s17], [sflag:$0x6], $0x4000, $0x38;
	[tilespmem:$0x18800] =	vst v63  }
0xc4: {  	_ =	swait.ge [sflag:s23], $0x800  }
0xc5: {  	s18 =	sld [smem:$0x7A5]  }
0xc6: {  	[sflag:s23] =	ssyncset.done $0x0  }
0xc7: {  	[sflag:s23] =	ssyncadd.s32 $0xFFFFF800  }
0xc8: {  	[hbm:s18], [sflag:s1] =	dma.local [spmem:s7], $0x800  }
0xc9: {  	_ =	swait.ge [sflag:s30], $0x4000  }
0xca: {  	s22 =	sld [smem:$0x7A7]  }
0xcb: {  	[sflag:s30] =	ssyncset.done $0x0  }
0xcc: {  	s4 =	sld [smem:$0x782];
	[sflag:s30] =	ssyncadd.s32 $0xFFFFC000  }
0xcd: {  	[hbm4b:s22+s0] =	stream.linear.scatter [tilespmem:s0], [sflag:$0x4], $0x4000, $0x38;
	[tilespmem:$0x18800] =	vst v63  }
0xce: {  	s28 =	simm.s32 $0x18000;
	s0 =	sld [smem:$0x7E0]  }
.LBB2_58:
0xcf: {  	_ =	swait.ge [sflag:s3], $0x800  }
0xd0: {  	[sflag:s3] =	ssyncset.done $0x0;
	s1 =	rddreg [dreg:$0x7]  }
0xd1: {  	s0 =	sadd.s32 s8, s0;
	[sflag:s3] =	ssyncadd.s32 $0xFFFFF800;
	s1 =	sshrl.u32 s1, $0x3  }
0xd2: {  	[hbm:s0], [sflag:s21] =	dma.local [spmem:s1], $0x800  }
0xd3: {  	_ =	swait.ge [sflag:s15], $0x4000  }
0xd4: {  	[sflag:s15] =	ssyncset.done $0x0  }
0xd5: {  	[sflag:s15] =	ssyncadd.s32 $0xFFFFC000  }
0xd6: {  	_ =	swait.ge [sflag:s24], $0x4000  }
0xd7: {  	[sflag:s24] =	ssyncset.done $0x0  }
0xd8: {  	[sflag:s24] =	ssyncadd.s32 $0xFFFFC000  }
0xd9: {  	_ =	swait.ge [sflag:s12], $0x4000  }
0xda: {  	[sflag:s12] =	ssyncset.done $0x0  }
0xdb: {  	[sflag:s12] =	ssyncadd.s32 $0xFFFFC000  }
0xdc: {  	_ =	swait.ge [sflag:s20], $0x800  }
0xdd: {  	[sflag:s20] =	ssyncset.done $0x0  }
0xde: {  	[sflag:s20] =	ssyncadd.s32 $0xFFFFF800  }
0xdf: {  	_ =	swait.ge [sflag:s25], $0x800  }
0xe0: {  	[sflag:s25] =	ssyncset.done $0x0  }
0xe1: {  	[sflag:s25] =	ssyncadd.s32 $0xFFFFF800  }
0xe2: {  	_ =	swait.ge [sflag:s2], $0x800  }
0xe3: {  	s22 =	sld [smem:$0x7EC];
	_ =	sdelay $0x1  }
0xe4: {  	s4 =	sadd.s32 $0x1, s4  }
0xe5: {  	p1 =	sne.s32 s4, s22  }
.Ltmp1:
0xe6: {  	_ = 	snop;
	(pc) =	sbr.rel @!p1 .LBB2_59-.Ltmp1, $3  }
0xe7: {  	_ =	sdelay $0x1  }
0xe8: {  	[sflag:s2] =	ssyncset.done $0x0  }
0xe9: {  	[sflag:s2] =	ssyncadd.s32 $0xFFFFF800  }
.LBB2_1:
0xea: {  	[smem:$0x782] =	sst s4;
	s0 =	simm.s32 $0x100;
	s3 =	simm.s32 $0x0  }
.LBB2_2:
0xeb: {  	p1 =	sne.s32 s0, $0x1F00;
	[tilespmem:s3+$0x18030] =	vst v0;
	s1 =	smov.u32 s0;
	s0 =	sadd.s32 $0x100, s0  }
.Ltmp2:
0xec: {  	[tilespmem:s3+$0x18020] =	vst v0;
	(pc) =	sbr.rel @p1 .LBB2_2-.Ltmp2, $3  }
0xed: {  	[tilespmem:s3+$0x18000] =	vst v0  }
0xee: {  	[tilespmem:s3+$0x18010] =	vst v0;
	_ =	sdelay $0x1  }
0xef: {  	s3 =	sshra.s32 s1, $0x2  }
.Ltmp3:
0xf0: {  	(pc) =	sbr.rel @!p0 .LBB2_4-.Ltmp3, $4  }
0xf1: {  	[tilespmem:s3+$0x18030] =	vst v0  }
0xf2: {  	[tilespmem:s3+$0x18020] =	vst v0;
	s0 =	stileid.u32  }
0xf3: {  	[tilespmem:s3+$0x18000] =	vst v0;
	s1 =	sshll.u32 s0, $0x6  }
0xf4: {  	[tilespmem:s3+$0x18010] =	vst v0;
	s22 =	sor.u32 $0x1C07, s1  }
0xf5: {  	s0 =	sld [smem:$0x7A8]  }
0xf6: {  	s9 =	sld [smem:$0x7AC]  }
0xf7: {  	s10 =	rddreg [dreg:$0x7]  }
0xf8: {  	s6 =	simm.s32 $0x0;
	s16 =	sld [smem:$0x7AA]  }
0xf9: {  	[tilespmem:s6], [sflag:$0x1] =	stream.linear.gather [hbm4b:s0+s6], $0x4000, $0x38;
	[tilespmem:$0x18800] =	vst v63  }
0xfa: {  	s3 =	simm.s32 $0x4000;
	s10 =	sshrl.u32 s10, $0x3  }
0xfb: {  	[tilespmem:s3], [sflag:$0x2] =	stream.linear.gather [hbm4b:s9+s6], $0x4000, $0x38;
	[tilespmem:$0x18800] =	vst v63  }
0xfc: {  	[spmem:s10], [sflag:s22] =	dma.local [hbm:s16], $0x800  }
0xfd: {  	s18 =	sld [smem:$0x7AE]  }
0xfe: {  	s0 =	rddreg [dreg:$0x9]  }
0xff: {  	s3 =	sor.u32 $0x1C08, s1;
	s7 =	sshrl.u32 s0, $0x3  }
0x100: {  	[spmem:s7], [sflag:s3] =	dma.local [hbm:s18], $0x800  }
0x101: {  	s0 =	sld [smem:$0x7B0];
	_ =	sdelay $0x2  }
0x102: {  	[tilespmem:s17], [sflag:$0x3] =	stream.linear.gather [hbm4b:s0+s6], $0x4000, $0x38;
	[tilespmem:$0x18800] =	vst v63  }
0x103: {  	_ =	swait.ge [sflag:s30], $0x4000  }
0x104: {  	s21 =	sand.u32 $0x40, s6;
	s4 =	sand.u32 $0x3C00, s6;
	[sflag:s30] =	ssyncset.done $0x0  }
0x105: {  	s5 =	sor.u32 s21, s4;
	[sflag:s30] =	ssyncadd.s32 $0xFFFFC000  }
0x106: {  	[tilespmem:s5+$0xB0] =	vst v0  }
0x107: {  	[tilespmem:s5+$0x80] =	vst v0  }
0x108: {  	s9 =	simm.s32 $0x40;
	s0 =	simm.s32 $0x0;
	[tilespmem:s5+$0x90] =	vst v0  }
.LBB2_30:
0x109: {  	s4 =	sand.u32 $0x40, s9;
	[tilespmem:s5+$0xA0] =	vst v0;
	s0 =	sadd.s32 $0x200, s0;
	p1 =	sne.s32 s9, $0x7C0  }
.Ltmp4:
0x10a: {  	s9 =	sadd.s32 $0x40, s9;
	s5 =	sand.u32 $0x3C00, s0;
	(pc) =	sbr.rel @p1 .LBB2_30-.Ltmp4, $4  }
0x10b: {  	s5 =	sor.u32 s4, s5  }
0x10c: {  	[tilespmem:s5+$0xB0] =	vst v0  }
0x10d: {  	[tilespmem:s5+$0x80] =	vst v0  }
0x10e: {  	[tilespmem:s5+$0x90] =	vst v0  }
0x10f: {  	p1 =	por $0x0, $0x0;
	s0 =	simm.s32 $0x1  }
0x110: {  	s0 =	simm.s32 @!p1 $0x0  }
0x111: {  	s0 =	sshll.u32 s0, $0x6  }
0x112: {  	s9 =	sadd.s32 $0x0, s0  }
0x113: {  	[tilespmem:s5+$0xA0] =	vst v0;
	s0 =	sor.u32 $0x380, s9  }
0x114: {  	s5 =	simm.s32 $0x40;
	p1 =	por !p1, !p1;
	[tilespmem:s0+$0x0] =	vst v0  }
.LBB2_32:
0x115: {  	s0 =	simm.s32 $0x1;
	s4 =	sor.u32 $0x390, s9  }
0x116: {  	s6 =	sadd.s32 $0x200, s6;
	p2 =	sne.s32 s5, $0x7C0;
	s0 =	simm.s32 @!p1 $0x0  }
.Ltmp5:
0x117: {  	s0 =	sshll.u32 s0, $0x6;
	[tilespmem:s4+$0x0] =	vst v0;
	s4 =	sor.u32 $0x3A0, s9;
	(pc) =	sbr.rel @p2 .LBB2_32-.Ltmp5, $4  }
0x118: {  	[tilespmem:s4+$0x0] =	vst v0;
	s4 =	sor.u32 $0x3B0, s9;
	s9 =	sadd.s32 s0, s6  }
0x119: {  	s0 =	sor.u32 $0x380, s9;
	[tilespmem:s4+$0x0] =	vst v0  }
0x11a: {  	[tilespmem:s0+$0x0] =	vst v0  }
0x11b: {  	s5 =	sadd.s32 $0x40, s5;
	p1 =	por !p1, !p1  }
0x11c: {  	s0 =	sor.u32 $0x390, s9;
	s21 =	sld [smem:$0x7A9]  }
0x11d: {  	s16 =	sor.u32 $0x3A0, s9;
	s4 =	rddreg [dreg:$0xc];
	[tilespmem:s0+$0x0] =	vst v0  }
0x11e: {  	s18 =	sor.u32 $0x3B0, s9;
	s5 =	sld [smem:$0x7B2];
	[tilespmem:s16+$0x0] =	vst v0  }
0x11f: {  	s9 =	simm.s32 $0x0;
	s6 =	sshrl.u32 s4, $0x3;
	s16 =	sor.u32 $0x1C09, s1;
	[tilespmem:s18+$0x0] =	vst v0  }
0x120: {  	[hbm4b:s21+s9] =	stream.linear.scatter [tilespmem:s9], [sflag:$0x4], $0x4000, $0x38;
	[tilespmem:$0x18800] =	vst v63  }
0x121: {  	[spmem:s6], [sflag:s16] =	dma.local [hbm:s5], $0x800  }
0x122: {  	_ =	swait.ge [sflag:s31], $0x800  }
0x123: {  	s8 =	sld [smem:$0x7F4]  }
0x124: {  	[sflag:s31] =	ssyncset.done $0x0  }
0x125: {  	[sflag:s31] =	ssyncadd.s32 $0xFFFFF800  }
0x126: {  	[spmem:s8] =	stream.strided.scatter [tilespmem:s28], [sflag:$0xD], $0x800, s26, s29, $0x38;
	[tilespmem:$0x18800] =	vst v63  }
0x127: {  	_ =	swait.ge [sflag:s11], $0x800  }
0x128: {  	s18 =	sld [smem:$0x7AB]  }
0x129: {  	[sflag:s11] =	ssyncset.done $0x0  }
0x12a: {  	s21 =	sor.u32 $0x1C0A, s1;
	[sflag:s11] =	ssyncadd.s32 $0xFFFFF800  }
0x12b: {  	[hbm:s18], [sflag:s21] =	dma.local [spmem:s10], $0x800  }
0x12c: {  	_ =	swait.ge [sflag:s12], $0x4000  }
0x12d: {  	s26 =	sld [smem:$0x7B4]  }
0x12e: {  	[sflag:s12] =	ssyncset.done $0x0  }
0x12f: {  	[sflag:s12] =	ssyncadd.s32 $0xFFFFC000  }
0x130: {  	[tilespmem:s9], [sflag:$0x1] =	stream.linear.gather [hbm4b:s26+s9], $0x4000, $0x38;
	[tilespmem:$0x18800] =	vst v63  }
0x131: {  	_ =	swait.ge [sflag:s13], $0x4000  }
0x132: {  	s4 =	sand.u32 $0x3C00, s9;
	s29 =	sand.u32 $0x40, s9;
	[sflag:s13] =	ssyncset.done $0x0  }
0x133: {  	s0 =	sor.u32 s29, s4;
	[sflag:s13] =	ssyncadd.s32 $0xFFFFC000  }
0x134: {  	[tilespmem:s0+$0x4030] =	vst v0  }
0x135: {  	[tilespmem:s0+$0x4000] =	vst v0  }
0x136: {  	s5 =	simm.s32 $0x40;
	[tilespmem:s0+$0x4010] =	vst v0  }
.LBB2_34:
0x137: {  	s4 =	sand.u32 $0x40, s5;
	[tilespmem:s0+$0x4020] =	vst v0;
	s9 =	sadd.s32 $0x200, s9;
	p1 =	sne.s32 s5, $0x7C0  }
.Ltmp6:
0x138: {  	s5 =	sadd.s32 $0x40, s5;
	s0 =	sand.u32 $0x3C00, s9;
	(pc) =	sbr.rel @p1 .LBB2_34-.Ltmp6, $4  }
0x139: {  	s0 =	sor.u32 s4, s0  }
0x13a: {  	[tilespmem:s0+$0x4030] =	vst v0  }
0x13b: {  	[tilespmem:s0+$0x4000] =	vst v0  }
0x13c: {  	[tilespmem:s0+$0x4010] =	vst v0  }
0x13d: {  	s29 =	sld [smem:$0x7AD];
	_ =	sdelay $0x1  }
0x13e: {  	[tilespmem:s0+$0x4020] =	vst v0;
	s9 =	simm.s32 $0x0;
	s4 =	simm.s32 $0x4000  }
0x13f: {  	[hbm4b:s29+s9] =	stream.linear.scatter [tilespmem:s4], [sflag:$0x5], $0x4000, $0x38;
	[tilespmem:$0x18800] =	vst v63  }
0x140: {  	_ =	swait.ge [sflag:s2], $0x800  }
0x141: {  	s5 =	sld [smem:$0x7B6]  }
0x142: {  	[sflag:s2] =	ssyncset.done $0x0  }
0x143: {  	[sflag:s2] =	ssyncadd.s32 $0xFFFFF800  }
0x144: {  	[spmem:s10], [sflag:s22] =	dma.local [hbm:s5], $0x800  }
0x145: {  	_ =	swait.ge [sflag:s14], $0x800  }
0x146: {  	s8 =	sld [smem:$0x7AF]  }
0x147: {  	[sflag:s14] =	ssyncset.done $0x0  }
0x148: {  	s18 =	sor.u32 $0x1C0B, s1;
	[sflag:s14] =	ssyncadd.s32 $0xFFFFF800  }
0x149: {  	[hbm:s8], [sflag:s18] =	dma.local [spmem:s7], $0x800  }
0x14a: {  	_ =	swait.ge [sflag:s15], $0x4000  }
0x14b: {  	s26 =	sld [smem:$0x7B8]  }
0x14c: {  	[sflag:s15] =	ssyncset.done $0x0  }
0x14d: {  	[sflag:s15] =	ssyncadd.s32 $0xFFFFC000  }
0x14e: {  	[tilespmem:s4], [sflag:$0x2] =	stream.linear.gather [hbm4b:s26+s9], $0x4000, $0x38;
	[tilespmem:$0x18800] =	vst v63  }
0x14f: {  	_ =	swait.ge [sflag:s19], $0x4000  }
0x150: {  	s29 =	sld [smem:$0x7B1]  }
0x151: {  	[sflag:s19] =	ssyncset.done $0x0  }
0x152: {  	[sflag:s19] =	ssyncadd.s32 $0xFFFFC000  }
0x153: {  	[hbm4b:s29+s9] =	stream.linear.scatter [tilespmem:s17], [sflag:$0x6], $0x4000, $0x38;
	[tilespmem:$0x18800] =	vst v63  }
0x154: {  	_ =	swait.ge [sflag:s20], $0x800  }
0x155: {  	s4 =	sld [smem:$0x7BA]  }
0x156: {  	[sflag:s20] =	ssyncset.done $0x0  }
0x157: {  	[sflag:s20] =	ssyncadd.s32 $0xFFFFF800  }
0x158: {  	[spmem:s7], [sflag:s3] =	dma.local [hbm:s4], $0x800  }
0x159: {  	_ =	swait.ge [sflag:s23], $0x800  }
0x15a: {  	s5 =	sld [smem:$0x7B3]  }
0x15b: {  	[sflag:s23] =	ssyncset.done $0x0  }
0x15c: {  	s1 =	sor.u32 $0x1C0C, s1;
	[sflag:s23] =	ssyncadd.s32 $0xFFFFF800  }
0x15d: {  	[hbm:s5], [sflag:s1] =	dma.local [spmem:s6], $0x800  }
0x15e: {  	_ =	swait.ge [sflag:s24], $0x4000  }
0x15f: {  	s8 =	sld [smem:$0x7BC]  }
0x160: {  	[sflag:s24] =	ssyncset.done $0x0  }
0x161: {  	[sflag:s24] =	ssyncadd.s32 $0xFFFFC000  }
0x162: {  	[tilespmem:s17], [sflag:$0x3] =	stream.linear.gather [hbm4b:s8+s9], $0x4000, $0x38;
	[tilespmem:$0x18800] =	vst v63  }
0x163: {  	_ =	swait.ge [sflag:s30], $0x4000  }
0x164: {  	s26 =	sand.u32 $0x40, s9;
	s29 =	sand.u32 $0x3C00, s9;
	[sflag:s30] =	ssyncset.done $0x0  }
0x165: {  	s5 =	sor.u32 s26, s29;
	[sflag:s30] =	ssyncadd.s32 $0xFFFFC000  }
0x166: {  	[tilespmem:s5+$0x30] =	vst v0  }
0x167: {  	[tilespmem:s5+$0x0] =	vst v0  }
0x168: {  	s0 =	simm.s32 $0x0;
	s17 =	simm.s32 $0x40;
	[tilespmem:s5+$0x10] =	vst v0  }
.LBB2_36:
0x169: {  	s4 =	sand.u32 $0x40, s17;
	[tilespmem:s5+$0x20] =	vst v0;
	s0 =	sadd.s32 $0x200, s0;
	p1 =	sne.s32 s17, $0x7C0  }
.Ltmp7:
0x16a: {  	s17 =	sadd.s32 $0x40, s17;
	s5 =	sand.u32 $0x3C00, s0;
	(pc) =	sbr.rel @p1 .LBB2_36-.Ltmp7, $4  }
0x16b: {  	s5 =	sor.u32 s4, s5  }
0x16c: {  	[tilespmem:s5+$0x30] =	vst v0  }
0x16d: {  	[tilespmem:s5+$0x0] =	vst v0  }
0x16e: {  	[tilespmem:s5+$0x10] =	vst v0  }
0x16f: {  	p1 =	por $0x0, $0x0;
	s0 =	simm.s32 $0x1  }
0x170: {  	s0 =	simm.s32 @!p1 $0x0  }
0x171: {  	s0 =	sshll.u32 s0, $0x6  }
0x172: {  	s17 =	sadd.s32 $0x0, s0  }
0x173: {  	[tilespmem:s5+$0x20] =	vst v0;
	s0 =	sor.u32 $0x280, s17  }
0x174: {  	s5 =	simm.s32 $0x40;
	p1 =	por !p1, !p1;
	[tilespmem:s0+$0x0] =	vst v0  }
.LBB2_38:
0x175: {  	s0 =	simm.s32 $0x1;
	s4 =	sor.u32 $0x290, s17  }
0x176: {  	s9 =	sadd.s32 $0x200, s9;
	p2 =	sne.s32 s5, $0x7C0;
	s0 =	simm.s32 @!p1 $0x0  }
.Ltmp8:
0x177: {  	s0 =	sshll.u32 s0, $0x6;
	[tilespmem:s4+$0x0] =	vst v0;
	s4 =	sor.u32 $0x2A0, s17;
	(pc) =	sbr.rel @p2 .LBB2_38-.Ltmp8, $4  }
0x178: {  	[tilespmem:s4+$0x0] =	vst v0;
	s4 =	sor.u32 $0x2B0, s17;
	s17 =	sadd.s32 s0, s9  }
0x179: {  	s0 =	sor.u32 $0x280, s17;
	[tilespmem:s4+$0x0] =	vst v0  }
0x17a: {  	[tilespmem:s0+$0x0] =	vst v0  }
0x17b: {  	s5 =	sadd.s32 $0x40, s5;
	p1 =	por !p1, !p1  }
0x17c: {  	s0 =	sor.u32 $0x290, s17  }
0x17d: {  	s8 =	sor.u32 $0x2A0, s17;
	s9 =	sor.u32 $0x2B0, s17;
	s17 =	sld [smem:$0x7B5];
	[tilespmem:s0+$0x0] =	vst v0  }
0x17e: {  	[tilespmem:s8+$0x0] =	vst v0  }
0x17f: {  	[tilespmem:s9+$0x0] =	vst v0;
	s9 =	simm.s32 $0x0  }
0x180: {  	[hbm4b:s17+s9] =	stream.linear.scatter [tilespmem:s9], [sflag:$0x4], $0x4000, $0x38;
	[tilespmem:$0x18800] =	vst v63  }
0x181: {  	_ =	swait.ge [sflag:s25], $0x800  }
0x182: {  	s26 =	sld [smem:$0x7BE]  }
0x183: {  	[sflag:s25] =	ssyncset.done $0x0  }
0x184: {  	[sflag:s25] =	ssyncadd.s32 $0xFFFFF800  }
0x185: {  	[spmem:s6], [sflag:s16] =	dma.local [hbm:s26], $0x800  }
0x186: {  	_ =	swait.ge [sflag:s31], $0x800  }
0x187: {  	s4 =	simm.s32 $0x80;
	[sflag:s31] =	ssyncset.done $0x0  }
0x188: {  	s5 =	simm.s32 $0x400;
	s29 =	rddreg [dreg:$0x7];
	[sflag:s31] =	ssyncadd.s32 $0xFFFFF800  }
0x189: {  	[spmem:s29] =	stream.strided.scatter [tilespmem:s28], [sflag:$0xD], $0x800, s5, s4, $0x38;
	[tilespmem:$0x18800] =	vst v63  }
0x18a: {  	_ =	swait.ge [sflag:s11], $0x800  }
0x18b: {  	s8 =	sld [smem:$0x7F5]  }
0x18c: {  	[sflag:s11] =	ssyncset.done $0x0  }
0x18d: {  	[sflag:s11] =	ssyncadd.s32 $0xFFFFF800  }
0x18e: {  	[spmem:s8] =	stream.strided.scatter [tilespmem:s28], [sflag:$0xD], $0x800, s5, s4, $0x38;
	[tilespmem:$0x18800] =	vst v63  }
0x18f: {  	_ =	swait.ge [sflag:s11], $0x800  }
0x190: {  	s17 =	sld [smem:$0x7F6]  }
0x191: {  	[sflag:s11] =	ssyncset.done $0x0  }
0x192: {  	[sflag:s11] =	ssyncadd.s32 $0xFFFFF800  }
0x193: {  	[spmem:s17] =	stream.strided.scatter [tilespmem:s28], [sflag:$0xD], $0x800, s5, s4, $0x38;
	[tilespmem:$0x18800] =	vst v63  }
0x194: {  	_ =	swait.ge [sflag:s11], $0x800  }
0x195: {  	s26 =	sld [smem:$0x7B7]  }
0x196: {  	[sflag:s11] =	ssyncset.done $0x0  }
0x197: {  	[sflag:s11] =	ssyncadd.s32 $0xFFFFF800  }
0x198: {  	[hbm:s26], [sflag:s21] =	dma.local [spmem:s10], $0x800  }
0x199: {  	_ =	swait.ge [sflag:s12], $0x4000  }
0x19a: {  	s29 =	sld [smem:$0x7C0]  }
0x19b: {  	p1 =	por $0x0, $0x0;
	s0 =	simm.s32 $0x1;
	[sflag:s12] =	ssyncset.done $0x0  }
0x19c: {  	s0 =	simm.s32 @!p1 $0x0;
	[sflag:s12] =	ssyncadd.s32 $0xFFFFC000  }
0x19d: {  	[tilespmem:s9], [sflag:$0x1] =	stream.linear.gather [hbm4b:s29+s9], $0x4000, $0x38;
	[tilespmem:$0x18800] =	vst v63  }
0x19e: {  	s0 =	sshll.u32 s0, $0x6;
	_ =	swait.ge [sflag:s13], $0x4000  }
0x19f: {  	s17 =	sadd.s32 $0x0, s0;
	[sflag:s13] =	ssyncset.done $0x0  }
0x1a0: {  	s0 =	sor.u32 $0x280, s17;
	[sflag:s13] =	ssyncadd.s32 $0xFFFFC000  }
0x1a1: {  	p1 =	por !p1, !p1;
	s5 =	simm.s32 $0x40;
	[tilespmem:s0+$0x4000] =	vst v0  }
.LBB2_40:
0x1a2: {  	s0 =	simm.s32 $0x1;
	s4 =	sor.u32 $0x290, s17  }
0x1a3: {  	s9 =	sadd.s32 $0x200, s9;
	p2 =	sne.s32 s5, $0x7C0;
	s0 =	simm.s32 @!p1 $0x0  }
.Ltmp9:
0x1a4: {  	s0 =	sshll.u32 s0, $0x6;
	[tilespmem:s4+$0x4000] =	vst v0;
	s4 =	sor.u32 $0x2A0, s17;
	(pc) =	sbr.rel @p2 .LBB2_40-.Ltmp9, $4  }
0x1a5: {  	[tilespmem:s4+$0x4000] =	vst v0;
	s4 =	sor.u32 $0x2B0, s17;
	s17 =	sadd.s32 s0, s9  }
0x1a6: {  	s0 =	sor.u32 $0x280, s17;
	[tilespmem:s4+$0x4000] =	vst v0  }
0x1a7: {  	[tilespmem:s0+$0x4000] =	vst v0  }
0x1a8: {  	s5 =	sadd.s32 $0x40, s5;
	p1 =	por !p1, !p1  }
0x1a9: {  	s0 =	sor.u32 $0x290, s17  }
0x1aa: {  	s4 =	sor.u32 $0x2A0, s17;
	s8 =	sld [smem:$0x7B9];
	[tilespmem:s0+$0x4000] =	vst v0  }
0x1ab: {  	s5 =	sor.u32 $0x2B0, s17;
	[tilespmem:s4+$0x4000] =	vst v0  }
0x1ac: {  	s9 =	simm.s32 $0x0;
	s4 =	simm.s32 $0x4000;
	[tilespmem:s5+$0x4000] =	vst v0  }
0x1ad: {  	[hbm4b:s8+s9] =	stream.linear.scatter [tilespmem:s4], [sflag:$0x5], $0x4000, $0x38;
	[tilespmem:$0x18800] =	vst v63  }
0x1ae: {  	_ =	swait.ge [sflag:s2], $0x800  }
0x1af: {  	s17 =	sld [smem:$0x7C2]  }
0x1b0: {  	[sflag:s2] =	ssyncset.done $0x0  }
0x1b1: {  	[sflag:s2] =	ssyncadd.s32 $0xFFFFF800  }
0x1b2: {  	[spmem:s10], [sflag:s22] =	dma.local [hbm:s17], $0x800  }
0x1b3: {  	_ =	swait.ge [sflag:s14], $0x800  }
0x1b4: {  	s26 =	sld [smem:$0x7BB]  }
0x1b5: {  	[sflag:s14] =	ssyncset.done $0x0  }
0x1b6: {  	[sflag:s14] =	ssyncadd.s32 $0xFFFFF800  }
0x1b7: {  	[hbm:s26], [sflag:s18] =	dma.local [spmem:s7], $0x800  }
0x1b8: {  	_ =	swait.ge [sflag:s15], $0x4000  }
0x1b9: {  	s29 =	sld [smem:$0x7C4]  }
0x1ba: {  	[sflag:s15] =	ssyncset.done $0x0  }
0x1bb: {  	[sflag:s15] =	ssyncadd.s32 $0xFFFFC000  }
0x1bc: {  	[tilespmem:s4], [sflag:$0x2] =	stream.linear.gather [hbm4b:s29+s9], $0x4000, $0x38;
	[tilespmem:$0x18800] =	vst v63  }
0x1bd: {  	_ =	swait.ge [sflag:s19], $0x4000  }
0x1be: {  	s5 =	sld [smem:$0x7BD]  }
0x1bf: {  	[sflag:s19] =	ssyncset.done $0x0  }
0x1c0: {  	s8 =	simm.s32 $0x8000;
	[sflag:s19] =	ssyncadd.s32 $0xFFFFC000  }
0x1c1: {  	[hbm4b:s5+s9] =	stream.linear.scatter [tilespmem:s8], [sflag:$0x6], $0x4000, $0x38;
	[tilespmem:$0x18800] =	vst v63  }
0x1c2: {  	_ =	swait.ge [sflag:s20], $0x800  }
0x1c3: {  	s17 =	sld [smem:$0x7C6]  }
0x1c4: {  	[sflag:s20] =	ssyncset.done $0x0  }
0x1c5: {  	[sflag:s20] =	ssyncadd.s32 $0xFFFFF800  }
0x1c6: {  	[spmem:s7], [sflag:s3] =	dma.local [hbm:s17], $0x800  }
0x1c7: {  	_ =	swait.ge [sflag:s23], $0x800  }
0x1c8: {  	s26 =	sld [smem:$0x7BF]  }
0x1c9: {  	[sflag:s23] =	ssyncset.done $0x0  }
0x1ca: {  	[sflag:s23] =	ssyncadd.s32 $0xFFFFF800  }
0x1cb: {  	[hbm:s26], [sflag:s1] =	dma.local [spmem:s6], $0x800  }
0x1cc: {  	_ =	swait.ge [sflag:s24], $0x4000  }
0x1cd: {  	s29 =	sld [smem:$0x7C8]  }
0x1ce: {  	p1 =	por $0x0, $0x0;
	s0 =	simm.s32 $0x1;
	[sflag:s24] =	ssyncset.done $0x0  }
0x1cf: {  	s0 =	simm.s32 @!p1 $0x0;
	[sflag:s24] =	ssyncadd.s32 $0xFFFFC000  }
0x1d0: {  	[tilespmem:s8], [sflag:$0x3] =	stream.linear.gather [hbm4b:s29+s9], $0x4000, $0x38;
	[tilespmem:$0x18800] =	vst v63  }
0x1d1: {  	s0 =	sshll.u32 s0, $0x6;
	_ =	swait.ge [sflag:s30], $0x4000  }
0x1d2: {  	s17 =	sadd.s32 $0x0, s0;
	[sflag:s30] =	ssyncset.done $0x0  }
0x1d3: {  	s0 =	sor.u32 $0x200, s17;
	[sflag:s30] =	ssyncadd.s32 $0xFFFFC000  }
0x1d4: {  	p1 =	por !p1, !p1;
	s5 =	simm.s32 $0x40;
	[tilespmem:s0+$0x0] =	vst v0  }
.LBB2_42:
0x1d5: {  	s0 =	simm.s32 $0x1;
	s4 =	sor.u32 $0x210, s17  }
0x1d6: {  	s9 =	sadd.s32 $0x200, s9;
	p2 =	sne.s32 s5, $0x7C0;
	s0 =	simm.s32 @!p1 $0x0  }
.Ltmp10:
0x1d7: {  	s0 =	sshll.u32 s0, $0x6;
	[tilespmem:s4+$0x0] =	vst v0;
	s4 =	sor.u32 $0x220, s17;
	(pc) =	sbr.rel @p2 .LBB2_42-.Ltmp10, $4  }
0x1d8: {  	[tilespmem:s4+$0x0] =	vst v0;
	s4 =	sor.u32 $0x230, s17;
	s17 =	sadd.s32 s0, s9  }
0x1d9: {  	s0 =	sor.u32 $0x200, s17;
	[tilespmem:s4+$0x0] =	vst v0  }
0x1da: {  	[tilespmem:s0+$0x0] =	vst v0  }
0x1db: {  	s5 =	sadd.s32 $0x40, s5;
	p1 =	por !p1, !p1  }
0x1dc: {  	s0 =	sor.u32 $0x210, s17  }
0x1dd: {  	s4 =	sor.u32 $0x220, s17;
	s8 =	sld [smem:$0x7C1];
	[tilespmem:s0+$0x0] =	vst v0  }
0x1de: {  	s5 =	sor.u32 $0x230, s17;
	[tilespmem:s4+$0x0] =	vst v0  }
0x1df: {  	s9 =	simm.s32 $0x0;
	[tilespmem:s5+$0x0] =	vst v0  }
0x1e0: {  	[hbm4b:s8+s9] =	stream.linear.scatter [tilespmem:s9], [sflag:$0x4], $0x4000, $0x38;
	[tilespmem:$0x18800] =	vst v63  }
0x1e1: {  	_ =	swait.ge [sflag:s25], $0x800  }
0x1e2: {  	s17 =	sld [smem:$0x7CA]  }
0x1e3: {  	[sflag:s25] =	ssyncset.done $0x0  }
0x1e4: {  	[sflag:s25] =	ssyncadd.s32 $0xFFFFF800  }
0x1e5: {  	[spmem:s6], [sflag:s16] =	dma.local [hbm:s17], $0x800  }
0x1e6: {  	_ =	swait.ge [sflag:s31], $0x800  }
0x1e7: {  	s26 =	sld [smem:$0x7F6]  }
0x1e8: {  	[sflag:s31] =	ssyncset.done $0x0  }
0x1e9: {  	s5 =	simm.s32 $0x80;
	s8 =	simm.s32 $0x400;
	[sflag:s31] =	ssyncadd.s32 $0xFFFFF800  }
0x1ea: {  	[spmem:s26] =	stream.strided.scatter [tilespmem:s28], [sflag:$0xD], $0x800, s8, s5, $0x38;
	[tilespmem:$0x18800] =	vst v63  }
0x1eb: {  	_ =	swait.ge [sflag:s11], $0x800  }
0x1ec: {  	s29 =	sld [smem:$0x7C3]  }
0x1ed: {  	[sflag:s11] =	ssyncset.done $0x0  }
0x1ee: {  	[sflag:s11] =	ssyncadd.s32 $0xFFFFF800  }
0x1ef: {  	[hbm:s29], [sflag:s21] =	dma.local [spmem:s10], $0x800  }
0x1f0: {  	_ =	swait.ge [sflag:s12], $0x4000  }
0x1f1: {  	s4 =	sld [smem:$0x7CC]  }
0x1f2: {  	[sflag:s12] =	ssyncset.done $0x0  }
0x1f3: {  	[sflag:s12] =	ssyncadd.s32 $0xFFFFC000  }
0x1f4: {  	[tilespmem:s9], [sflag:$0x1] =	stream.linear.gather [hbm4b:s4+s9], $0x4000, $0x38;
	[tilespmem:$0x18800] =	vst v63  }
0x1f5: {  	_ =	swait.ge [sflag:s13], $0x4000  }
0x1f6: {  	s17 =	sld [smem:$0x7C5]  }
0x1f7: {  	[sflag:s13] =	ssyncset.done $0x0  }
0x1f8: {  	s4 =	simm.s32 $0x4000;
	[sflag:s13] =	ssyncadd.s32 $0xFFFFC000  }
0x1f9: {  	[hbm4b:s17+s9] =	stream.linear.scatter [tilespmem:s4], [sflag:$0x5], $0x4000, $0x38;
	[tilespmem:$0x18800] =	vst v63  }
0x1fa: {  	_ =	swait.ge [sflag:s2], $0x800  }
0x1fb: {  	s26 =	sld [smem:$0x7CE]  }
0x1fc: {  	[sflag:s2] =	ssyncset.done $0x0  }
0x1fd: {  	[sflag:s2] =	ssyncadd.s32 $0xFFFFF800  }
0x1fe: {  	[spmem:s10], [sflag:s22] =	dma.local [hbm:s26], $0x800  }
0x1ff: {  	_ =	swait.ge [sflag:s14], $0x800  }
0x200: {  	s29 =	sld [smem:$0x7C7]  }
0x201: {  	[sflag:s14] =	ssyncset.done $0x0  }
0x202: {  	[sflag:s14] =	ssyncadd.s32 $0xFFFFF800  }
0x203: {  	[hbm:s29], [sflag:s18] =	dma.local [spmem:s7], $0x800  }
0x204: {  	_ =	swait.ge [sflag:s15], $0x4000  }
0x205: {  	s17 =	sld [smem:$0x7D0]  }
0x206: {  	[sflag:s15] =	ssyncset.done $0x0  }
0x207: {  	[sflag:s15] =	ssyncadd.s32 $0xFFFFC000  }
0x208: {  	[tilespmem:s4], [sflag:$0x2] =	stream.linear.gather [hbm4b:s17+s9], $0x4000, $0x38;
	[tilespmem:$0x18800] =	vst v63  }
0x209: {  	_ =	swait.ge [sflag:s19], $0x4000  }
0x20a: {  	s26 =	sld [smem:$0x7C9]  }
0x20b: {  	[sflag:s19] =	ssyncset.done $0x0  }
0x20c: {  	s17 =	simm.s32 $0x8000;
	[sflag:s19] =	ssyncadd.s32 $0xFFFFC000  }
0x20d: {  	[hbm4b:s26+s9] =	stream.linear.scatter [tilespmem:s17], [sflag:$0x6], $0x4000, $0x38;
	[tilespmem:$0x18800] =	vst v63  }
0x20e: {  	_ =	swait.ge [sflag:s20], $0x800  }
0x20f: {  	s29 =	sld [smem:$0x7D2]  }
0x210: {  	[sflag:s20] =	ssyncset.done $0x0  }
0x211: {  	[sflag:s20] =	ssyncadd.s32 $0xFFFFF800  }
0x212: {  	[spmem:s7], [sflag:s3] =	dma.local [hbm:s29], $0x800  }
0x213: {  	_ =	swait.ge [sflag:s23], $0x800  }
0x214: {  	s4 =	sld [smem:$0x7F7]  }
0x215: {  	[sflag:s23] =	ssyncset.done $0x0  }
0x216: {  	[sflag:s23] =	ssyncadd.s32 $0xFFFFF800  }
0x217: {  	[spmem:s4] =	stream.strided.scatter [tilespmem:s28], [sflag:$0xD], $0x800, s8, s5, $0x38;
	[tilespmem:$0x18800] =	vst v63  }
0x218: {  	_ =	swait.ge [sflag:s11], $0x800  }
0x219: {  	s26 =	sld [smem:$0x7CB]  }
0x21a: {  	[sflag:s11] =	ssyncset.done $0x0  }
0x21b: {  	[sflag:s11] =	ssyncadd.s32 $0xFFFFF800  }
0x21c: {  	[hbm:s26], [sflag:s1] =	dma.local [spmem:s6], $0x800  }
0x21d: {  	_ =	swait.ge [sflag:s24], $0x4000  }
0x21e: {  	s29 =	sld [smem:$0x7D4]  }
0x21f: {  	[sflag:s24] =	ssyncset.done $0x0  }
0x220: {  	[sflag:s24] =	ssyncadd.s32 $0xFFFFC000  }
0x221: {  	[tilespmem:s17], [sflag:$0x3] =	stream.linear.gather [hbm4b:s29+s9], $0x4000, $0x38;
	[tilespmem:$0x18800] =	vst v63  }
0x222: {  	_ =	swait.ge [sflag:s30], $0x4000  }
0x223: {  	s4 =	sld [smem:$0x7CD]  }
0x224: {  	[sflag:s30] =	ssyncset.done $0x0  }
0x225: {  	[sflag:s30] =	ssyncadd.s32 $0xFFFFC000  }
0x226: {  	[hbm4b:s4+s9] =	stream.linear.scatter [tilespmem:s9], [sflag:$0x4], $0x4000, $0x38;
	[tilespmem:$0x18800] =	vst v63  }
0x227: {  	_ =	swait.ge [sflag:s25], $0x800  }
0x228: {  	s26 =	sld [smem:$0x7D6]  }
0x229: {  	[sflag:s25] =	ssyncset.done $0x0  }
0x22a: {  	[sflag:s25] =	ssyncadd.s32 $0xFFFFF800  }
0x22b: {  	[spmem:s6], [sflag:s16] =	dma.local [hbm:s26], $0x800  }
0x22c: {  	_ =	swait.ge [sflag:s31], $0x800  }
0x22d: {  	s29 =	sld [smem:$0x7F8]  }
0x22e: {  	[sflag:s31] =	ssyncset.done $0x0  }
0x22f: {  	[sflag:s31] =	ssyncadd.s32 $0xFFFFF800  }
0x230: {  	[spmem:s29] =	stream.strided.scatter [tilespmem:s28], [sflag:$0xD], $0x800, s8, s5, $0x38;
	[tilespmem:$0x18800] =	vst v63  }
0x231: {  	_ =	swait.ge [sflag:s11], $0x800  }
0x232: {  	s4 =	sld [smem:$0x7F9]  }
0x233: {  	[sflag:s11] =	ssyncset.done $0x0  }
0x234: {  	[sflag:s11] =	ssyncadd.s32 $0xFFFFF800  }
0x235: {  	[spmem:s4] =	stream.strided.scatter [tilespmem:s28], [sflag:$0xD], $0x800, s8, s5, $0x38;
	[tilespmem:$0x18800] =	vst v63  }
0x236: {  	_ =	swait.ge [sflag:s11], $0x800  }
0x237: {  	s8 =	sld [smem:$0x7CF]  }
0x238: {  	[sflag:s11] =	ssyncset.done $0x0  }
0x239: {  	[sflag:s11] =	ssyncadd.s32 $0xFFFFF800  }
0x23a: {  	[hbm:s8], [sflag:s21] =	dma.local [spmem:s10], $0x800  }
0x23b: {  	_ =	swait.ge [sflag:s12], $0x4000  }
0x23c: {  	s26 =	sld [smem:$0x7D8]  }
0x23d: {  	[sflag:s12] =	ssyncset.done $0x0  }
0x23e: {  	[sflag:s12] =	ssyncadd.s32 $0xFFFFC000  }
0x23f: {  	[tilespmem:s9], [sflag:$0x1] =	stream.linear.gather [hbm4b:s26+s9], $0x4000, $0x38;
	[tilespmem:$0x18800] =	vst v63  }
0x240: {  	_ =	swait.ge [sflag:s13], $0x4000  }
0x241: {  	s29 =	sand.u32 $0x3C00, s9;
	s28 =	sand.u32 $0x40, s9;
	[sflag:s13] =	ssyncset.done $0x0  }
0x242: {  	s0 =	sor.u32 s28, s29;
	[sflag:s13] =	ssyncadd.s32 $0xFFFFC000  }
0x243: {  	[tilespmem:s0+$0x40B0] =	vst v0  }
0x244: {  	[tilespmem:s0+$0x4080] =	vst v0  }
0x245: {  	s5 =	simm.s32 $0x40;
	[tilespmem:s0+$0x4090] =	vst v0  }
.LBB2_44:
0x246: {  	s4 =	sand.u32 $0x40, s5;
	[tilespmem:s0+$0x40A0] =	vst v0;
	s9 =	sadd.s32 $0x200, s9;
	p1 =	sne.s32 s5, $0x7C0  }
.Ltmp11:
0x247: {  	s5 =	sadd.s32 $0x40, s5;
	s0 =	sand.u32 $0x3C00, s9;
	(pc) =	sbr.rel @p1 .LBB2_44-.Ltmp11, $4  }
0x248: {  	s0 =	sor.u32 s4, s0  }
0x249: {  	[tilespmem:s0+$0x40B0] =	vst v0  }
0x24a: {  	[tilespmem:s0+$0x4080] =	vst v0  }
0x24b: {  	[tilespmem:s0+$0x4090] =	vst v0  }
0x24c: {  	s5 =	sld [smem:$0x7D1];
	_ =	sdelay $0x1  }
0x24d: {  	[tilespmem:s0+$0x40A0] =	vst v0;
	s9 =	simm.s32 $0x0;
	s4 =	simm.s32 $0x4000  }
0x24e: {  	[hbm4b:s5+s9] =	stream.linear.scatter [tilespmem:s4], [sflag:$0x5], $0x4000, $0x38;
	[tilespmem:$0x18800] =	vst v63  }
0x24f: {  	_ =	swait.ge [sflag:s2], $0x800  }
0x250: {  	s8 =	sld [smem:$0x7DA]  }
0x251: {  	[sflag:s2] =	ssyncset.done $0x0  }
0x252: {  	[sflag:s2] =	ssyncadd.s32 $0xFFFFF800  }
0x253: {  	[spmem:s10], [sflag:s22] =	dma.local [hbm:s8], $0x800  }
0x254: {  	_ =	swait.ge [sflag:s14], $0x800  }
0x255: {  	s26 =	sld [smem:$0x7FA]  }
0x256: {  	s29 =	simm.s32 $0x80;
	[sflag:s14] =	ssyncset.done $0x0  }
0x257: {  	s28 =	simm.s32 $0x400;
	s8 =	simm.s32 $0x18000;
	[sflag:s14] =	ssyncadd.s32 $0xFFFFF800  }
0x258: {  	[spmem:s26] =	stream.strided.scatter [tilespmem:s8], [sflag:$0xD], $0x800, s28, s29, $0x38;
	[tilespmem:$0x18800] =	vst v63  }
0x259: {  	_ =	swait.ge [sflag:s11], $0x800  }
0x25a: {  	s5 =	sld [smem:$0x7D3]  }
0x25b: {  	[sflag:s11] =	ssyncset.done $0x0  }
0x25c: {  	[sflag:s11] =	ssyncadd.s32 $0xFFFFF800  }
0x25d: {  	[hbm:s5], [sflag:s18] =	dma.local [spmem:s7], $0x800  }
0x25e: {  	_ =	swait.ge [sflag:s15], $0x4000  }
0x25f: {  	s26 =	sld [smem:$0x7DC]  }
0x260: {  	[sflag:s15] =	ssyncset.done $0x0  }
0x261: {  	[sflag:s15] =	ssyncadd.s32 $0xFFFFC000  }
0x262: {  	[tilespmem:s4], [sflag:$0x2] =	stream.linear.gather [hbm4b:s26+s9], $0x4000, $0x38;
	[tilespmem:$0x18800] =	vst v63  }
0x263: {  	_ =	swait.ge [sflag:s19], $0x4000  }
0x264: {  	s5 =	sld [smem:$0x7D5]  }
0x265: {  	[sflag:s19] =	ssyncset.done $0x0  }
0x266: {  	[sflag:s19] =	ssyncadd.s32 $0xFFFFC000  }
0x267: {  	[hbm4b:s5+s9] =	stream.linear.scatter [tilespmem:s17], [sflag:$0x6], $0x4000, $0x38;
	[tilespmem:$0x18800] =	vst v63  }
0x268: {  	_ =	swait.ge [sflag:s20], $0x800  }
0x269: {  	s26 =	sld [smem:$0x7E2]  }
0x26a: {  	[sflag:s20] =	ssyncset.done $0x0  }
0x26b: {  	[sflag:s20] =	ssyncadd.s32 $0xFFFFF800  }
0x26c: {  	[spmem:s7], [sflag:s3] =	dma.local [hbm:s26], $0x800  }
0x26d: {  	_ =	swait.ge [sflag:s23], $0x800  }
0x26e: {  	s3 =	sld [smem:$0x7FB]  }
0x26f: {  	[sflag:s23] =	ssyncset.done $0x0  }
0x270: {  	[sflag:s23] =	ssyncadd.s32 $0xFFFFF800  }
0x271: {  	[spmem:s3] =	stream.strided.scatter [tilespmem:s8], [sflag:$0xD], $0x800, s28, s29, $0x38;
	[tilespmem:$0x18800] =	vst v63  }
0x272: {  	_ =	swait.ge [sflag:s11], $0x800  }
0x273: {  	s4 =	sld [smem:$0x7F7]  }
0x274: {  	[sflag:s11] =	ssyncset.done $0x0  }
0x275: {  	[sflag:s11] =	ssyncadd.s32 $0xFFFFF800  }
0x276: {  	[spmem:s4] =	stream.strided.scatter [tilespmem:s8], [sflag:$0xD], $0x800, s28, s29, $0x38;
	[tilespmem:$0x18800] =	vst v63  }
0x277: {  	_ =	swait.ge [sflag:s11], $0x800  }
0x278: {  	s3 =	sld [smem:$0x7D7]  }
0x279: {  	[sflag:s11] =	ssyncset.done $0x0  }
0x27a: {  	[sflag:s11] =	ssyncadd.s32 $0xFFFFF800  }
0x27b: {  	[hbm:s3], [sflag:s1] =	dma.local [spmem:s6], $0x800  }
0x27c: {  	_ =	swait.ge [sflag:s24], $0x4000  }
0x27d: {  	s4 =	sld [smem:$0x7E3]  }
0x27e: {  	[sflag:s24] =	ssyncset.done $0x0  }
0x27f: {  	[sflag:s24] =	ssyncadd.s32 $0xFFFFC000  }
0x280: {  	[tilespmem:s17], [sflag:$0x3] =	stream.linear.gather [hbm4b:s4+s9], $0x4000, $0x38;
	[tilespmem:$0x18800] =	vst v63  }
0x281: {  	_ =	swait.ge [sflag:s30], $0x4000  }
0x282: {  	s8 =	sand.u32 $0x40, s9;
	s29 =	sand.u32 $0x3C00, s9;
	[sflag:s30] =	ssyncset.done $0x0  }
0x283: {  	s0 =	sor.u32 s8, s29;
	[sflag:s30] =	ssyncadd.s32 $0xFFFFC000  }
0x284: {  	[tilespmem:s0+$0x30] =	vst v0  }
0x285: {  	s5 =	simm.s32 $0x80;
	[tilespmem:s0+$0x0] =	vst v0  }
0x286: {  	s26 =	simm.s32 $0x400;
	s28 =	simm.s32 $0x18000;
	s3 =	simm.s32 $0x40;
	[tilespmem:s0+$0x10] =	vst v0  }
.LBB2_46:
0x287: {  	s4 =	sand.u32 $0x40, s3;
	[tilespmem:s0+$0x20] =	vst v0;
	s9 =	sadd.s32 $0x200, s9;
	p1 =	sne.s32 s3, $0x7C0  }
.Ltmp12:
0x288: {  	s3 =	sadd.s32 $0x40, s3;
	s0 =	sand.u32 $0x3C00, s9;
	(pc) =	sbr.rel @p1 .LBB2_46-.Ltmp12, $4  }
0x289: {  	s0 =	sor.u32 s4, s0  }
0x28a: {  	[tilespmem:s0+$0x30] =	vst v0  }
0x28b: {  	[tilespmem:s0+$0x0] =	vst v0  }
0x28c: {  	[tilespmem:s0+$0x10] =	vst v0  }
0x28d: {  	s9 =	sld [smem:$0x7D9];
	_ =	sdelay $0x1  }
0x28e: {  	[tilespmem:s0+$0x20] =	vst v0;
	s3 =	simm.s32 $0x0  }
0x28f: {  	[hbm4b:s9+s3] =	stream.linear.scatter [tilespmem:s3], [sflag:$0x4], $0x4000, $0x38;
	[tilespmem:$0x18800] =	vst v63  }
0x290: {  	_ =	swait.ge [sflag:s25], $0x800  }
0x291: {  	s29 =	sld [smem:$0x7E4]  }
0x292: {  	[sflag:s25] =	ssyncset.done $0x0  }
0x293: {  	[sflag:s25] =	ssyncadd.s32 $0xFFFFF800  }
0x294: {  	[spmem:s6], [sflag:s16] =	dma.local [hbm:s29], $0x800  }
0x295: {  	_ =	swait.ge [sflag:s31], $0x800  }
0x296: {  	s4 =	sld [smem:$0x7F6]  }
0x297: {  	[sflag:s31] =	ssyncset.done $0x0  }
0x298: {  	[sflag:s31] =	ssyncadd.s32 $0xFFFFF800  }
0x299: {  	[spmem:s4] =	stream.strided.scatter [tilespmem:s28], [sflag:$0xD], $0x800, s26, s5, $0x38;
	[tilespmem:$0x18800] =	vst v63  }
0x29a: {  	_ =	swait.ge [sflag:s11], $0x800  }
0x29b: {  	s8 =	sld [smem:$0x7DB]  }
0x29c: {  	[sflag:s11] =	ssyncset.done $0x0  }
0x29d: {  	[sflag:s11] =	ssyncadd.s32 $0xFFFFF800  }
0x29e: {  	[hbm:s8], [sflag:s21] =	dma.local [spmem:s10], $0x800  }
0x29f: {  	_ =	swait.ge [sflag:s12], $0x4000  }
0x2a0: {  	s9 =	sld [smem:$0x7E5]  }
0x2a1: {  	[sflag:s12] =	ssyncset.done $0x0  }
0x2a2: {  	[sflag:s12] =	ssyncadd.s32 $0xFFFFC000  }
0x2a3: {  	[tilespmem:s3], [sflag:$0x1] =	stream.linear.gather [hbm4b:s9+s3], $0x4000, $0x38;
	[tilespmem:$0x18800] =	vst v63  }
0x2a4: {  	_ =	swait.ge [sflag:s13], $0x4000  }
0x2a5: {  	s16 =	sld [smem:$0x7DD]  }
0x2a6: {  	[sflag:s13] =	ssyncset.done $0x0  }
0x2a7: {  	s4 =	simm.s32 $0x4000;
	[sflag:s13] =	ssyncadd.s32 $0xFFFFC000  }
0x2a8: {  	[hbm4b:s16+s3] =	stream.linear.scatter [tilespmem:s4], [sflag:$0x5], $0x4000, $0x38;
	[tilespmem:$0x18800] =	vst v63  }
0x2a9: {  	_ =	swait.ge [sflag:s2], $0x800  }
0x2aa: {  	s26 =	sld [smem:$0x7E7]  }
0x2ab: {  	[sflag:s2] =	ssyncset.done $0x0  }
0x2ac: {  	[sflag:s2] =	ssyncadd.s32 $0xFFFFF800  }
0x2ad: {  	[spmem:s10], [sflag:s22] =	dma.local [hbm:s26], $0x800  }
0x2ae: {  	_ =	swait.ge [sflag:s14], $0x800  }
0x2af: {  	s29 =	sld [smem:$0x7E8]  }
0x2b0: {  	[sflag:s14] =	ssyncset.done $0x0  }
0x2b1: {  	[sflag:s14] =	ssyncadd.s32 $0xFFFFF800  }
0x2b2: {  	[hbm:s29], [sflag:s18] =	dma.local [spmem:s7], $0x800  }
0x2b3: {  	_ =	swait.ge [sflag:s19], $0x4000  }
0x2b4: {  	s5 =	sand.u32 $0x3C00, s3;
	s7 =	sand.u32 $0x40, s3;
	[sflag:s19] =	ssyncset.done $0x0  }
0x2b5: {  	s0 =	sor.u32 s7, s5;
	[sflag:s19] =	ssyncadd.s32 $0xFFFFC000  }
0x2b6: {  	[tilespmem:s0+$0x8030] =	vst v0  }
0x2b7: {  	[tilespmem:s0+$0x8000] =	vst v0  }
0x2b8: {  	s9 =	simm.s32 $0x40;
	s10 =	simm.s32 $0x0;
	[tilespmem:s0+$0x8010] =	vst v0;
	s8 =	rddreg [dreg:$0x1]  }
.LBB2_48:
0x2b9: {  	s4 =	sand.u32 $0x40, s9;
	[tilespmem:s0+$0x8020] =	vst v0;
	s10 =	sadd.s32 $0x200, s10;
	p1 =	sne.s32 s9, $0x7C0  }
.Ltmp13:
0x2ba: {  	s9 =	sadd.s32 $0x40, s9;
	s0 =	sand.u32 $0x3C00, s10;
	(pc) =	sbr.rel @p1 .LBB2_48-.Ltmp13, $4  }
0x2bb: {  	s0 =	sor.u32 s4, s0  }
0x2bc: {  	[tilespmem:s0+$0x8030] =	vst v0  }
0x2bd: {  	[tilespmem:s0+$0x8000] =	vst v0  }
0x2be: {  	[tilespmem:s0+$0x8010] =	vst v0  }
0x2bf: {  	[tilespmem:s0+$0x8020] =	vst v0;
	s5 =	sor.u32 s7, s5  }
0x2c0: {  	[tilespmem:s5+$0x80B0] =	vst v0  }
0x2c1: {  	[tilespmem:s5+$0x8080] =	vst v0  }
0x2c2: {  	s7 =	simm.s32 $0x40;
	[tilespmem:s5+$0x8090] =	vst v0  }
.LBB2_50:
0x2c3: {  	s0 =	sand.u32 $0x40, s7;
	[tilespmem:s5+$0x80A0] =	vst v0;
	s3 =	sadd.s32 $0x200, s3;
	p1 =	sne.s32 s7, $0x7C0  }
.Ltmp14:
0x2c4: {  	s7 =	sadd.s32 $0x40, s7;
	s4 =	sand.u32 $0x3C00, s3;
	(pc) =	sbr.rel @p1 .LBB2_50-.Ltmp14, $4  }
0x2c5: {  	s5 =	sor.u32 s0, s4  }
0x2c6: {  	[tilespmem:s5+$0x80B0] =	vst v0  }
0x2c7: {  	[tilespmem:s5+$0x8080] =	vst v0  }
0x2c8: {  	[tilespmem:s5+$0x8090] =	vst v0  }
0x2c9: {  	p1 =	por $0x0, $0x0;
	s0 =	simm.s32 $0x1  }
0x2ca: {  	s0 =	simm.s32 @!p1 $0x0  }
0x2cb: {  	s0 =	sshll.u32 s0, $0x6  }
0x2cc: {  	s3 =	sadd.s32 $0x0, s0  }
0x2cd: {  	[tilespmem:s5+$0x80A0] =	vst v0;
	s0 =	sor.u32 $0x380, s3  }
0x2ce: {  	s5 =	simm.s32 $0x0;
	s7 =	simm.s32 $0x40;
	p1 =	por !p1, !p1;
	[tilespmem:s0+$0x8000] =	vst v0  }
.LBB2_52:
0x2cf: {  	s0 =	simm.s32 $0x1;
	s4 =	sor.u32 $0x390, s3  }
0x2d0: {  	s5 =	sadd.s32 $0x200, s5;
	p2 =	sne.s32 s7, $0x7C0;
	s0 =	simm.s32 @!p1 $0x0  }
.Ltmp15:
0x2d1: {  	s0 =	sshll.u32 s0, $0x6;
	[tilespmem:s4+$0x8000] =	vst v0;
	s4 =	sor.u32 $0x3A0, s3;
	(pc) =	sbr.rel @p2 .LBB2_52-.Ltmp15, $4  }
0x2d2: {  	[tilespmem:s4+$0x8000] =	vst v0;
	s4 =	sor.u32 $0x3B0, s3;
	s3 =	sadd.s32 s0, s5  }
0x2d3: {  	s0 =	sor.u32 $0x380, s3;
	[tilespmem:s4+$0x8000] =	vst v0  }
0x2d4: {  	[tilespmem:s0+$0x8000] =	vst v0  }
0x2d5: {  	s7 =	sadd.s32 $0x40, s7;
	p1 =	por !p1, !p1  }
0x2d6: {  	s0 =	sor.u32 $0x390, s3  }
0x2d7: {  	s7 =	sor.u32 $0x3A0, s3;
	s10 =	sld [smem:$0x7E9];
	[tilespmem:s0+$0x8000] =	vst v0  }
0x2d8: {  	s9 =	sor.u32 $0x3B0, s3;
	[tilespmem:s7+$0x8000] =	vst v0  }
0x2d9: {  	s3 =	simm.s32 $0x0;
	[tilespmem:s9+$0x8000] =	vst v0  }
0x2da: {  	[hbm4b:s10+s3] =	stream.linear.scatter [tilespmem:s17], [sflag:$0x6], $0x4000, $0x38;
	[tilespmem:$0x18800] =	vst v63  }
0x2db: {  	_ =	swait.ge [sflag:s23], $0x800  }
0x2dc: {  	s16 =	sld [smem:$0x7EE]  }
0x2dd: {  	[sflag:s23] =	ssyncset.done $0x0  }
0x2de: {  	s4 =	simm.s32 $0x80;
	s5 =	simm.s32 $0x400;
	[sflag:s23] =	ssyncadd.s32 $0xFFFFF800  }
0x2df: {  	[spmem:s16] =	stream.strided.scatter [tilespmem:s28], [sflag:$0xD], $0x800, s5, s4, $0x38;
	[tilespmem:$0x18800] =	vst v63  }
0x2e0: {  	_ =	swait.ge [sflag:s11], $0x800  }
0x2e1: {  	s18 =	sld [smem:$0x7FC]  }
0x2e2: {  	[sflag:s11] =	ssyncset.done $0x0  }
0x2e3: {  	[sflag:s11] =	ssyncadd.s32 $0xFFFFF800  }
0x2e4: {  	[spmem:s18] =	stream.strided.scatter [tilespmem:s28], [sflag:$0xD], $0x800, s5, s4, $0x38;
	[tilespmem:$0x18800] =	vst v63  }
0x2e5: {  	_ =	swait.ge [sflag:s11], $0x800  }
0x2e6: {  	s22 =	sld [smem:$0x7EA]  }
0x2e7: {  	[sflag:s11] =	ssyncset.done $0x0  }
0x2e8: {  	[sflag:s11] =	ssyncadd.s32 $0xFFFFF800  }
0x2e9: {  	[hbm:s22], [sflag:s1] =	dma.local [spmem:s6], $0x800  }
0x2ea: {  	_ =	swait.ge [sflag:s30], $0x4000  }
0x2eb: {  	s26 =	sand.u32 $0x40, s3;
	s29 =	sand.u32 $0x3C00, s3;
	[sflag:s30] =	ssyncset.done $0x0  }
0x2ec: {  	s5 =	sor.u32 s26, s29;
	[sflag:s30] =	ssyncadd.s32 $0xFFFFC000  }
0x2ed: {  	[tilespmem:s5+$0x1B0] =	vst v0  }
0x2ee: {  	[tilespmem:s5+$0x180] =	vst v0  }
0x2ef: {  	s0 =	simm.s32 $0x0;
	s1 =	simm.s32 $0x40;
	[tilespmem:s5+$0x190] =	vst v0  }
.LBB2_54:
0x2f0: {  	s4 =	sand.u32 $0x40, s1;
	[tilespmem:s5+$0x1A0] =	vst v0;
	s0 =	sadd.s32 $0x200, s0;
	p1 =	sne.s32 s1, $0x7C0  }
.Ltmp16:
0x2f1: {  	s1 =	sadd.s32 $0x40, s1;
	s5 =	sand.u32 $0x3C00, s0;
	(pc) =	sbr.rel @p1 .LBB2_54-.Ltmp16, $4  }
0x2f2: {  	s5 =	sor.u32 s4, s5  }
0x2f3: {  	[tilespmem:s5+$0x1B0] =	vst v0  }
0x2f4: {  	[tilespmem:s5+$0x180] =	vst v0  }
0x2f5: {  	[tilespmem:s5+$0x190] =	vst v0  }
0x2f6: {  	p1 =	por $0x0, $0x0;
	s0 =	simm.s32 $0x1  }
0x2f7: {  	s0 =	simm.s32 @!p1 $0x0  }
0x2f8: {  	s0 =	sshll.u32 s0, $0x6  }
0x2f9: {  	s1 =	sadd.s32 $0x0, s0  }
0x2fa: {  	[tilespmem:s5+$0x1A0] =	vst v0;
	s0 =	sor.u32 $0x280, s1  }
0x2fb: {  	s5 =	simm.s32 $0x40;
	p1 =	por !p1, !p1;
	[tilespmem:s0+$0x0] =	vst v0  }
.LBB2_56:
0x2fc: {  	s0 =	simm.s32 $0x1;
	s4 =	sor.u32 $0x290, s1  }
0x2fd: {  	s3 =	sadd.s32 $0x200, s3;
	p2 =	sne.s32 s5, $0x7C0;
	s0 =	simm.s32 @!p1 $0x0  }
.Ltmp17:
0x2fe: {  	s0 =	sshll.u32 s0, $0x6;
	[tilespmem:s4+$0x0] =	vst v0;
	s4 =	sor.u32 $0x2A0, s1;
	(pc) =	sbr.rel @p2 .LBB2_56-.Ltmp17, $4  }
0x2ff: {  	[tilespmem:s4+$0x0] =	vst v0;
	s4 =	sor.u32 $0x2B0, s1;
	s1 =	sadd.s32 s0, s3  }
0x300: {  	s0 =	sor.u32 $0x280, s1;
	[tilespmem:s4+$0x0] =	vst v0  }
0x301: {  	[tilespmem:s0+$0x0] =	vst v0  }
0x302: {  	s5 =	sadd.s32 $0x40, s5;
	p1 =	por !p1, !p1  }
0x303: {  	s0 =	sor.u32 $0x290, s1  }
0x304: {  	s6 =	sor.u32 $0x2A0, s1;
	s10 =	sld [smem:$0x7EB];
	[tilespmem:s0+$0x0] =	vst v0  }
0x305: {  	s7 =	sor.u32 $0x2B0, s1;
	[tilespmem:s6+$0x0] =	vst v0  }
0x306: {  	s9 =	simm.s32 $0x0;
	[tilespmem:s7+$0x0] =	vst v0  }
0x307: {  	[hbm4b:s10+s9] =	stream.linear.scatter [tilespmem:s9], [sflag:$0x4], $0x4000, $0x38;
	[tilespmem:$0x18800] =	vst v63  }
0x308: {  	_ =	swait.ge [sflag:s31], $0x800  }
0x309: {  	s16 =	sld [smem:$0x7F5]  }
0x30a: {  	s18 =	simm.s32 $0x80;
	[sflag:s31] =	ssyncset.done $0x0  }
0x30b: {  	s4 =	simm.s32 $0x400;
	s3 =	simm.s32 $0xD;
	[sflag:s31] =	ssyncadd.s32 $0xFFFFF800  }
0x30c: {  	[spmem:s16] =	stream.strided.scatter [tilespmem:s28], [sflag:$0xD], $0x800, s4, s18, $0x38;
	[tilespmem:$0x18800] =	vst v63  }
0x30d: {  	_ =	swait.ge [sflag:s3], $0x800  }
.Ltmp18:
0x30e: {  	s22 =	sld [smem:$0x7FD];
	(pc) =	sbr.rel .LBB2_58-.Ltmp18, $4  }
0x30f: {  	[sflag:s3] =	ssyncset.done $0x0  }
0x310: {  	s0 =	sld [smem:$0x7E6];
	[sflag:s3] =	ssyncadd.s32 $0xFFFFF800  }
0x311: {  	[spmem:s22] =	stream.strided.scatter [tilespmem:s28], [sflag:$0xD], $0x800, s4, s18, $0x38;
	[tilespmem:$0x18800] =	vst v63  }
0x312: {  	s29 =	simm.s32 $0x80;
	s26 =	simm.s32 $0x400;
	s4 =	sld [smem:$0x782]  }
.LBB2_4:
0x313: {  	s0 =	sld [smem:$0x7DE]  }
0x314: {  	s10 =	rddreg [dreg:$0x6]  }
0x315: {  	s9 =	simm.s32 $0x0;
	s16 =	rddreg [dreg:$0x7]  }
0x316: {  	[tilespmem:s9], [sflag:$0x1] =	stream.linear.gather [hbm4b:s0+s9], $0x4000, $0x38;
	[tilespmem:$0x18800] =	vst v63  }
0x317: {  	s4 =	simm.s32 $0x4000;
	s18 =	rddreg [dreg:$0x8];
	s16 =	sshrl.u32 s16, $0x3  }
0x318: {  	[tilespmem:s4], [sflag:$0x2] =	stream.linear.gather [hbm4b:s10+s9], $0x4000, $0x38;
	[tilespmem:$0x18800] =	vst v63  }
0x319: {  	[spmem:s16], [sflag:s22] =	dma.local [hbm:s18], $0x800  }
0x31a: {  	s0 =	rddreg [dreg:$0x9]  }
0x31b: {  	s3 =	sor.u32 $0x1C08, s1;
	s21 =	rddreg [dreg:$0xa];
	s6 =	sshrl.u32 s0, $0x3  }
0x31c: {  	[spmem:s6], [sflag:s3] =	dma.local [hbm:s21], $0x800  }
0x31d: {  	s0 =	rddreg [dreg:$0xb]  }
0x31e: {  	[tilespmem:s17], [sflag:$0x3] =	stream.linear.gather [hbm4b:s0+s9], $0x4000, $0x38;
	[tilespmem:$0x18800] =	vst v63  }
0x31f: {  	_ =	swait.ge [sflag:s30], $0x4000  }
0x320: {  	s5 =	sld [smem:$0x7DF]  }
0x321: {  	s18 =	sor.u32 $0x1C09, s1;
	[sflag:s30] =	ssyncset.done $0x0;
	s7 =	rddreg [dreg:$0xc]  }
0x322: {  	s8 =	rddreg [dreg:$0xd];
	[sflag:s30] =	ssyncadd.s32 $0xFFFFC000;
	s7 =	sshrl.u32 s7, $0x3  }
0x323: {  	[hbm4b:s5+s9] =	stream.linear.scatter [tilespmem:s9], [sflag:$0x4], $0x4000, $0x38;
	[tilespmem:$0x18800] =	vst v63  }
0x324: {  	[spmem:s7], [sflag:s18] =	dma.local [hbm:s8], $0x800  }
0x325: {  	_ =	swait.ge [sflag:s31], $0x800  }
0x326: {  	[sflag:s31] =	ssyncset.done $0x0  }
0x327: {  	s21 =	sor.u32 $0x1C0A, s1;
	s10 =	rddreg [dreg:$0xe];
	[sflag:s31] =	ssyncadd.s32 $0xFFFFF800  }
0x328: {  	[hbm:s10], [sflag:s21] =	dma.local [spmem:s16], $0x800  }
0x329: {  	_ =	swait.ge [sflag:s12], $0x4000  }
0x32a: {  	[sflag:s12] =	ssyncset.done $0x0  }
0x32b: {  	s17 =	rddreg [dreg:$0xf];
	[sflag:s12] =	ssyncadd.s32 $0xFFFFC000  }
0x32c: {  	[tilespmem:s9], [sflag:$0x1] =	stream.linear.gather [hbm4b:s17+s9], $0x4000, $0x38;
	[tilespmem:$0x18800] =	vst v63  }
0x32d: {  	_ =	swait.ge [sflag:s13], $0x4000  }
0x32e: {  	[sflag:s13] =	ssyncset.done $0x0  }
0x32f: {  	s5 =	rddreg [dreg:$0x10];
	[sflag:s13] =	ssyncadd.s32 $0xFFFFC000  }
0x330: {  	[hbm4b:s5+s9] =	stream.linear.scatter [tilespmem:s4], [sflag:$0x5], $0x4000, $0x38;
	[tilespmem:$0x18800] =	vst v63  }
0x331: {  	_ =	swait.ge [sflag:s2], $0x800  }
0x332: {  	[sflag:s2] =	ssyncset.done $0x0  }
0x333: {  	s8 =	rddreg [dreg:$0x11];
	[sflag:s2] =	ssyncadd.s32 $0xFFFFF800  }
0x334: {  	[spmem:s16], [sflag:s22] =	dma.local [hbm:s8], $0x800  }
0x335: {  	_ =	swait.ge [sflag:s14], $0x800  }
0x336: {  	s10 =	sld [smem:$0x7ED]  }
0x337: {  	[sflag:s14] =	ssyncset.done $0x0  }
0x338: {  	[sflag:s14] =	ssyncadd.s32 $0xFFFFF800  }
0x339: {  	[spmem:s10] =	stream.strided.scatter [tilespmem:s28], [sflag:$0xD], $0x800, s26, s29, $0x38;
	[tilespmem:$0x18800] =	vst v63  }
0x33a: {  	_ =	swait.ge [sflag:s11], $0x800  }
0x33b: {  	[sflag:s11] =	ssyncset.done $0x0  }
0x33c: {  	s10 =	sor.u32 $0x1C0B, s1;
	s17 =	rddreg [dreg:$0x12];
	[sflag:s11] =	ssyncadd.s32 $0xFFFFF800  }
0x33d: {  	[hbm:s17], [sflag:s10] =	dma.local [spmem:s6], $0x800  }
0x33e: {  	_ =	swait.ge [sflag:s15], $0x4000  }
0x33f: {  	[sflag:s15] =	ssyncset.done $0x0  }
0x340: {  	s26 =	rddreg [dreg:$0x13];
	[sflag:s15] =	ssyncadd.s32 $0xFFFFC000  }
0x341: {  	[tilespmem:s4], [sflag:$0x2] =	stream.linear.gather [hbm4b:s26+s9], $0x4000, $0x38;
	[tilespmem:$0x18800] =	vst v63  }
0x342: {  	_ =	swait.ge [sflag:s19], $0x4000  }
0x343: {  	s5 =	sand.u32 $0x3C00, s9;
	s29 =	sand.u32 $0x40, s9;
	[sflag:s19] =	ssyncset.done $0x0  }
0x344: {  	s0 =	sor.u32 s29, s5;
	[sflag:s19] =	ssyncadd.s32 $0xFFFFC000  }
0x345: {  	[tilespmem:s0+$0x81B0] =	vst v0  }
0x346: {  	[tilespmem:s0+$0x8180] =	vst v0  }
0x347: {  	s5 =	simm.s32 $0x40;
	[tilespmem:s0+$0x8190] =	vst v0  }
.LBB2_5:
0x348: {  	s17 =	sand.u32 $0x40, s5;
	[tilespmem:s0+$0x81A0] =	vst v0;
	s9 =	sadd.s32 $0x200, s9;
	p1 =	sne.s32 s5, $0x7C0  }
.Ltmp19:
0x349: {  	s5 =	sadd.s32 $0x40, s5;
	s0 =	sand.u32 $0x3C00, s9;
	(pc) =	sbr.rel @p1 .LBB2_5-.Ltmp19, $4  }
0x34a: {  	s0 =	sor.u32 s17, s0  }
0x34b: {  	[tilespmem:s0+$0x81B0] =	vst v0  }
0x34c: {  	[tilespmem:s0+$0x8180] =	vst v0  }
0x34d: {  	[tilespmem:s0+$0x8190] =	vst v0  }
0x34e: {  	[tilespmem:s0+$0x81A0] =	vst v0;
	s9 =	simm.s32 $0x0;
	s8 =	rddreg [dreg:$0x14];
	s4 =	simm.s32 $0x8000  }
0x34f: {  	[hbm4b:s8+s9] =	stream.linear.scatter [tilespmem:s4], [sflag:$0x6], $0x4000, $0x38;
	[tilespmem:$0x18800] =	vst v63  }
0x350: {  	_ =	swait.ge [sflag:s20], $0x800  }
0x351: {  	[sflag:s20] =	ssyncset.done $0x0  }
0x352: {  	s17 =	rddreg [dreg:$0x19];
	[sflag:s20] =	ssyncadd.s32 $0xFFFFF800  }
0x353: {  	[spmem:s6], [sflag:s3] =	dma.local [hbm:s17], $0x800  }
0x354: {  	_ =	swait.ge [sflag:s23], $0x800  }
0x355: {  	s26 =	sld [smem:$0x7EE]  }
0x356: {  	[sflag:s23] =	ssyncset.done $0x0  }
0x357: {  	s5 =	simm.s32 $0x80;
	s17 =	simm.s32 $0x400;
	[sflag:s23] =	ssyncadd.s32 $0xFFFFF800  }
0x358: {  	[spmem:s26] =	stream.strided.scatter [tilespmem:s28], [sflag:$0xD], $0x800, s17, s5, $0x38;
	[tilespmem:$0x18800] =	vst v63  }
0x359: {  	_ =	swait.ge [sflag:s11], $0x800  }
0x35a: {  	[sflag:s11] =	ssyncset.done $0x0  }
0x35b: {  	s1 =	sor.u32 $0x1C0C, s1;
	s29 =	rddreg [dreg:$0x15];
	[sflag:s11] =	ssyncadd.s32 $0xFFFFF800  }
0x35c: {  	[hbm:s29], [sflag:s1] =	dma.local [spmem:s7], $0x800  }
0x35d: {  	_ =	swait.ge [sflag:s24], $0x4000  }
0x35e: {  	[sflag:s24] =	ssyncset.done $0x0  }
0x35f: {  	s8 =	rddreg [dreg:$0x1b];
	[sflag:s24] =	ssyncadd.s32 $0xFFFFC000  }
0x360: {  	[tilespmem:s4], [sflag:$0x3] =	stream.linear.gather [hbm4b:s8+s9], $0x4000, $0x38;
	[tilespmem:$0x18800] =	vst v63  }
0x361: {  	_ =	swait.ge [sflag:s30], $0x4000  }
0x362: {  	[sflag:s30] =	ssyncset.done $0x0  }
0x363: {  	s26 =	rddreg [dreg:$0x16];
	[sflag:s30] =	ssyncadd.s32 $0xFFFFC000  }
0x364: {  	[hbm4b:s26+s9] =	stream.linear.scatter [tilespmem:s9], [sflag:$0x4], $0x4000, $0x38;
	[tilespmem:$0x18800] =	vst v63  }
0x365: {  	_ =	swait.ge [sflag:s25], $0x800  }
0x366: {  	[sflag:s25] =	ssyncset.done $0x0  }
0x367: {  	s29 =	rddreg [dreg:$0x1d];
	[sflag:s25] =	ssyncadd.s32 $0xFFFFF800  }
0x368: {  	[spmem:s7], [sflag:s18] =	dma.local [hbm:s29], $0x800  }
0x369: {  	_ =	swait.ge [sflag:s31], $0x800  }
0x36a: {  	s4 =	sld [smem:$0x7EF]  }
0x36b: {  	[sflag:s31] =	ssyncset.done $0x0  }
0x36c: {  	[sflag:s31] =	ssyncadd.s32 $0xFFFFF800  }
0x36d: {  	[spmem:s4] =	stream.strided.scatter [tilespmem:s28], [sflag:$0xD], $0x800, s17, s5, $0x38;
	[tilespmem:$0x18800] =	vst v63  }
0x36e: {  	_ =	swait.ge [sflag:s11], $0x800  }
0x36f: {  	[sflag:s11] =	ssyncset.done $0x0  }
0x370: {  	s28 =	rddreg [dreg:$0x17];
	[sflag:s11] =	ssyncadd.s32 $0xFFFFF800  }
0x371: {  	[hbm:s28], [sflag:s21] =	dma.local [spmem:s16], $0x800  }
0x372: {  	_ =	swait.ge [sflag:s12], $0x4000  }
0x373: {  	[sflag:s12] =	ssyncset.done $0x0  }
0x374: {  	s29 =	rddreg [dreg:$0x1f];
	[sflag:s12] =	ssyncadd.s32 $0xFFFFC000  }
0x375: {  	[tilespmem:s9], [sflag:$0x1] =	stream.linear.gather [hbm4b:s29+s9], $0x4000, $0x38;
	[tilespmem:$0x18800] =	vst v63  }
0x376: {  	_ =	swait.ge [sflag:s13], $0x4000  }
0x377: {  	[sflag:s13] =	ssyncset.done $0x0  }
0x378: {  	s5 =	simm.s32 $0x4000;
	s4 =	rddreg [dreg:$0x18];
	[sflag:s13] =	ssyncadd.s32 $0xFFFFC000  }
0x379: {  	[hbm4b:s4+s9] =	stream.linear.scatter [tilespmem:s5], [sflag:$0x5], $0x4000, $0x38;
	[tilespmem:$0x18800] =	vst v63  }
0x37a: {  	_ =	swait.ge [sflag:s2], $0x800  }
0x37b: {  	s17 =	sld [smem:$0x784]  }
0x37c: {  	[sflag:s2] =	ssyncset.done $0x0  }
0x37d: {  	[sflag:s2] =	ssyncadd.s32 $0xFFFFF800  }
0x37e: {  	[spmem:s16], [sflag:s22] =	dma.local [hbm:s17], $0x800  }
0x37f: {  	_ =	swait.ge [sflag:s14], $0x800  }
0x380: {  	[sflag:s14] =	ssyncset.done $0x0  }
0x381: {  	s28 =	rddreg [dreg:$0x1a];
	[sflag:s14] =	ssyncadd.s32 $0xFFFFF800  }
0x382: {  	[hbm:s28], [sflag:s10] =	dma.local [spmem:s6], $0x800  }
0x383: {  	_ =	swait.ge [sflag:s15], $0x4000  }
0x384: {  	s29 =	sld [smem:$0x786]  }
0x385: {  	p1 =	por $0x0, $0x0;
	s0 =	simm.s32 $0x1;
	[sflag:s15] =	ssyncset.done $0x0  }
0x386: {  	s0 =	simm.s32 @!p1 $0x0;
	[sflag:s15] =	ssyncadd.s32 $0xFFFFC000  }
0x387: {  	[tilespmem:s5], [sflag:$0x2] =	stream.linear.gather [hbm4b:s29+s9], $0x4000, $0x38;
	[tilespmem:$0x18800] =	vst v63  }
0x388: {  	s0 =	sshll.u32 s0, $0x6;
	_ =	swait.ge [sflag:s19], $0x4000  }
0x389: {  	s17 =	sadd.s32 $0x0, s0;
	[sflag:s19] =	ssyncset.done $0x0  }
0x38a: {  	p1 =	por !p1, !p1;
	s0 =	sor.u32 $0x280, s17;
	[sflag:s19] =	ssyncadd.s32 $0xFFFFC000  }
0x38b: {  	s8 =	simm.s32 $0x80;
	s26 =	simm.s32 $0x400;
	s5 =	simm.s32 $0x40;
	[tilespmem:s0+$0x8000] =	vst v0  }
.LBB2_7:
0x38c: {  	s0 =	simm.s32 $0x1;
	s28 =	sor.u32 $0x290, s17  }
0x38d: {  	s9 =	sadd.s32 $0x200, s9;
	p2 =	sne.s32 s5, $0x7C0;
	s0 =	simm.s32 @!p1 $0x0  }
.Ltmp20:
0x38e: {  	s0 =	sshll.u32 s0, $0x6;
	[tilespmem:s28+$0x8000] =	vst v0;
	s28 =	sor.u32 $0x2A0, s17;
	(pc) =	sbr.rel @p2 .LBB2_7-.Ltmp20, $4  }
0x38f: {  	[tilespmem:s28+$0x8000] =	vst v0;
	s28 =	sor.u32 $0x2B0, s17;
	s17 =	sadd.s32 s0, s9  }
0x390: {  	s0 =	sor.u32 $0x280, s17;
	[tilespmem:s28+$0x8000] =	vst v0  }
0x391: {  	[tilespmem:s0+$0x8000] =	vst v0  }
0x392: {  	s5 =	sadd.s32 $0x40, s5;
	p1 =	por !p1, !p1  }
0x393: {  	s0 =	sor.u32 $0x290, s17  }
0x394: {  	s9 =	sor.u32 $0x2A0, s17;
	[tilespmem:s0+$0x8000] =	vst v0  }
0x395: {  	s28 =	sor.u32 $0x2B0, s17;
	[tilespmem:s9+$0x8000] =	vst v0  }
0x396: {  	s29 =	rddreg [dreg:$0x1c];
	s4 =	simm.s32 $0x8000;
	s9 =	simm.s32 $0x0;
	[tilespmem:s28+$0x8000] =	vst v0  }
0x397: {  	[hbm4b:s29+s9] =	stream.linear.scatter [tilespmem:s4], [sflag:$0x6], $0x4000, $0x38;
	[tilespmem:$0x18800] =	vst v63  }
0x398: {  	_ =	swait.ge [sflag:s20], $0x800  }
0x399: {  	s5 =	sld [smem:$0x788]  }
0x39a: {  	[sflag:s20] =	ssyncset.done $0x0  }
0x39b: {  	[sflag:s20] =	ssyncadd.s32 $0xFFFFF800  }
0x39c: {  	[spmem:s6], [sflag:s3] =	dma.local [hbm:s5], $0x800  }
0x39d: {  	_ =	swait.ge [sflag:s23], $0x800  }
0x39e: {  	[sflag:s23] =	ssyncset.done $0x0  }
0x39f: {  	s17 =	rddreg [dreg:$0x1e];
	[sflag:s23] =	ssyncadd.s32 $0xFFFFF800  }
0x3a0: {  	[hbm:s17], [sflag:s1] =	dma.local [spmem:s7], $0x800  }
0x3a1: {  	_ =	swait.ge [sflag:s24], $0x4000  }
0x3a2: {  	s28 =	sld [smem:$0x78A]  }
0x3a3: {  	[sflag:s24] =	ssyncset.done $0x0  }
0x3a4: {  	[sflag:s24] =	ssyncadd.s32 $0xFFFFC000  }
0x3a5: {  	[tilespmem:s4], [sflag:$0x3] =	stream.linear.gather [hbm4b:s28+s9], $0x4000, $0x38;
	[tilespmem:$0x18800] =	vst v63  }
0x3a6: {  	_ =	swait.ge [sflag:s30], $0x4000  }
0x3a7: {  	s29 =	sand.u32 $0x40, s9;
	s5 =	sand.u32 $0x3C00, s9;
	[sflag:s30] =	ssyncset.done $0x0  }
0x3a8: {  	s0 =	sor.u32 s29, s5;
	[sflag:s30] =	ssyncadd.s32 $0xFFFFC000  }
0x3a9: {  	[tilespmem:s0+$0x1B0] =	vst v0  }
0x3aa: {  	[tilespmem:s0+$0x180] =	vst v0  }
0x3ab: {  	s5 =	simm.s32 $0x40;
	[tilespmem:s0+$0x190] =	vst v0  }
.LBB2_9:
0x3ac: {  	s17 =	sand.u32 $0x40, s5;
	[tilespmem:s0+$0x1A0] =	vst v0;
	s9 =	sadd.s32 $0x200, s9;
	p1 =	sne.s32 s5, $0x7C0  }
.Ltmp21:
0x3ad: {  	s5 =	sadd.s32 $0x40, s5;
	s0 =	sand.u32 $0x3C00, s9;
	(pc) =	sbr.rel @p1 .LBB2_9-.Ltmp21, $4  }
0x3ae: {  	s0 =	sor.u32 s17, s0  }
0x3af: {  	[tilespmem:s0+$0x1B0] =	vst v0  }
0x3b0: {  	[tilespmem:s0+$0x180] =	vst v0  }
0x3b1: {  	[tilespmem:s0+$0x190] =	vst v0  }
0x3b2: {  	s17 =	sld [smem:$0x783];
	_ =	sdelay $0x1  }
0x3b3: {  	[tilespmem:s0+$0x1A0] =	vst v0;
	s9 =	simm.s32 $0x0  }
0x3b4: {  	[hbm4b:s17+s9] =	stream.linear.scatter [tilespmem:s9], [sflag:$0x4], $0x4000, $0x38;
	[tilespmem:$0x18800] =	vst v63  }
0x3b5: {  	_ =	swait.ge [sflag:s25], $0x800  }
0x3b6: {  	s4 =	sld [smem:$0x78C]  }
0x3b7: {  	[sflag:s25] =	ssyncset.done $0x0  }
0x3b8: {  	[sflag:s25] =	ssyncadd.s32 $0xFFFFF800  }
0x3b9: {  	[spmem:s7], [sflag:s18] =	dma.local [hbm:s4], $0x800  }
0x3ba: {  	_ =	swait.ge [sflag:s31], $0x800  }
0x3bb: {  	s5 =	sld [smem:$0x785]  }
0x3bc: {  	[sflag:s31] =	ssyncset.done $0x0  }
0x3bd: {  	[sflag:s31] =	ssyncadd.s32 $0xFFFFF800  }
0x3be: {  	[hbm:s5], [sflag:s21] =	dma.local [spmem:s16], $0x800  }
0x3bf: {  	_ =	swait.ge [sflag:s12], $0x4000  }
0x3c0: {  	s17 =	sld [smem:$0x78E]  }
0x3c1: {  	[sflag:s12] =	ssyncset.done $0x0  }
0x3c2: {  	[sflag:s12] =	ssyncadd.s32 $0xFFFFC000  }
0x3c3: {  	[tilespmem:s9], [sflag:$0x1] =	stream.linear.gather [hbm4b:s17+s9], $0x4000, $0x38;
	[tilespmem:$0x18800] =	vst v63  }
0x3c4: {  	_ =	swait.ge [sflag:s13], $0x4000  }
0x3c5: {  	s5 =	sand.u32 $0x3C00, s9;
	s17 =	sand.u32 $0x40, s9;
	[sflag:s13] =	ssyncset.done $0x0  }
0x3c6: {  	s0 =	sor.u32 s17, s5;
	[sflag:s13] =	ssyncadd.s32 $0xFFFFC000  }
0x3c7: {  	[tilespmem:s0+$0x4030] =	vst v0  }
0x3c8: {  	[tilespmem:s0+$0x4000] =	vst v0  }
0x3c9: {  	s28 =	simm.s32 $0x40;
	s29 =	simm.s32 $0x0;
	[tilespmem:s0+$0x4010] =	vst v0  }
.LBB2_11:
0x3ca: {  	s4 =	sand.u32 $0x40, s28;
	[tilespmem:s0+$0x4020] =	vst v0;
	s29 =	sadd.s32 $0x200, s29;
	p1 =	sne.s32 s28, $0x7C0  }
.Ltmp22:
0x3cb: {  	s28 =	sadd.s32 $0x40, s28;
	s0 =	sand.u32 $0x3C00, s29;
	(pc) =	sbr.rel @p1 .LBB2_11-.Ltmp22, $4  }
0x3cc: {  	s0 =	sor.u32 s4, s0  }
0x3cd: {  	[tilespmem:s0+$0x4030] =	vst v0  }
0x3ce: {  	[tilespmem:s0+$0x4000] =	vst v0  }
0x3cf: {  	[tilespmem:s0+$0x4010] =	vst v0  }
0x3d0: {  	[tilespmem:s0+$0x4020] =	vst v0;
	s5 =	sor.u32 s17, s5  }
0x3d1: {  	[tilespmem:s5+$0x4130] =	vst v0  }
0x3d2: {  	[tilespmem:s5+$0x4100] =	vst v0  }
0x3d3: {  	s17 =	simm.s32 $0x40;
	s28 =	simm.s32 $0x18000;
	[tilespmem:s5+$0x4110] =	vst v0  }
.LBB2_13:
0x3d4: {  	s0 =	sand.u32 $0x40, s17;
	[tilespmem:s5+$0x4120] =	vst v0;
	s9 =	sadd.s32 $0x200, s9;
	p1 =	sne.s32 s17, $0x7C0  }
.Ltmp23:
0x3d5: {  	s17 =	sadd.s32 $0x40, s17;
	s4 =	sand.u32 $0x3C00, s9;
	(pc) =	sbr.rel @p1 .LBB2_13-.Ltmp23, $4  }
0x3d6: {  	s5 =	sor.u32 s0, s4  }
0x3d7: {  	[tilespmem:s5+$0x4130] =	vst v0  }
0x3d8: {  	[tilespmem:s5+$0x4100] =	vst v0  }
0x3d9: {  	[tilespmem:s5+$0x4110] =	vst v0  }
0x3da: {  	p1 =	por $0x0, $0x0;
	s0 =	simm.s32 $0x1  }
0x3db: {  	s0 =	simm.s32 @!p1 $0x0  }
0x3dc: {  	s0 =	sshll.u32 s0, $0x6  }
0x3dd: {  	s9 =	sadd.s32 $0x0, s0  }
0x3de: {  	[tilespmem:s5+$0x4120] =	vst v0;
	s0 =	sor.u32 $0x280, s9  }
0x3df: {  	s5 =	simm.s32 $0x0;
	s17 =	simm.s32 $0x40;
	p1 =	por !p1, !p1;
	[tilespmem:s0+$0x4000] =	vst v0  }
.LBB2_15:
0x3e0: {  	s0 =	simm.s32 $0x1;
	s4 =	sor.u32 $0x290, s9  }
0x3e1: {  	s5 =	sadd.s32 $0x200, s5;
	p2 =	sne.s32 s17, $0x7C0;
	s0 =	simm.s32 @!p1 $0x0  }
.Ltmp24:
0x3e2: {  	s0 =	sshll.u32 s0, $0x6;
	[tilespmem:s4+$0x4000] =	vst v0;
	s4 =	sor.u32 $0x2A0, s9;
	(pc) =	sbr.rel @p2 .LBB2_15-.Ltmp24, $4  }
0x3e3: {  	[tilespmem:s4+$0x4000] =	vst v0;
	s4 =	sor.u32 $0x2B0, s9;
	s9 =	sadd.s32 s0, s5  }
0x3e4: {  	s0 =	sor.u32 $0x280, s9;
	[tilespmem:s4+$0x4000] =	vst v0  }
0x3e5: {  	[tilespmem:s0+$0x4000] =	vst v0  }
0x3e6: {  	s17 =	sadd.s32 $0x40, s17;
	p1 =	por !p1, !p1  }
0x3e7: {  	s0 =	sor.u32 $0x290, s9  }
0x3e8: {  	s5 =	sor.u32 $0x2A0, s9;
	s29 =	sld [smem:$0x787];
	[tilespmem:s0+$0x4000] =	vst v0  }
0x3e9: {  	s17 =	sor.u32 $0x2B0, s9;
	[tilespmem:s5+$0x4000] =	vst v0  }
0x3ea: {  	s9 =	simm.s32 $0x0;
	s4 =	simm.s32 $0x4000;
	[tilespmem:s17+$0x4000] =	vst v0  }
0x3eb: {  	[hbm4b:s29+s9] =	stream.linear.scatter [tilespmem:s4], [sflag:$0x5], $0x4000, $0x38;
	[tilespmem:$0x18800] =	vst v63  }
0x3ec: {  	_ =	swait.ge [sflag:s2], $0x800  }
0x3ed: {  	s5 =	sld [smem:$0x790]  }
0x3ee: {  	[sflag:s2] =	ssyncset.done $0x0  }
0x3ef: {  	[sflag:s2] =	ssyncadd.s32 $0xFFFFF800  }
0x3f0: {  	[spmem:s16], [sflag:s22] =	dma.local [hbm:s5], $0x800  }
0x3f1: {  	_ =	swait.ge [sflag:s14], $0x800  }
0x3f2: {  	s17 =	sld [smem:$0x7F0]  }
0x3f3: {  	[sflag:s14] =	ssyncset.done $0x0  }
0x3f4: {  	[sflag:s14] =	ssyncadd.s32 $0xFFFFF800  }
0x3f5: {  	[spmem:s17] =	stream.strided.scatter [tilespmem:s28], [sflag:$0xD], $0x800, s26, s8, $0x38;
	[tilespmem:$0x18800] =	vst v63  }
0x3f6: {  	_ =	swait.ge [sflag:s11], $0x800  }
0x3f7: {  	s29 =	sld [smem:$0x789]  }
0x3f8: {  	[sflag:s11] =	ssyncset.done $0x0  }
0x3f9: {  	[sflag:s11] =	ssyncadd.s32 $0xFFFFF800  }
0x3fa: {  	[hbm:s29], [sflag:s10] =	dma.local [spmem:s6], $0x800  }
0x3fb: {  	_ =	swait.ge [sflag:s15], $0x4000  }
0x3fc: {  	s5 =	sld [smem:$0x792]  }
0x3fd: {  	[sflag:s15] =	ssyncset.done $0x0  }
0x3fe: {  	[sflag:s15] =	ssyncadd.s32 $0xFFFFC000  }
0x3ff: {  	[tilespmem:s4], [sflag:$0x2] =	stream.linear.gather [hbm4b:s5+s9], $0x4000, $0x38;
	[tilespmem:$0x18800] =	vst v63  }
0x400: {  	_ =	swait.ge [sflag:s19], $0x4000  }
0x401: {  	s17 =	sand.u32 $0x40, s9;
	s29 =	sand.u32 $0x3C00, s9;
	[sflag:s19] =	ssyncset.done $0x0  }
0x402: {  	s0 =	sor.u32 s17, s29;
	[sflag:s19] =	ssyncadd.s32 $0xFFFFC000  }
0x403: {  	[tilespmem:s0+$0x8130] =	vst v0  }
0x404: {  	[tilespmem:s0+$0x8100] =	vst v0  }
0x405: {  	s5 =	simm.s32 $0x40;
	[tilespmem:s0+$0x8110] =	vst v0  }
.LBB2_17:
0x406: {  	s4 =	sand.u32 $0x40, s5;
	[tilespmem:s0+$0x8120] =	vst v0;
	s9 =	sadd.s32 $0x200, s9;
	p1 =	sne.s32 s5, $0x7C0  }
.Ltmp25:
0x407: {  	s5 =	sadd.s32 $0x40, s5;
	s0 =	sand.u32 $0x3C00, s9;
	(pc) =	sbr.rel @p1 .LBB2_17-.Ltmp25, $4  }
0x408: {  	s0 =	sor.u32 s4, s0  }
0x409: {  	[tilespmem:s0+$0x8130] =	vst v0  }
0x40a: {  	[tilespmem:s0+$0x8100] =	vst v0  }
0x40b: {  	[tilespmem:s0+$0x8110] =	vst v0  }
0x40c: {  	s17 =	sld [smem:$0x78B];
	_ =	sdelay $0x1  }
0x40d: {  	[tilespmem:s0+$0x8120] =	vst v0;
	s9 =	simm.s32 $0x0;
	s4 =	simm.s32 $0x8000  }
0x40e: {  	[hbm4b:s17+s9] =	stream.linear.scatter [tilespmem:s4], [sflag:$0x6], $0x4000, $0x38;
	[tilespmem:$0x18800] =	vst v63  }
0x40f: {  	_ =	swait.ge [sflag:s20], $0x800  }
0x410: {  	s29 =	sld [smem:$0x794]  }
0x411: {  	[sflag:s20] =	ssyncset.done $0x0  }
0x412: {  	[sflag:s20] =	ssyncadd.s32 $0xFFFFF800  }
0x413: {  	[spmem:s6], [sflag:s3] =	dma.local [hbm:s29], $0x800  }
0x414: {  	_ =	swait.ge [sflag:s23], $0x800  }
0x415: {  	s5 =	sld [smem:$0x7F1]  }
0x416: {  	[sflag:s23] =	ssyncset.done $0x0  }
0x417: {  	[sflag:s23] =	ssyncadd.s32 $0xFFFFF800  }
0x418: {  	[spmem:s5] =	stream.strided.scatter [tilespmem:s28], [sflag:$0xD], $0x800, s26, s8, $0x38;
	[tilespmem:$0x18800] =	vst v63  }
0x419: {  	_ =	swait.ge [sflag:s11], $0x800  }
0x41a: {  	s8 =	sld [smem:$0x78D]  }
0x41b: {  	[sflag:s11] =	ssyncset.done $0x0  }
0x41c: {  	[sflag:s11] =	ssyncadd.s32 $0xFFFFF800  }
0x41d: {  	[hbm:s8], [sflag:s1] =	dma.local [spmem:s7], $0x800  }
0x41e: {  	_ =	swait.ge [sflag:s24], $0x4000  }
0x41f: {  	s17 =	sld [smem:$0x796]  }
0x420: {  	[sflag:s24] =	ssyncset.done $0x0  }
0x421: {  	[sflag:s24] =	ssyncadd.s32 $0xFFFFC000  }
0x422: {  	[tilespmem:s4], [sflag:$0x3] =	stream.linear.gather [hbm4b:s17+s9], $0x4000, $0x38;
	[tilespmem:$0x18800] =	vst v63  }
0x423: {  	_ =	swait.ge [sflag:s30], $0x4000  }
0x424: {  	s29 =	sand.u32 $0x3C00, s9;
	s26 =	sand.u32 $0x40, s9;
	[sflag:s30] =	ssyncset.done $0x0  }
0x425: {  	s5 =	sor.u32 s26, s29;
	[sflag:s30] =	ssyncadd.s32 $0xFFFFC000  }
0x426: {  	[tilespmem:s5+$0x30] =	vst v0  }
0x427: {  	[tilespmem:s5+$0x0] =	vst v0  }
0x428: {  	s0 =	simm.s32 $0x0;
	s17 =	simm.s32 $0x40;
	[tilespmem:s5+$0x10] =	vst v0  }
.LBB2_19:
0x429: {  	s4 =	sand.u32 $0x40, s17;
	[tilespmem:s5+$0x20] =	vst v0;
	s0 =	sadd.s32 $0x200, s0;
	p1 =	sne.s32 s17, $0x7C0  }
.Ltmp26:
0x42a: {  	s17 =	sadd.s32 $0x40, s17;
	s5 =	sand.u32 $0x3C00, s0;
	(pc) =	sbr.rel @p1 .LBB2_19-.Ltmp26, $4  }
0x42b: {  	s5 =	sor.u32 s4, s5  }
0x42c: {  	[tilespmem:s5+$0x30] =	vst v0  }
0x42d: {  	[tilespmem:s5+$0x0] =	vst v0  }
0x42e: {  	[tilespmem:s5+$0x10] =	vst v0  }
0x42f: {  	p1 =	por $0x0, $0x0;
	s0 =	simm.s32 $0x1  }
0x430: {  	s0 =	simm.s32 @!p1 $0x0  }
0x431: {  	s0 =	sshll.u32 s0, $0x6  }
0x432: {  	s17 =	sadd.s32 $0x0, s0  }
0x433: {  	[tilespmem:s5+$0x20] =	vst v0;
	s0 =	sor.u32 $0x200, s17  }
0x434: {  	s5 =	simm.s32 $0x40;
	p1 =	por !p1, !p1;
	[tilespmem:s0+$0x0] =	vst v0  }
.LBB2_21:
0x435: {  	s0 =	simm.s32 $0x1;
	s4 =	sor.u32 $0x210, s17  }
0x436: {  	s9 =	sadd.s32 $0x200, s9;
	p2 =	sne.s32 s5, $0x7C0;
	s0 =	simm.s32 @!p1 $0x0  }
.Ltmp27:
0x437: {  	s0 =	sshll.u32 s0, $0x6;
	[tilespmem:s4+$0x0] =	vst v0;
	s4 =	sor.u32 $0x220, s17;
	(pc) =	sbr.rel @p2 .LBB2_21-.Ltmp27, $4  }
0x438: {  	[tilespmem:s4+$0x0] =	vst v0;
	s4 =	sor.u32 $0x230, s17;
	s17 =	sadd.s32 s0, s9  }
0x439: {  	s0 =	sor.u32 $0x200, s17;
	[tilespmem:s4+$0x0] =	vst v0  }
0x43a: {  	[tilespmem:s0+$0x0] =	vst v0  }
0x43b: {  	s5 =	sadd.s32 $0x40, s5;
	p1 =	por !p1, !p1  }
0x43c: {  	s0 =	sor.u32 $0x210, s17  }
0x43d: {  	s4 =	sor.u32 $0x220, s17;
	s8 =	sld [smem:$0x78F];
	[tilespmem:s0+$0x0] =	vst v0  }
0x43e: {  	s5 =	sor.u32 $0x230, s17;
	[tilespmem:s4+$0x0] =	vst v0  }
0x43f: {  	s9 =	simm.s32 $0x0;
	[tilespmem:s5+$0x0] =	vst v0  }
0x440: {  	[hbm4b:s8+s9] =	stream.linear.scatter [tilespmem:s9], [sflag:$0x4], $0x4000, $0x38;
	[tilespmem:$0x18800] =	vst v63  }
0x441: {  	_ =	swait.ge [sflag:s25], $0x800  }
0x442: {  	s17 =	sld [smem:$0x798]  }
0x443: {  	[sflag:s25] =	ssyncset.done $0x0  }
0x444: {  	[sflag:s25] =	ssyncadd.s32 $0xFFFFF800  }
0x445: {  	[spmem:s7], [sflag:s18] =	dma.local [hbm:s17], $0x800  }
0x446: {  	_ =	swait.ge [sflag:s31], $0x800  }
0x447: {  	s5 =	simm.s32 $0x80;
	[sflag:s31] =	ssyncset.done $0x0  }
0x448: {  	s8 =	simm.s32 $0x400;
	s26 =	rddreg [dreg:$0x7];
	[sflag:s31] =	ssyncadd.s32 $0xFFFFF800  }
0x449: {  	[spmem:s26] =	stream.strided.scatter [tilespmem:s28], [sflag:$0xD], $0x800, s8, s5, $0x38;
	[tilespmem:$0x18800] =	vst v63  }
0x44a: {  	_ =	swait.ge [sflag:s11], $0x800  }
0x44b: {  	s4 =	sld [smem:$0x791]  }
0x44c: {  	[sflag:s11] =	ssyncset.done $0x0  }
0x44d: {  	[sflag:s11] =	ssyncadd.s32 $0xFFFFF800  }
0x44e: {  	[hbm:s4], [sflag:s21] =	dma.local [spmem:s16], $0x800  }
0x44f: {  	_ =	swait.ge [sflag:s12], $0x4000  }
0x450: {  	s17 =	sld [smem:$0x79A]  }
0x451: {  	[sflag:s12] =	ssyncset.done $0x0  }
0x452: {  	[sflag:s12] =	ssyncadd.s32 $0xFFFFC000  }
0x453: {  	[tilespmem:s9], [sflag:$0x1] =	stream.linear.gather [hbm4b:s17+s9], $0x4000, $0x38;
	[tilespmem:$0x18800] =	vst v63  }
0x454: {  	_ =	swait.ge [sflag:s13], $0x4000  }
0x455: {  	s26 =	sld [smem:$0x793]  }
0x456: {  	[sflag:s13] =	ssyncset.done $0x0  }
0x457: {  	s4 =	simm.s32 $0x4000;
	[sflag:s13] =	ssyncadd.s32 $0xFFFFC000  }
0x458: {  	[hbm4b:s26+s9] =	stream.linear.scatter [tilespmem:s4], [sflag:$0x5], $0x4000, $0x38;
	[tilespmem:$0x18800] =	vst v63  }
0x459: {  	_ =	swait.ge [sflag:s2], $0x800  }
0x45a: {  	s17 =	sld [smem:$0x79C]  }
0x45b: {  	[sflag:s2] =	ssyncset.done $0x0  }
0x45c: {  	[sflag:s2] =	ssyncadd.s32 $0xFFFFF800  }
0x45d: {  	[spmem:s16], [sflag:s22] =	dma.local [hbm:s17], $0x800  }
0x45e: {  	_ =	swait.ge [sflag:s14], $0x800  }
0x45f: {  	s26 =	sld [smem:$0x7F2]  }
0x460: {  	[sflag:s14] =	ssyncset.done $0x0  }
0x461: {  	[sflag:s14] =	ssyncadd.s32 $0xFFFFF800  }
0x462: {  	[spmem:s26] =	stream.strided.scatter [tilespmem:s28], [sflag:$0xD], $0x800, s8, s5, $0x38;
	[tilespmem:$0x18800] =	vst v63  }
0x463: {  	_ =	swait.ge [sflag:s11], $0x800  }
0x464: {  	s17 =	sld [smem:$0x795]  }
0x465: {  	[sflag:s11] =	ssyncset.done $0x0  }
0x466: {  	[sflag:s11] =	ssyncadd.s32 $0xFFFFF800  }
0x467: {  	[hbm:s17], [sflag:s10] =	dma.local [spmem:s6], $0x800  }
0x468: {  	_ =	swait.ge [sflag:s15], $0x4000  }
0x469: {  	s26 =	sld [smem:$0x79E]  }
0x46a: {  	[sflag:s15] =	ssyncset.done $0x0  }
0x46b: {  	[sflag:s15] =	ssyncadd.s32 $0xFFFFC000  }
0x46c: {  	[tilespmem:s4], [sflag:$0x2] =	stream.linear.gather [hbm4b:s26+s9], $0x4000, $0x38;
	[tilespmem:$0x18800] =	vst v63  }
0x46d: {  	_ =	swait.ge [sflag:s19], $0x4000  }
0x46e: {  	s5 =	sand.u32 $0x3C00, s9;
	s17 =	sand.u32 $0x40, s9;
	[sflag:s19] =	ssyncset.done $0x0  }
0x46f: {  	s0 =	sor.u32 s17, s5;
	[sflag:s19] =	ssyncadd.s32 $0xFFFFC000  }
0x470: {  	[tilespmem:s0+$0x8030] =	vst v0  }
0x471: {  	[tilespmem:s0+$0x8000] =	vst v0  }
0x472: {  	s29 =	simm.s32 $0x0;
	s28 =	simm.s32 $0x40;
	[tilespmem:s0+$0x8010] =	vst v0  }
.LBB2_23:
0x473: {  	s4 =	sand.u32 $0x40, s28;
	[tilespmem:s0+$0x8020] =	vst v0;
	s29 =	sadd.s32 $0x200, s29;
	p1 =	sne.s32 s28, $0x7C0  }
.Ltmp28:
0x474: {  	s28 =	sadd.s32 $0x40, s28;
	s0 =	sand.u32 $0x3C00, s29;
	(pc) =	sbr.rel @p1 .LBB2_23-.Ltmp28, $4  }
0x475: {  	s0 =	sor.u32 s4, s0  }
0x476: {  	[tilespmem:s0+$0x8030] =	vst v0  }
0x477: {  	[tilespmem:s0+$0x8000] =	vst v0  }
0x478: {  	[tilespmem:s0+$0x8010] =	vst v0  }
0x479: {  	[tilespmem:s0+$0x8020] =	vst v0;
	s0 =	sor.u32 s17, s5  }
0x47a: {  	[tilespmem:s0+$0x81B0] =	vst v0  }
0x47b: {  	[tilespmem:s0+$0x8180] =	vst v0  }
0x47c: {  	s5 =	simm.s32 $0x40;
	[tilespmem:s0+$0x8190] =	vst v0  }
.LBB2_25:
0x47d: {  	s4 =	sand.u32 $0x40, s5;
	[tilespmem:s0+$0x81A0] =	vst v0;
	s9 =	sadd.s32 $0x200, s9;
	p1 =	sne.s32 s5, $0x7C0  }
.Ltmp29:
0x47e: {  	s5 =	sadd.s32 $0x40, s5;
	s0 =	sand.u32 $0x3C00, s9;
	(pc) =	sbr.rel @p1 .LBB2_25-.Ltmp29, $4  }
0x47f: {  	s0 =	sor.u32 s4, s0  }
0x480: {  	[tilespmem:s0+$0x81B0] =	vst v0  }
0x481: {  	[tilespmem:s0+$0x8180] =	vst v0  }
0x482: {  	[tilespmem:s0+$0x8190] =	vst v0  }
0x483: {  	s26 =	sld [smem:$0x797];
	_ =	sdelay $0x1  }
0x484: {  	[tilespmem:s0+$0x81A0] =	vst v0;
	s9 =	simm.s32 $0x0;
	s17 =	simm.s32 $0x8000  }
0x485: {  	[hbm4b:s26+s9] =	stream.linear.scatter [tilespmem:s17], [sflag:$0x6], $0x4000, $0x38;
	[tilespmem:$0x18800] =	vst v63  }
0x486: {  	_ =	swait.ge [sflag:s20], $0x800  }
0x487: {  	s28 =	sld [smem:$0x7A0]  }
0x488: {  	[sflag:s20] =	ssyncset.done $0x0  }
0x489: {  	[sflag:s20] =	ssyncadd.s32 $0xFFFFF800  }
0x48a: {  	[spmem:s6], [sflag:s3] =	dma.local [hbm:s28], $0x800  }
0x48b: {  	_ =	swait.ge [sflag:s23], $0x800  }
0x48c: {  	s3 =	sld [smem:$0x7F3]  }
0x48d: {  	s8 =	simm.s32 $0x80;
	[sflag:s23] =	ssyncset.done $0x0  }
0x48e: {  	s4 =	simm.s32 $0x400;
	s5 =	simm.s32 $0x18000;
	[sflag:s23] =	ssyncadd.s32 $0xFFFFF800  }
0x48f: {  	[spmem:s3] =	stream.strided.scatter [tilespmem:s5], [sflag:$0xD], $0x800, s4, s8, $0x38;
	[tilespmem:$0x18800] =	vst v63  }
0x490: {  	_ =	swait.ge [sflag:s11], $0x800  }
0x491: {  	s28 =	sld [smem:$0x7EE]  }
0x492: {  	[sflag:s11] =	ssyncset.done $0x0  }
0x493: {  	[sflag:s11] =	ssyncadd.s32 $0xFFFFF800  }
0x494: {  	[spmem:s28] =	stream.strided.scatter [tilespmem:s5], [sflag:$0xD], $0x800, s4, s8, $0x38;
	[tilespmem:$0x18800] =	vst v63  }
0x495: {  	_ =	swait.ge [sflag:s11], $0x800  }
0x496: {  	s8 =	sld [smem:$0x799]  }
0x497: {  	[sflag:s11] =	ssyncset.done $0x0  }
0x498: {  	[sflag:s11] =	ssyncadd.s32 $0xFFFFF800  }
0x499: {  	[hbm:s8], [sflag:s1] =	dma.local [spmem:s7], $0x800  }
0x49a: {  	_ =	swait.ge [sflag:s24], $0x4000  }
0x49b: {  	s28 =	sld [smem:$0x7A2]  }
0x49c: {  	p1 =	por $0x0, $0x0;
	s0 =	simm.s32 $0x1;
	[sflag:s24] =	ssyncset.done $0x0  }
0x49d: {  	s0 =	simm.s32 @!p1 $0x0;
	[sflag:s24] =	ssyncadd.s32 $0xFFFFC000  }
0x49e: {  	[tilespmem:s17], [sflag:$0x3] =	stream.linear.gather [hbm4b:s28+s9], $0x4000, $0x38;
	[tilespmem:$0x18800] =	vst v63  }
0x49f: {  	s0 =	sshll.u32 s0, $0x6;
	_ =	swait.ge [sflag:s30], $0x4000  }
0x4a0: {  	s29 =	simm.s32 $0x80;
	s3 =	sadd.s32 $0x0, s0;
	[sflag:s30] =	ssyncset.done $0x0  }
0x4a1: {  	p1 =	por !p1, !p1;
	s0 =	sor.u32 $0x280, s3;
	[sflag:s30] =	ssyncadd.s32 $0xFFFFC000  }
0x4a2: {  	s26 =	simm.s32 $0x400;
	s5 =	simm.s32 $0x40;
	[tilespmem:s0+$0x0] =	vst v0;
	s8 =	rddreg [dreg:$0x1]  }
.LBB2_27:
0x4a3: {  	s0 =	simm.s32 $0x1;
	s4 =	sor.u32 $0x290, s3  }
0x4a4: {  	s9 =	sadd.s32 $0x200, s9;
	p2 =	sne.s32 s5, $0x7C0;
	s0 =	simm.s32 @!p1 $0x0  }
.Ltmp30:
0x4a5: {  	s0 =	sshll.u32 s0, $0x6;
	[tilespmem:s4+$0x0] =	vst v0;
	s4 =	sor.u32 $0x2A0, s3;
	(pc) =	sbr.rel @p2 .LBB2_27-.Ltmp30, $4  }
0x4a6: {  	[tilespmem:s4+$0x0] =	vst v0;
	s4 =	sor.u32 $0x2B0, s3;
	s3 =	sadd.s32 s0, s9  }
0x4a7: {  	s0 =	sor.u32 $0x280, s3;
	[tilespmem:s4+$0x0] =	vst v0  }
0x4a8: {  	[tilespmem:s0+$0x0] =	vst v0  }
0x4a9: {  	s5 =	sadd.s32 $0x40, s5;
	p1 =	por !p1, !p1  }
.Ltmp31:
0x4aa: {  	_ = 	snop;
	(pc) =	sbr.rel .LBB2_28-.Ltmp31, $1  }
0x4ab: {  	_ =	sdelay $0x3  }
.LBB2_59:
0x4ac: {  	_ =	sfence.sel $0x180000  }
0x4ad: {  	[bflag:$0x0] =	sbarrier.arrive $0xFFFF  }
0x4ae: {  	_ =	strace $0x90000047  }
0x4af: {  	s0 =	stileid.u32;
	[bflag:$0x2] =	sbarrier.arrive $0xFFFF  }
0x4b0: {  	p0 =	sne.s32 s0, $0x0;
	s0 =	rddreg [dreg:$0x5]  }
0x4b1: {  	s0 =	sadd.s32 @!p0 $0x100000, s0  }
0x4b2: {  	[sflag:s0] =	ssyncadd.tile.s32 @!p0 $0x1;
	_ =	shalt  }
.Lfunc_end2:
_tile_overlayer_lowered:
.L_overlay_start_2:
0x4b3: {  	(tag) =	ssettag $0x2  }
0x4b4: {  	s0 =	rddreg [dreg:$0x0];
	s2 =	stileid.u32  }
0x4b5: {  	s1 =	rddreg [dreg:$0x1];
	p0 =	sne.s32 s2, $0x0  }
0x4b6: {  	s3 =	rddreg [dreg:$0x2];
	[bflag:$0x3] =	sbarrier.arrive $0xFFFF;
	s2 =	simm.s32 @!p0 $0x1C0E  }
0x4b7: {  	[timem:s3], [sflag:s2] =	dma.local @!p0 [hbm:s0], s1  }
0x4b8: {  	s0 =	simm.s32 @!p0 $0xE  }
0x4b9: {  	_ =	swait.ge @!p0 [sflag:s0], s1  }
0x4ba: {  	s1 =	ssub.s32 @!p0 $0x0, s1;
	[sflag:s0] =	ssyncset.done @!p0 $0x0  }
0x4bb: {  	[sflag:s0] =	ssyncadd.s32 @!p0 s1  }
0x4bc: {  	[bflag:$0x3] =	sbarrier.arrive $0xFFFF  }
0x4bd: {  	_ =	shalt  }

</sc_bundles>
